<compile_context>
chip_gen: v7x
topology: tpu7x:2x2x1
jax: 0.10.2.dev20260603
libtpu: 0.0.44.dev20260713+nightly
codegen_flags: <defaults>
</compile_context>

<pallas_src>
import jax
import jax.numpy as jnp
from jax import lax
from jax.experimental import pallas as pl
from jax.experimental.pallas import tpu as pltpu
from jax.experimental.pallas import tpu_sc as plsc

NUM_GRAPHS = 64
D = 512
N = 100000
NC = 2
NS = 16
NW = NC * NS
L = 16
TILE = 80
DJ = D // L
ACC_ROWS = NUM_GRAPHS * DJ


def _row_scale(xbuf, wbuf, r):
    p0 = jnp.zeros((L,), jnp.float32)
    p1 = jnp.zeros((L,), jnp.float32)
    p2 = jnp.zeros((L,), jnp.float32)
    p3 = jnp.zeros((L,), jnp.float32)
    for j in range(0, DJ, 4):
        p0 = p0 + xbuf[r, pl.ds(j * L, L)] * wbuf[pl.ds(j * L, L)]
        p1 = p1 + xbuf[r, pl.ds((j + 1) * L, L)] * wbuf[pl.ds((j + 1) * L, L)]
        p2 = p2 + xbuf[r, pl.ds((j + 2) * L, L)] * wbuf[pl.ds((j + 2) * L, L)]
        p3 = p3 + xbuf[r, pl.ds((j + 3) * L, L)] * wbuf[pl.ds((j + 3) * L, L)]
    att = (p0 + p1) + (p2 + p3)
    a = plsc.cumsum(att)[L - 1]
    av = jnp.full((L,), a, jnp.float32)
    return (1.0 / (1.0 + jnp.exp(-av)) + 1.0) * 0.5


def _make_sc_body(row_base, n_rows):
    nt = n_rows // TILE

    def _sc_body(x_hbm, b_hbm, watt_hbm, part_hbm, xbuf, bbuf, wbuf, acc):
        wid = lax.axis_index("s") * NC + lax.axis_index("c")
        base = nt // NW
        extra = nt % NW
        start = wid * base + jnp.minimum(wid, extra)
        count = base + (wid < extra).astype(jnp.int32)

        pltpu.sync_copy(watt_hbm.at[0], wbuf)

        def init_body(k, c):
            for j in range(DJ):
                acc[k, pl.ds(j * L, L)] = jnp.full((L,), -jnp.inf,
                                                   jnp.float32)
            return c

        lax.fori_loop(0, NUM_GRAPHS, init_body, 0)

        def tile_body(t, c):
            row0 = row_base + t * TILE
            pltpu.sync_copy(x_hbm.at[pl.ds(row0, TILE)], xbuf)
            pltpu.sync_copy(b_hbm.at[pl.ds(row0, TILE)],
                            bbuf.at[pl.ds(0, TILE)])
            seg_lo = bbuf[pl.ds(0, L)][0]
            seg_hi = bbuf[pl.ds(TILE - 1, L)][0]

            def uniform(_):
                def row_body(r, tm):
                    scale = _row_scale(xbuf, wbuf, r)
                    return tuple(
                        jnp.maximum(tm[j], xbuf[r, pl.ds(j * L, L)] * scale)
                        for j in range(DJ))

                tm0 = tuple(jnp.full((L,), -jnp.inf, jnp.float32)
                            for _ in range(DJ))
                tm = lax.fori_loop(0, TILE, row_body, tm0)
                for j in range(DJ):
                    acc[seg_lo, pl.ds(j * L, L)] = jnp.maximum(
                        acc[seg_lo, pl.ds(j * L, L)], tm[j])
                return 0

            def mixed(_):
                def row_body(r, c2):
                    scale = _row_scale(xbuf, wbuf, r)
                    seg = bbuf[pl.ds(r, L)][0]
                    for j in range(DJ):
                        yv = xbuf[r, pl.ds(j * L, L)] * scale
                        acc[seg, pl.ds(j * L, L)] = jnp.maximum(
                            acc[seg, pl.ds(j * L, L)], yv)
                    return c2

                lax.fori_loop(0, TILE, row_body, 0)
                return 0

            lax.cond(seg_lo == seg_hi, uniform, mixed, 0)
            return c

        lax.fori_loop(start, start + count, tile_body, 0)
        pltpu.sync_copy(acc, part_hbm.at[wid])

    return _sc_body


def _sc_partials(x, batch, W_att, row_base, n_rows):
    mesh = plsc.VectorSubcoreMesh(
        core_axis_name="c", subcore_axis_name="s",
        num_cores=NC, num_subcores=NS)
    f = pl.kernel(
        _make_sc_body(row_base, n_rows),
        out_type=jax.ShapeDtypeStruct((NW, NUM_GRAPHS, D), jnp.float32),
        mesh=mesh,
        compiler_params=pltpu.CompilerParams(
            needs_layout_passes=False, use_tc_tiling_on_sc=True),
        scratch_types=[
            pltpu.VMEM((TILE, D), jnp.float32),
            pltpu.VMEM((TILE + L,), jnp.int32),
            pltpu.VMEM((D,), jnp.float32),
            pltpu.VMEM((NUM_GRAPHS, D), jnp.float32),
        ],
    )
    return f(x, batch, W_att)


def _merge_body(part_ref, wout_ref, out_ref):
    def body(w, m):
        return jnp.maximum(m, part_ref[w])

    hg = lax.fori_loop(1, NW, body, part_ref[0])
    out_ref[...] = jax.lax.dot_general(
        hg, wout_ref[...], (((1,), (1,)), ((), ())),
        preferred_element_type=jnp.float32)


@jax.jit
def kernel(x, batch, W_att, W_out):
    n_classes = W_out.shape[0]
    part = _sc_partials(x, batch.astype(jnp.int32), W_att, 0, N)
    return pl.pallas_call(
        _merge_body,
        in_specs=[
            pl.BlockSpec((NW, NUM_GRAPHS, D), lambda: (0, 0, 0)),
            pl.BlockSpec((n_classes, D), lambda: (0, 0)),
        ],
        out_specs=pl.BlockSpec((NUM_GRAPHS, n_classes), lambda: (0, 0)),
        out_shape=jax.ShapeDtypeStruct((NUM_GRAPHS, n_classes), jnp.float32),
    )(part, W_out)

# --- scband reference (transcript-rebuilt; emitter-appended) ---
"""Pipeline reference for scband-attention-class-18459769438297 (READ-ONLY COPY).

The authoritative reference and input builder live on the scoring server;
editing this copy changes nothing except your own understanding.
"""

import jax, jax.numpy as jnp
import numpy as np

N_NODES = 100000
IN_DIM = 512
N_CLASSES = 10
NUM_GRAPHS = 64


def setup_inputs(seed: int = 0) -> dict:
    key = jax.random.key(seed)
    k1, k2, k3, k4 = jax.random.split(key, 4)
    x = jax.random.normal(k1, (N_NODES, IN_DIM), dtype=jnp.float32)
    batch = jnp.sort(jax.random.randint(k2, (N_NODES,), 0, NUM_GRAPHS, dtype=jnp.int64))
    # nn.Linear(in_dim, 1, bias=False) weight: [1, in_dim]
    W_att = jax.random.normal(k3, (1, IN_DIM), dtype=jnp.float32) * (1.0 / np.sqrt(IN_DIM))
    # nn.Linear(in_dim, n_classes, bias=False) weight: [n_classes, in_dim]
    W_out = jax.random.normal(k4, (N_CLASSES, IN_DIM), dtype=jnp.float32) * (1.0 / np.sqrt(IN_DIM))
    return {"x": x, "batch": batch, "W_att": W_att, "W_out": W_out}


def reference(x, batch, W_att, W_out):
    # x_att = sigmoid(attention(x)) -> [N, 1]
    x_att = jax.nn.sigmoid(x @ W_att.T)
    # gated residual mix
    _x = (x_att * x + x) / 2.0
    # global_max_pool: segment max over graph ids
    hg = jax.ops.segment_max(_x, batch, num_segments=NUM_GRAPHS)
    # readout_mlp(hg)
    logits = hg @ W_out.T
    return logits

if __name__ == "__main__":
    import jax
    _d = setup_inputs()
    print(jax.jit(kernel)(*tuple(_d.values())))

</pallas_src>

<mosaic_0001>
#map = affine_map<(d0, d1) -> (0, 0)>
#map1 = affine_map<(d0, d1) -> (0)>
#map2 = affine_map<(d0, d1) -> (0, 0, 0)>
module attributes {stable_mosaic.version = 14 : i64} {
  func.func @_sc_body(%arg0: i32, %arg1: i32, %arg2: memref<100000x512xf32, #tpu.memory_space<hbm>>, %arg3: memref<100000xi32, #tpu.memory_space<hbm>>, %arg4: memref<1x512xf32, #tpu.memory_space<hbm>>, %arg5: memref<32x64x512xf32, #tpu.memory_space<hbm>>, %arg6: memref<80x512xf32, #tpu.memory_space<vmem>>, %arg7: memref<96xi32, #tpu.memory_space<vmem>>, %arg8: memref<512xf32, #tpu.memory_space<vmem>>, %arg9: memref<64x512xf32, #tpu.memory_space<vmem>>) attributes {dimension_semantics = [#tpu.dimension_semantics<core_parallel>, #tpu.dimension_semantics<subcore_parallel>], iteration_bounds = array<i64: 2, 16>, scalar_prefetch = 0 : i64, scratch_operands = 4 : i64, tpu.core_type = #tpu.core_type<sc_vector_subcore>, window_params = [{transform_indices = #map}, {transform_indices = #map1}, {transform_indices = #map}, {transform_indices = #map2}]} {
    %mul3A = arith.constant 2 : i32
    %mul3A_0 = arith.muli %arg1, %mul3A : i32
    %add3A = arith.addi %mul3A_0, %arg0 : i32
    %mul3A_1 = arith.constant 39 : i32
    %mul3A_2 = arith.muli %add3A, %mul3A_1 : i32
    %min3A = arith.constant 2 : i32
    %min3A_3 = arith.minsi %add3A, %min3A : i32
    %add3A_4 = arith.addi %mul3A_2, %min3A_3 : i32
    %lt3A = arith.constant 2 : i32
    %lt3A_5 = arith.cmpi slt, %add3A, %lt3A : i32
    %convert_element_type3A = arith.extui %lt3A_5 : i1 to i32
    %add3A_6 = arith.constant 39 : i32
    %add3A_7 = arith.addi %add3A_6, %convert_element_type3A : i32
    %run_scoped3A = arith.constant 0 : i32
    "tpu.region"() ({
      %run_scoped3A_22 = tpu.sem_alloc : memref<!tpu.dma_semaphore, #tpu.memory_space<semaphore_mem>>
      %dma_start3A = arith.constant 0 : i32
      %dma_start3A_23 = tpu.memref_slice %arg4[%run_scoped3A, %dma_start3A] : memref<1x512xf32, #tpu.memory_space<hbm>> -> memref<1x512xf32, #tpu.memory_space<hbm>>
      %dma_start3A_24 = tpu.memref_squeeze %dma_start3A_23 : memref<1x512xf32, #tpu.memory_space<hbm>> -> memref<512xf32, #tpu.memory_space<hbm>>
      %dma_start3A_25 = arith.constant 0 : i32
      %dma_start3A_26 = tpu.memref_slice %arg4[%run_scoped3A, %dma_start3A_25] : memref<1x512xf32, #tpu.memory_space<hbm>> -> memref<1x512xf32, #tpu.memory_space<hbm>>
      %dma_start3A_27 = tpu.memref_squeeze %dma_start3A_26 : memref<1x512xf32, #tpu.memory_space<hbm>> -> memref<512xf32, #tpu.memory_space<hbm>>
      tpu.enqueue_dma source(%dma_start3A_27 : memref<512xf32, #tpu.memory_space<hbm>>) target(%arg8 : memref<512xf32, #tpu.memory_space<vmem>>) target_semaphore(%run_scoped3A_22 : memref<!tpu.dma_semaphore, #tpu.memory_space<semaphore_mem>>)
      %dma_wait3A = arith.constant 0 : i32
      %dma_wait3A_28 = tpu.memref_slice %arg4[%run_scoped3A, %dma_wait3A] : memref<1x512xf32, #tpu.memory_space<hbm>> -> memref<1x512xf32, #tpu.memory_space<hbm>>
      %dma_wait3A_29 = tpu.memref_squeeze %dma_wait3A_28 : memref<1x512xf32, #tpu.memory_space<hbm>> -> memref<512xf32, #tpu.memory_space<hbm>>
      %dma_wait3A_30 = arith.constant 0 : i32
      %dma_wait3A_31 = tpu.memref_slice %arg4[%run_scoped3A, %dma_wait3A_30] : memref<1x512xf32, #tpu.memory_space<hbm>> -> memref<1x512xf32, #tpu.memory_space<hbm>>
      %dma_wait3A_32 = tpu.memref_squeeze %dma_wait3A_31 : memref<1x512xf32, #tpu.memory_space<hbm>> -> memref<512xf32, #tpu.memory_space<hbm>>
      tpu.wait_dma2 semaphore(%run_scoped3A_22 : memref<!tpu.dma_semaphore, #tpu.memory_space<semaphore_mem>>) src(%dma_wait3A_32 : memref<512xf32, #tpu.memory_space<hbm>>) dst(%arg8 : memref<512xf32, #tpu.memory_space<vmem>>)
      tpu.yield
    }) : () -> ()
    %scan3A = arith.constant 0 : i32
    %scan3A_8 = arith.constant 0 : i32
    %scan3A_9 = arith.constant 64 : i32
    %scan3A_10 = arith.addi %scan3A_8, %scan3A_9 : i32
    %scan3A_11 = arith.constant 1 : i32
    scf.for %scan3A_22 = %scan3A_8 to %scan3A_10 step %scan3A_11  : i32 {
      %broadcast_in_dim3A = arith.constant 0xFF800000 : f32
      %broadcast_in_dim3A_23 = vector.broadcast %broadcast_in_dim3A : f32 to vector<16xf32>
      %swap3A = arith.index_cast %scan3A_22 : i32 to index
      %swap3A_24 = arith.constant 0 : index
      %swap3A_25 = tpu.vector_load %arg9[%swap3A, %swap3A_24] {strides = array<i32>} : memref<64x512xf32, #tpu.memory_space<vmem>>, vector<16xf32>,
      tpu.vector_store %arg9[%swap3A, %swap3A_24], %broadcast_in_dim3A_23 {strides = array<i32>} : memref<64x512xf32, #tpu.memory_space<vmem>>, vector<16xf32>,
      %broadcast_in_dim3A_26 = arith.constant 0xFF800000 : f32
      %broadcast_in_dim3A_27 = vector.broadcast %broadcast_in_dim3A_26 : f32 to vector<16xf32>
      %swap3A_28 = arith.index_cast %scan3A_22 : i32 to index
      %swap3A_29 = arith.constant 16 : index
      %swap3A_30 = tpu.vector_load %arg9[%swap3A_28, %swap3A_29] {strides = array<i32>} : memref<64x512xf32, #tpu.memory_space<vmem>>, vector<16xf32>,
      tpu.vector_store %arg9[%swap3A_28, %swap3A_29], %broadcast_in_dim3A_27 {strides = array<i32>} : memref<64x512xf32, #tpu.memory_space<vmem>>, vector<16xf32>,
      %broadcast_in_dim3A_31 = arith.constant 0xFF800000 : f32
      %broadcast_in_dim3A_32 = vector.broadcast %broadcast_in_dim3A_31 : f32 to vector<16xf32>
      %swap3A_33 = arith.index_cast %scan3A_22 : i32 to index
      %swap3A_34 = arith.constant 32 : index
      %swap3A_35 = tpu.vector_load %arg9[%swap3A_33, %swap3A_34] {strides = array<i32>} : memref<64x512xf32, #tpu.memory_space<vmem>>, vector<16xf32>,
      tpu.vector_store %arg9[%swap3A_33, %swap3A_34], %broadcast_in_dim3A_32 {strides = array<i32>} : memref<64x512xf32, #tpu.memory_space<vmem>>, vector<16xf32>,
      %broadcast_in_dim3A_36 = arith.constant 0xFF800000 : f32
      %broadcast_in_dim3A_37 = vector.broadcast %broadcast_in_dim3A_36 : f32 to vector<16xf32>
      %swap3A_38 = arith.index_cast %scan3A_22 : i32 to index
      %swap3A_39 = arith.constant 48 : index
      %swap3A_40 = tpu.vector_load %arg9[%swap3A_38, %swap3A_39] {strides = array<i32>} : memref<64x512xf32, #tpu.memory_space<vmem>>, vector<16xf32>,
      tpu.vector_store %arg9[%swap3A_38, %swap3A_39], %broadcast_in_dim3A_37 {strides = array<i32>} : memref<64x512xf32, #tpu.memory_space<vmem>>, vector<16xf32>,
      %broadcast_in_dim3A_41 = arith.constant 0xFF800000 : f32
      %broadcast_in_dim3A_42 = vector.broadcast %broadcast_in_dim3A_41 : f32 to vector<16xf32>
      %swap3A_43 = arith.index_cast %scan3A_22 : i32 to index
      %swap3A_44 = arith.constant 64 : index
      %swap3A_45 = tpu.vector_load %arg9[%swap3A_43, %swap3A_44] {strides = array<i32>} : memref<64x512xf32, #tpu.memory_space<vmem>>, vector<16xf32>,
      tpu.vector_store %arg9[%swap3A_43, %swap3A_44], %broadcast_in_dim3A_42 {strides = array<i32>} : memref<64x512xf32, #tpu.memory_space<vmem>>, vector<16xf32>,
      %broadcast_in_dim3A_46 = arith.constant 0xFF800000 : f32
      %broadcast_in_dim3A_47 = vector.broadcast %broadcast_in_dim3A_46 : f32 to vector<16xf32>
      %swap3A_48 = arith.index_cast %scan3A_22 : i32 to index
      %swap3A_49 = arith.constant 80 : index
      %swap3A_50 = tpu.vector_load %arg9[%swap3A_48, %swap3A_49] {strides = array<i32>} : memref<64x512xf32, #tpu.memory_space<vmem>>, vector<16xf32>,
      tpu.vector_store %arg9[%swap3A_48, %swap3A_49], %broadcast_in_dim3A_47 {strides = array<i32>} : memref<64x512xf32, #tpu.memory_space<vmem>>, vector<16xf32>,
      %broadcast_in_dim3A_51 = arith.constant 0xFF800000 : f32
      %broadcast_in_dim3A_52 = vector.broadcast %broadcast_in_dim3A_51 : f32 to vector<16xf32>
      %swap3A_53 = arith.index_cast %scan3A_22 : i32 to index
      %swap3A_54 = arith.constant 96 : index
      %swap3A_55 = tpu.vector_load %arg9[%swap3A_53, %swap3A_54] {strides = array<i32>} : memref<64x512xf32, #tpu.memory_space<vmem>>, vector<16xf32>,
      tpu.vector_store %arg9[%swap3A_53, %swap3A_54], %broadcast_in_dim3A_52 {strides = array<i32>} : memref<64x512xf32, #tpu.memory_space<vmem>>, vector<16xf32>,
      %broadcast_in_dim3A_56 = arith.constant 0xFF800000 : f32
      %broadcast_in_dim3A_57 = vector.broadcast %broadcast_in_dim3A_56 : f32 to vector<16xf32>
      %swap3A_58 = arith.index_cast %scan3A_22 : i32 to index
      %swap3A_59 = arith.constant 112 : index
      %swap3A_60 = tpu.vector_load %arg9[%swap3A_58, %swap3A_59] {strides = array<i32>} : memref<64x512xf32, #tpu.memory_space<vmem>>, vector<16xf32>,
      tpu.vector_store %arg9[%swap3A_58, %swap3A_59], %broadcast_in_dim3A_57 {strides = array<i32>} : memref<64x512xf32, #tpu.memory_space<vmem>>, vector<16xf32>,
      %broadcast_in_dim3A_61 = arith.constant 0xFF800000 : f32
      %broadcast_in_dim3A_62 = vector.broadcast %broadcast_in_dim3A_61 : f32 to vector<16xf32>
      %swap3A_63 = arith.index_cast %scan3A_22 : i32 to index
      %swap3A_64 = arith.constant 128 : index
      %swap3A_65 = tpu.vector_load %arg9[%swap3A_63, %swap3A_64] {strides = array<i32>} : memref<64x512xf32, #tpu.memory_space<vmem>>, vector<16xf32>,
      tpu.vector_store %arg9[%swap3A_63, %swap3A_64], %broadcast_in_dim3A_62 {strides = array<i32>} : memref<64x512xf32, #tpu.memory_space<vmem>>, vector<16xf32>,
      %broadcast_in_dim3A_66 = arith.constant 0xFF800000 : f32
      %broadcast_in_dim3A_67 = vector.broadcast %broadcast_in_dim3A_66 : f32 to vector<16xf32>
      %swap3A_68 = arith.index_cast %scan3A_22 : i32 to index
      %swap3A_69 = arith.constant 144 : index
      %swap3A_70 = tpu.vector_load %arg9[%swap3A_68, %swap3A_69] {strides = array<i32>} : memref<64x512xf32, #tpu.memory_space<vmem>>, vector<16xf32>,
      tpu.vector_store %arg9[%swap3A_68, %swap3A_69], %broadcast_in_dim3A_67 {strides = array<i32>} : memref<64x512xf32, #tpu.memory_space<vmem>>, vector<16xf32>,
      %broadcast_in_dim3A_71 = arith.constant 0xFF800000 : f32
      %broadcast_in_dim3A_72 = vector.broadcast %broadcast_in_dim3A_71 : f32 to vector<16xf32>
      %swap3A_73 = arith.index_cast %scan3A_22 : i32 to index
      %swap3A_74 = arith.constant 160 : index
      %swap3A_75 = tpu.vector_load %arg9[%swap3A_73, %swap3A_74] {strides = array<i32>} : memref<64x512xf32, #tpu.memory_space<vmem>>, vector<16xf32>,
      tpu.vector_store %arg9[%swap3A_73, %swap3A_74], %broadcast_in_dim3A_72 {strides = array<i32>} : memref<64x512xf32, #tpu.memory_space<vmem>>, vector<16xf32>,
      %broadcast_in_dim3A_76 = arith.constant 0xFF800000 : f32
      %broadcast_in_dim3A_77 = vector.broadcast %broadcast_in_dim3A_76 : f32 to vector<16xf32>
      %swap3A_78 = arith.index_cast %scan3A_22 : i32 to index
      %swap3A_79 = arith.constant 176 : index
      %swap3A_80 = tpu.vector_load %arg9[%swap3A_78, %swap3A_79] {strides = array<i32>} : memref<64x512xf32, #tpu.memory_space<vmem>>, vector<16xf32>,
      tpu.vector_store %arg9[%swap3A_78, %swap3A_79], %broadcast_in_dim3A_77 {strides = array<i32>} : memref<64x512xf32, #tpu.memory_space<vmem>>, vector<16xf32>,
      %broadcast_in_dim3A_81 = arith.constant 0xFF800000 : f32
      %broadcast_in_dim3A_82 = vector.broadcast %broadcast_in_dim3A_81 : f32 to vector<16xf32>
      %swap3A_83 = arith.index_cast %scan3A_22 : i32 to index
      %swap3A_84 = arith.constant 192 : index
      %swap3A_85 = tpu.vector_load %arg9[%swap3A_83, %swap3A_84] {strides = array<i32>} : memref<64x512xf32, #tpu.memory_space<vmem>>, vector<16xf32>,
      tpu.vector_store %arg9[%swap3A_83, %swap3A_84], %broadcast_in_dim3A_82 {strides = array<i32>} : memref<64x512xf32, #tpu.memory_space<vmem>>, vector<16xf32>,
      %broadcast_in_dim3A_86 = arith.constant 0xFF800000 : f32
      %broadcast_in_dim3A_87 = vector.broadcast %broadcast_in_dim3A_86 : f32 to vector<16xf32>
      %swap3A_88 = arith.index_cast %scan3A_22 : i32 to index
      %swap3A_89 = arith.constant 208 : index
      %swap3A_90 = tpu.vector_load %arg9[%swap3A_88, %swap3A_89] {strides = array<i32>} : memref<64x512xf32, #tpu.memory_space<vmem>>, vector<16xf32>,
      tpu.vector_store %arg9[%swap3A_88, %swap3A_89], %broadcast_in_dim3A_87 {strides = array<i32>} : memref<64x512xf32, #tpu.memory_space<vmem>>, vector<16xf32>,
      %broadcast_in_dim3A_91 = arith.constant 0xFF800000 : f32
      %broadcast_in_dim3A_92 = vector.broadcast %broadcast_in_dim3A_91 : f32 to vector<16xf32>
      %swap3A_93 = arith.index_cast %scan3A_22 : i32 to index
      %swap3A_94 = arith.constant 224 : index
      %swap3A_95 = tpu.vector_load %arg9[%swap3A_93, %swap3A_94] {strides = array<i32>} : memref<64x512xf32, #tpu.memory_space<vmem>>, vector<16xf32>,
      tpu.vector_store %arg9[%swap3A_93, %swap3A_94], %broadcast_in_dim3A_92 {strides = array<i32>} : memref<64x512xf32, #tpu.memory_space<vmem>>, vector<16xf32>,
      %broadcast_in_dim3A_96 = arith.constant 0xFF800000 : f32
      %broadcast_in_dim3A_97 = vector.broadcast %broadcast_in_dim3A_96 : f32 to vector<16xf32>
      %swap3A_98 = arith.index_cast %scan3A_22 : i32 to index
      %swap3A_99 = arith.constant 240 : index
      %swap3A_100 = tpu.vector_load %arg9[%swap3A_98, %swap3A_99] {strides = array<i32>} : memref<64x512xf32, #tpu.memory_space<vmem>>, vector<16xf32>,
      tpu.vector_store %arg9[%swap3A_98, %swap3A_99], %broadcast_in_dim3A_97 {strides = array<i32>} : memref<64x512xf32, #tpu.memory_space<vmem>>, vector<16xf32>,
      %broadcast_in_dim3A_101 = arith.constant 0xFF800000 : f32
      %broadcast_in_dim3A_102 = vector.broadcast %broadcast_in_dim3A_101 : f32 to vector<16xf32>
      %swap3A_103 = arith.index_cast %scan3A_22 : i32 to index
      %swap3A_104 = arith.constant 256 : index
      %swap3A_105 = tpu.vector_load %arg9[%swap3A_103, %swap3A_104] {strides = array<i32>} : memref<64x512xf32, #tpu.memory_space<vmem>>, vector<16xf32>,
      tpu.vector_store %arg9[%swap3A_103, %swap3A_104], %broadcast_in_dim3A_102 {strides = array<i32>} : memref<64x512xf32, #tpu.memory_space<vmem>>, vector<16xf32>,
      %broadcast_in_dim3A_106 = arith.constant 0xFF800000 : f32
      %broadcast_in_dim3A_107 = vector.broadcast %broadcast_in_dim3A_106 : f32 to vector<16xf32>
      %swap3A_108 = arith.index_cast %scan3A_22 : i32 to index
      %swap3A_109 = arith.constant 272 : index
      %swap3A_110 = tpu.vector_load %arg9[%swap3A_108, %swap3A_109] {strides = array<i32>} : memref<64x512xf32, #tpu.memory_space<vmem>>, vector<16xf32>,
      tpu.vector_store %arg9[%swap3A_108, %swap3A_109], %broadcast_in_dim3A_107 {strides = array<i32>} : memref<64x512xf32, #tpu.memory_space<vmem>>, vector<16xf32>,
      %broadcast_in_dim3A_111 = arith.constant 0xFF800000 : f32
      %broadcast_in_dim3A_112 = vector.broadcast %broadcast_in_dim3A_111 : f32 to vector<16xf32>
      %swap3A_113 = arith.index_cast %scan3A_22 : i32 to index
      %swap3A_114 = arith.constant 288 : index
      %swap3A_115 = tpu.vector_load %arg9[%swap3A_113, %swap3A_114] {strides = array<i32>} : memref<64x512xf32, #tpu.memory_space<vmem>>, vector<16xf32>,
      tpu.vector_store %arg9[%swap3A_113, %swap3A_114], %broadcast_in_dim3A_112 {strides = array<i32>} : memref<64x512xf32, #tpu.memory_space<vmem>>, vector<16xf32>,
      %broadcast_in_dim3A_116 = arith.constant 0xFF800000 : f32
      %broadcast_in_dim3A_117 = vector.broadcast %broadcast_in_dim3A_116 : f32 to vector<16xf32>
      %swap3A_118 = arith.index_cast %scan3A_22 : i32 to index
      %swap3A_119 = arith.constant 304 : index
      %swap3A_120 = tpu.vector_load %arg9[%swap3A_118, %swap3A_119] {strides = array<i32>} : memref<64x512xf32, #tpu.memory_space<vmem>>, vector<16xf32>,
      tpu.vector_store %arg9[%swap3A_118, %swap3A_119], %broadcast_in_dim3A_117 {strides = array<i32>} : memref<64x512xf32, #tpu.memory_space<vmem>>, vector<16xf32>,
      %broadcast_in_dim3A_121 = arith.constant 0xFF800000 : f32
      %broadcast_in_dim3A_122 = vector.broadcast %broadcast_in_dim3A_121 : f32 to vector<16xf32>
      %swap3A_123 = arith.index_cast %scan3A_22 : i32 to index
      %swap3A_124 = arith.constant 320 : index
      %swap3A_125 = tpu.vector_load %arg9[%swap3A_123, %swap3A_124] {strides = array<i32>} : memref<64x512xf32, #tpu.memory_space<vmem>>, vector<16xf32>,
      tpu.vector_store %arg9[%swap3A_123, %swap3A_124], %broadcast_in_dim3A_122 {strides = array<i32>} : memref<64x512xf32, #tpu.memory_space<vmem>>, vector<16xf32>,
      %broadcast_in_dim3A_126 = arith.constant 0xFF800000 : f32
      %broadcast_in_dim3A_127 = vector.broadcast %broadcast_in_dim3A_126 : f32 to vector<16xf32>
      %swap3A_128 = arith.index_cast %scan3A_22 : i32 to index
      %swap3A_129 = arith.constant 336 : index
      %swap3A_130 = tpu.vector_load %arg9[%swap3A_128, %swap3A_129] {strides = array<i32>} : memref<64x512xf32, #tpu.memory_space<vmem>>, vector<16xf32>,
      tpu.vector_store %arg9[%swap3A_128, %swap3A_129], %broadcast_in_dim3A_127 {strides = array<i32>} : memref<64x512xf32, #tpu.memory_space<vmem>>, vector<16xf32>,
      %broadcast_in_dim3A_131 = arith.constant 0xFF800000 : f32
      %broadcast_in_dim3A_132 = vector.broadcast %broadcast_in_dim3A_131 : f32 to vector<16xf32>
      %swap3A_133 = arith.index_cast %scan3A_22 : i32 to index
      %swap3A_134 = arith.constant 352 : index
      %swap3A_135 = tpu.vector_load %arg9[%swap3A_133, %swap3A_134] {strides = array<i32>} : memref<64x512xf32, #tpu.memory_space<vmem>>, vector<16xf32>,
      tpu.vector_store %arg9[%swap3A_133, %swap3A_134], %broadcast_in_dim3A_132 {strides = array<i32>} : memref<64x512xf32, #tpu.memory_space<vmem>>, vector<16xf32>,
      %broadcast_in_dim3A_136 = arith.constant 0xFF800000 : f32
      %broadcast_in_dim3A_137 = vector.broadcast %broadcast_in_dim3A_136 : f32 to vector<16xf32>
      %swap3A_138 = arith.index_cast %scan3A_22 : i32 to index
      %swap3A_139 = arith.constant 368 : index
      %swap3A_140 = tpu.vector_load %arg9[%swap3A_138, %swap3A_139] {strides = array<i32>} : memref<64x512xf32, #tpu.memory_space<vmem>>, vector<16xf32>,
      tpu.vector_store %arg9[%swap3A_138, %swap3A_139], %broadcast_in_dim3A_137 {strides = array<i32>} : memref<64x512xf32, #tpu.memory_space<vmem>>, vector<16xf32>,
      %broadcast_in_dim3A_141 = arith.constant 0xFF800000 : f32
      %broadcast_in_dim3A_142 = vector.broadcast %broadcast_in_dim3A_141 : f32 to vector<16xf32>
      %swap3A_143 = arith.index_cast %scan3A_22 : i32 to index
      %swap3A_144 = arith.constant 384 : index
      %swap3A_145 = tpu.vector_load %arg9[%swap3A_143, %swap3A_144] {strides = array<i32>} : memref<64x512xf32, #tpu.memory_space<vmem>>, vector<16xf32>,
      tpu.vector_store %arg9[%swap3A_143, %swap3A_144], %broadcast_in_dim3A_142 {strides = array<i32>} : memref<64x512xf32, #tpu.memory_space<vmem>>, vector<16xf32>,
      %broadcast_in_dim3A_146 = arith.constant 0xFF800000 : f32
      %broadcast_in_dim3A_147 = vector.broadcast %broadcast_in_dim3A_146 : f32 to vector<16xf32>
      %swap3A_148 = arith.index_cast %scan3A_22 : i32 to index
      %swap3A_149 = arith.constant 400 : index
      %swap3A_150 = tpu.vector_load %arg9[%swap3A_148, %swap3A_149] {strides = array<i32>} : memref<64x512xf32, #tpu.memory_space<vmem>>, vector<16xf32>,
      tpu.vector_store %arg9[%swap3A_148, %swap3A_149], %broadcast_in_dim3A_147 {strides = array<i32>} : memref<64x512xf32, #tpu.memory_space<vmem>>, vector<16xf32>,
      %broadcast_in_dim3A_151 = arith.constant 0xFF800000 : f32
      %broadcast_in_dim3A_152 = vector.broadcast %broadcast_in_dim3A_151 : f32 to vector<16xf32>
      %swap3A_153 = arith.index_cast %scan3A_22 : i32 to index
      %swap3A_154 = arith.constant 416 : index
      %swap3A_155 = tpu.vector_load %arg9[%swap3A_153, %swap3A_154] {strides = array<i32>} : memref<64x512xf32, #tpu.memory_space<vmem>>, vector<16xf32>,
      tpu.vector_store %arg9[%swap3A_153, %swap3A_154], %broadcast_in_dim3A_152 {strides = array<i32>} : memref<64x512xf32, #tpu.memory_space<vmem>>, vector<16xf32>,
      %broadcast_in_dim3A_156 = arith.constant 0xFF800000 : f32
      %broadcast_in_dim3A_157 = vector.broadcast %broadcast_in_dim3A_156 : f32 to vector<16xf32>
      %swap3A_158 = arith.index_cast %scan3A_22 : i32 to index
      %swap3A_159 = arith.constant 432 : index
      %swap3A_160 = tpu.vector_load %arg9[%swap3A_158, %swap3A_159] {strides = array<i32>} : memref<64x512xf32, #tpu.memory_space<vmem>>, vector<16xf32>,
      tpu.vector_store %arg9[%swap3A_158, %swap3A_159], %broadcast_in_dim3A_157 {strides = array<i32>} : memref<64x512xf32, #tpu.memory_space<vmem>>, vector<16xf32>,
      %broadcast_in_dim3A_161 = arith.constant 0xFF800000 : f32
      %broadcast_in_dim3A_162 = vector.broadcast %broadcast_in_dim3A_161 : f32 to vector<16xf32>
      %swap3A_163 = arith.index_cast %scan3A_22 : i32 to index
      %swap3A_164 = arith.constant 448 : index
      %swap3A_165 = tpu.vector_load %arg9[%swap3A_163, %swap3A_164] {strides = array<i32>} : memref<64x512xf32, #tpu.memory_space<vmem>>, vector<16xf32>,
      tpu.vector_store %arg9[%swap3A_163, %swap3A_164], %broadcast_in_dim3A_162 {strides = array<i32>} : memref<64x512xf32, #tpu.memory_space<vmem>>, vector<16xf32>,
      %broadcast_in_dim3A_166 = arith.constant 0xFF800000 : f32
      %broadcast_in_dim3A_167 = vector.broadcast %broadcast_in_dim3A_166 : f32 to vector<16xf32>
      %swap3A_168 = arith.index_cast %scan3A_22 : i32 to index
      %swap3A_169 = arith.constant 464 : index
      %swap3A_170 = tpu.vector_load %arg9[%swap3A_168, %swap3A_169] {strides = array<i32>} : memref<64x512xf32, #tpu.memory_space<vmem>>, vector<16xf32>,
      tpu.vector_store %arg9[%swap3A_168, %swap3A_169], %broadcast_in_dim3A_167 {strides = array<i32>} : memref<64x512xf32, #tpu.memory_space<vmem>>, vector<16xf32>,
      %broadcast_in_dim3A_171 = arith.constant 0xFF800000 : f32
      %broadcast_in_dim3A_172 = vector.broadcast %broadcast_in_dim3A_171 : f32 to vector<16xf32>
      %swap3A_173 = arith.index_cast %scan3A_22 : i32 to index
      %swap3A_174 = arith.constant 480 : index
      %swap3A_175 = tpu.vector_load %arg9[%swap3A_173, %swap3A_174] {strides = array<i32>} : memref<64x512xf32, #tpu.memory_space<vmem>>, vector<16xf32>,
      tpu.vector_store %arg9[%swap3A_173, %swap3A_174], %broadcast_in_dim3A_172 {strides = array<i32>} : memref<64x512xf32, #tpu.memory_space<vmem>>, vector<16xf32>,
      %broadcast_in_dim3A_176 = arith.constant 0xFF800000 : f32
      %broadcast_in_dim3A_177 = vector.broadcast %broadcast_in_dim3A_176 : f32 to vector<16xf32>
      %swap3A_178 = arith.index_cast %scan3A_22 : i32 to index
      %swap3A_179 = arith.constant 496 : index
      %swap3A_180 = tpu.vector_load %arg9[%swap3A_178, %swap3A_179] {strides = array<i32>} : memref<64x512xf32, #tpu.memory_space<vmem>>, vector<16xf32>,
      tpu.vector_store %arg9[%swap3A_178, %swap3A_179], %broadcast_in_dim3A_177 {strides = array<i32>} : memref<64x512xf32, #tpu.memory_space<vmem>>, vector<16xf32>,
    }
    %scan3A_12 = arith.constant 64 : i32
    %add3A_13 = arith.addi %add3A_4, %add3A_7 : i32
    %while3A = arith.constant 0 : i32
    %while3A_14 = arith.subi %add3A_13, %add3A_4 : i32
    %while3A_15 = arith.addi %add3A_4, %while3A_14 : i32
    %while3A_16 = arith.constant 1 : i32
    %while3A_17 = arith.divsi %while3A_14, %while3A_16 : i32
    %while3A_18 = arith.muli %while3A_17, %while3A_16 : i32
    %while3A_19 = arith.addi %add3A_4, %while3A_18 : i32
    %while3A_20 = arith.constant 1 : i32
    scf.for %while3A_22 = %add3A_4 to %while3A_19 step %while3A_20  : i32 {
      %mul3A_23 = arith.constant 80 : i32
      %mul3A_24 = arith.muli %while3A_22, %mul3A_23 : i32
      %add3A_25 = arith.constant 0 : i32
      %add3A_26 = arith.addi %add3A_25, %mul3A_24 : i32
      "tpu.region"() ({
        %run_scoped3A_36 = tpu.sem_alloc : memref<!tpu.dma_semaphore, #tpu.memory_space<semaphore_mem>>
        %dma_start3A = arith.constant 0 : i32
        %dma_start3A_37 = tpu.memref_slice %arg2[%add3A_26, %dma_start3A] : memref<100000x512xf32, #tpu.memory_space<hbm>> -> memref<80x512xf32, #tpu.memory_space<hbm>>
        %dma_start3A_38 = arith.constant 0 : i32
        %dma_start3A_39 = tpu.memref_slice %arg2[%add3A_26, %dma_start3A_38] : memref<100000x512xf32, #tpu.memory_space<hbm>> -> memref<80x512xf32, #tpu.memory_space<hbm>>
        tpu.enqueue_dma source(%dma_start3A_39 : memref<80x512xf32, #tpu.memory_space<hbm>>) target(%arg6 : memref<80x512xf32, #tpu.memory_space<vmem>>) target_semaphore(%run_scoped3A_36 : memref<!tpu.dma_semaphore, #tpu.memory_space<semaphore_mem>>)
        %dma_wait3A = arith.constant 0 : i32
        %dma_wait3A_40 = tpu.memref_slice %arg2[%add3A_26, %dma_wait3A] : memref<100000x512xf32, #tpu.memory_space<hbm>> -> memref<80x512xf32, #tpu.memory_space<hbm>>
        %dma_wait3A_41 = arith.constant 0 : i32
        %dma_wait3A_42 = tpu.memref_slice %arg2[%add3A_26, %dma_wait3A_41] : memref<100000x512xf32, #tpu.memory_space<hbm>> -> memref<80x512xf32, #tpu.memory_space<hbm>>
        tpu.wait_dma2 semaphore(%run_scoped3A_36 : memref<!tpu.dma_semaphore, #tpu.memory_space<semaphore_mem>>) src(%dma_wait3A_42 : memref<80x512xf32, #tpu.memory_space<hbm>>) dst(%arg6 : memref<80x512xf32, #tpu.memory_space<vmem>>)
        tpu.yield
      }) : () -> ()
      "tpu.region"() ({
        %run_scoped3A_36 = tpu.sem_alloc : memref<!tpu.dma_semaphore, #tpu.memory_space<semaphore_mem>>
        %dma_start3A = arith.constant 0 : i32
        %dma_start3A_37 = tpu.memref_slice %arg7[%dma_start3A] : memref<96xi32, #tpu.memory_space<vmem>> -> memref<80xi32, #tpu.memory_space<vmem>>
        %dma_start3A_38 = tpu.memref_slice %arg3[%add3A_26] : memref<100000xi32, #tpu.memory_space<hbm>> -> memref<80xi32, #tpu.memory_space<hbm>>
        %dma_start3A_39 = arith.constant 0 : i32
        %dma_start3A_40 = tpu.memref_slice %arg7[%dma_start3A_39] : memref<96xi32, #tpu.memory_space<vmem>> -> memref<80xi32, #tpu.memory_space<vmem>>
        %dma_start3A_41 = tpu.memref_slice %arg3[%add3A_26] : memref<100000xi32, #tpu.memory_space<hbm>> -> memref<80xi32, #tpu.memory_space<hbm>>
        tpu.enqueue_dma source(%dma_start3A_41 : memref<80xi32, #tpu.memory_space<hbm>>) target(%dma_start3A_40 : memref<80xi32, #tpu.memory_space<vmem>>) target_semaphore(%run_scoped3A_36 : memref<!tpu.dma_semaphore, #tpu.memory_space<semaphore_mem>>)
        %dma_wait3A = arith.constant 0 : i32
        %dma_wait3A_42 = tpu.memref_slice %arg7[%dma_wait3A] : memref<96xi32, #tpu.memory_space<vmem>> -> memref<80xi32, #tpu.memory_space<vmem>>
        %dma_wait3A_43 = tpu.memref_slice %arg3[%add3A_26] : memref<100000xi32, #tpu.memory_space<hbm>> -> memref<80xi32, #tpu.memory_space<hbm>>
        %dma_wait3A_44 = arith.constant 0 : i32
        %dma_wait3A_45 = tpu.memref_slice %arg7[%dma_wait3A_44] : memref<96xi32, #tpu.memory_space<vmem>> -> memref<80xi32, #tpu.memory_space<vmem>>
        %dma_wait3A_46 = tpu.memref_slice %arg3[%add3A_26] : memref<100000xi32, #tpu.memory_space<hbm>> -> memref<80xi32, #tpu.memory_space<hbm>>
        tpu.wait_dma2 semaphore(%run_scoped3A_36 : memref<!tpu.dma_semaphore, #tpu.memory_space<semaphore_mem>>) src(%dma_wait3A_46 : memref<80xi32, #tpu.memory_space<hbm>>) dst(%dma_wait3A_45 : memref<80xi32, #tpu.memory_space<vmem>>)
        tpu.yield
      }) : () -> ()
      %get3A = arith.constant 0 : index
      %get3A_27 = tpu.vector_load %arg7[%get3A] {strides = array<i32>} : memref<96xi32, #tpu.memory_space<vmem>>, vector<16xi32>,
      %slice3A = vector.extract_strided_slice %get3A_27 {offsets = [0], sizes = [1], strides = [1]} : vector<16xi32> to vector<1xi32>
      %squeeze3A = vector.extract %slice3A[0] : i32 from vector<1xi32>
      %get3A_28 = arith.constant 79 : index
      %get3A_29 = tpu.vector_load %arg7[%get3A_28] {strides = array<i32>} : memref<96xi32, #tpu.memory_space<vmem>>, vector<16xi32>,
      %slice3A_30 = vector.extract_strided_slice %get3A_29 {offsets = [0], sizes = [1], strides = [1]} : vector<16xi32> to vector<1xi32>
      %squeeze3A_31 = vector.extract %slice3A_30[0] : i32 from vector<1xi32>
      %eq3A = arith.cmpi eq, %squeeze3A, %squeeze3A_31 : i32
      %convert_element_type3A_32 = arith.extui %eq3A : i1 to i32
      %cond3A = arith.constant 0 : i32
      %cond3A_33 = arith.constant 0 : i32
      %cond3A_34 = arith.cmpi ne, %convert_element_type3A_32, %cond3A_33 : i32
      %cond3A_35 = scf.if %cond3A_34 -> (i32) {
        %broadcast_in_dim3A = arith.constant 0xFF800000 : f32
        %broadcast_in_dim3A_36 = vector.broadcast %broadcast_in_dim3A : f32 to vector<16xf32>
        %broadcast_in_dim3A_37 = arith.constant 0xFF800000 : f32
        %broadcast_in_dim3A_38 = vector.broadcast %broadcast_in_dim3A_37 : f32 to vector<16xf32>
        %broadcast_in_dim3A_39 = arith.constant 0xFF800000 : f32
        %broadcast_in_dim3A_40 = vector.broadcast %broadcast_in_dim3A_39 : f32 to vector<16xf32>
        %broadcast_in_dim3A_41 = arith.constant 0xFF800000 : f32
        %broadcast_in_dim3A_42 = vector.broadcast %broadcast_in_dim3A_41 : f32 to vector<16xf32>
        %broadcast_in_dim3A_43 = arith.constant 0xFF800000 : f32
        %broadcast_in_dim3A_44 = vector.broadcast %broadcast_in_dim3A_43 : f32 to vector<16xf32>
        %broadcast_in_dim3A_45 = arith.constant 0xFF800000 : f32
        %broadcast_in_dim3A_46 = vector.broadcast %broadcast_in_dim3A_45 : f32 to vector<16xf32>
        %broadcast_in_dim3A_47 = arith.constant 0xFF800000 : f32
        %broadcast_in_dim3A_48 = vector.broadcast %broadcast_in_dim3A_47 : f32 to vector<16xf32>
        %broadcast_in_dim3A_49 = arith.constant 0xFF800000 : f32
        %broadcast_in_dim3A_50 = vector.broadcast %broadcast_in_dim3A_49 : f32 to vector<16xf32>
        %broadcast_in_dim3A_51 = arith.constant 0xFF800000 : f32
        %broadcast_in_dim3A_52 = vector.broadcast %broadcast_in_dim3A_51 : f32 to vector<16xf32>
        %broadcast_in_dim3A_53 = arith.constant 0xFF800000 : f32
        %broadcast_in_dim3A_54 = vector.broadcast %broadcast_in_dim3A_53 : f32 to vector<16xf32>
        %broadcast_in_dim3A_55 = arith.constant 0xFF800000 : f32
        %broadcast_in_dim3A_56 = vector.broadcast %broadcast_in_dim3A_55 : f32 to vector<16xf32>
        %broadcast_in_dim3A_57 = arith.constant 0xFF800000 : f32
        %broadcast_in_dim3A_58 = vector.broadcast %broadcast_in_dim3A_57 : f32 to vector<16xf32>
        %broadcast_in_dim3A_59 = arith.constant 0xFF800000 : f32
        %broadcast_in_dim3A_60 = vector.broadcast %broadcast_in_dim3A_59 : f32 to vector<16xf32>
        %broadcast_in_dim3A_61 = arith.constant 0xFF800000 : f32
        %broadcast_in_dim3A_62 = vector.broadcast %broadcast_in_dim3A_61 : f32 to vector<16xf32>
        %broadcast_in_dim3A_63 = arith.constant 0xFF800000 : f32
        %broadcast_in_dim3A_64 = vector.broadcast %broadcast_in_dim3A_63 : f32 to vector<16xf32>
        %broadcast_in_dim3A_65 = arith.constant 0xFF800000 : f32
        %broadcast_in_dim3A_66 = vector.broadcast %broadcast_in_dim3A_65 : f32 to vector<16xf32>
        %broadcast_in_dim3A_67 = arith.constant 0xFF800000 : f32
        %broadcast_in_dim3A_68 = vector.broadcast %broadcast_in_dim3A_67 : f32 to vector<16xf32>
        %broadcast_in_dim3A_69 = arith.constant 0xFF800000 : f32
        %broadcast_in_dim3A_70 = vector.broadcast %broadcast_in_dim3A_69 : f32 to vector<16xf32>
        %broadcast_in_dim3A_71 = arith.constant 0xFF800000 : f32
        %broadcast_in_dim3A_72 = vector.broadcast %broadcast_in_dim3A_71 : f32 to vector<16xf32>
        %broadcast_in_dim3A_73 = arith.constant 0xFF800000 : f32
        %broadcast_in_dim3A_74 = vector.broadcast %broadcast_in_dim3A_73 : f32 to vector<16xf32>
        %broadcast_in_dim3A_75 = arith.constant 0xFF800000 : f32
        %broadcast_in_dim3A_76 = vector.broadcast %broadcast_in_dim3A_75 : f32 to vector<16xf32>
        %broadcast_in_dim3A_77 = arith.constant 0xFF800000 : f32
        %broadcast_in_dim3A_78 = vector.broadcast %broadcast_in_dim3A_77 : f32 to vector<16xf32>
        %broadcast_in_dim3A_79 = arith.constant 0xFF800000 : f32
        %broadcast_in_dim3A_80 = vector.broadcast %broadcast_in_dim3A_79 : f32 to vector<16xf32>
        %broadcast_in_dim3A_81 = arith.constant 0xFF800000 : f32
        %broadcast_in_dim3A_82 = vector.broadcast %broadcast_in_dim3A_81 : f32 to vector<16xf32>
        %broadcast_in_dim3A_83 = arith.constant 0xFF800000 : f32
        %broadcast_in_dim3A_84 = vector.broadcast %broadcast_in_dim3A_83 : f32 to vector<16xf32>
        %broadcast_in_dim3A_85 = arith.constant 0xFF800000 : f32
        %broadcast_in_dim3A_86 = vector.broadcast %broadcast_in_dim3A_85 : f32 to vector<16xf32>
        %broadcast_in_dim3A_87 = arith.constant 0xFF800000 : f32
        %broadcast_in_dim3A_88 = vector.broadcast %broadcast_in_dim3A_87 : f32 to vector<16xf32>
        %broadcast_in_dim3A_89 = arith.constant 0xFF800000 : f32
        %broadcast_in_dim3A_90 = vector.broadcast %broadcast_in_dim3A_89 : f32 to vector<16xf32>
        %broadcast_in_dim3A_91 = arith.constant 0xFF800000 : f32
        %broadcast_in_dim3A_92 = vector.broadcast %broadcast_in_dim3A_91 : f32 to vector<16xf32>
        %broadcast_in_dim3A_93 = arith.constant 0xFF800000 : f32
        %broadcast_in_dim3A_94 = vector.broadcast %broadcast_in_dim3A_93 : f32 to vector<16xf32>
        %broadcast_in_dim3A_95 = arith.constant 0xFF800000 : f32
        %broadcast_in_dim3A_96 = vector.broadcast %broadcast_in_dim3A_95 : f32 to vector<16xf32>
        %broadcast_in_dim3A_97 = arith.constant 0xFF800000 : f32
        %broadcast_in_dim3A_98 = vector.broadcast %broadcast_in_dim3A_97 : f32 to vector<16xf32>
        %scan3A_99 = arith.constant 0 : i32
        %scan3A_100 = arith.constant 80 : i32
        %scan3A_101 = arith.addi %scan3A_99, %scan3A_100 : i32
        %scan3A_102 = arith.constant 1 : i32
        %scan3A_103:32 = scf.for %scan3A_328 = %scan3A_99 to %scan3A_101 step %scan3A_102 iter_args(%scan3A_329 = %broadcast_in_dim3A_36, %scan3A_330 = %broadcast_in_dim3A_38, %scan3A_331 = %broadcast_in_dim3A_40, %scan3A_332 = %broadcast_in_dim3A_42, %scan3A_333 = %broadcast_in_dim3A_44, %scan3A_334 = %broadcast_in_dim3A_46, %scan3A_335 = %broadcast_in_dim3A_48, %scan3A_336 = %broadcast_in_dim3A_50, %scan3A_337 = %broadcast_in_dim3A_52, %scan3A_338 = %broadcast_in_dim3A_54, %scan3A_339 = %broadcast_in_dim3A_56, %scan3A_340 = %broadcast_in_dim3A_58, %scan3A_341 = %broadcast_in_dim3A_60, %scan3A_342 = %broadcast_in_dim3A_62, %scan3A_343 = %broadcast_in_dim3A_64, %scan3A_344 = %broadcast_in_dim3A_66, %scan3A_345 = %broadcast_in_dim3A_68, %scan3A_346 = %broadcast_in_dim3A_70, %scan3A_347 = %broadcast_in_dim3A_72, %scan3A_348 = %broadcast_in_dim3A_74, %scan3A_349 = %broadcast_in_dim3A_76, %scan3A_350 = %broadcast_in_dim3A_78, %scan3A_351 = %broadcast_in_dim3A_80, %scan3A_352 = %broadcast_in_dim3A_82, %scan3A_353 = %broadcast_in_dim3A_84, %scan3A_354 = %broadcast_in_dim3A_86, %scan3A_355 = %broadcast_in_dim3A_88, %scan3A_356 = %broadcast_in_dim3A_90, %scan3A_357 = %broadcast_in_dim3A_92, %scan3A_358 = %broadcast_in_dim3A_94, %scan3A_359 = %broadcast_in_dim3A_96, %scan3A_360 = %broadcast_in_dim3A_98) -> (vector<16xf32>, vector<16xf32>, vector<16xf32>, vector<16xf32>, vector<16xf32>, vector<16xf32>, vector<16xf32>, vector<16xf32>, vector<16xf32>, vector<16xf32>, vector<16xf32>, vector<16xf32>, vector<16xf32>, vector<16xf32>, vector<16xf32>, vector<16xf32>, vector<16xf32>, vector<16xf32>, vector<16xf32>, vector<16xf32>, vector<16xf32>, vector<16xf32>, vector<16xf32>, vector<16xf32>, vector<16xf32>, vector<16xf32>, vector<16xf32>, vector<16xf32>, vector<16xf32>, vector<16xf32>, vector<16xf32>, vector<16xf32>)  : i32 {
          %broadcast_in_dim3A_361 = arith.constant 0.000000e+00 : f32
          %broadcast_in_dim3A_362 = vector.broadcast %broadcast_in_dim3A_361 : f32 to vector<16xf32>
          %broadcast_in_dim3A_363 = arith.constant 0.000000e+00 : f32
          %broadcast_in_dim3A_364 = vector.broadcast %broadcast_in_dim3A_363 : f32 to vector<16xf32>
          %broadcast_in_dim3A_365 = arith.constant 0.000000e+00 : f32
          %broadcast_in_dim3A_366 = vector.broadcast %broadcast_in_dim3A_365 : f32 to vector<16xf32>
          %broadcast_in_dim3A_367 = arith.constant 0.000000e+00 : f32
          %broadcast_in_dim3A_368 = vector.broadcast %broadcast_in_dim3A_367 : f32 to vector<16xf32>
          %get3A_369 = arith.index_cast %scan3A_328 : i32 to index
          %get3A_370 = arith.constant 0 : index
          %get3A_371 = tpu.vector_load %arg6[%get3A_369, %get3A_370] {strides = array<i32>} : memref<80x512xf32, #tpu.memory_space<vmem>>, vector<16xf32>,
          %get3A_372 = arith.constant 0 : index
          %get3A_373 = tpu.vector_load %arg8[%get3A_372] {strides = array<i32>} : memref<512xf32, #tpu.memory_space<vmem>>, vector<16xf32>,
          %mul3A_374 = arith.mulf %get3A_371, %get3A_373 : vector<16xf32>
          %add3A_375 = arith.addf %broadcast_in_dim3A_362, %mul3A_374 : vector<16xf32>
          %get3A_376 = arith.index_cast %scan3A_328 : i32 to index
          %get3A_377 = arith.constant 16 : index
          %get3A_378 = tpu.vector_load %arg6[%get3A_376, %get3A_377] {strides = array<i32>} : memref<80x512xf32, #tpu.memory_space<vmem>>, vector<16xf32>,
          %get3A_379 = arith.constant 16 : index
          %get3A_380 = tpu.vector_load %arg8[%get3A_379] {strides = array<i32>} : memref<512xf32, #tpu.memory_space<vmem>>, vector<16xf32>,
          %mul3A_381 = arith.mulf %get3A_378, %get3A_380 : vector<16xf32>
          %add3A_382 = arith.addf %broadcast_in_dim3A_364, %mul3A_381 : vector<16xf32>
          %get3A_383 = arith.index_cast %scan3A_328 : i32 to index
          %get3A_384 = arith.constant 32 : index
          %get3A_385 = tpu.vector_load %arg6[%get3A_383, %get3A_384] {strides = array<i32>} : memref<80x512xf32, #tpu.memory_space<vmem>>, vector<16xf32>,
          %get3A_386 = arith.constant 32 : index
          %get3A_387 = tpu.vector_load %arg8[%get3A_386] {strides = array<i32>} : memref<512xf32, #tpu.memory_space<vmem>>, vector<16xf32>,
          %mul3A_388 = arith.mulf %get3A_385, %get3A_387 : vector<16xf32>
          %add3A_389 = arith.addf %broadcast_in_dim3A_366, %mul3A_388 : vector<16xf32>
          %get3A_390 = arith.index_cast %scan3A_328 : i32 to index
          %get3A_391 = arith.constant 48 : index
          %get3A_392 = tpu.vector_load %arg6[%get3A_390, %get3A_391] {strides = array<i32>} : memref<80x512xf32, #tpu.memory_space<vmem>>, vector<16xf32>,
          %get3A_393 = arith.constant 48 : index
          %get3A_394 = tpu.vector_load %arg8[%get3A_393] {strides = array<i32>} : memref<512xf32, #tpu.memory_space<vmem>>, vector<16xf32>,
          %mul3A_395 = arith.mulf %get3A_392, %get3A_394 : vector<16xf32>
          %add3A_396 = arith.addf %broadcast_in_dim3A_368, %mul3A_395 : vector<16xf32>
          %get3A_397 = arith.index_cast %scan3A_328 : i32 to index
          %get3A_398 = arith.constant 64 : index
          %get3A_399 = tpu.vector_load %arg6[%get3A_397, %get3A_398] {strides = array<i32>} : memref<80x512xf32, #tpu.memory_space<vmem>>, vector<16xf32>,
          %get3A_400 = arith.constant 64 : index
          %get3A_401 = tpu.vector_load %arg8[%get3A_400] {strides = array<i32>} : memref<512xf32, #tpu.memory_space<vmem>>, vector<16xf32>,
          %mul3A_402 = arith.mulf %get3A_399, %get3A_401 : vector<16xf32>
          %add3A_403 = arith.addf %add3A_375, %mul3A_402 : vector<16xf32>
          %get3A_404 = arith.index_cast %scan3A_328 : i32 to index
          %get3A_405 = arith.constant 80 : index
          %get3A_406 = tpu.vector_load %arg6[%get3A_404, %get3A_405] {strides = array<i32>} : memref<80x512xf32, #tpu.memory_space<vmem>>, vector<16xf32>,
          %get3A_407 = arith.constant 80 : index
          %get3A_408 = tpu.vector_load %arg8[%get3A_407] {strides = array<i32>} : memref<512xf32, #tpu.memory_space<vmem>>, vector<16xf32>,
          %mul3A_409 = arith.mulf %get3A_406, %get3A_408 : vector<16xf32>
          %add3A_410 = arith.addf %add3A_382, %mul3A_409 : vector<16xf32>
          %get3A_411 = arith.index_cast %scan3A_328 : i32 to index
          %get3A_412 = arith.constant 96 : index
          %get3A_413 = tpu.vector_load %arg6[%get3A_411, %get3A_412] {strides = array<i32>} : memref<80x512xf32, #tpu.memory_space<vmem>>, vector<16xf32>,
          %get3A_414 = arith.constant 96 : index
          %get3A_415 = tpu.vector_load %arg8[%get3A_414] {strides = array<i32>} : memref<512xf32, #tpu.memory_space<vmem>>, vector<16xf32>,
          %mul3A_416 = arith.mulf %get3A_413, %get3A_415 : vector<16xf32>
          %add3A_417 = arith.addf %add3A_389, %mul3A_416 : vector<16xf32>
          %get3A_418 = arith.index_cast %scan3A_328 : i32 to index
          %get3A_419 = arith.constant 112 : index
          %get3A_420 = tpu.vector_load %arg6[%get3A_418, %get3A_419] {strides = array<i32>} : memref<80x512xf32, #tpu.memory_space<vmem>>, vector<16xf32>,
          %get3A_421 = arith.constant 112 : index
          %get3A_422 = tpu.vector_load %arg8[%get3A_421] {strides = array<i32>} : memref<512xf32, #tpu.memory_space<vmem>>, vector<16xf32>,
          %mul3A_423 = arith.mulf %get3A_420, %get3A_422 : vector<16xf32>
          %add3A_424 = arith.addf %add3A_396, %mul3A_423 : vector<16xf32>
          %get3A_425 = arith.index_cast %scan3A_328 : i32 to index
          %get3A_426 = arith.constant 128 : index
          %get3A_427 = tpu.vector_load %arg6[%get3A_425, %get3A_426] {strides = array<i32>} : memref<80x512xf32, #tpu.memory_space<vmem>>, vector<16xf32>,
          %get3A_428 = arith.constant 128 : index
          %get3A_429 = tpu.vector_load %arg8[%get3A_428] {strides = array<i32>} : memref<512xf32, #tpu.memory_space<vmem>>, vector<16xf32>,
          %mul3A_430 = arith.mulf %get3A_427, %get3A_429 : vector<16xf32>
          %add3A_431 = arith.addf %add3A_403, %mul3A_430 : vector<16xf32>
          %get3A_432 = arith.index_cast %scan3A_328 : i32 to index
          %get3A_433 = arith.constant 144 : index
          %get3A_434 = tpu.vector_load %arg6[%get3A_432, %get3A_433] {strides = array<i32>} : memref<80x512xf32, #tpu.memory_space<vmem>>, vector<16xf32>,
          %get3A_435 = arith.constant 144 : index
          %get3A_436 = tpu.vector_load %arg8[%get3A_435] {strides = array<i32>} : memref<512xf32, #tpu.memory_space<vmem>>, vector<16xf32>,
          %mul3A_437 = arith.mulf %get3A_434, %get3A_436 : vector<16xf32>
          %add3A_438 = arith.addf %add3A_410, %mul3A_437 : vector<16xf32>
          %get3A_439 = arith.index_cast %scan3A_328 : i32 to index
          %get3A_440 = arith.constant 160 : index
          %get3A_441 = tpu.vector_load %arg6[%get3A_439, %get3A_440] {strides = array<i32>} : memref<80x512xf32, #tpu.memory_space<vmem>>, vector<16xf32>,
          %get3A_442 = arith.constant 160 : index
          %get3A_443 = tpu.vector_load %arg8[%get3A_442] {strides = array<i32>} : memref<512xf32, #tpu.memory_space<vmem>>, vector<16xf32>,
          %mul3A_444 = arith.mulf %get3A_441, %get3A_443 : vector<16xf32>
          %add3A_445 = arith.addf %add3A_417, %mul3A_444 : vector<16xf32>
          %get3A_446 = arith.index_cast %scan3A_328 : i32 to index
          %get3A_447 = arith.constant 176 : index
          %get3A_448 = tpu.vector_load %arg6[%get3A_446, %get3A_447] {strides = array<i32>} : memref<80x512xf32, #tpu.memory_space<vmem>>, vector<16xf32>,
          %get3A_449 = arith.constant 176 : index
          %get3A_450 = tpu.vector_load %arg8[%get3A_449] {strides = array<i32>} : memref<512xf32, #tpu.memory_space<vmem>>, vector<16xf32>,
          %mul3A_451 = arith.mulf %get3A_448, %get3A_450 : vector<16xf32>
          %add3A_452 = arith.addf %add3A_424, %mul3A_451 : vector<16xf32>
          %get3A_453 = arith.index_cast %scan3A_328 : i32 to index
          %get3A_454 = arith.constant 192 : index
          %get3A_455 = tpu.vector_load %arg6[%get3A_453, %get3A_454] {strides = array<i32>} : memref<80x512xf32, #tpu.memory_space<vmem>>, vector<16xf32>,
          %get3A_456 = arith.constant 192 : index
          %get3A_457 = tpu.vector_load %arg8[%get3A_456] {strides = array<i32>} : memref<512xf32, #tpu.memory_space<vmem>>, vector<16xf32>,
          %mul3A_458 = arith.mulf %get3A_455, %get3A_457 : vector<16xf32>
          %add3A_459 = arith.addf %add3A_431, %mul3A_458 : vector<16xf32>
          %get3A_460 = arith.index_cast %scan3A_328 : i32 to index
          %get3A_461 = arith.constant 208 : index
          %get3A_462 = tpu.vector_load %arg6[%get3A_460, %get3A_461] {strides = array<i32>} : memref<80x512xf32, #tpu.memory_space<vmem>>, vector<16xf32>,
          %get3A_463 = arith.constant 208 : index
          %get3A_464 = tpu.vector_load %arg8[%get3A_463] {strides = array<i32>} : memref<512xf32, #tpu.memory_space<vmem>>, vector<16xf32>,
          %mul3A_465 = arith.mulf %get3A_462, %get3A_464 : vector<16xf32>
          %add3A_466 = arith.addf %add3A_438, %mul3A_465 : vector<16xf32>
          %get3A_467 = arith.index_cast %scan3A_328 : i32 to index
          %get3A_468 = arith.constant 224 : index
          %get3A_469 = tpu.vector_load %arg6[%get3A_467, %get3A_468] {strides = array<i32>} : memref<80x512xf32, #tpu.memory_space<vmem>>, vector<16xf32>,
          %get3A_470 = arith.constant 224 : index
          %get3A_471 = tpu.vector_load %arg8[%get3A_470] {strides = array<i32>} : memref<512xf32, #tpu.memory_space<vmem>>, vector<16xf32>,
          %mul3A_472 = arith.mulf %get3A_469, %get3A_471 : vector<16xf32>
          %add3A_473 = arith.addf %add3A_445, %mul3A_472 : vector<16xf32>
          %get3A_474 = arith.index_cast %scan3A_328 : i32 to index
          %get3A_475 = arith.constant 240 : index
          %get3A_476 = tpu.vector_load %arg6[%get3A_474, %get3A_475] {strides = array<i32>} : memref<80x512xf32, #tpu.memory_space<vmem>>, vector<16xf32>,
          %get3A_477 = arith.constant 240 : index
          %get3A_478 = tpu.vector_load %arg8[%get3A_477] {strides = array<i32>} : memref<512xf32, #tpu.memory_space<vmem>>, vector<16xf32>,
          %mul3A_479 = arith.mulf %get3A_476, %get3A_478 : vector<16xf32>
          %add3A_480 = arith.addf %add3A_452, %mul3A_479 : vector<16xf32>
          %get3A_481 = arith.index_cast %scan3A_328 : i32 to index
          %get3A_482 = arith.constant 256 : index
          %get3A_483 = tpu.vector_load %arg6[%get3A_481, %get3A_482] {strides = array<i32>} : memref<80x512xf32, #tpu.memory_space<vmem>>, vector<16xf32>,
          %get3A_484 = arith.constant 256 : index
          %get3A_485 = tpu.vector_load %arg8[%get3A_484] {strides = array<i32>} : memref<512xf32, #tpu.memory_space<vmem>>, vector<16xf32>,
          %mul3A_486 = arith.mulf %get3A_483, %get3A_485 : vector<16xf32>
          %add3A_487 = arith.addf %add3A_459, %mul3A_486 : vector<16xf32>
          %get3A_488 = arith.index_cast %scan3A_328 : i32 to index
          %get3A_489 = arith.constant 272 : index
          %get3A_490 = tpu.vector_load %arg6[%get3A_488, %get3A_489] {strides = array<i32>} : memref<80x512xf32, #tpu.memory_space<vmem>>, vector<16xf32>,
          %get3A_491 = arith.constant 272 : index
          %get3A_492 = tpu.vector_load %arg8[%get3A_491] {strides = array<i32>} : memref<512xf32, #tpu.memory_space<vmem>>, vector<16xf32>,
          %mul3A_493 = arith.mulf %get3A_490, %get3A_492 : vector<16xf32>
          %add3A_494 = arith.addf %add3A_466, %mul3A_493 : vector<16xf32>
          %get3A_495 = arith.index_cast %scan3A_328 : i32 to index
          %get3A_496 = arith.constant 288 : index
          %get3A_497 = tpu.vector_load %arg6[%get3A_495, %get3A_496] {strides = array<i32>} : memref<80x512xf32, #tpu.memory_space<vmem>>, vector<16xf32>,
          %get3A_498 = arith.constant 288 : index
          %get3A_499 = tpu.vector_load %arg8[%get3A_498] {strides = array<i32>} : memref<512xf32, #tpu.memory_space<vmem>>, vector<16xf32>,
          %mul3A_500 = arith.mulf %get3A_497, %get3A_499 : vector<16xf32>
          %add3A_501 = arith.addf %add3A_473, %mul3A_500 : vector<16xf32>
          %get3A_502 = arith.index_cast %scan3A_328 : i32 to index
          %get3A_503 = arith.constant 304 : index
          %get3A_504 = tpu.vector_load %arg6[%get3A_502, %get3A_503] {strides = array<i32>} : memref<80x512xf32, #tpu.memory_space<vmem>>, vector<16xf32>,
          %get3A_505 = arith.constant 304 : index
          %get3A_506 = tpu.vector_load %arg8[%get3A_505] {strides = array<i32>} : memref<512xf32, #tpu.memory_space<vmem>>, vector<16xf32>,
          %mul3A_507 = arith.mulf %get3A_504, %get3A_506 : vector<16xf32>
          %add3A_508 = arith.addf %add3A_480, %mul3A_507 : vector<16xf32>
          %get3A_509 = arith.index_cast %scan3A_328 : i32 to index
          %get3A_510 = arith.constant 320 : index
          %get3A_511 = tpu.vector_load %arg6[%get3A_509, %get3A_510] {strides = array<i32>} : memref<80x512xf32, #tpu.memory_space<vmem>>, vector<16xf32>,
          %get3A_512 = arith.constant 320 : index
          %get3A_513 = tpu.vector_load %arg8[%get3A_512] {strides = array<i32>} : memref<512xf32, #tpu.memory_space<vmem>>, vector<16xf32>,
          %mul3A_514 = arith.mulf %get3A_511, %get3A_513 : vector<16xf32>
          %add3A_515 = arith.addf %add3A_487, %mul3A_514 : vector<16xf32>
          %get3A_516 = arith.index_cast %scan3A_328 : i32 to index
          %get3A_517 = arith.constant 336 : index
          %get3A_518 = tpu.vector_load %arg6[%get3A_516, %get3A_517] {strides = array<i32>} : memref<80x512xf32, #tpu.memory_space<vmem>>, vector<16xf32>,
          %get3A_519 = arith.constant 336 : index
          %get3A_520 = tpu.vector_load %arg8[%get3A_519] {strides = array<i32>} : memref<512xf32, #tpu.memory_space<vmem>>, vector<16xf32>,
          %mul3A_521 = arith.mulf %get3A_518, %get3A_520 : vector<16xf32>
          %add3A_522 = arith.addf %add3A_494, %mul3A_521 : vector<16xf32>
          %get3A_523 = arith.index_cast %scan3A_328 : i32 to index
          %get3A_524 = arith.constant 352 : index
          %get3A_525 = tpu.vector_load %arg6[%get3A_523, %get3A_524] {strides = array<i32>} : memref<80x512xf32, #tpu.memory_space<vmem>>, vector<16xf32>,
          %get3A_526 = arith.constant 352 : index
          %get3A_527 = tpu.vector_load %arg8[%get3A_526] {strides = array<i32>} : memref<512xf32, #tpu.memory_space<vmem>>, vector<16xf32>,
          %mul3A_528 = arith.mulf %get3A_525, %get3A_527 : vector<16xf32>
          %add3A_529 = arith.addf %add3A_501, %mul3A_528 : vector<16xf32>
          %get3A_530 = arith.index_cast %scan3A_328 : i32 to index
          %get3A_531 = arith.constant 368 : index
          %get3A_532 = tpu.vector_load %arg6[%get3A_530, %get3A_531] {strides = array<i32>} : memref<80x512xf32, #tpu.memory_space<vmem>>, vector<16xf32>,
          %get3A_533 = arith.constant 368 : index
          %get3A_534 = tpu.vector_load %arg8[%get3A_533] {strides = array<i32>} : memref<512xf32, #tpu.memory_space<vmem>>, vector<16xf32>,
          %mul3A_535 = arith.mulf %get3A_532, %get3A_534 : vector<16xf32>
          %add3A_536 = arith.addf %add3A_508, %mul3A_535 : vector<16xf32>
          %get3A_537 = arith.index_cast %scan3A_328 : i32 to index
          %get3A_538 = arith.constant 384 : index
          %get3A_539 = tpu.vector_load %arg6[%get3A_537, %get3A_538] {strides = array<i32>} : memref<80x512xf32, #tpu.memory_space<vmem>>, vector<16xf32>,
          %get3A_540 = arith.constant 384 : index
          %get3A_541 = tpu.vector_load %arg8[%get3A_540] {strides = array<i32>} : memref<512xf32, #tpu.memory_space<vmem>>, vector<16xf32>,
          %mul3A_542 = arith.mulf %get3A_539, %get3A_541 : vector<16xf32>
          %add3A_543 = arith.addf %add3A_515, %mul3A_542 : vector<16xf32>
          %get3A_544 = arith.index_cast %scan3A_328 : i32 to index
          %get3A_545 = arith.constant 400 : index
          %get3A_546 = tpu.vector_load %arg6[%get3A_544, %get3A_545] {strides = array<i32>} : memref<80x512xf32, #tpu.memory_space<vmem>>, vector<16xf32>,
          %get3A_547 = arith.constant 400 : index
          %get3A_548 = tpu.vector_load %arg8[%get3A_547] {strides = array<i32>} : memref<512xf32, #tpu.memory_space<vmem>>, vector<16xf32>,
          %mul3A_549 = arith.mulf %get3A_546, %get3A_548 : vector<16xf32>
          %add3A_550 = arith.addf %add3A_522, %mul3A_549 : vector<16xf32>
          %get3A_551 = arith.index_cast %scan3A_328 : i32 to index
          %get3A_552 = arith.constant 416 : index
          %get3A_553 = tpu.vector_load %arg6[%get3A_551, %get3A_552] {strides = array<i32>} : memref<80x512xf32, #tpu.memory_space<vmem>>, vector<16xf32>,
          %get3A_554 = arith.constant 416 : index
          %get3A_555 = tpu.vector_load %arg8[%get3A_554] {strides = array<i32>} : memref<512xf32, #tpu.memory_space<vmem>>, vector<16xf32>,
          %mul3A_556 = arith.mulf %get3A_553, %get3A_555 : vector<16xf32>
          %add3A_557 = arith.addf %add3A_529, %mul3A_556 : vector<16xf32>
          %get3A_558 = arith.index_cast %scan3A_328 : i32 to index
          %get3A_559 = arith.constant 432 : index
          %get3A_560 = tpu.vector_load %arg6[%get3A_558, %get3A_559] {strides = array<i32>} : memref<80x512xf32, #tpu.memory_space<vmem>>, vector<16xf32>,
          %get3A_561 = arith.constant 432 : index
          %get3A_562 = tpu.vector_load %arg8[%get3A_561] {strides = array<i32>} : memref<512xf32, #tpu.memory_space<vmem>>, vector<16xf32>,
          %mul3A_563 = arith.mulf %get3A_560, %get3A_562 : vector<16xf32>
          %add3A_564 = arith.addf %add3A_536, %mul3A_563 : vector<16xf32>
          %get3A_565 = arith.index_cast %scan3A_328 : i32 to index
          %get3A_566 = arith.constant 448 : index
          %get3A_567 = tpu.vector_load %arg6[%get3A_565, %get3A_566] {strides = array<i32>} : memref<80x512xf32, #tpu.memory_space<vmem>>, vector<16xf32>,
          %get3A_568 = arith.constant 448 : index
          %get3A_569 = tpu.vector_load %arg8[%get3A_568] {strides = array<i32>} : memref<512xf32, #tpu.memory_space<vmem>>, vector<16xf32>,
          %mul3A_570 = arith.mulf %get3A_567, %get3A_569 : vector<16xf32>
          %add3A_571 = arith.addf %add3A_543, %mul3A_570 : vector<16xf32>
          %get3A_572 = arith.index_cast %scan3A_328 : i32 to index
          %get3A_573 = arith.constant 464 : index
          %get3A_574 = tpu.vector_load %arg6[%get3A_572, %get3A_573] {strides = array<i32>} : memref<80x512xf32, #tpu.memory_space<vmem>>, vector<16xf32>,
          %get3A_575 = arith.constant 464 : index
          %get3A_576 = tpu.vector_load %arg8[%get3A_575] {strides = array<i32>} : memref<512xf32, #tpu.memory_space<vmem>>, vector<16xf32>,
          %mul3A_577 = arith.mulf %get3A_574, %get3A_576 : vector<16xf32>
          %add3A_578 = arith.addf %add3A_550, %mul3A_577 : vector<16xf32>
          %get3A_579 = arith.index_cast %scan3A_328 : i32 to index
          %get3A_580 = arith.constant 480 : index
          %get3A_581 = tpu.vector_load %arg6[%get3A_579, %get3A_580] {strides = array<i32>} : memref<80x512xf32, #tpu.memory_space<vmem>>, vector<16xf32>,
          %get3A_582 = arith.constant 480 : index
          %get3A_583 = tpu.vector_load %arg8[%get3A_582] {strides = array<i32>} : memref<512xf32, #tpu.memory_space<vmem>>, vector<16xf32>,
          %mul3A_584 = arith.mulf %get3A_581, %get3A_583 : vector<16xf32>
          %add3A_585 = arith.addf %add3A_557, %mul3A_584 : vector<16xf32>
          %get3A_586 = arith.index_cast %scan3A_328 : i32 to index
          %get3A_587 = arith.constant 496 : index
          %get3A_588 = tpu.vector_load %arg6[%get3A_586, %get3A_587] {strides = array<i32>} : memref<80x512xf32, #tpu.memory_space<vmem>>, vector<16xf32>,
          %get3A_589 = arith.constant 496 : index
          %get3A_590 = tpu.vector_load %arg8[%get3A_589] {strides = array<i32>} : memref<512xf32, #tpu.memory_space<vmem>>, vector<16xf32>,
          %mul3A_591 = arith.mulf %get3A_588, %get3A_590 : vector<16xf32>
          %add3A_592 = arith.addf %add3A_564, %mul3A_591 : vector<16xf32>
          %add3A_593 = arith.addf %add3A_571, %add3A_578 : vector<16xf32>
          %add3A_594 = arith.addf %add3A_585, %add3A_592 : vector<16xf32>
          %add3A_595 = arith.addf %add3A_593, %add3A_594 : vector<16xf32>
          %broadcast_in_dim3A_596 = arith.constant true
          %broadcast_in_dim3A_597 = vector.broadcast %broadcast_in_dim3A_596 : i1 to vector<16xi1>
          %masked_cumsum3A = tpu.scan <sum>, %add3A_595 masked %broadcast_in_dim3A_597 : vector<16xf32>, vector<16xi1> -> vector<16xf32>
          %slice3A_598 = vector.extract_strided_slice %masked_cumsum3A {offsets = [15], sizes = [1], strides = [1]} : vector<16xf32> to vector<1xf32>
          %squeeze3A_599 = vector.extract %slice3A_598[0] : f32 from vector<1xf32>
          %broadcast_in_dim3A_600 = vector.broadcast %squeeze3A_599 : f32 to vector<16xf32>
          %neg3A = arith.constant 0.000000e+00 : f32
          %neg3A_601 = vector.broadcast %neg3A : f32 to vector<16xf32>
          %neg3A_602 = arith.subf %neg3A_601, %broadcast_in_dim3A_600 : vector<16xf32>
          %exp3A = math.exp %neg3A_602 : vector<16xf32>
          %add3A_603 = arith.constant 1.000000e+00 : f32
          %add3A_604 = vector.broadcast %add3A_603 : f32 to vector<16xf32>
          %add3A_605 = arith.addf %add3A_604, %exp3A : vector<16xf32>
          %div3A = arith.constant 1.000000e+00 : f32
          %div3A_606 = vector.broadcast %div3A : f32 to vector<16xf32>
          %div3A_607 = arith.divf %div3A_606, %add3A_605 : vector<16xf32>
          %add3A_608 = arith.constant 1.000000e+00 : f32
          %add3A_609 = vector.broadcast %add3A_608 : f32 to vector<16xf32>
          %add3A_610 = arith.addf %div3A_607, %add3A_609 : vector<16xf32>
          %mul3A_611 = arith.constant 5.000000e-01 : f32
          %mul3A_612 = vector.broadcast %mul3A_611 : f32 to vector<16xf32>
          %mul3A_613 = arith.mulf %add3A_610, %mul3A_612 : vector<16xf32>
          %get3A_614 = arith.index_cast %scan3A_328 : i32 to index
          %get3A_615 = arith.constant 0 : index
          %get3A_616 = tpu.vector_load %arg6[%get3A_614, %get3A_615] {strides = array<i32>} : memref<80x512xf32, #tpu.memory_space<vmem>>, vector<16xf32>,
          %mul3A_617 = arith.mulf %get3A_616, %mul3A_613 : vector<16xf32>
          %max3A_618 = arith.maximumf %scan3A_329, %mul3A_617 : vector<16xf32>
          %get3A_619 = arith.index_cast %scan3A_328 : i32 to index
          %get3A_620 = arith.constant 16 : index
          %get3A_621 = tpu.vector_load %arg6[%get3A_619, %get3A_620] {strides = array<i32>} : memref<80x512xf32, #tpu.memory_space<vmem>>, vector<16xf32>,
          %mul3A_622 = arith.mulf %get3A_621, %mul3A_613 : vector<16xf32>
          %max3A_623 = arith.maximumf %scan3A_330, %mul3A_622 : vector<16xf32>
          %get3A_624 = arith.index_cast %scan3A_328 : i32 to index
          %get3A_625 = arith.constant 32 : index
          %get3A_626 = tpu.vector_load %arg6[%get3A_624, %get3A_625] {strides = array<i32>} : memref<80x512xf32, #tpu.memory_space<vmem>>, vector<16xf32>,
          %mul3A_627 = arith.mulf %get3A_626, %mul3A_613 : vector<16xf32>
          %max3A_628 = arith.maximumf %scan3A_331, %mul3A_627 : vector<16xf32>
          %get3A_629 = arith.index_cast %scan3A_328 : i32 to index
          %get3A_630 = arith.constant 48 : index
          %get3A_631 = tpu.vector_load %arg6[%get3A_629, %get3A_630] {strides = array<i32>} : memref<80x512xf32, #tpu.memory_space<vmem>>, vector<16xf32>,
          %mul3A_632 = arith.mulf %get3A_631, %mul3A_613 : vector<16xf32>
          %max3A_633 = arith.maximumf %scan3A_332, %mul3A_632 : vector<16xf32>
          %get3A_634 = arith.index_cast %scan3A_328 : i32 to index
          %get3A_635 = arith.constant 64 : index
          %get3A_636 = tpu.vector_load %arg6[%get3A_634, %get3A_635] {strides = array<i32>} : memref<80x512xf32, #tpu.memory_space<vmem>>, vector<16xf32>,
          %mul3A_637 = arith.mulf %get3A_636, %mul3A_613 : vector<16xf32>
          %max3A_638 = arith.maximumf %scan3A_333, %mul3A_637 : vector<16xf32>
          %get3A_639 = arith.index_cast %scan3A_328 : i32 to index
          %get3A_640 = arith.constant 80 : index
          %get3A_641 = tpu.vector_load %arg6[%get3A_639, %get3A_640] {strides = array<i32>} : memref<80x512xf32, #tpu.memory_space<vmem>>, vector<16xf32>,
          %mul3A_642 = arith.mulf %get3A_641, %mul3A_613 : vector<16xf32>
          %max3A_643 = arith.maximumf %scan3A_334, %mul3A_642 : vector<16xf32>
          %get3A_644 = arith.index_cast %scan3A_328 : i32 to index
          %get3A_645 = arith.constant 96 : index
          %get3A_646 = tpu.vector_load %arg6[%get3A_644, %get3A_645] {strides = array<i32>} : memref<80x512xf32, #tpu.memory_space<vmem>>, vector<16xf32>,
          %mul3A_647 = arith.mulf %get3A_646, %mul3A_613 : vector<16xf32>
          %max3A_648 = arith.maximumf %scan3A_335, %mul3A_647 : vector<16xf32>
          %get3A_649 = arith.index_cast %scan3A_328 : i32 to index
          %get3A_650 = arith.constant 112 : index
          %get3A_651 = tpu.vector_load %arg6[%get3A_649, %get3A_650] {strides = array<i32>} : memref<80x512xf32, #tpu.memory_space<vmem>>, vector<16xf32>,
          %mul3A_652 = arith.mulf %get3A_651, %mul3A_613 : vector<16xf32>
          %max3A_653 = arith.maximumf %scan3A_336, %mul3A_652 : vector<16xf32>
          %get3A_654 = arith.index_cast %scan3A_328 : i32 to index
          %get3A_655 = arith.constant 128 : index
          %get3A_656 = tpu.vector_load %arg6[%get3A_654, %get3A_655] {strides = array<i32>} : memref<80x512xf32, #tpu.memory_space<vmem>>, vector<16xf32>,
          %mul3A_657 = arith.mulf %get3A_656, %mul3A_613 : vector<16xf32>
          %max3A_658 = arith.maximumf %scan3A_337, %mul3A_657 : vector<16xf32>
          %get3A_659 = arith.index_cast %scan3A_328 : i32 to index
          %get3A_660 = arith.constant 144 : index
          %get3A_661 = tpu.vector_load %arg6[%get3A_659, %get3A_660] {strides = array<i32>} : memref<80x512xf32, #tpu.memory_space<vmem>>, vector<16xf32>,
          %mul3A_662 = arith.mulf %get3A_661, %mul3A_613 : vector<16xf32>
          %max3A_663 = arith.maximumf %scan3A_338, %mul3A_662 : vector<16xf32>
          %get3A_664 = arith.index_cast %scan3A_328 : i32 to index
          %get3A_665 = arith.constant 160 : index
          %get3A_666 = tpu.vector_load %arg6[%get3A_664, %get3A_665] {strides = array<i32>} : memref<80x512xf32, #tpu.memory_space<vmem>>, vector<16xf32>,
          %mul3A_667 = arith.mulf %get3A_666, %mul3A_613 : vector<16xf32>
          %max3A_668 = arith.maximumf %scan3A_339, %mul3A_667 : vector<16xf32>
          %get3A_669 = arith.index_cast %scan3A_328 : i32 to index
          %get3A_670 = arith.constant 176 : index
          %get3A_671 = tpu.vector_load %arg6[%get3A_669, %get3A_670] {strides = array<i32>} : memref<80x512xf32, #tpu.memory_space<vmem>>, vector<16xf32>,
          %mul3A_672 = arith.mulf %get3A_671, %mul3A_613 : vector<16xf32>
          %max3A_673 = arith.maximumf %scan3A_340, %mul3A_672 : vector<16xf32>
          %get3A_674 = arith.index_cast %scan3A_328 : i32 to index
          %get3A_675 = arith.constant 192 : index
          %get3A_676 = tpu.vector_load %arg6[%get3A_674, %get3A_675] {strides = array<i32>} : memref<80x512xf32, #tpu.memory_space<vmem>>, vector<16xf32>,
          %mul3A_677 = arith.mulf %get3A_676, %mul3A_613 : vector<16xf32>
          %max3A_678 = arith.maximumf %scan3A_341, %mul3A_677 : vector<16xf32>
          %get3A_679 = arith.index_cast %scan3A_328 : i32 to index
          %get3A_680 = arith.constant 208 : index
          %get3A_681 = tpu.vector_load %arg6[%get3A_679, %get3A_680] {strides = array<i32>} : memref<80x512xf32, #tpu.memory_space<vmem>>, vector<16xf32>,
          %mul3A_682 = arith.mulf %get3A_681, %mul3A_613 : vector<16xf32>
          %max3A_683 = arith.maximumf %scan3A_342, %mul3A_682 : vector<16xf32>
          %get3A_684 = arith.index_cast %scan3A_328 : i32 to index
          %get3A_685 = arith.constant 224 : index
          %get3A_686 = tpu.vector_load %arg6[%get3A_684, %get3A_685] {strides = array<i32>} : memref<80x512xf32, #tpu.memory_space<vmem>>, vector<16xf32>,
          %mul3A_687 = arith.mulf %get3A_686, %mul3A_613 : vector<16xf32>
          %max3A_688 = arith.maximumf %scan3A_343, %mul3A_687 : vector<16xf32>
          %get3A_689 = arith.index_cast %scan3A_328 : i32 to index
          %get3A_690 = arith.constant 240 : index
          %get3A_691 = tpu.vector_load %arg6[%get3A_689, %get3A_690] {strides = array<i32>} : memref<80x512xf32, #tpu.memory_space<vmem>>, vector<16xf32>,
          %mul3A_692 = arith.mulf %get3A_691, %mul3A_613 : vector<16xf32>
          %max3A_693 = arith.maximumf %scan3A_344, %mul3A_692 : vector<16xf32>
          %get3A_694 = arith.index_cast %scan3A_328 : i32 to index
          %get3A_695 = arith.constant 256 : index
          %get3A_696 = tpu.vector_load %arg6[%get3A_694, %get3A_695] {strides = array<i32>} : memref<80x512xf32, #tpu.memory_space<vmem>>, vector<16xf32>,
          %mul3A_697 = arith.mulf %get3A_696, %mul3A_613 : vector<16xf32>
          %max3A_698 = arith.maximumf %scan3A_345, %mul3A_697 : vector<16xf32>
          %get3A_699 = arith.index_cast %scan3A_328 : i32 to index
          %get3A_700 = arith.constant 272 : index
          %get3A_701 = tpu.vector_load %arg6[%get3A_699, %get3A_700] {strides = array<i32>} : memref<80x512xf32, #tpu.memory_space<vmem>>, vector<16xf32>,
          %mul3A_702 = arith.mulf %get3A_701, %mul3A_613 : vector<16xf32>
          %max3A_703 = arith.maximumf %scan3A_346, %mul3A_702 : vector<16xf32>
          %get3A_704 = arith.index_cast %scan3A_328 : i32 to index
          %get3A_705 = arith.constant 288 : index
          %get3A_706 = tpu.vector_load %arg6[%get3A_704, %get3A_705] {strides = array<i32>} : memref<80x512xf32, #tpu.memory_space<vmem>>, vector<16xf32>,
          %mul3A_707 = arith.mulf %get3A_706, %mul3A_613 : vector<16xf32>
          %max3A_708 = arith.maximumf %scan3A_347, %mul3A_707 : vector<16xf32>
          %get3A_709 = arith.index_cast %scan3A_328 : i32 to index
          %get3A_710 = arith.constant 304 : index
          %get3A_711 = tpu.vector_load %arg6[%get3A_709, %get3A_710] {strides = array<i32>} : memref<80x512xf32, #tpu.memory_space<vmem>>, vector<16xf32>,
          %mul3A_712 = arith.mulf %get3A_711, %mul3A_613 : vector<16xf32>
          %max3A_713 = arith.maximumf %scan3A_348, %mul3A_712 : vector<16xf32>
          %get3A_714 = arith.index_cast %scan3A_328 : i32 to index
          %get3A_715 = arith.constant 320 : index
          %get3A_716 = tpu.vector_load %arg6[%get3A_714, %get3A_715] {strides = array<i32>} : memref<80x512xf32, #tpu.memory_space<vmem>>, vector<16xf32>,
          %mul3A_717 = arith.mulf %get3A_716, %mul3A_613 : vector<16xf32>
          %max3A_718 = arith.maximumf %scan3A_349, %mul3A_717 : vector<16xf32>
          %get3A_719 = arith.index_cast %scan3A_328 : i32 to index
          %get3A_720 = arith.constant 336 : index
          %get3A_721 = tpu.vector_load %arg6[%get3A_719, %get3A_720] {strides = array<i32>} : memref<80x512xf32, #tpu.memory_space<vmem>>, vector<16xf32>,
          %mul3A_722 = arith.mulf %get3A_721, %mul3A_613 : vector<16xf32>
          %max3A_723 = arith.maximumf %scan3A_350, %mul3A_722 : vector<16xf32>
          %get3A_724 = arith.index_cast %scan3A_328 : i32 to index
          %get3A_725 = arith.constant 352 : index
          %get3A_726 = tpu.vector_load %arg6[%get3A_724, %get3A_725] {strides = array<i32>} : memref<80x512xf32, #tpu.memory_space<vmem>>, vector<16xf32>,
          %mul3A_727 = arith.mulf %get3A_726, %mul3A_613 : vector<16xf32>
          %max3A_728 = arith.maximumf %scan3A_351, %mul3A_727 : vector<16xf32>
          %get3A_729 = arith.index_cast %scan3A_328 : i32 to index
          %get3A_730 = arith.constant 368 : index
          %get3A_731 = tpu.vector_load %arg6[%get3A_729, %get3A_730] {strides = array<i32>} : memref<80x512xf32, #tpu.memory_space<vmem>>, vector<16xf32>,
          %mul3A_732 = arith.mulf %get3A_731, %mul3A_613 : vector<16xf32>
          %max3A_733 = arith.maximumf %scan3A_352, %mul3A_732 : vector<16xf32>
          %get3A_734 = arith.index_cast %scan3A_328 : i32 to index
          %get3A_735 = arith.constant 384 : index
          %get3A_736 = tpu.vector_load %arg6[%get3A_734, %get3A_735] {strides = array<i32>} : memref<80x512xf32, #tpu.memory_space<vmem>>, vector<16xf32>,
          %mul3A_737 = arith.mulf %get3A_736, %mul3A_613 : vector<16xf32>
          %max3A_738 = arith.maximumf %scan3A_353, %mul3A_737 : vector<16xf32>
          %get3A_739 = arith.index_cast %scan3A_328 : i32 to index
          %get3A_740 = arith.constant 400 : index
          %get3A_741 = tpu.vector_load %arg6[%get3A_739, %get3A_740] {strides = array<i32>} : memref<80x512xf32, #tpu.memory_space<vmem>>, vector<16xf32>,
          %mul3A_742 = arith.mulf %get3A_741, %mul3A_613 : vector<16xf32>
          %max3A_743 = arith.maximumf %scan3A_354, %mul3A_742 : vector<16xf32>
          %get3A_744 = arith.index_cast %scan3A_328 : i32 to index
          %get3A_745 = arith.constant 416 : index
          %get3A_746 = tpu.vector_load %arg6[%get3A_744, %get3A_745] {strides = array<i32>} : memref<80x512xf32, #tpu.memory_space<vmem>>, vector<16xf32>,
          %mul3A_747 = arith.mulf %get3A_746, %mul3A_613 : vector<16xf32>
          %max3A_748 = arith.maximumf %scan3A_355, %mul3A_747 : vector<16xf32>
          %get3A_749 = arith.index_cast %scan3A_328 : i32 to index
          %get3A_750 = arith.constant 432 : index
          %get3A_751 = tpu.vector_load %arg6[%get3A_749, %get3A_750] {strides = array<i32>} : memref<80x512xf32, #tpu.memory_space<vmem>>, vector<16xf32>,
          %mul3A_752 = arith.mulf %get3A_751, %mul3A_613 : vector<16xf32>
          %max3A_753 = arith.maximumf %scan3A_356, %mul3A_752 : vector<16xf32>
          %get3A_754 = arith.index_cast %scan3A_328 : i32 to index
          %get3A_755 = arith.constant 448 : index
          %get3A_756 = tpu.vector_load %arg6[%get3A_754, %get3A_755] {strides = array<i32>} : memref<80x512xf32, #tpu.memory_space<vmem>>, vector<16xf32>,
          %mul3A_757 = arith.mulf %get3A_756, %mul3A_613 : vector<16xf32>
          %max3A_758 = arith.maximumf %scan3A_357, %mul3A_757 : vector<16xf32>
          %get3A_759 = arith.index_cast %scan3A_328 : i32 to index
          %get3A_760 = arith.constant 464 : index
          %get3A_761 = tpu.vector_load %arg6[%get3A_759, %get3A_760] {strides = array<i32>} : memref<80x512xf32, #tpu.memory_space<vmem>>, vector<16xf32>,
          %mul3A_762 = arith.mulf %get3A_761, %mul3A_613 : vector<16xf32>
          %max3A_763 = arith.maximumf %scan3A_358, %mul3A_762 : vector<16xf32>
          %get3A_764 = arith.index_cast %scan3A_328 : i32 to index
          %get3A_765 = arith.constant 480 : index
          %get3A_766 = tpu.vector_load %arg6[%get3A_764, %get3A_765] {strides = array<i32>} : memref<80x512xf32, #tpu.memory_space<vmem>>, vector<16xf32>,
          %mul3A_767 = arith.mulf %get3A_766, %mul3A_613 : vector<16xf32>
          %max3A_768 = arith.maximumf %scan3A_359, %mul3A_767 : vector<16xf32>
          %get3A_769 = arith.index_cast %scan3A_328 : i32 to index
          %get3A_770 = arith.constant 496 : index
          %get3A_771 = tpu.vector_load %arg6[%get3A_769, %get3A_770] {strides = array<i32>} : memref<80x512xf32, #tpu.memory_space<vmem>>, vector<16xf32>,
          %mul3A_772 = arith.mulf %get3A_771, %mul3A_613 : vector<16xf32>
          %max3A_773 = arith.maximumf %scan3A_360, %mul3A_772 : vector<16xf32>
          scf.yield %max3A_618, %max3A_623, %max3A_628, %max3A_633, %max3A_638, %max3A_643, %max3A_648, %max3A_653, %max3A_658, %max3A_663, %max3A_668, %max3A_673, %max3A_678, %max3A_683, %max3A_688, %max3A_693, %max3A_698, %max3A_703, %max3A_708, %max3A_713, %max3A_718, %max3A_723, %max3A_728, %max3A_733, %max3A_738, %max3A_743, %max3A_748, %max3A_753, %max3A_758, %max3A_763, %max3A_768, %max3A_773 : vector<16xf32>, vector<16xf32>, vector<16xf32>, vector<16xf32>, vector<16xf32>, vector<16xf32>, vector<16xf32>, vector<16xf32>, vector<16xf32>, vector<16xf32>, vector<16xf32>, vector<16xf32>, vector<16xf32>, vector<16xf32>, vector<16xf32>, vector<16xf32>, vector<16xf32>, vector<16xf32>, vector<16xf32>, vector<16xf32>, vector<16xf32>, vector<16xf32>, vector<16xf32>, vector<16xf32>, vector<16xf32>, vector<16xf32>, vector<16xf32>, vector<16xf32>, vector<16xf32>, vector<16xf32>, vector<16xf32>, vector<16xf32>
        }
        %scan3A_104 = arith.constant 80 : i32
        %get3A_105 = arith.index_cast %squeeze3A : i32 to index
        %get3A_106 = arith.constant 0 : index
        %get3A_107 = tpu.vector_load %arg9[%get3A_105, %get3A_106] {strides = array<i32>} : memref<64x512xf32, #tpu.memory_space<vmem>>, vector<16xf32>,
        %max3A = arith.maximumf %get3A_107, %scan3A_103#0 : vector<16xf32>
        %swap3A = arith.index_cast %squeeze3A : i32 to index
        %swap3A_108 = arith.constant 0 : index
        %swap3A_109 = tpu.vector_load %arg9[%swap3A, %swap3A_108] {strides = array<i32>} : memref<64x512xf32, #tpu.memory_space<vmem>>, vector<16xf32>,
        tpu.vector_store %arg9[%swap3A, %swap3A_108], %max3A {strides = array<i32>} : memref<64x512xf32, #tpu.memory_space<vmem>>, vector<16xf32>,
        %get3A_110 = arith.index_cast %squeeze3A : i32 to index
        %get3A_111 = arith.constant 16 : index
        %get3A_112 = tpu.vector_load %arg9[%get3A_110, %get3A_111] {strides = array<i32>} : memref<64x512xf32, #tpu.memory_space<vmem>>, vector<16xf32>,
        %max3A_113 = arith.maximumf %get3A_112, %scan3A_103#1 : vector<16xf32>
        %swap3A_114 = arith.index_cast %squeeze3A : i32 to index
        %swap3A_115 = arith.constant 16 : index
        %swap3A_116 = tpu.vector_load %arg9[%swap3A_114, %swap3A_115] {strides = array<i32>} : memref<64x512xf32, #tpu.memory_space<vmem>>, vector<16xf32>,
        tpu.vector_store %arg9[%swap3A_114, %swap3A_115], %max3A_113 {strides = array<i32>} : memref<64x512xf32, #tpu.memory_space<vmem>>, vector<16xf32>,
        %get3A_117 = arith.index_cast %squeeze3A : i32 to index
        %get3A_118 = arith.constant 32 : index
        %get3A_119 = tpu.vector_load %arg9[%get3A_117, %get3A_118] {strides = array<i32>} : memref<64x512xf32, #tpu.memory_space<vmem>>, vector<16xf32>,
        %max3A_120 = arith.maximumf %get3A_119, %scan3A_103#2 : vector<16xf32>
        %swap3A_121 = arith.index_cast %squeeze3A : i32 to index
        %swap3A_122 = arith.constant 32 : index
        %swap3A_123 = tpu.vector_load %arg9[%swap3A_121, %swap3A_122] {strides = array<i32>} : memref<64x512xf32, #tpu.memory_space<vmem>>, vector<16xf32>,
        tpu.vector_store %arg9[%swap3A_121, %swap3A_122], %max3A_120 {strides = array<i32>} : memref<64x512xf32, #tpu.memory_space<vmem>>, vector<16xf32>,
        %get3A_124 = arith.index_cast %squeeze3A : i32 to index
        %get3A_125 = arith.constant 48 : index
        %get3A_126 = tpu.vector_load %arg9[%get3A_124, %get3A_125] {strides = array<i32>} : memref<64x512xf32, #tpu.memory_space<vmem>>, vector<16xf32>,
        %max3A_127 = arith.maximumf %get3A_126, %scan3A_103#3 : vector<16xf32>
        %swap3A_128 = arith.index_cast %squeeze3A : i32 to index
        %swap3A_129 = arith.constant 48 : index
        %swap3A_130 = tpu.vector_load %arg9[%swap3A_128, %swap3A_129] {strides = array<i32>} : memref<64x512xf32, #tpu.memory_space<vmem>>, vector<16xf32>,
        tpu.vector_store %arg9[%swap3A_128, %swap3A_129], %max3A_127 {strides = array<i32>} : memref<64x512xf32, #tpu.memory_space<vmem>>, vector<16xf32>,
        %get3A_131 = arith.index_cast %squeeze3A : i32 to index
        %get3A_132 = arith.constant 64 : index
        %get3A_133 = tpu.vector_load %arg9[%get3A_131, %get3A_132] {strides = array<i32>} : memref<64x512xf32, #tpu.memory_space<vmem>>, vector<16xf32>,
        %max3A_134 = arith.maximumf %get3A_133, %scan3A_103#4 : vector<16xf32>
        %swap3A_135 = arith.index_cast %squeeze3A : i32 to index
        %swap3A_136 = arith.constant 64 : index
        %swap3A_137 = tpu.vector_load %arg9[%swap3A_135, %swap3A_136] {strides = array<i32>} : memref<64x512xf32, #tpu.memory_space<vmem>>, vector<16xf32>,
        tpu.vector_store %arg9[%swap3A_135, %swap3A_136], %max3A_134 {strides = array<i32>} : memref<64x512xf32, #tpu.memory_space<vmem>>, vector<16xf32>,
        %get3A_138 = arith.index_cast %squeeze3A : i32 to index
        %get3A_139 = arith.constant 80 : index
        %get3A_140 = tpu.vector_load %arg9[%get3A_138, %get3A_139] {strides = array<i32>} : memref<64x512xf32, #tpu.memory_space<vmem>>, vector<16xf32>,
        %max3A_141 = arith.maximumf %get3A_140, %scan3A_103#5 : vector<16xf32>
        %swap3A_142 = arith.index_cast %squeeze3A : i32 to index
        %swap3A_143 = arith.constant 80 : index
        %swap3A_144 = tpu.vector_load %arg9[%swap3A_142, %swap3A_143] {strides = array<i32>} : memref<64x512xf32, #tpu.memory_space<vmem>>, vector<16xf32>,
        tpu.vector_store %arg9[%swap3A_142, %swap3A_143], %max3A_141 {strides = array<i32>} : memref<64x512xf32, #tpu.memory_space<vmem>>, vector<16xf32>,
        %get3A_145 = arith.index_cast %squeeze3A : i32 to index
        %get3A_146 = arith.constant 96 : index
        %get3A_147 = tpu.vector_load %arg9[%get3A_145, %get3A_146] {strides = array<i32>} : memref<64x512xf32, #tpu.memory_space<vmem>>, vector<16xf32>,
        %max3A_148 = arith.maximumf %get3A_147, %scan3A_103#6 : vector<16xf32>
        %swap3A_149 = arith.index_cast %squeeze3A : i32 to index
        %swap3A_150 = arith.constant 96 : index
        %swap3A_151 = tpu.vector_load %arg9[%swap3A_149, %swap3A_150] {strides = array<i32>} : memref<64x512xf32, #tpu.memory_space<vmem>>, vector<16xf32>,
        tpu.vector_store %arg9[%swap3A_149, %swap3A_150], %max3A_148 {strides = array<i32>} : memref<64x512xf32, #tpu.memory_space<vmem>>, vector<16xf32>,
        %get3A_152 = arith.index_cast %squeeze3A : i32 to index
        %get3A_153 = arith.constant 112 : index
        %get3A_154 = tpu.vector_load %arg9[%get3A_152, %get3A_153] {strides = array<i32>} : memref<64x512xf32, #tpu.memory_space<vmem>>, vector<16xf32>,
        %max3A_155 = arith.maximumf %get3A_154, %scan3A_103#7 : vector<16xf32>
        %swap3A_156 = arith.index_cast %squeeze3A : i32 to index
        %swap3A_157 = arith.constant 112 : index
        %swap3A_158 = tpu.vector_load %arg9[%swap3A_156, %swap3A_157] {strides = array<i32>} : memref<64x512xf32, #tpu.memory_space<vmem>>, vector<16xf32>,
        tpu.vector_store %arg9[%swap3A_156, %swap3A_157], %max3A_155 {strides = array<i32>} : memref<64x512xf32, #tpu.memory_space<vmem>>, vector<16xf32>,
        %get3A_159 = arith.index_cast %squeeze3A : i32 to index
        %get3A_160 = arith.constant 128 : index
        %get3A_161 = tpu.vector_load %arg9[%get3A_159, %get3A_160] {strides = array<i32>} : memref<64x512xf32, #tpu.memory_space<vmem>>, vector<16xf32>,
        %max3A_162 = arith.maximumf %get3A_161, %scan3A_103#8 : vector<16xf32>
        %swap3A_163 = arith.index_cast %squeeze3A : i32 to index
        %swap3A_164 = arith.constant 128 : index
        %swap3A_165 = tpu.vector_load %arg9[%swap3A_163, %swap3A_164] {strides = array<i32>} : memref<64x512xf32, #tpu.memory_space<vmem>>, vector<16xf32>,
        tpu.vector_store %arg9[%swap3A_163, %swap3A_164], %max3A_162 {strides = array<i32>} : memref<64x512xf32, #tpu.memory_space<vmem>>, vector<16xf32>,
        %get3A_166 = arith.index_cast %squeeze3A : i32 to index
        %get3A_167 = arith.constant 144 : index
        %get3A_168 = tpu.vector_load %arg9[%get3A_166, %get3A_167] {strides = array<i32>} : memref<64x512xf32, #tpu.memory_space<vmem>>, vector<16xf32>,
        %max3A_169 = arith.maximumf %get3A_168, %scan3A_103#9 : vector<16xf32>
        %swap3A_170 = arith.index_cast %squeeze3A : i32 to index
        %swap3A_171 = arith.constant 144 : index
        %swap3A_172 = tpu.vector_load %arg9[%swap3A_170, %swap3A_171] {strides = array<i32>} : memref<64x512xf32, #tpu.memory_space<vmem>>, vector<16xf32>,
        tpu.vector_store %arg9[%swap3A_170, %swap3A_171], %max3A_169 {strides = array<i32>} : memref<64x512xf32, #tpu.memory_space<vmem>>, vector<16xf32>,
        %get3A_173 = arith.index_cast %squeeze3A : i32 to index
        %get3A_174 = arith.constant 160 : index
        %get3A_175 = tpu.vector_load %arg9[%get3A_173, %get3A_174] {strides = array<i32>} : memref<64x512xf32, #tpu.memory_space<vmem>>, vector<16xf32>,
        %max3A_176 = arith.maximumf %get3A_175, %scan3A_103#10 : vector<16xf32>
        %swap3A_177 = arith.index_cast %squeeze3A : i32 to index
        %swap3A_178 = arith.constant 160 : index
        %swap3A_179 = tpu.vector_load %arg9[%swap3A_177, %swap3A_178] {strides = array<i32>} : memref<64x512xf32, #tpu.memory_space<vmem>>, vector<16xf32>,
        tpu.vector_store %arg9[%swap3A_177, %swap3A_178], %max3A_176 {strides = array<i32>} : memref<64x512xf32, #tpu.memory_space<vmem>>, vector<16xf32>,
        %get3A_180 = arith.index_cast %squeeze3A : i32 to index
        %get3A_181 = arith.constant 176 : index
        %get3A_182 = tpu.vector_load %arg9[%get3A_180, %get3A_181] {strides = array<i32>} : memref<64x512xf32, #tpu.memory_space<vmem>>, vector<16xf32>,
        %max3A_183 = arith.maximumf %get3A_182, %scan3A_103#11 : vector<16xf32>
        %swap3A_184 = arith.index_cast %squeeze3A : i32 to index
        %swap3A_185 = arith.constant 176 : index
        %swap3A_186 = tpu.vector_load %arg9[%swap3A_184, %swap3A_185] {strides = array<i32>} : memref<64x512xf32, #tpu.memory_space<vmem>>, vector<16xf32>,
        tpu.vector_store %arg9[%swap3A_184, %swap3A_185], %max3A_183 {strides = array<i32>} : memref<64x512xf32, #tpu.memory_space<vmem>>, vector<16xf32>,
        %get3A_187 = arith.index_cast %squeeze3A : i32 to index
        %get3A_188 = arith.constant 192 : index
        %get3A_189 = tpu.vector_load %arg9[%get3A_187, %get3A_188] {strides = array<i32>} : memref<64x512xf32, #tpu.memory_space<vmem>>, vector<16xf32>,
        %max3A_190 = arith.maximumf %get3A_189, %scan3A_103#12 : vector<16xf32>
        %swap3A_191 = arith.index_cast %squeeze3A : i32 to index
        %swap3A_192 = arith.constant 192 : index
        %swap3A_193 = tpu.vector_load %arg9[%swap3A_191, %swap3A_192] {strides = array<i32>} : memref<64x512xf32, #tpu.memory_space<vmem>>, vector<16xf32>,
        tpu.vector_store %arg9[%swap3A_191, %swap3A_192], %max3A_190 {strides = array<i32>} : memref<64x512xf32, #tpu.memory_space<vmem>>, vector<16xf32>,
        %get3A_194 = arith.index_cast %squeeze3A : i32 to index
        %get3A_195 = arith.constant 208 : index
        %get3A_196 = tpu.vector_load %arg9[%get3A_194, %get3A_195] {strides = array<i32>} : memref<64x512xf32, #tpu.memory_space<vmem>>, vector<16xf32>,
        %max3A_197 = arith.maximumf %get3A_196, %scan3A_103#13 : vector<16xf32>
        %swap3A_198 = arith.index_cast %squeeze3A : i32 to index
        %swap3A_199 = arith.constant 208 : index
        %swap3A_200 = tpu.vector_load %arg9[%swap3A_198, %swap3A_199] {strides = array<i32>} : memref<64x512xf32, #tpu.memory_space<vmem>>, vector<16xf32>,
        tpu.vector_store %arg9[%swap3A_198, %swap3A_199], %max3A_197 {strides = array<i32>} : memref<64x512xf32, #tpu.memory_space<vmem>>, vector<16xf32>,
        %get3A_201 = arith.index_cast %squeeze3A : i32 to index
        %get3A_202 = arith.constant 224 : index
        %get3A_203 = tpu.vector_load %arg9[%get3A_201, %get3A_202] {strides = array<i32>} : memref<64x512xf32, #tpu.memory_space<vmem>>, vector<16xf32>,
        %max3A_204 = arith.maximumf %get3A_203, %scan3A_103#14 : vector<16xf32>
        %swap3A_205 = arith.index_cast %squeeze3A : i32 to index
        %swap3A_206 = arith.constant 224 : index
        %swap3A_207 = tpu.vector_load %arg9[%swap3A_205, %swap3A_206] {strides = array<i32>} : memref<64x512xf32, #tpu.memory_space<vmem>>, vector<16xf32>,
        tpu.vector_store %arg9[%swap3A_205, %swap3A_206], %max3A_204 {strides = array<i32>} : memref<64x512xf32, #tpu.memory_space<vmem>>, vector<16xf32>,
        %get3A_208 = arith.index_cast %squeeze3A : i32 to index
        %get3A_209 = arith.constant 240 : index
        %get3A_210 = tpu.vector_load %arg9[%get3A_208, %get3A_209] {strides = array<i32>} : memref<64x512xf32, #tpu.memory_space<vmem>>, vector<16xf32>,
        %max3A_211 = arith.maximumf %get3A_210, %scan3A_103#15 : vector<16xf32>
        %swap3A_212 = arith.index_cast %squeeze3A : i32 to index
        %swap3A_213 = arith.constant 240 : index
        %swap3A_214 = tpu.vector_load %arg9[%swap3A_212, %swap3A_213] {strides = array<i32>} : memref<64x512xf32, #tpu.memory_space<vmem>>, vector<16xf32>,
        tpu.vector_store %arg9[%swap3A_212, %swap3A_213], %max3A_211 {strides = array<i32>} : memref<64x512xf32, #tpu.memory_space<vmem>>, vector<16xf32>,
        %get3A_215 = arith.index_cast %squeeze3A : i32 to index
        %get3A_216 = arith.constant 256 : index
        %get3A_217 = tpu.vector_load %arg9[%get3A_215, %get3A_216] {strides = array<i32>} : memref<64x512xf32, #tpu.memory_space<vmem>>, vector<16xf32>,
        %max3A_218 = arith.maximumf %get3A_217, %scan3A_103#16 : vector<16xf32>
        %swap3A_219 = arith.index_cast %squeeze3A : i32 to index
        %swap3A_220 = arith.constant 256 : index
        %swap3A_221 = tpu.vector_load %arg9[%swap3A_219, %swap3A_220] {strides = array<i32>} : memref<64x512xf32, #tpu.memory_space<vmem>>, vector<16xf32>,
        tpu.vector_store %arg9[%swap3A_219, %swap3A_220], %max3A_218 {strides = array<i32>} : memref<64x512xf32, #tpu.memory_space<vmem>>, vector<16xf32>,
        %get3A_222 = arith.index_cast %squeeze3A : i32 to index
        %get3A_223 = arith.constant 272 : index
        %get3A_224 = tpu.vector_load %arg9[%get3A_222, %get3A_223] {strides = array<i32>} : memref<64x512xf32, #tpu.memory_space<vmem>>, vector<16xf32>,
        %max3A_225 = arith.maximumf %get3A_224, %scan3A_103#17 : vector<16xf32>
        %swap3A_226 = arith.index_cast %squeeze3A : i32 to index
        %swap3A_227 = arith.constant 272 : index
        %swap3A_228 = tpu.vector_load %arg9[%swap3A_226, %swap3A_227] {strides = array<i32>} : memref<64x512xf32, #tpu.memory_space<vmem>>, vector<16xf32>,
        tpu.vector_store %arg9[%swap3A_226, %swap3A_227], %max3A_225 {strides = array<i32>} : memref<64x512xf32, #tpu.memory_space<vmem>>, vector<16xf32>,
        %get3A_229 = arith.index_cast %squeeze3A : i32 to index
        %get3A_230 = arith.constant 288 : index
        %get3A_231 = tpu.vector_load %arg9[%get3A_229, %get3A_230] {strides = array<i32>} : memref<64x512xf32, #tpu.memory_space<vmem>>, vector<16xf32>,
        %max3A_232 = arith.maximumf %get3A_231, %scan3A_103#18 : vector<16xf32>
        %swap3A_233 = arith.index_cast %squeeze3A : i32 to index
        %swap3A_234 = arith.constant 288 : index
        %swap3A_235 = tpu.vector_load %arg9[%swap3A_233, %swap3A_234] {strides = array<i32>} : memref<64x512xf32, #tpu.memory_space<vmem>>, vector<16xf32>,
        tpu.vector_store %arg9[%swap3A_233, %swap3A_234], %max3A_232 {strides = array<i32>} : memref<64x512xf32, #tpu.memory_space<vmem>>, vector<16xf32>,
        %get3A_236 = arith.index_cast %squeeze3A : i32 to index
        %get3A_237 = arith.constant 304 : index
        %get3A_238 = tpu.vector_load %arg9[%get3A_236, %get3A_237] {strides = array<i32>} : memref<64x512xf32, #tpu.memory_space<vmem>>, vector<16xf32>,
        %max3A_239 = arith.maximumf %get3A_238, %scan3A_103#19 : vector<16xf32>
        %swap3A_240 = arith.index_cast %squeeze3A : i32 to index
        %swap3A_241 = arith.constant 304 : index
        %swap3A_242 = tpu.vector_load %arg9[%swap3A_240, %swap3A_241] {strides = array<i32>} : memref<64x512xf32, #tpu.memory_space<vmem>>, vector<16xf32>,
        tpu.vector_store %arg9[%swap3A_240, %swap3A_241], %max3A_239 {strides = array<i32>} : memref<64x512xf32, #tpu.memory_space<vmem>>, vector<16xf32>,
        %get3A_243 = arith.index_cast %squeeze3A : i32 to index
        %get3A_244 = arith.constant 320 : index
        %get3A_245 = tpu.vector_load %arg9[%get3A_243, %get3A_244] {strides = array<i32>} : memref<64x512xf32, #tpu.memory_space<vmem>>, vector<16xf32>,
        %max3A_246 = arith.maximumf %get3A_245, %scan3A_103#20 : vector<16xf32>
        %swap3A_247 = arith.index_cast %squeeze3A : i32 to index
        %swap3A_248 = arith.constant 320 : index
        %swap3A_249 = tpu.vector_load %arg9[%swap3A_247, %swap3A_248] {strides = array<i32>} : memref<64x512xf32, #tpu.memory_space<vmem>>, vector<16xf32>,
        tpu.vector_store %arg9[%swap3A_247, %swap3A_248], %max3A_246 {strides = array<i32>} : memref<64x512xf32, #tpu.memory_space<vmem>>, vector<16xf32>,
        %get3A_250 = arith.index_cast %squeeze3A : i32 to index
        %get3A_251 = arith.constant 336 : index
        %get3A_252 = tpu.vector_load %arg9[%get3A_250, %get3A_251] {strides = array<i32>} : memref<64x512xf32, #tpu.memory_space<vmem>>, vector<16xf32>,
        %max3A_253 = arith.maximumf %get3A_252, %scan3A_103#21 : vector<16xf32>
        %swap3A_254 = arith.index_cast %squeeze3A : i32 to index
        %swap3A_255 = arith.constant 336 : index
        %swap3A_256 = tpu.vector_load %arg9[%swap3A_254, %swap3A_255] {strides = array<i32>} : memref<64x512xf32, #tpu.memory_space<vmem>>, vector<16xf32>,
        tpu.vector_store %arg9[%swap3A_254, %swap3A_255], %max3A_253 {strides = array<i32>} : memref<64x512xf32, #tpu.memory_space<vmem>>, vector<16xf32>,
        %get3A_257 = arith.index_cast %squeeze3A : i32 to index
        %get3A_258 = arith.constant 352 : index
        %get3A_259 = tpu.vector_load %arg9[%get3A_257, %get3A_258] {strides = array<i32>} : memref<64x512xf32, #tpu.memory_space<vmem>>, vector<16xf32>,
        %max3A_260 = arith.maximumf %get3A_259, %scan3A_103#22 : vector<16xf32>
        %swap3A_261 = arith.index_cast %squeeze3A : i32 to index
        %swap3A_262 = arith.constant 352 : index
        %swap3A_263 = tpu.vector_load %arg9[%swap3A_261, %swap3A_262] {strides = array<i32>} : memref<64x512xf32, #tpu.memory_space<vmem>>, vector<16xf32>,
        tpu.vector_store %arg9[%swap3A_261, %swap3A_262], %max3A_260 {strides = array<i32>} : memref<64x512xf32, #tpu.memory_space<vmem>>, vector<16xf32>,
        %get3A_264 = arith.index_cast %squeeze3A : i32 to index
        %get3A_265 = arith.constant 368 : index
        %get3A_266 = tpu.vector_load %arg9[%get3A_264, %get3A_265] {strides = array<i32>} : memref<64x512xf32, #tpu.memory_space<vmem>>, vector<16xf32>,
        %max3A_267 = arith.maximumf %get3A_266, %scan3A_103#23 : vector<16xf32>
        %swap3A_268 = arith.index_cast %squeeze3A : i32 to index
        %swap3A_269 = arith.constant 368 : index
        %swap3A_270 = tpu.vector_load %arg9[%swap3A_268, %swap3A_269] {strides = array<i32>} : memref<64x512xf32, #tpu.memory_space<vmem>>, vector<16xf32>,
        tpu.vector_store %arg9[%swap3A_268, %swap3A_269], %max3A_267 {strides = array<i32>} : memref<64x512xf32, #tpu.memory_space<vmem>>, vector<16xf32>,
        %get3A_271 = arith.index_cast %squeeze3A : i32 to index
        %get3A_272 = arith.constant 384 : index
        %get3A_273 = tpu.vector_load %arg9[%get3A_271, %get3A_272] {strides = array<i32>} : memref<64x512xf32, #tpu.memory_space<vmem>>, vector<16xf32>,
        %max3A_274 = arith.maximumf %get3A_273, %scan3A_103#24 : vector<16xf32>
        %swap3A_275 = arith.index_cast %squeeze3A : i32 to index
        %swap3A_276 = arith.constant 384 : index
        %swap3A_277 = tpu.vector_load %arg9[%swap3A_275, %swap3A_276] {strides = array<i32>} : memref<64x512xf32, #tpu.memory_space<vmem>>, vector<16xf32>,
        tpu.vector_store %arg9[%swap3A_275, %swap3A_276], %max3A_274 {strides = array<i32>} : memref<64x512xf32, #tpu.memory_space<vmem>>, vector<16xf32>,
        %get3A_278 = arith.index_cast %squeeze3A : i32 to index
        %get3A_279 = arith.constant 400 : index
        %get3A_280 = tpu.vector_load %arg9[%get3A_278, %get3A_279] {strides = array<i32>} : memref<64x512xf32, #tpu.memory_space<vmem>>, vector<16xf32>,
        %max3A_281 = arith.maximumf %get3A_280, %scan3A_103#25 : vector<16xf32>
        %swap3A_282 = arith.index_cast %squeeze3A : i32 to index
        %swap3A_283 = arith.constant 400 : index
        %swap3A_284 = tpu.vector_load %arg9[%swap3A_282, %swap3A_283] {strides = array<i32>} : memref<64x512xf32, #tpu.memory_space<vmem>>, vector<16xf32>,
        tpu.vector_store %arg9[%swap3A_282, %swap3A_283], %max3A_281 {strides = array<i32>} : memref<64x512xf32, #tpu.memory_space<vmem>>, vector<16xf32>,
        %get3A_285 = arith.index_cast %squeeze3A : i32 to index
        %get3A_286 = arith.constant 416 : index
        %get3A_287 = tpu.vector_load %arg9[%get3A_285, %get3A_286] {strides = array<i32>} : memref<64x512xf32, #tpu.memory_space<vmem>>, vector<16xf32>,
        %max3A_288 = arith.maximumf %get3A_287, %scan3A_103#26 : vector<16xf32>
        %swap3A_289 = arith.index_cast %squeeze3A : i32 to index
        %swap3A_290 = arith.constant 416 : index
        %swap3A_291 = tpu.vector_load %arg9[%swap3A_289, %swap3A_290] {strides = array<i32>} : memref<64x512xf32, #tpu.memory_space<vmem>>, vector<16xf32>,
        tpu.vector_store %arg9[%swap3A_289, %swap3A_290], %max3A_288 {strides = array<i32>} : memref<64x512xf32, #tpu.memory_space<vmem>>, vector<16xf32>,
        %get3A_292 = arith.index_cast %squeeze3A : i32 to index
        %get3A_293 = arith.constant 432 : index
        %get3A_294 = tpu.vector_load %arg9[%get3A_292, %get3A_293] {strides = array<i32>} : memref<64x512xf32, #tpu.memory_space<vmem>>, vector<16xf32>,
        %max3A_295 = arith.maximumf %get3A_294, %scan3A_103#27 : vector<16xf32>
        %swap3A_296 = arith.index_cast %squeeze3A : i32 to index
        %swap3A_297 = arith.constant 432 : index
        %swap3A_298 = tpu.vector_load %arg9[%swap3A_296, %swap3A_297] {strides = array<i32>} : memref<64x512xf32, #tpu.memory_space<vmem>>, vector<16xf32>,
        tpu.vector_store %arg9[%swap3A_296, %swap3A_297], %max3A_295 {strides = array<i32>} : memref<64x512xf32, #tpu.memory_space<vmem>>, vector<16xf32>,
        %get3A_299 = arith.index_cast %squeeze3A : i32 to index
        %get3A_300 = arith.constant 448 : index
        %get3A_301 = tpu.vector_load %arg9[%get3A_299, %get3A_300] {strides = array<i32>} : memref<64x512xf32, #tpu.memory_space<vmem>>, vector<16xf32>,
        %max3A_302 = arith.maximumf %get3A_301, %scan3A_103#28 : vector<16xf32>
        %swap3A_303 = arith.index_cast %squeeze3A : i32 to index
        %swap3A_304 = arith.constant 448 : index
        %swap3A_305 = tpu.vector_load %arg9[%swap3A_303, %swap3A_304] {strides = array<i32>} : memref<64x512xf32, #tpu.memory_space<vmem>>, vector<16xf32>,
        tpu.vector_store %arg9[%swap3A_303, %swap3A_304], %max3A_302 {strides = array<i32>} : memref<64x512xf32, #tpu.memory_space<vmem>>, vector<16xf32>,
        %get3A_306 = arith.index_cast %squeeze3A : i32 to index
        %get3A_307 = arith.constant 464 : index
        %get3A_308 = tpu.vector_load %arg9[%get3A_306, %get3A_307] {strides = array<i32>} : memref<64x512xf32, #tpu.memory_space<vmem>>, vector<16xf32>,
        %max3A_309 = arith.maximumf %get3A_308, %scan3A_103#29 : vector<16xf32>
        %swap3A_310 = arith.index_cast %squeeze3A : i32 to index
        %swap3A_311 = arith.constant 464 : index
        %swap3A_312 = tpu.vector_load %arg9[%swap3A_310, %swap3A_311] {strides = array<i32>} : memref<64x512xf32, #tpu.memory_space<vmem>>, vector<16xf32>,
        tpu.vector_store %arg9[%swap3A_310, %swap3A_311], %max3A_309 {strides = array<i32>} : memref<64x512xf32, #tpu.memory_space<vmem>>, vector<16xf32>,
        %get3A_313 = arith.index_cast %squeeze3A : i32 to index
        %get3A_314 = arith.constant 480 : index
        %get3A_315 = tpu.vector_load %arg9[%get3A_313, %get3A_314] {strides = array<i32>} : memref<64x512xf32, #tpu.memory_space<vmem>>, vector<16xf32>,
        %max3A_316 = arith.maximumf %get3A_315, %scan3A_103#30 : vector<16xf32>
        %swap3A_317 = arith.index_cast %squeeze3A : i32 to index
        %swap3A_318 = arith.constant 480 : index
        %swap3A_319 = tpu.vector_load %arg9[%swap3A_317, %swap3A_318] {strides = array<i32>} : memref<64x512xf32, #tpu.memory_space<vmem>>, vector<16xf32>,
        tpu.vector_store %arg9[%swap3A_317, %swap3A_318], %max3A_316 {strides = array<i32>} : memref<64x512xf32, #tpu.memory_space<vmem>>, vector<16xf32>,
        %get3A_320 = arith.index_cast %squeeze3A : i32 to index
        %get3A_321 = arith.constant 496 : index
        %get3A_322 = tpu.vector_load %arg9[%get3A_320, %get3A_321] {strides = array<i32>} : memref<64x512xf32, #tpu.memory_space<vmem>>, vector<16xf32>,
        %max3A_323 = arith.maximumf %get3A_322, %scan3A_103#31 : vector<16xf32>
        %swap3A_324 = arith.index_cast %squeeze3A : i32 to index
        %swap3A_325 = arith.constant 496 : index
        %swap3A_326 = tpu.vector_load %arg9[%swap3A_324, %swap3A_325] {strides = array<i32>} : memref<64x512xf32, #tpu.memory_space<vmem>>, vector<16xf32>,
        tpu.vector_store %arg9[%swap3A_324, %swap3A_325], %max3A_323 {strides = array<i32>} : memref<64x512xf32, #tpu.memory_space<vmem>>, vector<16xf32>,
        %cond3A_327 = arith.constant 0 : i32
        scf.yield %cond3A_327 : i32
      } else {
        %scan3A_36 = arith.constant 0 : i32
        %scan3A_37 = arith.constant 0 : i32
        %scan3A_38 = arith.constant 80 : i32
        %scan3A_39 = arith.addi %scan3A_37, %scan3A_38 : i32
        %scan3A_40 = arith.constant 1 : i32
        scf.for %scan3A_43 = %scan3A_37 to %scan3A_39 step %scan3A_40  : i32 {
          %broadcast_in_dim3A = arith.constant 0.000000e+00 : f32
          %broadcast_in_dim3A_44 = vector.broadcast %broadcast_in_dim3A : f32 to vector<16xf32>
          %broadcast_in_dim3A_45 = arith.constant 0.000000e+00 : f32
          %broadcast_in_dim3A_46 = vector.broadcast %broadcast_in_dim3A_45 : f32 to vector<16xf32>
          %broadcast_in_dim3A_47 = arith.constant 0.000000e+00 : f32
          %broadcast_in_dim3A_48 = vector.broadcast %broadcast_in_dim3A_47 : f32 to vector<16xf32>
          %broadcast_in_dim3A_49 = arith.constant 0.000000e+00 : f32
          %broadcast_in_dim3A_50 = vector.broadcast %broadcast_in_dim3A_49 : f32 to vector<16xf32>
          %get3A_51 = arith.index_cast %scan3A_43 : i32 to index
          %get3A_52 = arith.constant 0 : index
          %get3A_53 = tpu.vector_load %arg6[%get3A_51, %get3A_52] {strides = array<i32>} : memref<80x512xf32, #tpu.memory_space<vmem>>, vector<16xf32>,
          %get3A_54 = arith.constant 0 : index
          %get3A_55 = tpu.vector_load %arg8[%get3A_54] {strides = array<i32>} : memref<512xf32, #tpu.memory_space<vmem>>, vector<16xf32>,
          %mul3A_56 = arith.mulf %get3A_53, %get3A_55 : vector<16xf32>
          %add3A_57 = arith.addf %broadcast_in_dim3A_44, %mul3A_56 : vector<16xf32>
          %get3A_58 = arith.index_cast %scan3A_43 : i32 to index
          %get3A_59 = arith.constant 16 : index
          %get3A_60 = tpu.vector_load %arg6[%get3A_58, %get3A_59] {strides = array<i32>} : memref<80x512xf32, #tpu.memory_space<vmem>>, vector<16xf32>,
          %get3A_61 = arith.constant 16 : index
          %get3A_62 = tpu.vector_load %arg8[%get3A_61] {strides = array<i32>} : memref<512xf32, #tpu.memory_space<vmem>>, vector<16xf32>,
          %mul3A_63 = arith.mulf %get3A_60, %get3A_62 : vector<16xf32>
          %add3A_64 = arith.addf %broadcast_in_dim3A_46, %mul3A_63 : vector<16xf32>
          %get3A_65 = arith.index_cast %scan3A_43 : i32 to index
          %get3A_66 = arith.constant 32 : index
          %get3A_67 = tpu.vector_load %arg6[%get3A_65, %get3A_66] {strides = array<i32>} : memref<80x512xf32, #tpu.memory_space<vmem>>, vector<16xf32>,
          %get3A_68 = arith.constant 32 : index
          %get3A_69 = tpu.vector_load %arg8[%get3A_68] {strides = array<i32>} : memref<512xf32, #tpu.memory_space<vmem>>, vector<16xf32>,
          %mul3A_70 = arith.mulf %get3A_67, %get3A_69 : vector<16xf32>
          %add3A_71 = arith.addf %broadcast_in_dim3A_48, %mul3A_70 : vector<16xf32>
          %get3A_72 = arith.index_cast %scan3A_43 : i32 to index
          %get3A_73 = arith.constant 48 : index
          %get3A_74 = tpu.vector_load %arg6[%get3A_72, %get3A_73] {strides = array<i32>} : memref<80x512xf32, #tpu.memory_space<vmem>>, vector<16xf32>,
          %get3A_75 = arith.constant 48 : index
          %get3A_76 = tpu.vector_load %arg8[%get3A_75] {strides = array<i32>} : memref<512xf32, #tpu.memory_space<vmem>>, vector<16xf32>,
          %mul3A_77 = arith.mulf %get3A_74, %get3A_76 : vector<16xf32>
          %add3A_78 = arith.addf %broadcast_in_dim3A_50, %mul3A_77 : vector<16xf32>
          %get3A_79 = arith.index_cast %scan3A_43 : i32 to index
          %get3A_80 = arith.constant 64 : index
          %get3A_81 = tpu.vector_load %arg6[%get3A_79, %get3A_80] {strides = array<i32>} : memref<80x512xf32, #tpu.memory_space<vmem>>, vector<16xf32>,
          %get3A_82 = arith.constant 64 : index
          %get3A_83 = tpu.vector_load %arg8[%get3A_82] {strides = array<i32>} : memref<512xf32, #tpu.memory_space<vmem>>, vector<16xf32>,
          %mul3A_84 = arith.mulf %get3A_81, %get3A_83 : vector<16xf32>
          %add3A_85 = arith.addf %add3A_57, %mul3A_84 : vector<16xf32>
          %get3A_86 = arith.index_cast %scan3A_43 : i32 to index
          %get3A_87 = arith.constant 80 : index
          %get3A_88 = tpu.vector_load %arg6[%get3A_86, %get3A_87] {strides = array<i32>} : memref<80x512xf32, #tpu.memory_space<vmem>>, vector<16xf32>,
          %get3A_89 = arith.constant 80 : index
          %get3A_90 = tpu.vector_load %arg8[%get3A_89] {strides = array<i32>} : memref<512xf32, #tpu.memory_space<vmem>>, vector<16xf32>,
          %mul3A_91 = arith.mulf %get3A_88, %get3A_90 : vector<16xf32>
          %add3A_92 = arith.addf %add3A_64, %mul3A_91 : vector<16xf32>
          %get3A_93 = arith.index_cast %scan3A_43 : i32 to index
          %get3A_94 = arith.constant 96 : index
          %get3A_95 = tpu.vector_load %arg6[%get3A_93, %get3A_94] {strides = array<i32>} : memref<80x512xf32, #tpu.memory_space<vmem>>, vector<16xf32>,
          %get3A_96 = arith.constant 96 : index
          %get3A_97 = tpu.vector_load %arg8[%get3A_96] {strides = array<i32>} : memref<512xf32, #tpu.memory_space<vmem>>, vector<16xf32>,
          %mul3A_98 = arith.mulf %get3A_95, %get3A_97 : vector<16xf32>
          %add3A_99 = arith.addf %add3A_71, %mul3A_98 : vector<16xf32>
          %get3A_100 = arith.index_cast %scan3A_43 : i32 to index
          %get3A_101 = arith.constant 112 : index
          %get3A_102 = tpu.vector_load %arg6[%get3A_100, %get3A_101] {strides = array<i32>} : memref<80x512xf32, #tpu.memory_space<vmem>>, vector<16xf32>,
          %get3A_103 = arith.constant 112 : index
          %get3A_104 = tpu.vector_load %arg8[%get3A_103] {strides = array<i32>} : memref<512xf32, #tpu.memory_space<vmem>>, vector<16xf32>,
          %mul3A_105 = arith.mulf %get3A_102, %get3A_104 : vector<16xf32>
          %add3A_106 = arith.addf %add3A_78, %mul3A_105 : vector<16xf32>
          %get3A_107 = arith.index_cast %scan3A_43 : i32 to index
          %get3A_108 = arith.constant 128 : index
          %get3A_109 = tpu.vector_load %arg6[%get3A_107, %get3A_108] {strides = array<i32>} : memref<80x512xf32, #tpu.memory_space<vmem>>, vector<16xf32>,
          %get3A_110 = arith.constant 128 : index
          %get3A_111 = tpu.vector_load %arg8[%get3A_110] {strides = array<i32>} : memref<512xf32, #tpu.memory_space<vmem>>, vector<16xf32>,
          %mul3A_112 = arith.mulf %get3A_109, %get3A_111 : vector<16xf32>
          %add3A_113 = arith.addf %add3A_85, %mul3A_112 : vector<16xf32>
          %get3A_114 = arith.index_cast %scan3A_43 : i32 to index
          %get3A_115 = arith.constant 144 : index
          %get3A_116 = tpu.vector_load %arg6[%get3A_114, %get3A_115] {strides = array<i32>} : memref<80x512xf32, #tpu.memory_space<vmem>>, vector<16xf32>,
          %get3A_117 = arith.constant 144 : index
          %get3A_118 = tpu.vector_load %arg8[%get3A_117] {strides = array<i32>} : memref<512xf32, #tpu.memory_space<vmem>>, vector<16xf32>,
          %mul3A_119 = arith.mulf %get3A_116, %get3A_118 : vector<16xf32>
          %add3A_120 = arith.addf %add3A_92, %mul3A_119 : vector<16xf32>
          %get3A_121 = arith.index_cast %scan3A_43 : i32 to index
          %get3A_122 = arith.constant 160 : index
          %get3A_123 = tpu.vector_load %arg6[%get3A_121, %get3A_122] {strides = array<i32>} : memref<80x512xf32, #tpu.memory_space<vmem>>, vector<16xf32>,
          %get3A_124 = arith.constant 160 : index
          %get3A_125 = tpu.vector_load %arg8[%get3A_124] {strides = array<i32>} : memref<512xf32, #tpu.memory_space<vmem>>, vector<16xf32>,
          %mul3A_126 = arith.mulf %get3A_123, %get3A_125 : vector<16xf32>
          %add3A_127 = arith.addf %add3A_99, %mul3A_126 : vector<16xf32>
          %get3A_128 = arith.index_cast %scan3A_43 : i32 to index
          %get3A_129 = arith.constant 176 : index
          %get3A_130 = tpu.vector_load %arg6[%get3A_128, %get3A_129] {strides = array<i32>} : memref<80x512xf32, #tpu.memory_space<vmem>>, vector<16xf32>,
          %get3A_131 = arith.constant 176 : index
          %get3A_132 = tpu.vector_load %arg8[%get3A_131] {strides = array<i32>} : memref<512xf32, #tpu.memory_space<vmem>>, vector<16xf32>,
          %mul3A_133 = arith.mulf %get3A_130, %get3A_132 : vector<16xf32>
          %add3A_134 = arith.addf %add3A_106, %mul3A_133 : vector<16xf32>
          %get3A_135 = arith.index_cast %scan3A_43 : i32 to index
          %get3A_136 = arith.constant 192 : index
          %get3A_137 = tpu.vector_load %arg6[%get3A_135, %get3A_136] {strides = array<i32>} : memref<80x512xf32, #tpu.memory_space<vmem>>, vector<16xf32>,
          %get3A_138 = arith.constant 192 : index
          %get3A_139 = tpu.vector_load %arg8[%get3A_138] {strides = array<i32>} : memref<512xf32, #tpu.memory_space<vmem>>, vector<16xf32>,
          %mul3A_140 = arith.mulf %get3A_137, %get3A_139 : vector<16xf32>
          %add3A_141 = arith.addf %add3A_113, %mul3A_140 : vector<16xf32>
          %get3A_142 = arith.index_cast %scan3A_43 : i32 to index
          %get3A_143 = arith.constant 208 : index
          %get3A_144 = tpu.vector_load %arg6[%get3A_142, %get3A_143] {strides = array<i32>} : memref<80x512xf32, #tpu.memory_space<vmem>>, vector<16xf32>,
          %get3A_145 = arith.constant 208 : index
          %get3A_146 = tpu.vector_load %arg8[%get3A_145] {strides = array<i32>} : memref<512xf32, #tpu.memory_space<vmem>>, vector<16xf32>,
          %mul3A_147 = arith.mulf %get3A_144, %get3A_146 : vector<16xf32>
          %add3A_148 = arith.addf %add3A_120, %mul3A_147 : vector<16xf32>
          %get3A_149 = arith.index_cast %scan3A_43 : i32 to index
          %get3A_150 = arith.constant 224 : index
          %get3A_151 = tpu.vector_load %arg6[%get3A_149, %get3A_150] {strides = array<i32>} : memref<80x512xf32, #tpu.memory_space<vmem>>, vector<16xf32>,
          %get3A_152 = arith.constant 224 : index
          %get3A_153 = tpu.vector_load %arg8[%get3A_152] {strides = array<i32>} : memref<512xf32, #tpu.memory_space<vmem>>, vector<16xf32>,
          %mul3A_154 = arith.mulf %get3A_151, %get3A_153 : vector<16xf32>
          %add3A_155 = arith.addf %add3A_127, %mul3A_154 : vector<16xf32>
          %get3A_156 = arith.index_cast %scan3A_43 : i32 to index
          %get3A_157 = arith.constant 240 : index
          %get3A_158 = tpu.vector_load %arg6[%get3A_156, %get3A_157] {strides = array<i32>} : memref<80x512xf32, #tpu.memory_space<vmem>>, vector<16xf32>,
          %get3A_159 = arith.constant 240 : index
          %get3A_160 = tpu.vector_load %arg8[%get3A_159] {strides = array<i32>} : memref<512xf32, #tpu.memory_space<vmem>>, vector<16xf32>,
          %mul3A_161 = arith.mulf %get3A_158, %get3A_160 : vector<16xf32>
          %add3A_162 = arith.addf %add3A_134, %mul3A_161 : vector<16xf32>
          %get3A_163 = arith.index_cast %scan3A_43 : i32 to index
          %get3A_164 = arith.constant 256 : index
          %get3A_165 = tpu.vector_load %arg6[%get3A_163, %get3A_164] {strides = array<i32>} : memref<80x512xf32, #tpu.memory_space<vmem>>, vector<16xf32>,
          %get3A_166 = arith.constant 256 : index
          %get3A_167 = tpu.vector_load %arg8[%get3A_166] {strides = array<i32>} : memref<512xf32, #tpu.memory_space<vmem>>, vector<16xf32>,
          %mul3A_168 = arith.mulf %get3A_165, %get3A_167 : vector<16xf32>
          %add3A_169 = arith.addf %add3A_141, %mul3A_168 : vector<16xf32>
          %get3A_170 = arith.index_cast %scan3A_43 : i32 to index
          %get3A_171 = arith.constant 272 : index
          %get3A_172 = tpu.vector_load %arg6[%get3A_170, %get3A_171] {strides = array<i32>} : memref<80x512xf32, #tpu.memory_space<vmem>>, vector<16xf32>,
          %get3A_173 = arith.constant 272 : index
          %get3A_174 = tpu.vector_load %arg8[%get3A_173] {strides = array<i32>} : memref<512xf32, #tpu.memory_space<vmem>>, vector<16xf32>,
          %mul3A_175 = arith.mulf %get3A_172, %get3A_174 : vector<16xf32>
          %add3A_176 = arith.addf %add3A_148, %mul3A_175 : vector<16xf32>
          %get3A_177 = arith.index_cast %scan3A_43 : i32 to index
          %get3A_178 = arith.constant 288 : index
          %get3A_179 = tpu.vector_load %arg6[%get3A_177, %get3A_178] {strides = array<i32>} : memref<80x512xf32, #tpu.memory_space<vmem>>, vector<16xf32>,
          %get3A_180 = arith.constant 288 : index
          %get3A_181 = tpu.vector_load %arg8[%get3A_180] {strides = array<i32>} : memref<512xf32, #tpu.memory_space<vmem>>, vector<16xf32>,
          %mul3A_182 = arith.mulf %get3A_179, %get3A_181 : vector<16xf32>
          %add3A_183 = arith.addf %add3A_155, %mul3A_182 : vector<16xf32>
          %get3A_184 = arith.index_cast %scan3A_43 : i32 to index
          %get3A_185 = arith.constant 304 : index
          %get3A_186 = tpu.vector_load %arg6[%get3A_184, %get3A_185] {strides = array<i32>} : memref<80x512xf32, #tpu.memory_space<vmem>>, vector<16xf32>,
          %get3A_187 = arith.constant 304 : index
          %get3A_188 = tpu.vector_load %arg8[%get3A_187] {strides = array<i32>} : memref<512xf32, #tpu.memory_space<vmem>>, vector<16xf32>,
          %mul3A_189 = arith.mulf %get3A_186, %get3A_188 : vector<16xf32>
          %add3A_190 = arith.addf %add3A_162, %mul3A_189 : vector<16xf32>
          %get3A_191 = arith.index_cast %scan3A_43 : i32 to index
          %get3A_192 = arith.constant 320 : index
          %get3A_193 = tpu.vector_load %arg6[%get3A_191, %get3A_192] {strides = array<i32>} : memref<80x512xf32, #tpu.memory_space<vmem>>, vector<16xf32>,
          %get3A_194 = arith.constant 320 : index
          %get3A_195 = tpu.vector_load %arg8[%get3A_194] {strides = array<i32>} : memref<512xf32, #tpu.memory_space<vmem>>, vector<16xf32>,
          %mul3A_196 = arith.mulf %get3A_193, %get3A_195 : vector<16xf32>
          %add3A_197 = arith.addf %add3A_169, %mul3A_196 : vector<16xf32>
          %get3A_198 = arith.index_cast %scan3A_43 : i32 to index
          %get3A_199 = arith.constant 336 : index
          %get3A_200 = tpu.vector_load %arg6[%get3A_198, %get3A_199] {strides = array<i32>} : memref<80x512xf32, #tpu.memory_space<vmem>>, vector<16xf32>,
          %get3A_201 = arith.constant 336 : index
          %get3A_202 = tpu.vector_load %arg8[%get3A_201] {strides = array<i32>} : memref<512xf32, #tpu.memory_space<vmem>>, vector<16xf32>,
          %mul3A_203 = arith.mulf %get3A_200, %get3A_202 : vector<16xf32>
          %add3A_204 = arith.addf %add3A_176, %mul3A_203 : vector<16xf32>
          %get3A_205 = arith.index_cast %scan3A_43 : i32 to index
          %get3A_206 = arith.constant 352 : index
          %get3A_207 = tpu.vector_load %arg6[%get3A_205, %get3A_206] {strides = array<i32>} : memref<80x512xf32, #tpu.memory_space<vmem>>, vector<16xf32>,
          %get3A_208 = arith.constant 352 : index
          %get3A_209 = tpu.vector_load %arg8[%get3A_208] {strides = array<i32>} : memref<512xf32, #tpu.memory_space<vmem>>, vector<16xf32>,
          %mul3A_210 = arith.mulf %get3A_207, %get3A_209 : vector<16xf32>
          %add3A_211 = arith.addf %add3A_183, %mul3A_210 : vector<16xf32>
          %get3A_212 = arith.index_cast %scan3A_43 : i32 to index
          %get3A_213 = arith.constant 368 : index
          %get3A_214 = tpu.vector_load %arg6[%get3A_212, %get3A_213] {strides = array<i32>} : memref<80x512xf32, #tpu.memory_space<vmem>>, vector<16xf32>,
          %get3A_215 = arith.constant 368 : index
          %get3A_216 = tpu.vector_load %arg8[%get3A_215] {strides = array<i32>} : memref<512xf32, #tpu.memory_space<vmem>>, vector<16xf32>,
          %mul3A_217 = arith.mulf %get3A_214, %get3A_216 : vector<16xf32>
          %add3A_218 = arith.addf %add3A_190, %mul3A_217 : vector<16xf32>
          %get3A_219 = arith.index_cast %scan3A_43 : i32 to index
          %get3A_220 = arith.constant 384 : index
          %get3A_221 = tpu.vector_load %arg6[%get3A_219, %get3A_220] {strides = array<i32>} : memref<80x512xf32, #tpu.memory_space<vmem>>, vector<16xf32>,
          %get3A_222 = arith.constant 384 : index
          %get3A_223 = tpu.vector_load %arg8[%get3A_222] {strides = array<i32>} : memref<512xf32, #tpu.memory_space<vmem>>, vector<16xf32>,
          %mul3A_224 = arith.mulf %get3A_221, %get3A_223 : vector<16xf32>
          %add3A_225 = arith.addf %add3A_197, %mul3A_224 : vector<16xf32>
          %get3A_226 = arith.index_cast %scan3A_43 : i32 to index
          %get3A_227 = arith.constant 400 : index
          %get3A_228 = tpu.vector_load %arg6[%get3A_226, %get3A_227] {strides = array<i32>} : memref<80x512xf32, #tpu.memory_space<vmem>>, vector<16xf32>,
          %get3A_229 = arith.constant 400 : index
          %get3A_230 = tpu.vector_load %arg8[%get3A_229] {strides = array<i32>} : memref<512xf32, #tpu.memory_space<vmem>>, vector<16xf32>,
          %mul3A_231 = arith.mulf %get3A_228, %get3A_230 : vector<16xf32>
          %add3A_232 = arith.addf %add3A_204, %mul3A_231 : vector<16xf32>
          %get3A_233 = arith.index_cast %scan3A_43 : i32 to index
          %get3A_234 = arith.constant 416 : index
          %get3A_235 = tpu.vector_load %arg6[%get3A_233, %get3A_234] {strides = array<i32>} : memref<80x512xf32, #tpu.memory_space<vmem>>, vector<16xf32>,
          %get3A_236 = arith.constant 416 : index
          %get3A_237 = tpu.vector_load %arg8[%get3A_236] {strides = array<i32>} : memref<512xf32, #tpu.memory_space<vmem>>, vector<16xf32>,
          %mul3A_238 = arith.mulf %get3A_235, %get3A_237 : vector<16xf32>
          %add3A_239 = arith.addf %add3A_211, %mul3A_238 : vector<16xf32>
          %get3A_240 = arith.index_cast %scan3A_43 : i32 to index
          %get3A_241 = arith.constant 432 : index
          %get3A_242 = tpu.vector_load %arg6[%get3A_240, %get3A_241] {strides = array<i32>} : memref<80x512xf32, #tpu.memory_space<vmem>>, vector<16xf32>,
          %get3A_243 = arith.constant 432 : index
          %get3A_244 = tpu.vector_load %arg8[%get3A_243] {strides = array<i32>} : memref<512xf32, #tpu.memory_space<vmem>>, vector<16xf32>,
          %mul3A_245 = arith.mulf %get3A_242, %get3A_244 : vector<16xf32>
          %add3A_246 = arith.addf %add3A_218, %mul3A_245 : vector<16xf32>
          %get3A_247 = arith.index_cast %scan3A_43 : i32 to index
          %get3A_248 = arith.constant 448 : index
          %get3A_249 = tpu.vector_load %arg6[%get3A_247, %get3A_248] {strides = array<i32>} : memref<80x512xf32, #tpu.memory_space<vmem>>, vector<16xf32>,
          %get3A_250 = arith.constant 448 : index
          %get3A_251 = tpu.vector_load %arg8[%get3A_250] {strides = array<i32>} : memref<512xf32, #tpu.memory_space<vmem>>, vector<16xf32>,
          %mul3A_252 = arith.mulf %get3A_249, %get3A_251 : vector<16xf32>
          %add3A_253 = arith.addf %add3A_225, %mul3A_252 : vector<16xf32>
          %get3A_254 = arith.index_cast %scan3A_43 : i32 to index
          %get3A_255 = arith.constant 464 : index
          %get3A_256 = tpu.vector_load %arg6[%get3A_254, %get3A_255] {strides = array<i32>} : memref<80x512xf32, #tpu.memory_space<vmem>>, vector<16xf32>,
          %get3A_257 = arith.constant 464 : index
          %get3A_258 = tpu.vector_load %arg8[%get3A_257] {strides = array<i32>} : memref<512xf32, #tpu.memory_space<vmem>>, vector<16xf32>,
          %mul3A_259 = arith.mulf %get3A_256, %get3A_258 : vector<16xf32>
          %add3A_260 = arith.addf %add3A_232, %mul3A_259 : vector<16xf32>
          %get3A_261 = arith.index_cast %scan3A_43 : i32 to index
          %get3A_262 = arith.constant 480 : index
          %get3A_263 = tpu.vector_load %arg6[%get3A_261, %get3A_262] {strides = array<i32>} : memref<80x512xf32, #tpu.memory_space<vmem>>, vector<16xf32>,
          %get3A_264 = arith.constant 480 : index
          %get3A_265 = tpu.vector_load %arg8[%get3A_264] {strides = array<i32>} : memref<512xf32, #tpu.memory_space<vmem>>, vector<16xf32>,
          %mul3A_266 = arith.mulf %get3A_263, %get3A_265 : vector<16xf32>
          %add3A_267 = arith.addf %add3A_239, %mul3A_266 : vector<16xf32>
          %get3A_268 = arith.index_cast %scan3A_43 : i32 to index
          %get3A_269 = arith.constant 496 : index
          %get3A_270 = tpu.vector_load %arg6[%get3A_268, %get3A_269] {strides = array<i32>} : memref<80x512xf32, #tpu.memory_space<vmem>>, vector<16xf32>,
          %get3A_271 = arith.constant 496 : index
          %get3A_272 = tpu.vector_load %arg8[%get3A_271] {strides = array<i32>} : memref<512xf32, #tpu.memory_space<vmem>>, vector<16xf32>,
          %mul3A_273 = arith.mulf %get3A_270, %get3A_272 : vector<16xf32>
          %add3A_274 = arith.addf %add3A_246, %mul3A_273 : vector<16xf32>
          %add3A_275 = arith.addf %add3A_253, %add3A_260 : vector<16xf32>
          %add3A_276 = arith.addf %add3A_267, %add3A_274 : vector<16xf32>
          %add3A_277 = arith.addf %add3A_275, %add3A_276 : vector<16xf32>
          %broadcast_in_dim3A_278 = arith.constant true
          %broadcast_in_dim3A_279 = vector.broadcast %broadcast_in_dim3A_278 : i1 to vector<16xi1>
          %masked_cumsum3A = tpu.scan <sum>, %add3A_277 masked %broadcast_in_dim3A_279 : vector<16xf32>, vector<16xi1> -> vector<16xf32>
          %slice3A_280 = vector.extract_strided_slice %masked_cumsum3A {offsets = [15], sizes = [1], strides = [1]} : vector<16xf32> to vector<1xf32>
          %squeeze3A_281 = vector.extract %slice3A_280[0] : f32 from vector<1xf32>
          %broadcast_in_dim3A_282 = vector.broadcast %squeeze3A_281 : f32 to vector<16xf32>
          %neg3A = arith.constant 0.000000e+00 : f32
          %neg3A_283 = vector.broadcast %neg3A : f32 to vector<16xf32>
          %neg3A_284 = arith.subf %neg3A_283, %broadcast_in_dim3A_282 : vector<16xf32>
          %exp3A = math.exp %neg3A_284 : vector<16xf32>
          %add3A_285 = arith.constant 1.000000e+00 : f32
          %add3A_286 = vector.broadcast %add3A_285 : f32 to vector<16xf32>
          %add3A_287 = arith.addf %add3A_286, %exp3A : vector<16xf32>
          %div3A = arith.constant 1.000000e+00 : f32
          %div3A_288 = vector.broadcast %div3A : f32 to vector<16xf32>
          %div3A_289 = arith.divf %div3A_288, %add3A_287 : vector<16xf32>
          %add3A_290 = arith.constant 1.000000e+00 : f32
          %add3A_291 = vector.broadcast %add3A_290 : f32 to vector<16xf32>
          %add3A_292 = arith.addf %div3A_289, %add3A_291 : vector<16xf32>
          %mul3A_293 = arith.constant 5.000000e-01 : f32
          %mul3A_294 = vector.broadcast %mul3A_293 : f32 to vector<16xf32>
          %mul3A_295 = arith.mulf %add3A_292, %mul3A_294 : vector<16xf32>
          %get3A_296 = arith.index_cast %scan3A_43 : i32 to index
          %get3A_297 = tpu.vector_load %arg7[%get3A_296] {strides = array<i32>} : memref<96xi32, #tpu.memory_space<vmem>>, vector<16xi32>,
          %slice3A_298 = vector.extract_strided_slice %get3A_297 {offsets = [0], sizes = [1], strides = [1]} : vector<16xi32> to vector<1xi32>
          %squeeze3A_299 = vector.extract %slice3A_298[0] : i32 from vector<1xi32>
          %get3A_300 = arith.index_cast %scan3A_43 : i32 to index
          %get3A_301 = arith.constant 0 : index
          %get3A_302 = tpu.vector_load %arg6[%get3A_300, %get3A_301] {strides = array<i32>} : memref<80x512xf32, #tpu.memory_space<vmem>>, vector<16xf32>,
          %mul3A_303 = arith.mulf %get3A_302, %mul3A_295 : vector<16xf32>
          %get3A_304 = arith.index_cast %squeeze3A_299 : i32 to index
          %get3A_305 = arith.constant 0 : index
          %get3A_306 = tpu.vector_load %arg9[%get3A_304, %get3A_305] {strides = array<i32>} : memref<64x512xf32, #tpu.memory_space<vmem>>, vector<16xf32>,
          %max3A = arith.maximumf %get3A_306, %mul3A_303 : vector<16xf32>
          %swap3A = arith.index_cast %squeeze3A_299 : i32 to index
          %swap3A_307 = arith.constant 0 : index
          %swap3A_308 = tpu.vector_load %arg9[%swap3A, %swap3A_307] {strides = array<i32>} : memref<64x512xf32, #tpu.memory_space<vmem>>, vector<16xf32>,
          tpu.vector_store %arg9[%swap3A, %swap3A_307], %max3A {strides = array<i32>} : memref<64x512xf32, #tpu.memory_space<vmem>>, vector<16xf32>,
          %get3A_309 = arith.index_cast %scan3A_43 : i32 to index
          %get3A_310 = arith.constant 16 : index
          %get3A_311 = tpu.vector_load %arg6[%get3A_309, %get3A_310] {strides = array<i32>} : memref<80x512xf32, #tpu.memory_space<vmem>>, vector<16xf32>,
          %mul3A_312 = arith.mulf %get3A_311, %mul3A_295 : vector<16xf32>
          %get3A_313 = arith.index_cast %squeeze3A_299 : i32 to index
          %get3A_314 = arith.constant 16 : index
          %get3A_315 = tpu.vector_load %arg9[%get3A_313, %get3A_314] {strides = array<i32>} : memref<64x512xf32, #tpu.memory_space<vmem>>, vector<16xf32>,
          %max3A_316 = arith.maximumf %get3A_315, %mul3A_312 : vector<16xf32>
          %swap3A_317 = arith.index_cast %squeeze3A_299 : i32 to index
          %swap3A_318 = arith.constant 16 : index
          %swap3A_319 = tpu.vector_load %arg9[%swap3A_317, %swap3A_318] {strides = array<i32>} : memref<64x512xf32, #tpu.memory_space<vmem>>, vector<16xf32>,
          tpu.vector_store %arg9[%swap3A_317, %swap3A_318], %max3A_316 {strides = array<i32>} : memref<64x512xf32, #tpu.memory_space<vmem>>, vector<16xf32>,
          %get3A_320 = arith.index_cast %scan3A_43 : i32 to index
          %get3A_321 = arith.constant 32 : index
          %get3A_322 = tpu.vector_load %arg6[%get3A_320, %get3A_321] {strides = array<i32>} : memref<80x512xf32, #tpu.memory_space<vmem>>, vector<16xf32>,
          %mul3A_323 = arith.mulf %get3A_322, %mul3A_295 : vector<16xf32>
          %get3A_324 = arith.index_cast %squeeze3A_299 : i32 to index
          %get3A_325 = arith.constant 32 : index
          %get3A_326 = tpu.vector_load %arg9[%get3A_324, %get3A_325] {strides = array<i32>} : memref<64x512xf32, #tpu.memory_space<vmem>>, vector<16xf32>,
          %max3A_327 = arith.maximumf %get3A_326, %mul3A_323 : vector<16xf32>
          %swap3A_328 = arith.index_cast %squeeze3A_299 : i32 to index
          %swap3A_329 = arith.constant 32 : index
          %swap3A_330 = tpu.vector_load %arg9[%swap3A_328, %swap3A_329] {strides = array<i32>} : memref<64x512xf32, #tpu.memory_space<vmem>>, vector<16xf32>,
          tpu.vector_store %arg9[%swap3A_328, %swap3A_329], %max3A_327 {strides = array<i32>} : memref<64x512xf32, #tpu.memory_space<vmem>>, vector<16xf32>,
          %get3A_331 = arith.index_cast %scan3A_43 : i32 to index
          %get3A_332 = arith.constant 48 : index
          %get3A_333 = tpu.vector_load %arg6[%get3A_331, %get3A_332] {strides = array<i32>} : memref<80x512xf32, #tpu.memory_space<vmem>>, vector<16xf32>,
          %mul3A_334 = arith.mulf %get3A_333, %mul3A_295 : vector<16xf32>
          %get3A_335 = arith.index_cast %squeeze3A_299 : i32 to index
          %get3A_336 = arith.constant 48 : index
          %get3A_337 = tpu.vector_load %arg9[%get3A_335, %get3A_336] {strides = array<i32>} : memref<64x512xf32, #tpu.memory_space<vmem>>, vector<16xf32>,
          %max3A_338 = arith.maximumf %get3A_337, %mul3A_334 : vector<16xf32>
          %swap3A_339 = arith.index_cast %squeeze3A_299 : i32 to index
          %swap3A_340 = arith.constant 48 : index
          %swap3A_341 = tpu.vector_load %arg9[%swap3A_339, %swap3A_340] {strides = array<i32>} : memref<64x512xf32, #tpu.memory_space<vmem>>, vector<16xf32>,
          tpu.vector_store %arg9[%swap3A_339, %swap3A_340], %max3A_338 {strides = array<i32>} : memref<64x512xf32, #tpu.memory_space<vmem>>, vector<16xf32>,
          %get3A_342 = arith.index_cast %scan3A_43 : i32 to index
          %get3A_343 = arith.constant 64 : index
          %get3A_344 = tpu.vector_load %arg6[%get3A_342, %get3A_343] {strides = array<i32>} : memref<80x512xf32, #tpu.memory_space<vmem>>, vector<16xf32>,
          %mul3A_345 = arith.mulf %get3A_344, %mul3A_295 : vector<16xf32>
          %get3A_346 = arith.index_cast %squeeze3A_299 : i32 to index
          %get3A_347 = arith.constant 64 : index
          %get3A_348 = tpu.vector_load %arg9[%get3A_346, %get3A_347] {strides = array<i32>} : memref<64x512xf32, #tpu.memory_space<vmem>>, vector<16xf32>,
          %max3A_349 = arith.maximumf %get3A_348, %mul3A_345 : vector<16xf32>
          %swap3A_350 = arith.index_cast %squeeze3A_299 : i32 to index
          %swap3A_351 = arith.constant 64 : index
          %swap3A_352 = tpu.vector_load %arg9[%swap3A_350, %swap3A_351] {strides = array<i32>} : memref<64x512xf32, #tpu.memory_space<vmem>>, vector<16xf32>,
          tpu.vector_store %arg9[%swap3A_350, %swap3A_351], %max3A_349 {strides = array<i32>} : memref<64x512xf32, #tpu.memory_space<vmem>>, vector<16xf32>,
          %get3A_353 = arith.index_cast %scan3A_43 : i32 to index
          %get3A_354 = arith.constant 80 : index
          %get3A_355 = tpu.vector_load %arg6[%get3A_353, %get3A_354] {strides = array<i32>} : memref<80x512xf32, #tpu.memory_space<vmem>>, vector<16xf32>,
          %mul3A_356 = arith.mulf %get3A_355, %mul3A_295 : vector<16xf32>
          %get3A_357 = arith.index_cast %squeeze3A_299 : i32 to index
          %get3A_358 = arith.constant 80 : index
          %get3A_359 = tpu.vector_load %arg9[%get3A_357, %get3A_358] {strides = array<i32>} : memref<64x512xf32, #tpu.memory_space<vmem>>, vector<16xf32>,
          %max3A_360 = arith.maximumf %get3A_359, %mul3A_356 : vector<16xf32>
          %swap3A_361 = arith.index_cast %squeeze3A_299 : i32 to index
          %swap3A_362 = arith.constant 80 : index
          %swap3A_363 = tpu.vector_load %arg9[%swap3A_361, %swap3A_362] {strides = array<i32>} : memref<64x512xf32, #tpu.memory_space<vmem>>, vector<16xf32>,
          tpu.vector_store %arg9[%swap3A_361, %swap3A_362], %max3A_360 {strides = array<i32>} : memref<64x512xf32, #tpu.memory_space<vmem>>, vector<16xf32>,
          %get3A_364 = arith.index_cast %scan3A_43 : i32 to index
          %get3A_365 = arith.constant 96 : index
          %get3A_366 = tpu.vector_load %arg6[%get3A_364, %get3A_365] {strides = array<i32>} : memref<80x512xf32, #tpu.memory_space<vmem>>, vector<16xf32>,
          %mul3A_367 = arith.mulf %get3A_366, %mul3A_295 : vector<16xf32>
          %get3A_368 = arith.index_cast %squeeze3A_299 : i32 to index
          %get3A_369 = arith.constant 96 : index
          %get3A_370 = tpu.vector_load %arg9[%get3A_368, %get3A_369] {strides = array<i32>} : memref<64x512xf32, #tpu.memory_space<vmem>>, vector<16xf32>,
          %max3A_371 = arith.maximumf %get3A_370, %mul3A_367 : vector<16xf32>
          %swap3A_372 = arith.index_cast %squeeze3A_299 : i32 to index
          %swap3A_373 = arith.constant 96 : index
          %swap3A_374 = tpu.vector_load %arg9[%swap3A_372, %swap3A_373] {strides = array<i32>} : memref<64x512xf32, #tpu.memory_space<vmem>>, vector<16xf32>,
          tpu.vector_store %arg9[%swap3A_372, %swap3A_373], %max3A_371 {strides = array<i32>} : memref<64x512xf32, #tpu.memory_space<vmem>>, vector<16xf32>,
          %get3A_375 = arith.index_cast %scan3A_43 : i32 to index
          %get3A_376 = arith.constant 112 : index
          %get3A_377 = tpu.vector_load %arg6[%get3A_375, %get3A_376] {strides = array<i32>} : memref<80x512xf32, #tpu.memory_space<vmem>>, vector<16xf32>,
          %mul3A_378 = arith.mulf %get3A_377, %mul3A_295 : vector<16xf32>
          %get3A_379 = arith.index_cast %squeeze3A_299 : i32 to index
          %get3A_380 = arith.constant 112 : index
          %get3A_381 = tpu.vector_load %arg9[%get3A_379, %get3A_380] {strides = array<i32>} : memref<64x512xf32, #tpu.memory_space<vmem>>, vector<16xf32>,
          %max3A_382 = arith.maximumf %get3A_381, %mul3A_378 : vector<16xf32>
          %swap3A_383 = arith.index_cast %squeeze3A_299 : i32 to index
          %swap3A_384 = arith.constant 112 : index
          %swap3A_385 = tpu.vector_load %arg9[%swap3A_383, %swap3A_384] {strides = array<i32>} : memref<64x512xf32, #tpu.memory_space<vmem>>, vector<16xf32>,
          tpu.vector_store %arg9[%swap3A_383, %swap3A_384], %max3A_382 {strides = array<i32>} : memref<64x512xf32, #tpu.memory_space<vmem>>, vector<16xf32>,
          %get3A_386 = arith.index_cast %scan3A_43 : i32 to index
          %get3A_387 = arith.constant 128 : index
          %get3A_388 = tpu.vector_load %arg6[%get3A_386, %get3A_387] {strides = array<i32>} : memref<80x512xf32, #tpu.memory_space<vmem>>, vector<16xf32>,
          %mul3A_389 = arith.mulf %get3A_388, %mul3A_295 : vector<16xf32>
          %get3A_390 = arith.index_cast %squeeze3A_299 : i32 to index
          %get3A_391 = arith.constant 128 : index
          %get3A_392 = tpu.vector_load %arg9[%get3A_390, %get3A_391] {strides = array<i32>} : memref<64x512xf32, #tpu.memory_space<vmem>>, vector<16xf32>,
          %max3A_393 = arith.maximumf %get3A_392, %mul3A_389 : vector<16xf32>
          %swap3A_394 = arith.index_cast %squeeze3A_299 : i32 to index
          %swap3A_395 = arith.constant 128 : index
          %swap3A_396 = tpu.vector_load %arg9[%swap3A_394, %swap3A_395] {strides = array<i32>} : memref<64x512xf32, #tpu.memory_space<vmem>>, vector<16xf32>,
          tpu.vector_store %arg9[%swap3A_394, %swap3A_395], %max3A_393 {strides = array<i32>} : memref<64x512xf32, #tpu.memory_space<vmem>>, vector<16xf32>,
          %get3A_397 = arith.index_cast %scan3A_43 : i32 to index
          %get3A_398 = arith.constant 144 : index
          %get3A_399 = tpu.vector_load %arg6[%get3A_397, %get3A_398] {strides = array<i32>} : memref<80x512xf32, #tpu.memory_space<vmem>>, vector<16xf32>,
          %mul3A_400 = arith.mulf %get3A_399, %mul3A_295 : vector<16xf32>
          %get3A_401 = arith.index_cast %squeeze3A_299 : i32 to index
          %get3A_402 = arith.constant 144 : index
          %get3A_403 = tpu.vector_load %arg9[%get3A_401, %get3A_402] {strides = array<i32>} : memref<64x512xf32, #tpu.memory_space<vmem>>, vector<16xf32>,
          %max3A_404 = arith.maximumf %get3A_403, %mul3A_400 : vector<16xf32>
          %swap3A_405 = arith.index_cast %squeeze3A_299 : i32 to index
          %swap3A_406 = arith.constant 144 : index
          %swap3A_407 = tpu.vector_load %arg9[%swap3A_405, %swap3A_406] {strides = array<i32>} : memref<64x512xf32, #tpu.memory_space<vmem>>, vector<16xf32>,
          tpu.vector_store %arg9[%swap3A_405, %swap3A_406], %max3A_404 {strides = array<i32>} : memref<64x512xf32, #tpu.memory_space<vmem>>, vector<16xf32>,
          %get3A_408 = arith.index_cast %scan3A_43 : i32 to index
          %get3A_409 = arith.constant 160 : index
          %get3A_410 = tpu.vector_load %arg6[%get3A_408, %get3A_409] {strides = array<i32>} : memref<80x512xf32, #tpu.memory_space<vmem>>, vector<16xf32>,
          %mul3A_411 = arith.mulf %get3A_410, %mul3A_295 : vector<16xf32>
          %get3A_412 = arith.index_cast %squeeze3A_299 : i32 to index
          %get3A_413 = arith.constant 160 : index
          %get3A_414 = tpu.vector_load %arg9[%get3A_412, %get3A_413] {strides = array<i32>} : memref<64x512xf32, #tpu.memory_space<vmem>>, vector<16xf32>,
          %max3A_415 = arith.maximumf %get3A_414, %mul3A_411 : vector<16xf32>
          %swap3A_416 = arith.index_cast %squeeze3A_299 : i32 to index
          %swap3A_417 = arith.constant 160 : index
          %swap3A_418 = tpu.vector_load %arg9[%swap3A_416, %swap3A_417] {strides = array<i32>} : memref<64x512xf32, #tpu.memory_space<vmem>>, vector<16xf32>,
          tpu.vector_store %arg9[%swap3A_416, %swap3A_417], %max3A_415 {strides = array<i32>} : memref<64x512xf32, #tpu.memory_space<vmem>>, vector<16xf32>,
          %get3A_419 = arith.index_cast %scan3A_43 : i32 to index
          %get3A_420 = arith.constant 176 : index
          %get3A_421 = tpu.vector_load %arg6[%get3A_419, %get3A_420] {strides = array<i32>} : memref<80x512xf32, #tpu.memory_space<vmem>>, vector<16xf32>,
          %mul3A_422 = arith.mulf %get3A_421, %mul3A_295 : vector<16xf32>
          %get3A_423 = arith.index_cast %squeeze3A_299 : i32 to index
          %get3A_424 = arith.constant 176 : index
          %get3A_425 = tpu.vector_load %arg9[%get3A_423, %get3A_424] {strides = array<i32>} : memref<64x512xf32, #tpu.memory_space<vmem>>, vector<16xf32>,
          %max3A_426 = arith.maximumf %get3A_425, %mul3A_422 : vector<16xf32>
          %swap3A_427 = arith.index_cast %squeeze3A_299 : i32 to index
          %swap3A_428 = arith.constant 176 : index
          %swap3A_429 = tpu.vector_load %arg9[%swap3A_427, %swap3A_428] {strides = array<i32>} : memref<64x512xf32, #tpu.memory_space<vmem>>, vector<16xf32>,
          tpu.vector_store %arg9[%swap3A_427, %swap3A_428], %max3A_426 {strides = array<i32>} : memref<64x512xf32, #tpu.memory_space<vmem>>, vector<16xf32>,
          %get3A_430 = arith.index_cast %scan3A_43 : i32 to index
          %get3A_431 = arith.constant 192 : index
          %get3A_432 = tpu.vector_load %arg6[%get3A_430, %get3A_431] {strides = array<i32>} : memref<80x512xf32, #tpu.memory_space<vmem>>, vector<16xf32>,
          %mul3A_433 = arith.mulf %get3A_432, %mul3A_295 : vector<16xf32>
          %get3A_434 = arith.index_cast %squeeze3A_299 : i32 to index
          %get3A_435 = arith.constant 192 : index
          %get3A_436 = tpu.vector_load %arg9[%get3A_434, %get3A_435] {strides = array<i32>} : memref<64x512xf32, #tpu.memory_space<vmem>>, vector<16xf32>,
          %max3A_437 = arith.maximumf %get3A_436, %mul3A_433 : vector<16xf32>
          %swap3A_438 = arith.index_cast %squeeze3A_299 : i32 to index
          %swap3A_439 = arith.constant 192 : index
          %swap3A_440 = tpu.vector_load %arg9[%swap3A_438, %swap3A_439] {strides = array<i32>} : memref<64x512xf32, #tpu.memory_space<vmem>>, vector<16xf32>,
          tpu.vector_store %arg9[%swap3A_438, %swap3A_439], %max3A_437 {strides = array<i32>} : memref<64x512xf32, #tpu.memory_space<vmem>>, vector<16xf32>,
          %get3A_441 = arith.index_cast %scan3A_43 : i32 to index
          %get3A_442 = arith.constant 208 : index
          %get3A_443 = tpu.vector_load %arg6[%get3A_441, %get3A_442] {strides = array<i32>} : memref<80x512xf32, #tpu.memory_space<vmem>>, vector<16xf32>,
          %mul3A_444 = arith.mulf %get3A_443, %mul3A_295 : vector<16xf32>
          %get3A_445 = arith.index_cast %squeeze3A_299 : i32 to index
          %get3A_446 = arith.constant 208 : index
          %get3A_447 = tpu.vector_load %arg9[%get3A_445, %get3A_446] {strides = array<i32>} : memref<64x512xf32, #tpu.memory_space<vmem>>, vector<16xf32>,
          %max3A_448 = arith.maximumf %get3A_447, %mul3A_444 : vector<16xf32>
          %swap3A_449 = arith.index_cast %squeeze3A_299 : i32 to index
          %swap3A_450 = arith.constant 208 : index
          %swap3A_451 = tpu.vector_load %arg9[%swap3A_449, %swap3A_450] {strides = array<i32>} : memref<64x512xf32, #tpu.memory_space<vmem>>, vector<16xf32>,
          tpu.vector_store %arg9[%swap3A_449, %swap3A_450], %max3A_448 {strides = array<i32>} : memref<64x512xf32, #tpu.memory_space<vmem>>, vector<16xf32>,
          %get3A_452 = arith.index_cast %scan3A_43 : i32 to index
          %get3A_453 = arith.constant 224 : index
          %get3A_454 = tpu.vector_load %arg6[%get3A_452, %get3A_453] {strides = array<i32>} : memref<80x512xf32, #tpu.memory_space<vmem>>, vector<16xf32>,
          %mul3A_455 = arith.mulf %get3A_454, %mul3A_295 : vector<16xf32>
          %get3A_456 = arith.index_cast %squeeze3A_299 : i32 to index
          %get3A_457 = arith.constant 224 : index
          %get3A_458 = tpu.vector_load %arg9[%get3A_456, %get3A_457] {strides = array<i32>} : memref<64x512xf32, #tpu.memory_space<vmem>>, vector<16xf32>,
          %max3A_459 = arith.maximumf %get3A_458, %mul3A_455 : vector<16xf32>
          %swap3A_460 = arith.index_cast %squeeze3A_299 : i32 to index
          %swap3A_461 = arith.constant 224 : index
          %swap3A_462 = tpu.vector_load %arg9[%swap3A_460, %swap3A_461] {strides = array<i32>} : memref<64x512xf32, #tpu.memory_space<vmem>>, vector<16xf32>,
          tpu.vector_store %arg9[%swap3A_460, %swap3A_461], %max3A_459 {strides = array<i32>} : memref<64x512xf32, #tpu.memory_space<vmem>>, vector<16xf32>,
          %get3A_463 = arith.index_cast %scan3A_43 : i32 to index
          %get3A_464 = arith.constant 240 : index
          %get3A_465 = tpu.vector_load %arg6[%get3A_463, %get3A_464] {strides = array<i32>} : memref<80x512xf32, #tpu.memory_space<vmem>>, vector<16xf32>,
          %mul3A_466 = arith.mulf %get3A_465, %mul3A_295 : vector<16xf32>
          %get3A_467 = arith.index_cast %squeeze3A_299 : i32 to index
          %get3A_468 = arith.constant 240 : index
          %get3A_469 = tpu.vector_load %arg9[%get3A_467, %get3A_468] {strides = array<i32>} : memref<64x512xf32, #tpu.memory_space<vmem>>, vector<16xf32>,
          %max3A_470 = arith.maximumf %get3A_469, %mul3A_466 : vector<16xf32>
          %swap3A_471 = arith.index_cast %squeeze3A_299 : i32 to index
          %swap3A_472 = arith.constant 240 : index
          %swap3A_473 = tpu.vector_load %arg9[%swap3A_471, %swap3A_472] {strides = array<i32>} : memref<64x512xf32, #tpu.memory_space<vmem>>, vector<16xf32>,
          tpu.vector_store %arg9[%swap3A_471, %swap3A_472], %max3A_470 {strides = array<i32>} : memref<64x512xf32, #tpu.memory_space<vmem>>, vector<16xf32>,
          %get3A_474 = arith.index_cast %scan3A_43 : i32 to index
          %get3A_475 = arith.constant 256 : index
          %get3A_476 = tpu.vector_load %arg6[%get3A_474, %get3A_475] {strides = array<i32>} : memref<80x512xf32, #tpu.memory_space<vmem>>, vector<16xf32>,
          %mul3A_477 = arith.mulf %get3A_476, %mul3A_295 : vector<16xf32>
          %get3A_478 = arith.index_cast %squeeze3A_299 : i32 to index
          %get3A_479 = arith.constant 256 : index
          %get3A_480 = tpu.vector_load %arg9[%get3A_478, %get3A_479] {strides = array<i32>} : memref<64x512xf32, #tpu.memory_space<vmem>>, vector<16xf32>,
          %max3A_481 = arith.maximumf %get3A_480, %mul3A_477 : vector<16xf32>
          %swap3A_482 = arith.index_cast %squeeze3A_299 : i32 to index
          %swap3A_483 = arith.constant 256 : index
          %swap3A_484 = tpu.vector_load %arg9[%swap3A_482, %swap3A_483] {strides = array<i32>} : memref<64x512xf32, #tpu.memory_space<vmem>>, vector<16xf32>,
          tpu.vector_store %arg9[%swap3A_482, %swap3A_483], %max3A_481 {strides = array<i32>} : memref<64x512xf32, #tpu.memory_space<vmem>>, vector<16xf32>,
          %get3A_485 = arith.index_cast %scan3A_43 : i32 to index
          %get3A_486 = arith.constant 272 : index
          %get3A_487 = tpu.vector_load %arg6[%get3A_485, %get3A_486] {strides = array<i32>} : memref<80x512xf32, #tpu.memory_space<vmem>>, vector<16xf32>,
          %mul3A_488 = arith.mulf %get3A_487, %mul3A_295 : vector<16xf32>
          %get3A_489 = arith.index_cast %squeeze3A_299 : i32 to index
          %get3A_490 = arith.constant 272 : index
          %get3A_491 = tpu.vector_load %arg9[%get3A_489, %get3A_490] {strides = array<i32>} : memref<64x512xf32, #tpu.memory_space<vmem>>, vector<16xf32>,
          %max3A_492 = arith.maximumf %get3A_491, %mul3A_488 : vector<16xf32>
          %swap3A_493 = arith.index_cast %squeeze3A_299 : i32 to index
          %swap3A_494 = arith.constant 272 : index
          %swap3A_495 = tpu.vector_load %arg9[%swap3A_493, %swap3A_494] {strides = array<i32>} : memref<64x512xf32, #tpu.memory_space<vmem>>, vector<16xf32>,
          tpu.vector_store %arg9[%swap3A_493, %swap3A_494], %max3A_492 {strides = array<i32>} : memref<64x512xf32, #tpu.memory_space<vmem>>, vector<16xf32>,
          %get3A_496 = arith.index_cast %scan3A_43 : i32 to index
          %get3A_497 = arith.constant 288 : index
          %get3A_498 = tpu.vector_load %arg6[%get3A_496, %get3A_497] {strides = array<i32>} : memref<80x512xf32, #tpu.memory_space<vmem>>, vector<16xf32>,
          %mul3A_499 = arith.mulf %get3A_498, %mul3A_295 : vector<16xf32>
          %get3A_500 = arith.index_cast %squeeze3A_299 : i32 to index
          %get3A_501 = arith.constant 288 : index
          %get3A_502 = tpu.vector_load %arg9[%get3A_500, %get3A_501] {strides = array<i32>} : memref<64x512xf32, #tpu.memory_space<vmem>>, vector<16xf32>,
          %max3A_503 = arith.maximumf %get3A_502, %mul3A_499 : vector<16xf32>
          %swap3A_504 = arith.index_cast %squeeze3A_299 : i32 to index
          %swap3A_505 = arith.constant 288 : index
          %swap3A_506 = tpu.vector_load %arg9[%swap3A_504, %swap3A_505] {strides = array<i32>} : memref<64x512xf32, #tpu.memory_space<vmem>>, vector<16xf32>,
          tpu.vector_store %arg9[%swap3A_504, %swap3A_505], %max3A_503 {strides = array<i32>} : memref<64x512xf32, #tpu.memory_space<vmem>>, vector<16xf32>,
          %get3A_507 = arith.index_cast %scan3A_43 : i32 to index
          %get3A_508 = arith.constant 304 : index
          %get3A_509 = tpu.vector_load %arg6[%get3A_507, %get3A_508] {strides = array<i32>} : memref<80x512xf32, #tpu.memory_space<vmem>>, vector<16xf32>,
          %mul3A_510 = arith.mulf %get3A_509, %mul3A_295 : vector<16xf32>
          %get3A_511 = arith.index_cast %squeeze3A_299 : i32 to index
          %get3A_512 = arith.constant 304 : index
          %get3A_513 = tpu.vector_load %arg9[%get3A_511, %get3A_512] {strides = array<i32>} : memref<64x512xf32, #tpu.memory_space<vmem>>, vector<16xf32>,
          %max3A_514 = arith.maximumf %get3A_513, %mul3A_510 : vector<16xf32>
          %swap3A_515 = arith.index_cast %squeeze3A_299 : i32 to index
          %swap3A_516 = arith.constant 304 : index
          %swap3A_517 = tpu.vector_load %arg9[%swap3A_515, %swap3A_516] {strides = array<i32>} : memref<64x512xf32, #tpu.memory_space<vmem>>, vector<16xf32>,
          tpu.vector_store %arg9[%swap3A_515, %swap3A_516], %max3A_514 {strides = array<i32>} : memref<64x512xf32, #tpu.memory_space<vmem>>, vector<16xf32>,
          %get3A_518 = arith.index_cast %scan3A_43 : i32 to index
          %get3A_519 = arith.constant 320 : index
          %get3A_520 = tpu.vector_load %arg6[%get3A_518, %get3A_519] {strides = array<i32>} : memref<80x512xf32, #tpu.memory_space<vmem>>, vector<16xf32>,
          %mul3A_521 = arith.mulf %get3A_520, %mul3A_295 : vector<16xf32>
          %get3A_522 = arith.index_cast %squeeze3A_299 : i32 to index
          %get3A_523 = arith.constant 320 : index
          %get3A_524 = tpu.vector_load %arg9[%get3A_522, %get3A_523] {strides = array<i32>} : memref<64x512xf32, #tpu.memory_space<vmem>>, vector<16xf32>,
          %max3A_525 = arith.maximumf %get3A_524, %mul3A_521 : vector<16xf32>
          %swap3A_526 = arith.index_cast %squeeze3A_299 : i32 to index
          %swap3A_527 = arith.constant 320 : index
          %swap3A_528 = tpu.vector_load %arg9[%swap3A_526, %swap3A_527] {strides = array<i32>} : memref<64x512xf32, #tpu.memory_space<vmem>>, vector<16xf32>,
          tpu.vector_store %arg9[%swap3A_526, %swap3A_527], %max3A_525 {strides = array<i32>} : memref<64x512xf32, #tpu.memory_space<vmem>>, vector<16xf32>,
          %get3A_529 = arith.index_cast %scan3A_43 : i32 to index
          %get3A_530 = arith.constant 336 : index
          %get3A_531 = tpu.vector_load %arg6[%get3A_529, %get3A_530] {strides = array<i32>} : memref<80x512xf32, #tpu.memory_space<vmem>>, vector<16xf32>,
          %mul3A_532 = arith.mulf %get3A_531, %mul3A_295 : vector<16xf32>
          %get3A_533 = arith.index_cast %squeeze3A_299 : i32 to index
          %get3A_534 = arith.constant 336 : index
          %get3A_535 = tpu.vector_load %arg9[%get3A_533, %get3A_534] {strides = array<i32>} : memref<64x512xf32, #tpu.memory_space<vmem>>, vector<16xf32>,
          %max3A_536 = arith.maximumf %get3A_535, %mul3A_532 : vector<16xf32>
          %swap3A_537 = arith.index_cast %squeeze3A_299 : i32 to index
          %swap3A_538 = arith.constant 336 : index
          %swap3A_539 = tpu.vector_load %arg9[%swap3A_537, %swap3A_538] {strides = array<i32>} : memref<64x512xf32, #tpu.memory_space<vmem>>, vector<16xf32>,
          tpu.vector_store %arg9[%swap3A_537, %swap3A_538], %max3A_536 {strides = array<i32>} : memref<64x512xf32, #tpu.memory_space<vmem>>, vector<16xf32>,
          %get3A_540 = arith.index_cast %scan3A_43 : i32 to index
          %get3A_541 = arith.constant 352 : index
          %get3A_542 = tpu.vector_load %arg6[%get3A_540, %get3A_541] {strides = array<i32>} : memref<80x512xf32, #tpu.memory_space<vmem>>, vector<16xf32>,
          %mul3A_543 = arith.mulf %get3A_542, %mul3A_295 : vector<16xf32>
          %get3A_544 = arith.index_cast %squeeze3A_299 : i32 to index
          %get3A_545 = arith.constant 352 : index
          %get3A_546 = tpu.vector_load %arg9[%get3A_544, %get3A_545] {strides = array<i32>} : memref<64x512xf32, #tpu.memory_space<vmem>>, vector<16xf32>,
          %max3A_547 = arith.maximumf %get3A_546, %mul3A_543 : vector<16xf32>
          %swap3A_548 = arith.index_cast %squeeze3A_299 : i32 to index
          %swap3A_549 = arith.constant 352 : index
          %swap3A_550 = tpu.vector_load %arg9[%swap3A_548, %swap3A_549] {strides = array<i32>} : memref<64x512xf32, #tpu.memory_space<vmem>>, vector<16xf32>,
          tpu.vector_store %arg9[%swap3A_548, %swap3A_549], %max3A_547 {strides = array<i32>} : memref<64x512xf32, #tpu.memory_space<vmem>>, vector<16xf32>,
          %get3A_551 = arith.index_cast %scan3A_43 : i32 to index
          %get3A_552 = arith.constant 368 : index
          %get3A_553 = tpu.vector_load %arg6[%get3A_551, %get3A_552] {strides = array<i32>} : memref<80x512xf32, #tpu.memory_space<vmem>>, vector<16xf32>,
          %mul3A_554 = arith.mulf %get3A_553, %mul3A_295 : vector<16xf32>
          %get3A_555 = arith.index_cast %squeeze3A_299 : i32 to index
          %get3A_556 = arith.constant 368 : index
          %get3A_557 = tpu.vector_load %arg9[%get3A_555, %get3A_556] {strides = array<i32>} : memref<64x512xf32, #tpu.memory_space<vmem>>, vector<16xf32>,
          %max3A_558 = arith.maximumf %get3A_557, %mul3A_554 : vector<16xf32>
          %swap3A_559 = arith.index_cast %squeeze3A_299 : i32 to index
          %swap3A_560 = arith.constant 368 : index
          %swap3A_561 = tpu.vector_load %arg9[%swap3A_559, %swap3A_560] {strides = array<i32>} : memref<64x512xf32, #tpu.memory_space<vmem>>, vector<16xf32>,
          tpu.vector_store %arg9[%swap3A_559, %swap3A_560], %max3A_558 {strides = array<i32>} : memref<64x512xf32, #tpu.memory_space<vmem>>, vector<16xf32>,
          %get3A_562 = arith.index_cast %scan3A_43 : i32 to index
          %get3A_563 = arith.constant 384 : index
          %get3A_564 = tpu.vector_load %arg6[%get3A_562, %get3A_563] {strides = array<i32>} : memref<80x512xf32, #tpu.memory_space<vmem>>, vector<16xf32>,
          %mul3A_565 = arith.mulf %get3A_564, %mul3A_295 : vector<16xf32>
          %get3A_566 = arith.index_cast %squeeze3A_299 : i32 to index
          %get3A_567 = arith.constant 384 : index
          %get3A_568 = tpu.vector_load %arg9[%get3A_566, %get3A_567] {strides = array<i32>} : memref<64x512xf32, #tpu.memory_space<vmem>>, vector<16xf32>,
          %max3A_569 = arith.maximumf %get3A_568, %mul3A_565 : vector<16xf32>
          %swap3A_570 = arith.index_cast %squeeze3A_299 : i32 to index
          %swap3A_571 = arith.constant 384 : index
          %swap3A_572 = tpu.vector_load %arg9[%swap3A_570, %swap3A_571] {strides = array<i32>} : memref<64x512xf32, #tpu.memory_space<vmem>>, vector<16xf32>,
          tpu.vector_store %arg9[%swap3A_570, %swap3A_571], %max3A_569 {strides = array<i32>} : memref<64x512xf32, #tpu.memory_space<vmem>>, vector<16xf32>,
          %get3A_573 = arith.index_cast %scan3A_43 : i32 to index
          %get3A_574 = arith.constant 400 : index
          %get3A_575 = tpu.vector_load %arg6[%get3A_573, %get3A_574] {strides = array<i32>} : memref<80x512xf32, #tpu.memory_space<vmem>>, vector<16xf32>,
          %mul3A_576 = arith.mulf %get3A_575, %mul3A_295 : vector<16xf32>
          %get3A_577 = arith.index_cast %squeeze3A_299 : i32 to index
          %get3A_578 = arith.constant 400 : index
          %get3A_579 = tpu.vector_load %arg9[%get3A_577, %get3A_578] {strides = array<i32>} : memref<64x512xf32, #tpu.memory_space<vmem>>, vector<16xf32>,
          %max3A_580 = arith.maximumf %get3A_579, %mul3A_576 : vector<16xf32>
          %swap3A_581 = arith.index_cast %squeeze3A_299 : i32 to index
          %swap3A_582 = arith.constant 400 : index
          %swap3A_583 = tpu.vector_load %arg9[%swap3A_581, %swap3A_582] {strides = array<i32>} : memref<64x512xf32, #tpu.memory_space<vmem>>, vector<16xf32>,
          tpu.vector_store %arg9[%swap3A_581, %swap3A_582], %max3A_580 {strides = array<i32>} : memref<64x512xf32, #tpu.memory_space<vmem>>, vector<16xf32>,
          %get3A_584 = arith.index_cast %scan3A_43 : i32 to index
          %get3A_585 = arith.constant 416 : index
          %get3A_586 = tpu.vector_load %arg6[%get3A_584, %get3A_585] {strides = array<i32>} : memref<80x512xf32, #tpu.memory_space<vmem>>, vector<16xf32>,
          %mul3A_587 = arith.mulf %get3A_586, %mul3A_295 : vector<16xf32>
          %get3A_588 = arith.index_cast %squeeze3A_299 : i32 to index
          %get3A_589 = arith.constant 416 : index
          %get3A_590 = tpu.vector_load %arg9[%get3A_588, %get3A_589] {strides = array<i32>} : memref<64x512xf32, #tpu.memory_space<vmem>>, vector<16xf32>,
          %max3A_591 = arith.maximumf %get3A_590, %mul3A_587 : vector<16xf32>
          %swap3A_592 = arith.index_cast %squeeze3A_299 : i32 to index
          %swap3A_593 = arith.constant 416 : index
          %swap3A_594 = tpu.vector_load %arg9[%swap3A_592, %swap3A_593] {strides = array<i32>} : memref<64x512xf32, #tpu.memory_space<vmem>>, vector<16xf32>,
          tpu.vector_store %arg9[%swap3A_592, %swap3A_593], %max3A_591 {strides = array<i32>} : memref<64x512xf32, #tpu.memory_space<vmem>>, vector<16xf32>,
          %get3A_595 = arith.index_cast %scan3A_43 : i32 to index
          %get3A_596 = arith.constant 432 : index
          %get3A_597 = tpu.vector_load %arg6[%get3A_595, %get3A_596] {strides = array<i32>} : memref<80x512xf32, #tpu.memory_space<vmem>>, vector<16xf32>,
          %mul3A_598 = arith.mulf %get3A_597, %mul3A_295 : vector<16xf32>
          %get3A_599 = arith.index_cast %squeeze3A_299 : i32 to index
          %get3A_600 = arith.constant 432 : index
          %get3A_601 = tpu.vector_load %arg9[%get3A_599, %get3A_600] {strides = array<i32>} : memref<64x512xf32, #tpu.memory_space<vmem>>, vector<16xf32>,
          %max3A_602 = arith.maximumf %get3A_601, %mul3A_598 : vector<16xf32>
          %swap3A_603 = arith.index_cast %squeeze3A_299 : i32 to index
          %swap3A_604 = arith.constant 432 : index
          %swap3A_605 = tpu.vector_load %arg9[%swap3A_603, %swap3A_604] {strides = array<i32>} : memref<64x512xf32, #tpu.memory_space<vmem>>, vector<16xf32>,
          tpu.vector_store %arg9[%swap3A_603, %swap3A_604], %max3A_602 {strides = array<i32>} : memref<64x512xf32, #tpu.memory_space<vmem>>, vector<16xf32>,
          %get3A_606 = arith.index_cast %scan3A_43 : i32 to index
          %get3A_607 = arith.constant 448 : index
          %get3A_608 = tpu.vector_load %arg6[%get3A_606, %get3A_607] {strides = array<i32>} : memref<80x512xf32, #tpu.memory_space<vmem>>, vector<16xf32>,
          %mul3A_609 = arith.mulf %get3A_608, %mul3A_295 : vector<16xf32>
          %get3A_610 = arith.index_cast %squeeze3A_299 : i32 to index
          %get3A_611 = arith.constant 448 : index
          %get3A_612 = tpu.vector_load %arg9[%get3A_610, %get3A_611] {strides = array<i32>} : memref<64x512xf32, #tpu.memory_space<vmem>>, vector<16xf32>,
          %max3A_613 = arith.maximumf %get3A_612, %mul3A_609 : vector<16xf32>
          %swap3A_614 = arith.index_cast %squeeze3A_299 : i32 to index
          %swap3A_615 = arith.constant 448 : index
          %swap3A_616 = tpu.vector_load %arg9[%swap3A_614, %swap3A_615] {strides = array<i32>} : memref<64x512xf32, #tpu.memory_space<vmem>>, vector<16xf32>,
          tpu.vector_store %arg9[%swap3A_614, %swap3A_615], %max3A_613 {strides = array<i32>} : memref<64x512xf32, #tpu.memory_space<vmem>>, vector<16xf32>,
          %get3A_617 = arith.index_cast %scan3A_43 : i32 to index
          %get3A_618 = arith.constant 464 : index
          %get3A_619 = tpu.vector_load %arg6[%get3A_617, %get3A_618] {strides = array<i32>} : memref<80x512xf32, #tpu.memory_space<vmem>>, vector<16xf32>,
          %mul3A_620 = arith.mulf %get3A_619, %mul3A_295 : vector<16xf32>
          %get3A_621 = arith.index_cast %squeeze3A_299 : i32 to index
          %get3A_622 = arith.constant 464 : index
          %get3A_623 = tpu.vector_load %arg9[%get3A_621, %get3A_622] {strides = array<i32>} : memref<64x512xf32, #tpu.memory_space<vmem>>, vector<16xf32>,
          %max3A_624 = arith.maximumf %get3A_623, %mul3A_620 : vector<16xf32>
          %swap3A_625 = arith.index_cast %squeeze3A_299 : i32 to index
          %swap3A_626 = arith.constant 464 : index
          %swap3A_627 = tpu.vector_load %arg9[%swap3A_625, %swap3A_626] {strides = array<i32>} : memref<64x512xf32, #tpu.memory_space<vmem>>, vector<16xf32>,
          tpu.vector_store %arg9[%swap3A_625, %swap3A_626], %max3A_624 {strides = array<i32>} : memref<64x512xf32, #tpu.memory_space<vmem>>, vector<16xf32>,
          %get3A_628 = arith.index_cast %scan3A_43 : i32 to index
          %get3A_629 = arith.constant 480 : index
          %get3A_630 = tpu.vector_load %arg6[%get3A_628, %get3A_629] {strides = array<i32>} : memref<80x512xf32, #tpu.memory_space<vmem>>, vector<16xf32>,
          %mul3A_631 = arith.mulf %get3A_630, %mul3A_295 : vector<16xf32>
          %get3A_632 = arith.index_cast %squeeze3A_299 : i32 to index
          %get3A_633 = arith.constant 480 : index
          %get3A_634 = tpu.vector_load %arg9[%get3A_632, %get3A_633] {strides = array<i32>} : memref<64x512xf32, #tpu.memory_space<vmem>>, vector<16xf32>,
          %max3A_635 = arith.maximumf %get3A_634, %mul3A_631 : vector<16xf32>
          %swap3A_636 = arith.index_cast %squeeze3A_299 : i32 to index
          %swap3A_637 = arith.constant 480 : index
          %swap3A_638 = tpu.vector_load %arg9[%swap3A_636, %swap3A_637] {strides = array<i32>} : memref<64x512xf32, #tpu.memory_space<vmem>>, vector<16xf32>,
          tpu.vector_store %arg9[%swap3A_636, %swap3A_637], %max3A_635 {strides = array<i32>} : memref<64x512xf32, #tpu.memory_space<vmem>>, vector<16xf32>,
          %get3A_639 = arith.index_cast %scan3A_43 : i32 to index
          %get3A_640 = arith.constant 496 : index
          %get3A_641 = tpu.vector_load %arg6[%get3A_639, %get3A_640] {strides = array<i32>} : memref<80x512xf32, #tpu.memory_space<vmem>>, vector<16xf32>,
          %mul3A_642 = arith.mulf %get3A_641, %mul3A_295 : vector<16xf32>
          %get3A_643 = arith.index_cast %squeeze3A_299 : i32 to index
          %get3A_644 = arith.constant 496 : index
          %get3A_645 = tpu.vector_load %arg9[%get3A_643, %get3A_644] {strides = array<i32>} : memref<64x512xf32, #tpu.memory_space<vmem>>, vector<16xf32>,
          %max3A_646 = arith.maximumf %get3A_645, %mul3A_642 : vector<16xf32>
          %swap3A_647 = arith.index_cast %squeeze3A_299 : i32 to index
          %swap3A_648 = arith.constant 496 : index
          %swap3A_649 = tpu.vector_load %arg9[%swap3A_647, %swap3A_648] {strides = array<i32>} : memref<64x512xf32, #tpu.memory_space<vmem>>, vector<16xf32>,
          tpu.vector_store %arg9[%swap3A_647, %swap3A_648], %max3A_646 {strides = array<i32>} : memref<64x512xf32, #tpu.memory_space<vmem>>, vector<16xf32>,
        }
        %scan3A_41 = arith.constant 80 : i32
        %cond3A_42 = arith.constant 0 : i32
        scf.yield %cond3A_42 : i32
      }
    }
    %while3A_21 = arith.constant 1 : i32
    scf.for %while3A_22 = %while3A_19 to %while3A_15 step %while3A_21  : i32 {
      %mul3A_23 = arith.constant 80 : i32
      %mul3A_24 = arith.muli %while3A_22, %mul3A_23 : i32
      %add3A_25 = arith.constant 0 : i32
      %add3A_26 = arith.addi %add3A_25, %mul3A_24 : i32
      "tpu.region"() ({
        %run_scoped3A_36 = tpu.sem_alloc : memref<!tpu.dma_semaphore, #tpu.memory_space<semaphore_mem>>
        %dma_start3A = arith.constant 0 : i32
        %dma_start3A_37 = tpu.memref_slice %arg2[%add3A_26, %dma_start3A] : memref<100000x512xf32, #tpu.memory_space<hbm>> -> memref<80x512xf32, #tpu.memory_space<hbm>>
        %dma_start3A_38 = arith.constant 0 : i32
        %dma_start3A_39 = tpu.memref_slice %arg2[%add3A_26, %dma_start3A_38] : memref<100000x512xf32, #tpu.memory_space<hbm>> -> memref<80x512xf32, #tpu.memory_space<hbm>>
        tpu.enqueue_dma source(%dma_start3A_39 : memref<80x512xf32, #tpu.memory_space<hbm>>) target(%arg6 : memref<80x512xf32, #tpu.memory_space<vmem>>) target_semaphore(%run_scoped3A_36 : memref<!tpu.dma_semaphore, #tpu.memory_space<semaphore_mem>>)
        %dma_wait3A = arith.constant 0 : i32
        %dma_wait3A_40 = tpu.memref_slice %arg2[%add3A_26, %dma_wait3A] : memref<100000x512xf32, #tpu.memory_space<hbm>> -> memref<80x512xf32, #tpu.memory_space<hbm>>
        %dma_wait3A_41 = arith.constant 0 : i32
        %dma_wait3A_42 = tpu.memref_slice %arg2[%add3A_26, %dma_wait3A_41] : memref<100000x512xf32, #tpu.memory_space<hbm>> -> memref<80x512xf32, #tpu.memory_space<hbm>>
        tpu.wait_dma2 semaphore(%run_scoped3A_36 : memref<!tpu.dma_semaphore, #tpu.memory_space<semaphore_mem>>) src(%dma_wait3A_42 : memref<80x512xf32, #tpu.memory_space<hbm>>) dst(%arg6 : memref<80x512xf32, #tpu.memory_space<vmem>>)
        tpu.yield
      }) : () -> ()
      "tpu.region"() ({
        %run_scoped3A_36 = tpu.sem_alloc : memref<!tpu.dma_semaphore, #tpu.memory_space<semaphore_mem>>
        %dma_start3A = arith.constant 0 : i32
        %dma_start3A_37 = tpu.memref_slice %arg7[%dma_start3A] : memref<96xi32, #tpu.memory_space<vmem>> -> memref<80xi32, #tpu.memory_space<vmem>>
        %dma_start3A_38 = tpu.memref_slice %arg3[%add3A_26] : memref<100000xi32, #tpu.memory_space<hbm>> -> memref<80xi32, #tpu.memory_space<hbm>>
        %dma_start3A_39 = arith.constant 0 : i32
        %dma_start3A_40 = tpu.memref_slice %arg7[%dma_start3A_39] : memref<96xi32, #tpu.memory_space<vmem>> -> memref<80xi32, #tpu.memory_space<vmem>>
        %dma_start3A_41 = tpu.memref_slice %arg3[%add3A_26] : memref<100000xi32, #tpu.memory_space<hbm>> -> memref<80xi32, #tpu.memory_space<hbm>>
        tpu.enqueue_dma source(%dma_start3A_41 : memref<80xi32, #tpu.memory_space<hbm>>) target(%dma_start3A_40 : memref<80xi32, #tpu.memory_space<vmem>>) target_semaphore(%run_scoped3A_36 : memref<!tpu.dma_semaphore, #tpu.memory_space<semaphore_mem>>)
        %dma_wait3A = arith.constant 0 : i32
        %dma_wait3A_42 = tpu.memref_slice %arg7[%dma_wait3A] : memref<96xi32, #tpu.memory_space<vmem>> -> memref<80xi32, #tpu.memory_space<vmem>>
        %dma_wait3A_43 = tpu.memref_slice %arg3[%add3A_26] : memref<100000xi32, #tpu.memory_space<hbm>> -> memref<80xi32, #tpu.memory_space<hbm>>
        %dma_wait3A_44 = arith.constant 0 : i32
        %dma_wait3A_45 = tpu.memref_slice %arg7[%dma_wait3A_44] : memref<96xi32, #tpu.memory_space<vmem>> -> memref<80xi32, #tpu.memory_space<vmem>>
        %dma_wait3A_46 = tpu.memref_slice %arg3[%add3A_26] : memref<100000xi32, #tpu.memory_space<hbm>> -> memref<80xi32, #tpu.memory_space<hbm>>
        tpu.wait_dma2 semaphore(%run_scoped3A_36 : memref<!tpu.dma_semaphore, #tpu.memory_space<semaphore_mem>>) src(%dma_wait3A_46 : memref<80xi32, #tpu.memory_space<hbm>>) dst(%dma_wait3A_45 : memref<80xi32, #tpu.memory_space<vmem>>)
        tpu.yield
      }) : () -> ()
      %get3A = arith.constant 0 : index
      %get3A_27 = tpu.vector_load %arg7[%get3A] {strides = array<i32>} : memref<96xi32, #tpu.memory_space<vmem>>, vector<16xi32>,
      %slice3A = vector.extract_strided_slice %get3A_27 {offsets = [0], sizes = [1], strides = [1]} : vector<16xi32> to vector<1xi32>
      %squeeze3A = vector.extract %slice3A[0] : i32 from vector<1xi32>
      %get3A_28 = arith.constant 79 : index
      %get3A_29 = tpu.vector_load %arg7[%get3A_28] {strides = array<i32>} : memref<96xi32, #tpu.memory_space<vmem>>, vector<16xi32>,
      %slice3A_30 = vector.extract_strided_slice %get3A_29 {offsets = [0], sizes = [1], strides = [1]} : vector<16xi32> to vector<1xi32>
      %squeeze3A_31 = vector.extract %slice3A_30[0] : i32 from vector<1xi32>
      %eq3A = arith.cmpi eq, %squeeze3A, %squeeze3A_31 : i32
      %convert_element_type3A_32 = arith.extui %eq3A : i1 to i32
      %cond3A = arith.constant 0 : i32
      %cond3A_33 = arith.constant 0 : i32
      %cond3A_34 = arith.cmpi ne, %convert_element_type3A_32, %cond3A_33 : i32
      %cond3A_35 = scf.if %cond3A_34 -> (i32) {
        %broadcast_in_dim3A = arith.constant 0xFF800000 : f32
        %broadcast_in_dim3A_36 = vector.broadcast %broadcast_in_dim3A : f32 to vector<16xf32>
        %broadcast_in_dim3A_37 = arith.constant 0xFF800000 : f32
        %broadcast_in_dim3A_38 = vector.broadcast %broadcast_in_dim3A_37 : f32 to vector<16xf32>
        %broadcast_in_dim3A_39 = arith.constant 0xFF800000 : f32
        %broadcast_in_dim3A_40 = vector.broadcast %broadcast_in_dim3A_39 : f32 to vector<16xf32>
        %broadcast_in_dim3A_41 = arith.constant 0xFF800000 : f32
        %broadcast_in_dim3A_42 = vector.broadcast %broadcast_in_dim3A_41 : f32 to vector<16xf32>
        %broadcast_in_dim3A_43 = arith.constant 0xFF800000 : f32
        %broadcast_in_dim3A_44 = vector.broadcast %broadcast_in_dim3A_43 : f32 to vector<16xf32>
        %broadcast_in_dim3A_45 = arith.constant 0xFF800000 : f32
        %broadcast_in_dim3A_46 = vector.broadcast %broadcast_in_dim3A_45 : f32 to vector<16xf32>
        %broadcast_in_dim3A_47 = arith.constant 0xFF800000 : f32
        %broadcast_in_dim3A_48 = vector.broadcast %broadcast_in_dim3A_47 : f32 to vector<16xf32>
        %broadcast_in_dim3A_49 = arith.constant 0xFF800000 : f32
        %broadcast_in_dim3A_50 = vector.broadcast %broadcast_in_dim3A_49 : f32 to vector<16xf32>
        %broadcast_in_dim3A_51 = arith.constant 0xFF800000 : f32
        %broadcast_in_dim3A_52 = vector.broadcast %broadcast_in_dim3A_51 : f32 to vector<16xf32>
        %broadcast_in_dim3A_53 = arith.constant 0xFF800000 : f32
        %broadcast_in_dim3A_54 = vector.broadcast %broadcast_in_dim3A_53 : f32 to vector<16xf32>
        %broadcast_in_dim3A_55 = arith.constant 0xFF800000 : f32
        %broadcast_in_dim3A_56 = vector.broadcast %broadcast_in_dim3A_55 : f32 to vector<16xf32>
        %broadcast_in_dim3A_57 = arith.constant 0xFF800000 : f32
        %broadcast_in_dim3A_58 = vector.broadcast %broadcast_in_dim3A_57 : f32 to vector<16xf32>
        %broadcast_in_dim3A_59 = arith.constant 0xFF800000 : f32
        %broadcast_in_dim3A_60 = vector.broadcast %broadcast_in_dim3A_59 : f32 to vector<16xf32>
        %broadcast_in_dim3A_61 = arith.constant 0xFF800000 : f32
        %broadcast_in_dim3A_62 = vector.broadcast %broadcast_in_dim3A_61 : f32 to vector<16xf32>
        %broadcast_in_dim3A_63 = arith.constant 0xFF800000 : f32
        %broadcast_in_dim3A_64 = vector.broadcast %broadcast_in_dim3A_63 : f32 to vector<16xf32>
        %broadcast_in_dim3A_65 = arith.constant 0xFF800000 : f32
        %broadcast_in_dim3A_66 = vector.broadcast %broadcast_in_dim3A_65 : f32 to vector<16xf32>
        %broadcast_in_dim3A_67 = arith.constant 0xFF800000 : f32
        %broadcast_in_dim3A_68 = vector.broadcast %broadcast_in_dim3A_67 : f32 to vector<16xf32>
        %broadcast_in_dim3A_69 = arith.constant 0xFF800000 : f32
        %broadcast_in_dim3A_70 = vector.broadcast %broadcast_in_dim3A_69 : f32 to vector<16xf32>
        %broadcast_in_dim3A_71 = arith.constant 0xFF800000 : f32
        %broadcast_in_dim3A_72 = vector.broadcast %broadcast_in_dim3A_71 : f32 to vector<16xf32>
        %broadcast_in_dim3A_73 = arith.constant 0xFF800000 : f32
        %broadcast_in_dim3A_74 = vector.broadcast %broadcast_in_dim3A_73 : f32 to vector<16xf32>
        %broadcast_in_dim3A_75 = arith.constant 0xFF800000 : f32
        %broadcast_in_dim3A_76 = vector.broadcast %broadcast_in_dim3A_75 : f32 to vector<16xf32>
        %broadcast_in_dim3A_77 = arith.constant 0xFF800000 : f32
        %broadcast_in_dim3A_78 = vector.broadcast %broadcast_in_dim3A_77 : f32 to vector<16xf32>
        %broadcast_in_dim3A_79 = arith.constant 0xFF800000 : f32
        %broadcast_in_dim3A_80 = vector.broadcast %broadcast_in_dim3A_79 : f32 to vector<16xf32>
        %broadcast_in_dim3A_81 = arith.constant 0xFF800000 : f32
        %broadcast_in_dim3A_82 = vector.broadcast %broadcast_in_dim3A_81 : f32 to vector<16xf32>
        %broadcast_in_dim3A_83 = arith.constant 0xFF800000 : f32
        %broadcast_in_dim3A_84 = vector.broadcast %broadcast_in_dim3A_83 : f32 to vector<16xf32>
        %broadcast_in_dim3A_85 = arith.constant 0xFF800000 : f32
        %broadcast_in_dim3A_86 = vector.broadcast %broadcast_in_dim3A_85 : f32 to vector<16xf32>
        %broadcast_in_dim3A_87 = arith.constant 0xFF800000 : f32
        %broadcast_in_dim3A_88 = vector.broadcast %broadcast_in_dim3A_87 : f32 to vector<16xf32>
        %broadcast_in_dim3A_89 = arith.constant 0xFF800000 : f32
        %broadcast_in_dim3A_90 = vector.broadcast %broadcast_in_dim3A_89 : f32 to vector<16xf32>
        %broadcast_in_dim3A_91 = arith.constant 0xFF800000 : f32
        %broadcast_in_dim3A_92 = vector.broadcast %broadcast_in_dim3A_91 : f32 to vector<16xf32>
        %broadcast_in_dim3A_93 = arith.constant 0xFF800000 : f32
        %broadcast_in_dim3A_94 = vector.broadcast %broadcast_in_dim3A_93 : f32 to vector<16xf32>
        %broadcast_in_dim3A_95 = arith.constant 0xFF800000 : f32
        %broadcast_in_dim3A_96 = vector.broadcast %broadcast_in_dim3A_95 : f32 to vector<16xf32>
        %broadcast_in_dim3A_97 = arith.constant 0xFF800000 : f32
        %broadcast_in_dim3A_98 = vector.broadcast %broadcast_in_dim3A_97 : f32 to vector<16xf32>
        %scan3A_99 = arith.constant 0 : i32
        %scan3A_100 = arith.constant 80 : i32
        %scan3A_101 = arith.addi %scan3A_99, %scan3A_100 : i32
        %scan3A_102 = arith.constant 1 : i32
        %scan3A_103:32 = scf.for %scan3A_328 = %scan3A_99 to %scan3A_101 step %scan3A_102 iter_args(%scan3A_329 = %broadcast_in_dim3A_36, %scan3A_330 = %broadcast_in_dim3A_38, %scan3A_331 = %broadcast_in_dim3A_40, %scan3A_332 = %broadcast_in_dim3A_42, %scan3A_333 = %broadcast_in_dim3A_44, %scan3A_334 = %broadcast_in_dim3A_46, %scan3A_335 = %broadcast_in_dim3A_48, %scan3A_336 = %broadcast_in_dim3A_50, %scan3A_337 = %broadcast_in_dim3A_52, %scan3A_338 = %broadcast_in_dim3A_54, %scan3A_339 = %broadcast_in_dim3A_56, %scan3A_340 = %broadcast_in_dim3A_58, %scan3A_341 = %broadcast_in_dim3A_60, %scan3A_342 = %broadcast_in_dim3A_62, %scan3A_343 = %broadcast_in_dim3A_64, %scan3A_344 = %broadcast_in_dim3A_66, %scan3A_345 = %broadcast_in_dim3A_68, %scan3A_346 = %broadcast_in_dim3A_70, %scan3A_347 = %broadcast_in_dim3A_72, %scan3A_348 = %broadcast_in_dim3A_74, %scan3A_349 = %broadcast_in_dim3A_76, %scan3A_350 = %broadcast_in_dim3A_78, %scan3A_351 = %broadcast_in_dim3A_80, %scan3A_352 = %broadcast_in_dim3A_82, %scan3A_353 = %broadcast_in_dim3A_84, %scan3A_354 = %broadcast_in_dim3A_86, %scan3A_355 = %broadcast_in_dim3A_88, %scan3A_356 = %broadcast_in_dim3A_90, %scan3A_357 = %broadcast_in_dim3A_92, %scan3A_358 = %broadcast_in_dim3A_94, %scan3A_359 = %broadcast_in_dim3A_96, %scan3A_360 = %broadcast_in_dim3A_98) -> (vector<16xf32>, vector<16xf32>, vector<16xf32>, vector<16xf32>, vector<16xf32>, vector<16xf32>, vector<16xf32>, vector<16xf32>, vector<16xf32>, vector<16xf32>, vector<16xf32>, vector<16xf32>, vector<16xf32>, vector<16xf32>, vector<16xf32>, vector<16xf32>, vector<16xf32>, vector<16xf32>, vector<16xf32>, vector<16xf32>, vector<16xf32>, vector<16xf32>, vector<16xf32>, vector<16xf32>, vector<16xf32>, vector<16xf32>, vector<16xf32>, vector<16xf32>, vector<16xf32>, vector<16xf32>, vector<16xf32>, vector<16xf32>)  : i32 {
          %broadcast_in_dim3A_361 = arith.constant 0.000000e+00 : f32
          %broadcast_in_dim3A_362 = vector.broadcast %broadcast_in_dim3A_361 : f32 to vector<16xf32>
          %broadcast_in_dim3A_363 = arith.constant 0.000000e+00 : f32
          %broadcast_in_dim3A_364 = vector.broadcast %broadcast_in_dim3A_363 : f32 to vector<16xf32>
          %broadcast_in_dim3A_365 = arith.constant 0.000000e+00 : f32
          %broadcast_in_dim3A_366 = vector.broadcast %broadcast_in_dim3A_365 : f32 to vector<16xf32>
          %broadcast_in_dim3A_367 = arith.constant 0.000000e+00 : f32
          %broadcast_in_dim3A_368 = vector.broadcast %broadcast_in_dim3A_367 : f32 to vector<16xf32>
          %get3A_369 = arith.index_cast %scan3A_328 : i32 to index
          %get3A_370 = arith.constant 0 : index
          %get3A_371 = tpu.vector_load %arg6[%get3A_369, %get3A_370] {strides = array<i32>} : memref<80x512xf32, #tpu.memory_space<vmem>>, vector<16xf32>,
          %get3A_372 = arith.constant 0 : index
          %get3A_373 = tpu.vector_load %arg8[%get3A_372] {strides = array<i32>} : memref<512xf32, #tpu.memory_space<vmem>>, vector<16xf32>,
          %mul3A_374 = arith.mulf %get3A_371, %get3A_373 : vector<16xf32>
          %add3A_375 = arith.addf %broadcast_in_dim3A_362, %mul3A_374 : vector<16xf32>
          %get3A_376 = arith.index_cast %scan3A_328 : i32 to index
          %get3A_377 = arith.constant 16 : index
          %get3A_378 = tpu.vector_load %arg6[%get3A_376, %get3A_377] {strides = array<i32>} : memref<80x512xf32, #tpu.memory_space<vmem>>, vector<16xf32>,
          %get3A_379 = arith.constant 16 : index
          %get3A_380 = tpu.vector_load %arg8[%get3A_379] {strides = array<i32>} : memref<512xf32, #tpu.memory_space<vmem>>, vector<16xf32>,
          %mul3A_381 = arith.mulf %get3A_378, %get3A_380 : vector<16xf32>
          %add3A_382 = arith.addf %broadcast_in_dim3A_364, %mul3A_381 : vector<16xf32>
          %get3A_383 = arith.index_cast %scan3A_328 : i32 to index
          %get3A_384 = arith.constant 32 : index
          %get3A_385 = tpu.vector_load %arg6[%get3A_383, %get3A_384] {strides = array<i32>} : memref<80x512xf32, #tpu.memory_space<vmem>>, vector<16xf32>,
          %get3A_386 = arith.constant 32 : index
          %get3A_387 = tpu.vector_load %arg8[%get3A_386] {strides = array<i32>} : memref<512xf32, #tpu.memory_space<vmem>>, vector<16xf32>,
          %mul3A_388 = arith.mulf %get3A_385, %get3A_387 : vector<16xf32>
          %add3A_389 = arith.addf %broadcast_in_dim3A_366, %mul3A_388 : vector<16xf32>
          %get3A_390 = arith.index_cast %scan3A_328 : i32 to index
          %get3A_391 = arith.constant 48 : index
          %get3A_392 = tpu.vector_load %arg6[%get3A_390, %get3A_391] {strides = array<i32>} : memref<80x512xf32, #tpu.memory_space<vmem>>, vector<16xf32>,
          %get3A_393 = arith.constant 48 : index
          %get3A_394 = tpu.vector_load %arg8[%get3A_393] {strides = array<i32>} : memref<512xf32, #tpu.memory_space<vmem>>, vector<16xf32>,
          %mul3A_395 = arith.mulf %get3A_392, %get3A_394 : vector<16xf32>
          %add3A_396 = arith.addf %broadcast_in_dim3A_368, %mul3A_395 : vector<16xf32>
          %get3A_397 = arith.index_cast %scan3A_328 : i32 to index
          %get3A_398 = arith.constant 64 : index
          %get3A_399 = tpu.vector_load %arg6[%get3A_397, %get3A_398] {strides = array<i32>} : memref<80x512xf32, #tpu.memory_space<vmem>>, vector<16xf32>,
          %get3A_400 = arith.constant 64 : index
          %get3A_401 = tpu.vector_load %arg8[%get3A_400] {strides = array<i32>} : memref<512xf32, #tpu.memory_space<vmem>>, vector<16xf32>,
          %mul3A_402 = arith.mulf %get3A_399, %get3A_401 : vector<16xf32>
          %add3A_403 = arith.addf %add3A_375, %mul3A_402 : vector<16xf32>
          %get3A_404 = arith.index_cast %scan3A_328 : i32 to index
          %get3A_405 = arith.constant 80 : index
          %get3A_406 = tpu.vector_load %arg6[%get3A_404, %get3A_405] {strides = array<i32>} : memref<80x512xf32, #tpu.memory_space<vmem>>, vector<16xf32>,
          %get3A_407 = arith.constant 80 : index
          %get3A_408 = tpu.vector_load %arg8[%get3A_407] {strides = array<i32>} : memref<512xf32, #tpu.memory_space<vmem>>, vector<16xf32>,
          %mul3A_409 = arith.mulf %get3A_406, %get3A_408 : vector<16xf32>
          %add3A_410 = arith.addf %add3A_382, %mul3A_409 : vector<16xf32>
          %get3A_411 = arith.index_cast %scan3A_328 : i32 to index
          %get3A_412 = arith.constant 96 : index
          %get3A_413 = tpu.vector_load %arg6[%get3A_411, %get3A_412] {strides = array<i32>} : memref<80x512xf32, #tpu.memory_space<vmem>>, vector<16xf32>,
          %get3A_414 = arith.constant 96 : index
          %get3A_415 = tpu.vector_load %arg8[%get3A_414] {strides = array<i32>} : memref<512xf32, #tpu.memory_space<vmem>>, vector<16xf32>,
          %mul3A_416 = arith.mulf %get3A_413, %get3A_415 : vector<16xf32>
          %add3A_417 = arith.addf %add3A_389, %mul3A_416 : vector<16xf32>
          %get3A_418 = arith.index_cast %scan3A_328 : i32 to index
          %get3A_419 = arith.constant 112 : index
          %get3A_420 = tpu.vector_load %arg6[%get3A_418, %get3A_419] {strides = array<i32>} : memref<80x512xf32, #tpu.memory_space<vmem>>, vector<16xf32>,
          %get3A_421 = arith.constant 112 : index
          %get3A_422 = tpu.vector_load %arg8[%get3A_421] {strides = array<i32>} : memref<512xf32, #tpu.memory_space<vmem>>, vector<16xf32>,
          %mul3A_423 = arith.mulf %get3A_420, %get3A_422 : vector<16xf32>
          %add3A_424 = arith.addf %add3A_396, %mul3A_423 : vector<16xf32>
          %get3A_425 = arith.index_cast %scan3A_328 : i32 to index
          %get3A_426 = arith.constant 128 : index
          %get3A_427 = tpu.vector_load %arg6[%get3A_425, %get3A_426] {strides = array<i32>} : memref<80x512xf32, #tpu.memory_space<vmem>>, vector<16xf32>,
          %get3A_428 = arith.constant 128 : index
          %get3A_429 = tpu.vector_load %arg8[%get3A_428] {strides = array<i32>} : memref<512xf32, #tpu.memory_space<vmem>>, vector<16xf32>,
          %mul3A_430 = arith.mulf %get3A_427, %get3A_429 : vector<16xf32>
          %add3A_431 = arith.addf %add3A_403, %mul3A_430 : vector<16xf32>
          %get3A_432 = arith.index_cast %scan3A_328 : i32 to index
          %get3A_433 = arith.constant 144 : index
          %get3A_434 = tpu.vector_load %arg6[%get3A_432, %get3A_433] {strides = array<i32>} : memref<80x512xf32, #tpu.memory_space<vmem>>, vector<16xf32>,
          %get3A_435 = arith.constant 144 : index
          %get3A_436 = tpu.vector_load %arg8[%get3A_435] {strides = array<i32>} : memref<512xf32, #tpu.memory_space<vmem>>, vector<16xf32>,
          %mul3A_437 = arith.mulf %get3A_434, %get3A_436 : vector<16xf32>
          %add3A_438 = arith.addf %add3A_410, %mul3A_437 : vector<16xf32>
          %get3A_439 = arith.index_cast %scan3A_328 : i32 to index
          %get3A_440 = arith.constant 160 : index
          %get3A_441 = tpu.vector_load %arg6[%get3A_439, %get3A_440] {strides = array<i32>} : memref<80x512xf32, #tpu.memory_space<vmem>>, vector<16xf32>,
          %get3A_442 = arith.constant 160 : index
          %get3A_443 = tpu.vector_load %arg8[%get3A_442] {strides = array<i32>} : memref<512xf32, #tpu.memory_space<vmem>>, vector<16xf32>,
          %mul3A_444 = arith.mulf %get3A_441, %get3A_443 : vector<16xf32>
          %add3A_445 = arith.addf %add3A_417, %mul3A_444 : vector<16xf32>
          %get3A_446 = arith.index_cast %scan3A_328 : i32 to index
          %get3A_447 = arith.constant 176 : index
          %get3A_448 = tpu.vector_load %arg6[%get3A_446, %get3A_447] {strides = array<i32>} : memref<80x512xf32, #tpu.memory_space<vmem>>, vector<16xf32>,
          %get3A_449 = arith.constant 176 : index
          %get3A_450 = tpu.vector_load %arg8[%get3A_449] {strides = array<i32>} : memref<512xf32, #tpu.memory_space<vmem>>, vector<16xf32>,
          %mul3A_451 = arith.mulf %get3A_448, %get3A_450 : vector<16xf32>
          %add3A_452 = arith.addf %add3A_424, %mul3A_451 : vector<16xf32>
          %get3A_453 = arith.index_cast %scan3A_328 : i32 to index
          %get3A_454 = arith.constant 192 : index
          %get3A_455 = tpu.vector_load %arg6[%get3A_453, %get3A_454] {strides = array<i32>} : memref<80x512xf32, #tpu.memory_space<vmem>>, vector<16xf32>,
          %get3A_456 = arith.constant 192 : index
          %get3A_457 = tpu.vector_load %arg8[%get3A_456] {strides = array<i32>} : memref<512xf32, #tpu.memory_space<vmem>>, vector<16xf32>,
          %mul3A_458 = arith.mulf %get3A_455, %get3A_457 : vector<16xf32>
          %add3A_459 = arith.addf %add3A_431, %mul3A_458 : vector<16xf32>
          %get3A_460 = arith.index_cast %scan3A_328 : i32 to index
          %get3A_461 = arith.constant 208 : index
          %get3A_462 = tpu.vector_load %arg6[%get3A_460, %get3A_461] {strides = array<i32>} : memref<80x512xf32, #tpu.memory_space<vmem>>, vector<16xf32>,
          %get3A_463 = arith.constant 208 : index
          %get3A_464 = tpu.vector_load %arg8[%get3A_463] {strides = array<i32>} : memref<512xf32, #tpu.memory_space<vmem>>, vector<16xf32>,
          %mul3A_465 = arith.mulf %get3A_462, %get3A_464 : vector<16xf32>
          %add3A_466 = arith.addf %add3A_438, %mul3A_465 : vector<16xf32>
          %get3A_467 = arith.index_cast %scan3A_328 : i32 to index
          %get3A_468 = arith.constant 224 : index
          %get3A_469 = tpu.vector_load %arg6[%get3A_467, %get3A_468] {strides = array<i32>} : memref<80x512xf32, #tpu.memory_space<vmem>>, vector<16xf32>,
          %get3A_470 = arith.constant 224 : index
          %get3A_471 = tpu.vector_load %arg8[%get3A_470] {strides = array<i32>} : memref<512xf32, #tpu.memory_space<vmem>>, vector<16xf32>,
          %mul3A_472 = arith.mulf %get3A_469, %get3A_471 : vector<16xf32>
          %add3A_473 = arith.addf %add3A_445, %mul3A_472 : vector<16xf32>
          %get3A_474 = arith.index_cast %scan3A_328 : i32 to index
          %get3A_475 = arith.constant 240 : index
          %get3A_476 = tpu.vector_load %arg6[%get3A_474, %get3A_475] {strides = array<i32>} : memref<80x512xf32, #tpu.memory_space<vmem>>, vector<16xf32>,
          %get3A_477 = arith.constant 240 : index
          %get3A_478 = tpu.vector_load %arg8[%get3A_477] {strides = array<i32>} : memref<512xf32, #tpu.memory_space<vmem>>, vector<16xf32>,
          %mul3A_479 = arith.mulf %get3A_476, %get3A_478 : vector<16xf32>
          %add3A_480 = arith.addf %add3A_452, %mul3A_479 : vector<16xf32>
          %get3A_481 = arith.index_cast %scan3A_328 : i32 to index
          %get3A_482 = arith.constant 256 : index
          %get3A_483 = tpu.vector_load %arg6[%get3A_481, %get3A_482] {strides = array<i32>} : memref<80x512xf32, #tpu.memory_space<vmem>>, vector<16xf32>,
          %get3A_484 = arith.constant 256 : index
          %get3A_485 = tpu.vector_load %arg8[%get3A_484] {strides = array<i32>} : memref<512xf32, #tpu.memory_space<vmem>>, vector<16xf32>,
          %mul3A_486 = arith.mulf %get3A_483, %get3A_485 : vector<16xf32>
          %add3A_487 = arith.addf %add3A_459, %mul3A_486 : vector<16xf32>
          %get3A_488 = arith.index_cast %scan3A_328 : i32 to index
          %get3A_489 = arith.constant 272 : index
          %get3A_490 = tpu.vector_load %arg6[%get3A_488, %get3A_489] {strides = array<i32>} : memref<80x512xf32, #tpu.memory_space<vmem>>, vector<16xf32>,
          %get3A_491 = arith.constant 272 : index
          %get3A_492 = tpu.vector_load %arg8[%get3A_491] {strides = array<i32>} : memref<512xf32, #tpu.memory_space<vmem>>, vector<16xf32>,
          %mul3A_493 = arith.mulf %get3A_490, %get3A_492 : vector<16xf32>
          %add3A_494 = arith.addf %add3A_466, %mul3A_493 : vector<16xf32>
          %get3A_495 = arith.index_cast %scan3A_328 : i32 to index
          %get3A_496 = arith.constant 288 : index
          %get3A_497 = tpu.vector_load %arg6[%get3A_495, %get3A_496] {strides = array<i32>} : memref<80x512xf32, #tpu.memory_space<vmem>>, vector<16xf32>,
          %get3A_498 = arith.constant 288 : index
          %get3A_499 = tpu.vector_load %arg8[%get3A_498] {strides = array<i32>} : memref<512xf32, #tpu.memory_space<vmem>>, vector<16xf32>,
          %mul3A_500 = arith.mulf %get3A_497, %get3A_499 : vector<16xf32>
          %add3A_501 = arith.addf %add3A_473, %mul3A_500 : vector<16xf32>
          %get3A_502 = arith.index_cast %scan3A_328 : i32 to index
          %get3A_503 = arith.constant 304 : index
          %get3A_504 = tpu.vector_load %arg6[%get3A_502, %get3A_503] {strides = array<i32>} : memref<80x512xf32, #tpu.memory_space<vmem>>, vector<16xf32>,
          %get3A_505 = arith.constant 304 : index
          %get3A_506 = tpu.vector_load %arg8[%get3A_505] {strides = array<i32>} : memref<512xf32, #tpu.memory_space<vmem>>, vector<16xf32>,
          %mul3A_507 = arith.mulf %get3A_504, %get3A_506 : vector<16xf32>
          %add3A_508 = arith.addf %add3A_480, %mul3A_507 : vector<16xf32>
          %get3A_509 = arith.index_cast %scan3A_328 : i32 to index
          %get3A_510 = arith.constant 320 : index
          %get3A_511 = tpu.vector_load %arg6[%get3A_509, %get3A_510] {strides = array<i32>} : memref<80x512xf32, #tpu.memory_space<vmem>>, vector<16xf32>,
          %get3A_512 = arith.constant 320 : index
          %get3A_513 = tpu.vector_load %arg8[%get3A_512] {strides = array<i32>} : memref<512xf32, #tpu.memory_space<vmem>>, vector<16xf32>,
          %mul3A_514 = arith.mulf %get3A_511, %get3A_513 : vector<16xf32>
          %add3A_515 = arith.addf %add3A_487, %mul3A_514 : vector<16xf32>
          %get3A_516 = arith.index_cast %scan3A_328 : i32 to index
          %get3A_517 = arith.constant 336 : index
          %get3A_518 = tpu.vector_load %arg6[%get3A_516, %get3A_517] {strides = array<i32>} : memref<80x512xf32, #tpu.memory_space<vmem>>, vector<16xf32>,
          %get3A_519 = arith.constant 336 : index
          %get3A_520 = tpu.vector_load %arg8[%get3A_519] {strides = array<i32>} : memref<512xf32, #tpu.memory_space<vmem>>, vector<16xf32>,
          %mul3A_521 = arith.mulf %get3A_518, %get3A_520 : vector<16xf32>
          %add3A_522 = arith.addf %add3A_494, %mul3A_521 : vector<16xf32>
          %get3A_523 = arith.index_cast %scan3A_328 : i32 to index
          %get3A_524 = arith.constant 352 : index
          %get3A_525 = tpu.vector_load %arg6[%get3A_523, %get3A_524] {strides = array<i32>} : memref<80x512xf32, #tpu.memory_space<vmem>>, vector<16xf32>,
          %get3A_526 = arith.constant 352 : index
          %get3A_527 = tpu.vector_load %arg8[%get3A_526] {strides = array<i32>} : memref<512xf32, #tpu.memory_space<vmem>>, vector<16xf32>,
          %mul3A_528 = arith.mulf %get3A_525, %get3A_527 : vector<16xf32>
          %add3A_529 = arith.addf %add3A_501, %mul3A_528 : vector<16xf32>
          %get3A_530 = arith.index_cast %scan3A_328 : i32 to index
          %get3A_531 = arith.constant 368 : index
          %get3A_532 = tpu.vector_load %arg6[%get3A_530, %get3A_531] {strides = array<i32>} : memref<80x512xf32, #tpu.memory_space<vmem>>, vector<16xf32>,
          %get3A_533 = arith.constant 368 : index
          %get3A_534 = tpu.vector_load %arg8[%get3A_533] {strides = array<i32>} : memref<512xf32, #tpu.memory_space<vmem>>, vector<16xf32>,
          %mul3A_535 = arith.mulf %get3A_532, %get3A_534 : vector<16xf32>
          %add3A_536 = arith.addf %add3A_508, %mul3A_535 : vector<16xf32>
          %get3A_537 = arith.index_cast %scan3A_328 : i32 to index
          %get3A_538 = arith.constant 384 : index
          %get3A_539 = tpu.vector_load %arg6[%get3A_537, %get3A_538] {strides = array<i32>} : memref<80x512xf32, #tpu.memory_space<vmem>>, vector<16xf32>,
          %get3A_540 = arith.constant 384 : index
          %get3A_541 = tpu.vector_load %arg8[%get3A_540] {strides = array<i32>} : memref<512xf32, #tpu.memory_space<vmem>>, vector<16xf32>,
          %mul3A_542 = arith.mulf %get3A_539, %get3A_541 : vector<16xf32>
          %add3A_543 = arith.addf %add3A_515, %mul3A_542 : vector<16xf32>
          %get3A_544 = arith.index_cast %scan3A_328 : i32 to index
          %get3A_545 = arith.constant 400 : index
          %get3A_546 = tpu.vector_load %arg6[%get3A_544, %get3A_545] {strides = array<i32>} : memref<80x512xf32, #tpu.memory_space<vmem>>, vector<16xf32>,
          %get3A_547 = arith.constant 400 : index
          %get3A_548 = tpu.vector_load %arg8[%get3A_547] {strides = array<i32>} : memref<512xf32, #tpu.memory_space<vmem>>, vector<16xf32>,
          %mul3A_549 = arith.mulf %get3A_546, %get3A_548 : vector<16xf32>
          %add3A_550 = arith.addf %add3A_522, %mul3A_549 : vector<16xf32>
          %get3A_551 = arith.index_cast %scan3A_328 : i32 to index
          %get3A_552 = arith.constant 416 : index
          %get3A_553 = tpu.vector_load %arg6[%get3A_551, %get3A_552] {strides = array<i32>} : memref<80x512xf32, #tpu.memory_space<vmem>>, vector<16xf32>,
          %get3A_554 = arith.constant 416 : index
          %get3A_555 = tpu.vector_load %arg8[%get3A_554] {strides = array<i32>} : memref<512xf32, #tpu.memory_space<vmem>>, vector<16xf32>,
          %mul3A_556 = arith.mulf %get3A_553, %get3A_555 : vector<16xf32>
          %add3A_557 = arith.addf %add3A_529, %mul3A_556 : vector<16xf32>
          %get3A_558 = arith.index_cast %scan3A_328 : i32 to index
          %get3A_559 = arith.constant 432 : index
          %get3A_560 = tpu.vector_load %arg6[%get3A_558, %get3A_559] {strides = array<i32>} : memref<80x512xf32, #tpu.memory_space<vmem>>, vector<16xf32>,
          %get3A_561 = arith.constant 432 : index
          %get3A_562 = tpu.vector_load %arg8[%get3A_561] {strides = array<i32>} : memref<512xf32, #tpu.memory_space<vmem>>, vector<16xf32>,
          %mul3A_563 = arith.mulf %get3A_560, %get3A_562 : vector<16xf32>
          %add3A_564 = arith.addf %add3A_536, %mul3A_563 : vector<16xf32>
          %get3A_565 = arith.index_cast %scan3A_328 : i32 to index
          %get3A_566 = arith.constant 448 : index
          %get3A_567 = tpu.vector_load %arg6[%get3A_565, %get3A_566] {strides = array<i32>} : memref<80x512xf32, #tpu.memory_space<vmem>>, vector<16xf32>,
          %get3A_568 = arith.constant 448 : index
          %get3A_569 = tpu.vector_load %arg8[%get3A_568] {strides = array<i32>} : memref<512xf32, #tpu.memory_space<vmem>>, vector<16xf32>,
          %mul3A_570 = arith.mulf %get3A_567, %get3A_569 : vector<16xf32>
          %add3A_571 = arith.addf %add3A_543, %mul3A_570 : vector<16xf32>
          %get3A_572 = arith.index_cast %scan3A_328 : i32 to index
          %get3A_573 = arith.constant 464 : index
          %get3A_574 = tpu.vector_load %arg6[%get3A_572, %get3A_573] {strides = array<i32>} : memref<80x512xf32, #tpu.memory_space<vmem>>, vector<16xf32>,
          %get3A_575 = arith.constant 464 : index
          %get3A_576 = tpu.vector_load %arg8[%get3A_575] {strides = array<i32>} : memref<512xf32, #tpu.memory_space<vmem>>, vector<16xf32>,
          %mul3A_577 = arith.mulf %get3A_574, %get3A_576 : vector<16xf32>
          %add3A_578 = arith.addf %add3A_550, %mul3A_577 : vector<16xf32>
          %get3A_579 = arith.index_cast %scan3A_328 : i32 to index
          %get3A_580 = arith.constant 480 : index
          %get3A_581 = tpu.vector_load %arg6[%get3A_579, %get3A_580] {strides = array<i32>} : memref<80x512xf32, #tpu.memory_space<vmem>>, vector<16xf32>,
          %get3A_582 = arith.constant 480 : index
          %get3A_583 = tpu.vector_load %arg8[%get3A_582] {strides = array<i32>} : memref<512xf32, #tpu.memory_space<vmem>>, vector<16xf32>,
          %mul3A_584 = arith.mulf %get3A_581, %get3A_583 : vector<16xf32>
          %add3A_585 = arith.addf %add3A_557, %mul3A_584 : vector<16xf32>
          %get3A_586 = arith.index_cast %scan3A_328 : i32 to index
          %get3A_587 = arith.constant 496 : index
          %get3A_588 = tpu.vector_load %arg6[%get3A_586, %get3A_587] {strides = array<i32>} : memref<80x512xf32, #tpu.memory_space<vmem>>, vector<16xf32>,
          %get3A_589 = arith.constant 496 : index
          %get3A_590 = tpu.vector_load %arg8[%get3A_589] {strides = array<i32>} : memref<512xf32, #tpu.memory_space<vmem>>, vector<16xf32>,
          %mul3A_591 = arith.mulf %get3A_588, %get3A_590 : vector<16xf32>
          %add3A_592 = arith.addf %add3A_564, %mul3A_591 : vector<16xf32>
          %add3A_593 = arith.addf %add3A_571, %add3A_578 : vector<16xf32>
          %add3A_594 = arith.addf %add3A_585, %add3A_592 : vector<16xf32>
          %add3A_595 = arith.addf %add3A_593, %add3A_594 : vector<16xf32>
          %broadcast_in_dim3A_596 = arith.constant true
          %broadcast_in_dim3A_597 = vector.broadcast %broadcast_in_dim3A_596 : i1 to vector<16xi1>
          %masked_cumsum3A = tpu.scan <sum>, %add3A_595 masked %broadcast_in_dim3A_597 : vector<16xf32>, vector<16xi1> -> vector<16xf32>
          %slice3A_598 = vector.extract_strided_slice %masked_cumsum3A {offsets = [15], sizes = [1], strides = [1]} : vector<16xf32> to vector<1xf32>
          %squeeze3A_599 = vector.extract %slice3A_598[0] : f32 from vector<1xf32>
          %broadcast_in_dim3A_600 = vector.broadcast %squeeze3A_599 : f32 to vector<16xf32>
          %neg3A = arith.constant 0.000000e+00 : f32
          %neg3A_601 = vector.broadcast %neg3A : f32 to vector<16xf32>
          %neg3A_602 = arith.subf %neg3A_601, %broadcast_in_dim3A_600 : vector<16xf32>
          %exp3A = math.exp %neg3A_602 : vector<16xf32>
          %add3A_603 = arith.constant 1.000000e+00 : f32
          %add3A_604 = vector.broadcast %add3A_603 : f32 to vector<16xf32>
          %add3A_605 = arith.addf %add3A_604, %exp3A : vector<16xf32>
          %div3A = arith.constant 1.000000e+00 : f32
          %div3A_606 = vector.broadcast %div3A : f32 to vector<16xf32>
          %div3A_607 = arith.divf %div3A_606, %add3A_605 : vector<16xf32>
          %add3A_608 = arith.constant 1.000000e+00 : f32
          %add3A_609 = vector.broadcast %add3A_608 : f32 to vector<16xf32>
          %add3A_610 = arith.addf %div3A_607, %add3A_609 : vector<16xf32>
          %mul3A_611 = arith.constant 5.000000e-01 : f32
          %mul3A_612 = vector.broadcast %mul3A_611 : f32 to vector<16xf32>
          %mul3A_613 = arith.mulf %add3A_610, %mul3A_612 : vector<16xf32>
          %get3A_614 = arith.index_cast %scan3A_328 : i32 to index
          %get3A_615 = arith.constant 0 : index
          %get3A_616 = tpu.vector_load %arg6[%get3A_614, %get3A_615] {strides = array<i32>} : memref<80x512xf32, #tpu.memory_space<vmem>>, vector<16xf32>,
          %mul3A_617 = arith.mulf %get3A_616, %mul3A_613 : vector<16xf32>
          %max3A_618 = arith.maximumf %scan3A_329, %mul3A_617 : vector<16xf32>
          %get3A_619 = arith.index_cast %scan3A_328 : i32 to index
          %get3A_620 = arith.constant 16 : index
          %get3A_621 = tpu.vector_load %arg6[%get3A_619, %get3A_620] {strides = array<i32>} : memref<80x512xf32, #tpu.memory_space<vmem>>, vector<16xf32>,
          %mul3A_622 = arith.mulf %get3A_621, %mul3A_613 : vector<16xf32>
          %max3A_623 = arith.maximumf %scan3A_330, %mul3A_622 : vector<16xf32>
          %get3A_624 = arith.index_cast %scan3A_328 : i32 to index
          %get3A_625 = arith.constant 32 : index
          %get3A_626 = tpu.vector_load %arg6[%get3A_624, %get3A_625] {strides = array<i32>} : memref<80x512xf32, #tpu.memory_space<vmem>>, vector<16xf32>,
          %mul3A_627 = arith.mulf %get3A_626, %mul3A_613 : vector<16xf32>
          %max3A_628 = arith.maximumf %scan3A_331, %mul3A_627 : vector<16xf32>
          %get3A_629 = arith.index_cast %scan3A_328 : i32 to index
          %get3A_630 = arith.constant 48 : index
          %get3A_631 = tpu.vector_load %arg6[%get3A_629, %get3A_630] {strides = array<i32>} : memref<80x512xf32, #tpu.memory_space<vmem>>, vector<16xf32>,
          %mul3A_632 = arith.mulf %get3A_631, %mul3A_613 : vector<16xf32>
          %max3A_633 = arith.maximumf %scan3A_332, %mul3A_632 : vector<16xf32>
          %get3A_634 = arith.index_cast %scan3A_328 : i32 to index
          %get3A_635 = arith.constant 64 : index
          %get3A_636 = tpu.vector_load %arg6[%get3A_634, %get3A_635] {strides = array<i32>} : memref<80x512xf32, #tpu.memory_space<vmem>>, vector<16xf32>,
          %mul3A_637 = arith.mulf %get3A_636, %mul3A_613 : vector<16xf32>
          %max3A_638 = arith.maximumf %scan3A_333, %mul3A_637 : vector<16xf32>
          %get3A_639 = arith.index_cast %scan3A_328 : i32 to index
          %get3A_640 = arith.constant 80 : index
          %get3A_641 = tpu.vector_load %arg6[%get3A_639, %get3A_640] {strides = array<i32>} : memref<80x512xf32, #tpu.memory_space<vmem>>, vector<16xf32>,
          %mul3A_642 = arith.mulf %get3A_641, %mul3A_613 : vector<16xf32>
          %max3A_643 = arith.maximumf %scan3A_334, %mul3A_642 : vector<16xf32>
          %get3A_644 = arith.index_cast %scan3A_328 : i32 to index
          %get3A_645 = arith.constant 96 : index
          %get3A_646 = tpu.vector_load %arg6[%get3A_644, %get3A_645] {strides = array<i32>} : memref<80x512xf32, #tpu.memory_space<vmem>>, vector<16xf32>,
          %mul3A_647 = arith.mulf %get3A_646, %mul3A_613 : vector<16xf32>
          %max3A_648 = arith.maximumf %scan3A_335, %mul3A_647 : vector<16xf32>
          %get3A_649 = arith.index_cast %scan3A_328 : i32 to index
          %get3A_650 = arith.constant 112 : index
          %get3A_651 = tpu.vector_load %arg6[%get3A_649, %get3A_650] {strides = array<i32>} : memref<80x512xf32, #tpu.memory_space<vmem>>, vector<16xf32>,
          %mul3A_652 = arith.mulf %get3A_651, %mul3A_613 : vector<16xf32>
          %max3A_653 = arith.maximumf %scan3A_336, %mul3A_652 : vector<16xf32>
          %get3A_654 = arith.index_cast %scan3A_328 : i32 to index
          %get3A_655 = arith.constant 128 : index
          %get3A_656 = tpu.vector_load %arg6[%get3A_654, %get3A_655] {strides = array<i32>} : memref<80x512xf32, #tpu.memory_space<vmem>>, vector<16xf32>,
          %mul3A_657 = arith.mulf %get3A_656, %mul3A_613 : vector<16xf32>
          %max3A_658 = arith.maximumf %scan3A_337, %mul3A_657 : vector<16xf32>
          %get3A_659 = arith.index_cast %scan3A_328 : i32 to index
          %get3A_660 = arith.constant 144 : index
          %get3A_661 = tpu.vector_load %arg6[%get3A_659, %get3A_660] {strides = array<i32>} : memref<80x512xf32, #tpu.memory_space<vmem>>, vector<16xf32>,
          %mul3A_662 = arith.mulf %get3A_661, %mul3A_613 : vector<16xf32>
          %max3A_663 = arith.maximumf %scan3A_338, %mul3A_662 : vector<16xf32>
          %get3A_664 = arith.index_cast %scan3A_328 : i32 to index
          %get3A_665 = arith.constant 160 : index
          %get3A_666 = tpu.vector_load %arg6[%get3A_664, %get3A_665] {strides = array<i32>} : memref<80x512xf32, #tpu.memory_space<vmem>>, vector<16xf32>,
          %mul3A_667 = arith.mulf %get3A_666, %mul3A_613 : vector<16xf32>
          %max3A_668 = arith.maximumf %scan3A_339, %mul3A_667 : vector<16xf32>
          %get3A_669 = arith.index_cast %scan3A_328 : i32 to index
          %get3A_670 = arith.constant 176 : index
          %get3A_671 = tpu.vector_load %arg6[%get3A_669, %get3A_670] {strides = array<i32>} : memref<80x512xf32, #tpu.memory_space<vmem>>, vector<16xf32>,
          %mul3A_672 = arith.mulf %get3A_671, %mul3A_613 : vector<16xf32>
          %max3A_673 = arith.maximumf %scan3A_340, %mul3A_672 : vector<16xf32>
          %get3A_674 = arith.index_cast %scan3A_328 : i32 to index
          %get3A_675 = arith.constant 192 : index
          %get3A_676 = tpu.vector_load %arg6[%get3A_674, %get3A_675] {strides = array<i32>} : memref<80x512xf32, #tpu.memory_space<vmem>>, vector<16xf32>,
          %mul3A_677 = arith.mulf %get3A_676, %mul3A_613 : vector<16xf32>
          %max3A_678 = arith.maximumf %scan3A_341, %mul3A_677 : vector<16xf32>
          %get3A_679 = arith.index_cast %scan3A_328 : i32 to index
          %get3A_680 = arith.constant 208 : index
          %get3A_681 = tpu.vector_load %arg6[%get3A_679, %get3A_680] {strides = array<i32>} : memref<80x512xf32, #tpu.memory_space<vmem>>, vector<16xf32>,
          %mul3A_682 = arith.mulf %get3A_681, %mul3A_613 : vector<16xf32>
          %max3A_683 = arith.maximumf %scan3A_342, %mul3A_682 : vector<16xf32>
          %get3A_684 = arith.index_cast %scan3A_328 : i32 to index
          %get3A_685 = arith.constant 224 : index
          %get3A_686 = tpu.vector_load %arg6[%get3A_684, %get3A_685] {strides = array<i32>} : memref<80x512xf32, #tpu.memory_space<vmem>>, vector<16xf32>,
          %mul3A_687 = arith.mulf %get3A_686, %mul3A_613 : vector<16xf32>
          %max3A_688 = arith.maximumf %scan3A_343, %mul3A_687 : vector<16xf32>
          %get3A_689 = arith.index_cast %scan3A_328 : i32 to index
          %get3A_690 = arith.constant 240 : index
          %get3A_691 = tpu.vector_load %arg6[%get3A_689, %get3A_690] {strides = array<i32>} : memref<80x512xf32, #tpu.memory_space<vmem>>, vector<16xf32>,
          %mul3A_692 = arith.mulf %get3A_691, %mul3A_613 : vector<16xf32>
          %max3A_693 = arith.maximumf %scan3A_344, %mul3A_692 : vector<16xf32>
          %get3A_694 = arith.index_cast %scan3A_328 : i32 to index
          %get3A_695 = arith.constant 256 : index
          %get3A_696 = tpu.vector_load %arg6[%get3A_694, %get3A_695] {strides = array<i32>} : memref<80x512xf32, #tpu.memory_space<vmem>>, vector<16xf32>,
          %mul3A_697 = arith.mulf %get3A_696, %mul3A_613 : vector<16xf32>
          %max3A_698 = arith.maximumf %scan3A_345, %mul3A_697 : vector<16xf32>
          %get3A_699 = arith.index_cast %scan3A_328 : i32 to index
          %get3A_700 = arith.constant 272 : index
          %get3A_701 = tpu.vector_load %arg6[%get3A_699, %get3A_700] {strides = array<i32>} : memref<80x512xf32, #tpu.memory_space<vmem>>, vector<16xf32>,
          %mul3A_702 = arith.mulf %get3A_701, %mul3A_613 : vector<16xf32>
          %max3A_703 = arith.maximumf %scan3A_346, %mul3A_702 : vector<16xf32>
          %get3A_704 = arith.index_cast %scan3A_328 : i32 to index
          %get3A_705 = arith.constant 288 : index
          %get3A_706 = tpu.vector_load %arg6[%get3A_704, %get3A_705] {strides = array<i32>} : memref<80x512xf32, #tpu.memory_space<vmem>>, vector<16xf32>,
          %mul3A_707 = arith.mulf %get3A_706, %mul3A_613 : vector<16xf32>
          %max3A_708 = arith.maximumf %scan3A_347, %mul3A_707 : vector<16xf32>
          %get3A_709 = arith.index_cast %scan3A_328 : i32 to index
          %get3A_710 = arith.constant 304 : index
          %get3A_711 = tpu.vector_load %arg6[%get3A_709, %get3A_710] {strides = array<i32>} : memref<80x512xf32, #tpu.memory_space<vmem>>, vector<16xf32>,
          %mul3A_712 = arith.mulf %get3A_711, %mul3A_613 : vector<16xf32>
          %max3A_713 = arith.maximumf %scan3A_348, %mul3A_712 : vector<16xf32>
          %get3A_714 = arith.index_cast %scan3A_328 : i32 to index
          %get3A_715 = arith.constant 320 : index
          %get3A_716 = tpu.vector_load %arg6[%get3A_714, %get3A_715] {strides = array<i32>} : memref<80x512xf32, #tpu.memory_space<vmem>>, vector<16xf32>,
          %mul3A_717 = arith.mulf %get3A_716, %mul3A_613 : vector<16xf32>
          %max3A_718 = arith.maximumf %scan3A_349, %mul3A_717 : vector<16xf32>
          %get3A_719 = arith.index_cast %scan3A_328 : i32 to index
          %get3A_720 = arith.constant 336 : index
          %get3A_721 = tpu.vector_load %arg6[%get3A_719, %get3A_720] {strides = array<i32>} : memref<80x512xf32, #tpu.memory_space<vmem>>, vector<16xf32>,
          %mul3A_722 = arith.mulf %get3A_721, %mul3A_613 : vector<16xf32>
          %max3A_723 = arith.maximumf %scan3A_350, %mul3A_722 : vector<16xf32>
          %get3A_724 = arith.index_cast %scan3A_328 : i32 to index
          %get3A_725 = arith.constant 352 : index
          %get3A_726 = tpu.vector_load %arg6[%get3A_724, %get3A_725] {strides = array<i32>} : memref<80x512xf32, #tpu.memory_space<vmem>>, vector<16xf32>,
          %mul3A_727 = arith.mulf %get3A_726, %mul3A_613 : vector<16xf32>
          %max3A_728 = arith.maximumf %scan3A_351, %mul3A_727 : vector<16xf32>
          %get3A_729 = arith.index_cast %scan3A_328 : i32 to index
          %get3A_730 = arith.constant 368 : index
          %get3A_731 = tpu.vector_load %arg6[%get3A_729, %get3A_730] {strides = array<i32>} : memref<80x512xf32, #tpu.memory_space<vmem>>, vector<16xf32>,
          %mul3A_732 = arith.mulf %get3A_731, %mul3A_613 : vector<16xf32>
          %max3A_733 = arith.maximumf %scan3A_352, %mul3A_732 : vector<16xf32>
          %get3A_734 = arith.index_cast %scan3A_328 : i32 to index
          %get3A_735 = arith.constant 384 : index
          %get3A_736 = tpu.vector_load %arg6[%get3A_734, %get3A_735] {strides = array<i32>} : memref<80x512xf32, #tpu.memory_space<vmem>>, vector<16xf32>,
          %mul3A_737 = arith.mulf %get3A_736, %mul3A_613 : vector<16xf32>
          %max3A_738 = arith.maximumf %scan3A_353, %mul3A_737 : vector<16xf32>
          %get3A_739 = arith.index_cast %scan3A_328 : i32 to index
          %get3A_740 = arith.constant 400 : index
          %get3A_741 = tpu.vector_load %arg6[%get3A_739, %get3A_740] {strides = array<i32>} : memref<80x512xf32, #tpu.memory_space<vmem>>, vector<16xf32>,
          %mul3A_742 = arith.mulf %get3A_741, %mul3A_613 : vector<16xf32>
          %max3A_743 = arith.maximumf %scan3A_354, %mul3A_742 : vector<16xf32>
          %get3A_744 = arith.index_cast %scan3A_328 : i32 to index
          %get3A_745 = arith.constant 416 : index
          %get3A_746 = tpu.vector_load %arg6[%get3A_744, %get3A_745] {strides = array<i32>} : memref<80x512xf32, #tpu.memory_space<vmem>>, vector<16xf32>,
          %mul3A_747 = arith.mulf %get3A_746, %mul3A_613 : vector<16xf32>
          %max3A_748 = arith.maximumf %scan3A_355, %mul3A_747 : vector<16xf32>
          %get3A_749 = arith.index_cast %scan3A_328 : i32 to index
          %get3A_750 = arith.constant 432 : index
          %get3A_751 = tpu.vector_load %arg6[%get3A_749, %get3A_750] {strides = array<i32>} : memref<80x512xf32, #tpu.memory_space<vmem>>, vector<16xf32>,
          %mul3A_752 = arith.mulf %get3A_751, %mul3A_613 : vector<16xf32>
          %max3A_753 = arith.maximumf %scan3A_356, %mul3A_752 : vector<16xf32>
          %get3A_754 = arith.index_cast %scan3A_328 : i32 to index
          %get3A_755 = arith.constant 448 : index
          %get3A_756 = tpu.vector_load %arg6[%get3A_754, %get3A_755] {strides = array<i32>} : memref<80x512xf32, #tpu.memory_space<vmem>>, vector<16xf32>,
          %mul3A_757 = arith.mulf %get3A_756, %mul3A_613 : vector<16xf32>
          %max3A_758 = arith.maximumf %scan3A_357, %mul3A_757 : vector<16xf32>
          %get3A_759 = arith.index_cast %scan3A_328 : i32 to index
          %get3A_760 = arith.constant 464 : index
          %get3A_761 = tpu.vector_load %arg6[%get3A_759, %get3A_760] {strides = array<i32>} : memref<80x512xf32, #tpu.memory_space<vmem>>, vector<16xf32>,
          %mul3A_762 = arith.mulf %get3A_761, %mul3A_613 : vector<16xf32>
          %max3A_763 = arith.maximumf %scan3A_358, %mul3A_762 : vector<16xf32>
          %get3A_764 = arith.index_cast %scan3A_328 : i32 to index
          %get3A_765 = arith.constant 480 : index
          %get3A_766 = tpu.vector_load %arg6[%get3A_764, %get3A_765] {strides = array<i32>} : memref<80x512xf32, #tpu.memory_space<vmem>>, vector<16xf32>,
          %mul3A_767 = arith.mulf %get3A_766, %mul3A_613 : vector<16xf32>
          %max3A_768 = arith.maximumf %scan3A_359, %mul3A_767 : vector<16xf32>
          %get3A_769 = arith.index_cast %scan3A_328 : i32 to index
          %get3A_770 = arith.constant 496 : index
          %get3A_771 = tpu.vector_load %arg6[%get3A_769, %get3A_770] {strides = array<i32>} : memref<80x512xf32, #tpu.memory_space<vmem>>, vector<16xf32>,
          %mul3A_772 = arith.mulf %get3A_771, %mul3A_613 : vector<16xf32>
          %max3A_773 = arith.maximumf %scan3A_360, %mul3A_772 : vector<16xf32>
          scf.yield %max3A_618, %max3A_623, %max3A_628, %max3A_633, %max3A_638, %max3A_643, %max3A_648, %max3A_653, %max3A_658, %max3A_663, %max3A_668, %max3A_673, %max3A_678, %max3A_683, %max3A_688, %max3A_693, %max3A_698, %max3A_703, %max3A_708, %max3A_713, %max3A_718, %max3A_723, %max3A_728, %max3A_733, %max3A_738, %max3A_743, %max3A_748, %max3A_753, %max3A_758, %max3A_763, %max3A_768, %max3A_773 : vector<16xf32>, vector<16xf32>, vector<16xf32>, vector<16xf32>, vector<16xf32>, vector<16xf32>, vector<16xf32>, vector<16xf32>, vector<16xf32>, vector<16xf32>, vector<16xf32>, vector<16xf32>, vector<16xf32>, vector<16xf32>, vector<16xf32>, vector<16xf32>, vector<16xf32>, vector<16xf32>, vector<16xf32>, vector<16xf32>, vector<16xf32>, vector<16xf32>, vector<16xf32>, vector<16xf32>, vector<16xf32>, vector<16xf32>, vector<16xf32>, vector<16xf32>, vector<16xf32>, vector<16xf32>, vector<16xf32>, vector<16xf32>
        }
        %scan3A_104 = arith.constant 80 : i32
        %get3A_105 = arith.index_cast %squeeze3A : i32 to index
        %get3A_106 = arith.constant 0 : index
        %get3A_107 = tpu.vector_load %arg9[%get3A_105, %get3A_106] {strides = array<i32>} : memref<64x512xf32, #tpu.memory_space<vmem>>, vector<16xf32>,
        %max3A = arith.maximumf %get3A_107, %scan3A_103#0 : vector<16xf32>
        %swap3A = arith.index_cast %squeeze3A : i32 to index
        %swap3A_108 = arith.constant 0 : index
        %swap3A_109 = tpu.vector_load %arg9[%swap3A, %swap3A_108] {strides = array<i32>} : memref<64x512xf32, #tpu.memory_space<vmem>>, vector<16xf32>,
        tpu.vector_store %arg9[%swap3A, %swap3A_108], %max3A {strides = array<i32>} : memref<64x512xf32, #tpu.memory_space<vmem>>, vector<16xf32>,
        %get3A_110 = arith.index_cast %squeeze3A : i32 to index
        %get3A_111 = arith.constant 16 : index
        %get3A_112 = tpu.vector_load %arg9[%get3A_110, %get3A_111] {strides = array<i32>} : memref<64x512xf32, #tpu.memory_space<vmem>>, vector<16xf32>,
        %max3A_113 = arith.maximumf %get3A_112, %scan3A_103#1 : vector<16xf32>
        %swap3A_114 = arith.index_cast %squeeze3A : i32 to index
        %swap3A_115 = arith.constant 16 : index
        %swap3A_116 = tpu.vector_load %arg9[%swap3A_114, %swap3A_115] {strides = array<i32>} : memref<64x512xf32, #tpu.memory_space<vmem>>, vector<16xf32>,
        tpu.vector_store %arg9[%swap3A_114, %swap3A_115], %max3A_113 {strides = array<i32>} : memref<64x512xf32, #tpu.memory_space<vmem>>, vector<16xf32>,
        %get3A_117 = arith.index_cast %squeeze3A : i32 to index
        %get3A_118 = arith.constant 32 : index
        %get3A_119 = tpu.vector_load %arg9[%get3A_117, %get3A_118] {strides = array<i32>} : memref<64x512xf32, #tpu.memory_space<vmem>>, vector<16xf32>,
        %max3A_120 = arith.maximumf %get3A_119, %scan3A_103#2 : vector<16xf32>
        %swap3A_121 = arith.index_cast %squeeze3A : i32 to index
        %swap3A_122 = arith.constant 32 : index
        %swap3A_123 = tpu.vector_load %arg9[%swap3A_121, %swap3A_122] {strides = array<i32>} : memref<64x512xf32, #tpu.memory_space<vmem>>, vector<16xf32>,
        tpu.vector_store %arg9[%swap3A_121, %swap3A_122], %max3A_120 {strides = array<i32>} : memref<64x512xf32, #tpu.memory_space<vmem>>, vector<16xf32>,
        %get3A_124 = arith.index_cast %squeeze3A : i32 to index
        %get3A_125 = arith.constant 48 : index
        %get3A_126 = tpu.vector_load %arg9[%get3A_124, %get3A_125] {strides = array<i32>} : memref<64x512xf32, #tpu.memory_space<vmem>>, vector<16xf32>,
        %max3A_127 = arith.maximumf %get3A_126, %scan3A_103#3 : vector<16xf32>
        %swap3A_128 = arith.index_cast %squeeze3A : i32 to index
        %swap3A_129 = arith.constant 48 : index
        %swap3A_130 = tpu.vector_load %arg9[%swap3A_128, %swap3A_129] {strides = array<i32>} : memref<64x512xf32, #tpu.memory_space<vmem>>, vector<16xf32>,
        tpu.vector_store %arg9[%swap3A_128, %swap3A_129], %max3A_127 {strides = array<i32>} : memref<64x512xf32, #tpu.memory_space<vmem>>, vector<16xf32>,
        %get3A_131 = arith.index_cast %squeeze3A : i32 to index
        %get3A_132 = arith.constant 64 : index
        %get3A_133 = tpu.vector_load %arg9[%get3A_131, %get3A_132] {strides = array<i32>} : memref<64x512xf32, #tpu.memory_space<vmem>>, vector<16xf32>,
        %max3A_134 = arith.maximumf %get3A_133, %scan3A_103#4 : vector<16xf32>
        %swap3A_135 = arith.index_cast %squeeze3A : i32 to index
        %swap3A_136 = arith.constant 64 : index
        %swap3A_137 = tpu.vector_load %arg9[%swap3A_135, %swap3A_136] {strides = array<i32>} : memref<64x512xf32, #tpu.memory_space<vmem>>, vector<16xf32>,
        tpu.vector_store %arg9[%swap3A_135, %swap3A_136], %max3A_134 {strides = array<i32>} : memref<64x512xf32, #tpu.memory_space<vmem>>, vector<16xf32>,
        %get3A_138 = arith.index_cast %squeeze3A : i32 to index
        %get3A_139 = arith.constant 80 : index
        %get3A_140 = tpu.vector_load %arg9[%get3A_138, %get3A_139] {strides = array<i32>} : memref<64x512xf32, #tpu.memory_space<vmem>>, vector<16xf32>,
        %max3A_141 = arith.maximumf %get3A_140, %scan3A_103#5 : vector<16xf32>
        %swap3A_142 = arith.index_cast %squeeze3A : i32 to index
        %swap3A_143 = arith.constant 80 : index
        %swap3A_144 = tpu.vector_load %arg9[%swap3A_142, %swap3A_143] {strides = array<i32>} : memref<64x512xf32, #tpu.memory_space<vmem>>, vector<16xf32>,
        tpu.vector_store %arg9[%swap3A_142, %swap3A_143], %max3A_141 {strides = array<i32>} : memref<64x512xf32, #tpu.memory_space<vmem>>, vector<16xf32>,
        %get3A_145 = arith.index_cast %squeeze3A : i32 to index
        %get3A_146 = arith.constant 96 : index
        %get3A_147 = tpu.vector_load %arg9[%get3A_145, %get3A_146] {strides = array<i32>} : memref<64x512xf32, #tpu.memory_space<vmem>>, vector<16xf32>,
        %max3A_148 = arith.maximumf %get3A_147, %scan3A_103#6 : vector<16xf32>
        %swap3A_149 = arith.index_cast %squeeze3A : i32 to index
        %swap3A_150 = arith.constant 96 : index
        %swap3A_151 = tpu.vector_load %arg9[%swap3A_149, %swap3A_150] {strides = array<i32>} : memref<64x512xf32, #tpu.memory_space<vmem>>, vector<16xf32>,
        tpu.vector_store %arg9[%swap3A_149, %swap3A_150], %max3A_148 {strides = array<i32>} : memref<64x512xf32, #tpu.memory_space<vmem>>, vector<16xf32>,
        %get3A_152 = arith.index_cast %squeeze3A : i32 to index
        %get3A_153 = arith.constant 112 : index
        %get3A_154 = tpu.vector_load %arg9[%get3A_152, %get3A_153] {strides = array<i32>} : memref<64x512xf32, #tpu.memory_space<vmem>>, vector<16xf32>,
        %max3A_155 = arith.maximumf %get3A_154, %scan3A_103#7 : vector<16xf32>
        %swap3A_156 = arith.index_cast %squeeze3A : i32 to index
        %swap3A_157 = arith.constant 112 : index
        %swap3A_158 = tpu.vector_load %arg9[%swap3A_156, %swap3A_157] {strides = array<i32>} : memref<64x512xf32, #tpu.memory_space<vmem>>, vector<16xf32>,
        tpu.vector_store %arg9[%swap3A_156, %swap3A_157], %max3A_155 {strides = array<i32>} : memref<64x512xf32, #tpu.memory_space<vmem>>, vector<16xf32>,
        %get3A_159 = arith.index_cast %squeeze3A : i32 to index
        %get3A_160 = arith.constant 128 : index
        %get3A_161 = tpu.vector_load %arg9[%get3A_159, %get3A_160] {strides = array<i32>} : memref<64x512xf32, #tpu.memory_space<vmem>>, vector<16xf32>,
        %max3A_162 = arith.maximumf %get3A_161, %scan3A_103#8 : vector<16xf32>
        %swap3A_163 = arith.index_cast %squeeze3A : i32 to index
        %swap3A_164 = arith.constant 128 : index
        %swap3A_165 = tpu.vector_load %arg9[%swap3A_163, %swap3A_164] {strides = array<i32>} : memref<64x512xf32, #tpu.memory_space<vmem>>, vector<16xf32>,
        tpu.vector_store %arg9[%swap3A_163, %swap3A_164], %max3A_162 {strides = array<i32>} : memref<64x512xf32, #tpu.memory_space<vmem>>, vector<16xf32>,
        %get3A_166 = arith.index_cast %squeeze3A : i32 to index
        %get3A_167 = arith.constant 144 : index
        %get3A_168 = tpu.vector_load %arg9[%get3A_166, %get3A_167] {strides = array<i32>} : memref<64x512xf32, #tpu.memory_space<vmem>>, vector<16xf32>,
        %max3A_169 = arith.maximumf %get3A_168, %scan3A_103#9 : vector<16xf32>
        %swap3A_170 = arith.index_cast %squeeze3A : i32 to index
        %swap3A_171 = arith.constant 144 : index
        %swap3A_172 = tpu.vector_load %arg9[%swap3A_170, %swap3A_171] {strides = array<i32>} : memref<64x512xf32, #tpu.memory_space<vmem>>, vector<16xf32>,
        tpu.vector_store %arg9[%swap3A_170, %swap3A_171], %max3A_169 {strides = array<i32>} : memref<64x512xf32, #tpu.memory_space<vmem>>, vector<16xf32>,
        %get3A_173 = arith.index_cast %squeeze3A : i32 to index
        %get3A_174 = arith.constant 160 : index
        %get3A_175 = tpu.vector_load %arg9[%get3A_173, %get3A_174] {strides = array<i32>} : memref<64x512xf32, #tpu.memory_space<vmem>>, vector<16xf32>,
        %max3A_176 = arith.maximumf %get3A_175, %scan3A_103#10 : vector<16xf32>
        %swap3A_177 = arith.index_cast %squeeze3A : i32 to index
        %swap3A_178 = arith.constant 160 : index
        %swap3A_179 = tpu.vector_load %arg9[%swap3A_177, %swap3A_178] {strides = array<i32>} : memref<64x512xf32, #tpu.memory_space<vmem>>, vector<16xf32>,
        tpu.vector_store %arg9[%swap3A_177, %swap3A_178], %max3A_176 {strides = array<i32>} : memref<64x512xf32, #tpu.memory_space<vmem>>, vector<16xf32>,
        %get3A_180 = arith.index_cast %squeeze3A : i32 to index
        %get3A_181 = arith.constant 176 : index
        %get3A_182 = tpu.vector_load %arg9[%get3A_180, %get3A_181] {strides = array<i32>} : memref<64x512xf32, #tpu.memory_space<vmem>>, vector<16xf32>,
        %max3A_183 = arith.maximumf %get3A_182, %scan3A_103#11 : vector<16xf32>
        %swap3A_184 = arith.index_cast %squeeze3A : i32 to index
        %swap3A_185 = arith.constant 176 : index
        %swap3A_186 = tpu.vector_load %arg9[%swap3A_184, %swap3A_185] {strides = array<i32>} : memref<64x512xf32, #tpu.memory_space<vmem>>, vector<16xf32>,
        tpu.vector_store %arg9[%swap3A_184, %swap3A_185], %max3A_183 {strides = array<i32>} : memref<64x512xf32, #tpu.memory_space<vmem>>, vector<16xf32>,
        %get3A_187 = arith.index_cast %squeeze3A : i32 to index
        %get3A_188 = arith.constant 192 : index
        %get3A_189 = tpu.vector_load %arg9[%get3A_187, %get3A_188] {strides = array<i32>} : memref<64x512xf32, #tpu.memory_space<vmem>>, vector<16xf32>,
        %max3A_190 = arith.maximumf %get3A_189, %scan3A_103#12 : vector<16xf32>
        %swap3A_191 = arith.index_cast %squeeze3A : i32 to index
        %swap3A_192 = arith.constant 192 : index
        %swap3A_193 = tpu.vector_load %arg9[%swap3A_191, %swap3A_192] {strides = array<i32>} : memref<64x512xf32, #tpu.memory_space<vmem>>, vector<16xf32>,
        tpu.vector_store %arg9[%swap3A_191, %swap3A_192], %max3A_190 {strides = array<i32>} : memref<64x512xf32, #tpu.memory_space<vmem>>, vector<16xf32>,
        %get3A_194 = arith.index_cast %squeeze3A : i32 to index
        %get3A_195 = arith.constant 208 : index
        %get3A_196 = tpu.vector_load %arg9[%get3A_194, %get3A_195] {strides = array<i32>} : memref<64x512xf32, #tpu.memory_space<vmem>>, vector<16xf32>,
        %max3A_197 = arith.maximumf %get3A_196, %scan3A_103#13 : vector<16xf32>
        %swap3A_198 = arith.index_cast %squeeze3A : i32 to index
        %swap3A_199 = arith.constant 208 : index
        %swap3A_200 = tpu.vector_load %arg9[%swap3A_198, %swap3A_199] {strides = array<i32>} : memref<64x512xf32, #tpu.memory_space<vmem>>, vector<16xf32>,
        tpu.vector_store %arg9[%swap3A_198, %swap3A_199], %max3A_197 {strides = array<i32>} : memref<64x512xf32, #tpu.memory_space<vmem>>, vector<16xf32>,
        %get3A_201 = arith.index_cast %squeeze3A : i32 to index
        %get3A_202 = arith.constant 224 : index
        %get3A_203 = tpu.vector_load %arg9[%get3A_201, %get3A_202] {strides = array<i32>} : memref<64x512xf32, #tpu.memory_space<vmem>>, vector<16xf32>,
        %max3A_204 = arith.maximumf %get3A_203, %scan3A_103#14 : vector<16xf32>
        %swap3A_205 = arith.index_cast %squeeze3A : i32 to index
        %swap3A_206 = arith.constant 224 : index
        %swap3A_207 = tpu.vector_load %arg9[%swap3A_205, %swap3A_206] {strides = array<i32>} : memref<64x512xf32, #tpu.memory_space<vmem>>, vector<16xf32>,
        tpu.vector_store %arg9[%swap3A_205, %swap3A_206], %max3A_204 {strides = array<i32>} : memref<64x512xf32, #tpu.memory_space<vmem>>, vector<16xf32>,
        %get3A_208 = arith.index_cast %squeeze3A : i32 to index
        %get3A_209 = arith.constant 240 : index
        %get3A_210 = tpu.vector_load %arg9[%get3A_208, %get3A_209] {strides = array<i32>} : memref<64x512xf32, #tpu.memory_space<vmem>>, vector<16xf32>,
        %max3A_211 = arith.maximumf %get3A_210, %scan3A_103#15 : vector<16xf32>
        %swap3A_212 = arith.index_cast %squeeze3A : i32 to index
        %swap3A_213 = arith.constant 240 : index
        %swap3A_214 = tpu.vector_load %arg9[%swap3A_212, %swap3A_213] {strides = array<i32>} : memref<64x512xf32, #tpu.memory_space<vmem>>, vector<16xf32>,
        tpu.vector_store %arg9[%swap3A_212, %swap3A_213], %max3A_211 {strides = array<i32>} : memref<64x512xf32, #tpu.memory_space<vmem>>, vector<16xf32>,
        %get3A_215 = arith.index_cast %squeeze3A : i32 to index
        %get3A_216 = arith.constant 256 : index
        %get3A_217 = tpu.vector_load %arg9[%get3A_215, %get3A_216] {strides = array<i32>} : memref<64x512xf32, #tpu.memory_space<vmem>>, vector<16xf32>,
        %max3A_218 = arith.maximumf %get3A_217, %scan3A_103#16 : vector<16xf32>
        %swap3A_219 = arith.index_cast %squeeze3A : i32 to index
        %swap3A_220 = arith.constant 256 : index
        %swap3A_221 = tpu.vector_load %arg9[%swap3A_219, %swap3A_220] {strides = array<i32>} : memref<64x512xf32, #tpu.memory_space<vmem>>, vector<16xf32>,
        tpu.vector_store %arg9[%swap3A_219, %swap3A_220], %max3A_218 {strides = array<i32>} : memref<64x512xf32, #tpu.memory_space<vmem>>, vector<16xf32>,
        %get3A_222 = arith.index_cast %squeeze3A : i32 to index
        %get3A_223 = arith.constant 272 : index
        %get3A_224 = tpu.vector_load %arg9[%get3A_222, %get3A_223] {strides = array<i32>} : memref<64x512xf32, #tpu.memory_space<vmem>>, vector<16xf32>,
        %max3A_225 = arith.maximumf %get3A_224, %scan3A_103#17 : vector<16xf32>
        %swap3A_226 = arith.index_cast %squeeze3A : i32 to index
        %swap3A_227 = arith.constant 272 : index
        %swap3A_228 = tpu.vector_load %arg9[%swap3A_226, %swap3A_227] {strides = array<i32>} : memref<64x512xf32, #tpu.memory_space<vmem>>, vector<16xf32>,
        tpu.vector_store %arg9[%swap3A_226, %swap3A_227], %max3A_225 {strides = array<i32>} : memref<64x512xf32, #tpu.memory_space<vmem>>, vector<16xf32>,
        %get3A_229 = arith.index_cast %squeeze3A : i32 to index
        %get3A_230 = arith.constant 288 : index
        %get3A_231 = tpu.vector_load %arg9[%get3A_229, %get3A_230] {strides = array<i32>} : memref<64x512xf32, #tpu.memory_space<vmem>>, vector<16xf32>,
        %max3A_232 = arith.maximumf %get3A_231, %scan3A_103#18 : vector<16xf32>
        %swap3A_233 = arith.index_cast %squeeze3A : i32 to index
        %swap3A_234 = arith.constant 288 : index
        %swap3A_235 = tpu.vector_load %arg9[%swap3A_233, %swap3A_234] {strides = array<i32>} : memref<64x512xf32, #tpu.memory_space<vmem>>, vector<16xf32>,
        tpu.vector_store %arg9[%swap3A_233, %swap3A_234], %max3A_232 {strides = array<i32>} : memref<64x512xf32, #tpu.memory_space<vmem>>, vector<16xf32>,
        %get3A_236 = arith.index_cast %squeeze3A : i32 to index
        %get3A_237 = arith.constant 304 : index
        %get3A_238 = tpu.vector_load %arg9[%get3A_236, %get3A_237] {strides = array<i32>} : memref<64x512xf32, #tpu.memory_space<vmem>>, vector<16xf32>,
        %max3A_239 = arith.maximumf %get3A_238, %scan3A_103#19 : vector<16xf32>
        %swap3A_240 = arith.index_cast %squeeze3A : i32 to index
        %swap3A_241 = arith.constant 304 : index
        %swap3A_242 = tpu.vector_load %arg9[%swap3A_240, %swap3A_241] {strides = array<i32>} : memref<64x512xf32, #tpu.memory_space<vmem>>, vector<16xf32>,
        tpu.vector_store %arg9[%swap3A_240, %swap3A_241], %max3A_239 {strides = array<i32>} : memref<64x512xf32, #tpu.memory_space<vmem>>, vector<16xf32>,
        %get3A_243 = arith.index_cast %squeeze3A : i32 to index
        %get3A_244 = arith.constant 320 : index
        %get3A_245 = tpu.vector_load %arg9[%get3A_243, %get3A_244] {strides = array<i32>} : memref<64x512xf32, #tpu.memory_space<vmem>>, vector<16xf32>,
        %max3A_246 = arith.maximumf %get3A_245, %scan3A_103#20 : vector<16xf32>
        %swap3A_247 = arith.index_cast %squeeze3A : i32 to index
        %swap3A_248 = arith.constant 320 : index
        %swap3A_249 = tpu.vector_load %arg9[%swap3A_247, %swap3A_248] {strides = array<i32>} : memref<64x512xf32, #tpu.memory_space<vmem>>, vector<16xf32>,
        tpu.vector_store %arg9[%swap3A_247, %swap3A_248], %max3A_246 {strides = array<i32>} : memref<64x512xf32, #tpu.memory_space<vmem>>, vector<16xf32>,
        %get3A_250 = arith.index_cast %squeeze3A : i32 to index
        %get3A_251 = arith.constant 336 : index
        %get3A_252 = tpu.vector_load %arg9[%get3A_250, %get3A_251] {strides = array<i32>} : memref<64x512xf32, #tpu.memory_space<vmem>>, vector<16xf32>,
        %max3A_253 = arith.maximumf %get3A_252, %scan3A_103#21 : vector<16xf32>
        %swap3A_254 = arith.index_cast %squeeze3A : i32 to index
        %swap3A_255 = arith.constant 336 : index
        %swap3A_256 = tpu.vector_load %arg9[%swap3A_254, %swap3A_255] {strides = array<i32>} : memref<64x512xf32, #tpu.memory_space<vmem>>, vector<16xf32>,
        tpu.vector_store %arg9[%swap3A_254, %swap3A_255], %max3A_253 {strides = array<i32>} : memref<64x512xf32, #tpu.memory_space<vmem>>, vector<16xf32>,
        %get3A_257 = arith.index_cast %squeeze3A : i32 to index
        %get3A_258 = arith.constant 352 : index
        %get3A_259 = tpu.vector_load %arg9[%get3A_257, %get3A_258] {strides = array<i32>} : memref<64x512xf32, #tpu.memory_space<vmem>>, vector<16xf32>,
        %max3A_260 = arith.maximumf %get3A_259, %scan3A_103#22 : vector<16xf32>
        %swap3A_261 = arith.index_cast %squeeze3A : i32 to index
        %swap3A_262 = arith.constant 352 : index
        %swap3A_263 = tpu.vector_load %arg9[%swap3A_261, %swap3A_262] {strides = array<i32>} : memref<64x512xf32, #tpu.memory_space<vmem>>, vector<16xf32>,
        tpu.vector_store %arg9[%swap3A_261, %swap3A_262], %max3A_260 {strides = array<i32>} : memref<64x512xf32, #tpu.memory_space<vmem>>, vector<16xf32>,
        %get3A_264 = arith.index_cast %squeeze3A : i32 to index
        %get3A_265 = arith.constant 368 : index
        %get3A_266 = tpu.vector_load %arg9[%get3A_264, %get3A_265] {strides = array<i32>} : memref<64x512xf32, #tpu.memory_space<vmem>>, vector<16xf32>,
        %max3A_267 = arith.maximumf %get3A_266, %scan3A_103#23 : vector<16xf32>
        %swap3A_268 = arith.index_cast %squeeze3A : i32 to index
        %swap3A_269 = arith.constant 368 : index
        %swap3A_270 = tpu.vector_load %arg9[%swap3A_268, %swap3A_269] {strides = array<i32>} : memref<64x512xf32, #tpu.memory_space<vmem>>, vector<16xf32>,
        tpu.vector_store %arg9[%swap3A_268, %swap3A_269], %max3A_267 {strides = array<i32>} : memref<64x512xf32, #tpu.memory_space<vmem>>, vector<16xf32>,
        %get3A_271 = arith.index_cast %squeeze3A : i32 to index
        %get3A_272 = arith.constant 384 : index
        %get3A_273 = tpu.vector_load %arg9[%get3A_271, %get3A_272] {strides = array<i32>} : memref<64x512xf32, #tpu.memory_space<vmem>>, vector<16xf32>,
        %max3A_274 = arith.maximumf %get3A_273, %scan3A_103#24 : vector<16xf32>
        %swap3A_275 = arith.index_cast %squeeze3A : i32 to index
        %swap3A_276 = arith.constant 384 : index
        %swap3A_277 = tpu.vector_load %arg9[%swap3A_275, %swap3A_276] {strides = array<i32>} : memref<64x512xf32, #tpu.memory_space<vmem>>, vector<16xf32>,
        tpu.vector_store %arg9[%swap3A_275, %swap3A_276], %max3A_274 {strides = array<i32>} : memref<64x512xf32, #tpu.memory_space<vmem>>, vector<16xf32>,
        %get3A_278 = arith.index_cast %squeeze3A : i32 to index
        %get3A_279 = arith.constant 400 : index
        %get3A_280 = tpu.vector_load %arg9[%get3A_278, %get3A_279] {strides = array<i32>} : memref<64x512xf32, #tpu.memory_space<vmem>>, vector<16xf32>,
        %max3A_281 = arith.maximumf %get3A_280, %scan3A_103#25 : vector<16xf32>
        %swap3A_282 = arith.index_cast %squeeze3A : i32 to index
        %swap3A_283 = arith.constant 400 : index
        %swap3A_284 = tpu.vector_load %arg9[%swap3A_282, %swap3A_283] {strides = array<i32>} : memref<64x512xf32, #tpu.memory_space<vmem>>, vector<16xf32>,
        tpu.vector_store %arg9[%swap3A_282, %swap3A_283], %max3A_281 {strides = array<i32>} : memref<64x512xf32, #tpu.memory_space<vmem>>, vector<16xf32>,
        %get3A_285 = arith.index_cast %squeeze3A : i32 to index
        %get3A_286 = arith.constant 416 : index
        %get3A_287 = tpu.vector_load %arg9[%get3A_285, %get3A_286] {strides = array<i32>} : memref<64x512xf32, #tpu.memory_space<vmem>>, vector<16xf32>,
        %max3A_288 = arith.maximumf %get3A_287, %scan3A_103#26 : vector<16xf32>
        %swap3A_289 = arith.index_cast %squeeze3A : i32 to index
        %swap3A_290 = arith.constant 416 : index
        %swap3A_291 = tpu.vector_load %arg9[%swap3A_289, %swap3A_290] {strides = array<i32>} : memref<64x512xf32, #tpu.memory_space<vmem>>, vector<16xf32>,
        tpu.vector_store %arg9[%swap3A_289, %swap3A_290], %max3A_288 {strides = array<i32>} : memref<64x512xf32, #tpu.memory_space<vmem>>, vector<16xf32>,
        %get3A_292 = arith.index_cast %squeeze3A : i32 to index
        %get3A_293 = arith.constant 432 : index
        %get3A_294 = tpu.vector_load %arg9[%get3A_292, %get3A_293] {strides = array<i32>} : memref<64x512xf32, #tpu.memory_space<vmem>>, vector<16xf32>,
        %max3A_295 = arith.maximumf %get3A_294, %scan3A_103#27 : vector<16xf32>
        %swap3A_296 = arith.index_cast %squeeze3A : i32 to index
        %swap3A_297 = arith.constant 432 : index
        %swap3A_298 = tpu.vector_load %arg9[%swap3A_296, %swap3A_297] {strides = array<i32>} : memref<64x512xf32, #tpu.memory_space<vmem>>, vector<16xf32>,
        tpu.vector_store %arg9[%swap3A_296, %swap3A_297], %max3A_295 {strides = array<i32>} : memref<64x512xf32, #tpu.memory_space<vmem>>, vector<16xf32>,
        %get3A_299 = arith.index_cast %squeeze3A : i32 to index
        %get3A_300 = arith.constant 448 : index
        %get3A_301 = tpu.vector_load %arg9[%get3A_299, %get3A_300] {strides = array<i32>} : memref<64x512xf32, #tpu.memory_space<vmem>>, vector<16xf32>,
        %max3A_302 = arith.maximumf %get3A_301, %scan3A_103#28 : vector<16xf32>
        %swap3A_303 = arith.index_cast %squeeze3A : i32 to index
        %swap3A_304 = arith.constant 448 : index
        %swap3A_305 = tpu.vector_load %arg9[%swap3A_303, %swap3A_304] {strides = array<i32>} : memref<64x512xf32, #tpu.memory_space<vmem>>, vector<16xf32>,
        tpu.vector_store %arg9[%swap3A_303, %swap3A_304], %max3A_302 {strides = array<i32>} : memref<64x512xf32, #tpu.memory_space<vmem>>, vector<16xf32>,
        %get3A_306 = arith.index_cast %squeeze3A : i32 to index
        %get3A_307 = arith.constant 464 : index
        %get3A_308 = tpu.vector_load %arg9[%get3A_306, %get3A_307] {strides = array<i32>} : memref<64x512xf32, #tpu.memory_space<vmem>>, vector<16xf32>,
        %max3A_309 = arith.maximumf %get3A_308, %scan3A_103#29 : vector<16xf32>
        %swap3A_310 = arith.index_cast %squeeze3A : i32 to index
        %swap3A_311 = arith.constant 464 : index
        %swap3A_312 = tpu.vector_load %arg9[%swap3A_310, %swap3A_311] {strides = array<i32>} : memref<64x512xf32, #tpu.memory_space<vmem>>, vector<16xf32>,
        tpu.vector_store %arg9[%swap3A_310, %swap3A_311], %max3A_309 {strides = array<i32>} : memref<64x512xf32, #tpu.memory_space<vmem>>, vector<16xf32>,
        %get3A_313 = arith.index_cast %squeeze3A : i32 to index
        %get3A_314 = arith.constant 480 : index
        %get3A_315 = tpu.vector_load %arg9[%get3A_313, %get3A_314] {strides = array<i32>} : memref<64x512xf32, #tpu.memory_space<vmem>>, vector<16xf32>,
        %max3A_316 = arith.maximumf %get3A_315, %scan3A_103#30 : vector<16xf32>
        %swap3A_317 = arith.index_cast %squeeze3A : i32 to index
        %swap3A_318 = arith.constant 480 : index
        %swap3A_319 = tpu.vector_load %arg9[%swap3A_317, %swap3A_318] {strides = array<i32>} : memref<64x512xf32, #tpu.memory_space<vmem>>, vector<16xf32>,
        tpu.vector_store %arg9[%swap3A_317, %swap3A_318], %max3A_316 {strides = array<i32>} : memref<64x512xf32, #tpu.memory_space<vmem>>, vector<16xf32>,
        %get3A_320 = arith.index_cast %squeeze3A : i32 to index
        %get3A_321 = arith.constant 496 : index
        %get3A_322 = tpu.vector_load %arg9[%get3A_320, %get3A_321] {strides = array<i32>} : memref<64x512xf32, #tpu.memory_space<vmem>>, vector<16xf32>,
        %max3A_323 = arith.maximumf %get3A_322, %scan3A_103#31 : vector<16xf32>
        %swap3A_324 = arith.index_cast %squeeze3A : i32 to index
        %swap3A_325 = arith.constant 496 : index
        %swap3A_326 = tpu.vector_load %arg9[%swap3A_324, %swap3A_325] {strides = array<i32>} : memref<64x512xf32, #tpu.memory_space<vmem>>, vector<16xf32>,
        tpu.vector_store %arg9[%swap3A_324, %swap3A_325], %max3A_323 {strides = array<i32>} : memref<64x512xf32, #tpu.memory_space<vmem>>, vector<16xf32>,
        %cond3A_327 = arith.constant 0 : i32
        scf.yield %cond3A_327 : i32
      } else {
        %scan3A_36 = arith.constant 0 : i32
        %scan3A_37 = arith.constant 0 : i32
        %scan3A_38 = arith.constant 80 : i32
        %scan3A_39 = arith.addi %scan3A_37, %scan3A_38 : i32
        %scan3A_40 = arith.constant 1 : i32
        scf.for %scan3A_43 = %scan3A_37 to %scan3A_39 step %scan3A_40  : i32 {
          %broadcast_in_dim3A = arith.constant 0.000000e+00 : f32
          %broadcast_in_dim3A_44 = vector.broadcast %broadcast_in_dim3A : f32 to vector<16xf32>
          %broadcast_in_dim3A_45 = arith.constant 0.000000e+00 : f32
          %broadcast_in_dim3A_46 = vector.broadcast %broadcast_in_dim3A_45 : f32 to vector<16xf32>
          %broadcast_in_dim3A_47 = arith.constant 0.000000e+00 : f32
          %broadcast_in_dim3A_48 = vector.broadcast %broadcast_in_dim3A_47 : f32 to vector<16xf32>
          %broadcast_in_dim3A_49 = arith.constant 0.000000e+00 : f32
          %broadcast_in_dim3A_50 = vector.broadcast %broadcast_in_dim3A_49 : f32 to vector<16xf32>
          %get3A_51 = arith.index_cast %scan3A_43 : i32 to index
          %get3A_52 = arith.constant 0 : index
          %get3A_53 = tpu.vector_load %arg6[%get3A_51, %get3A_52] {strides = array<i32>} : memref<80x512xf32, #tpu.memory_space<vmem>>, vector<16xf32>,
          %get3A_54 = arith.constant 0 : index
          %get3A_55 = tpu.vector_load %arg8[%get3A_54] {strides = array<i32>} : memref<512xf32, #tpu.memory_space<vmem>>, vector<16xf32>,
          %mul3A_56 = arith.mulf %get3A_53, %get3A_55 : vector<16xf32>
          %add3A_57 = arith.addf %broadcast_in_dim3A_44, %mul3A_56 : vector<16xf32>
          %get3A_58 = arith.index_cast %scan3A_43 : i32 to index
          %get3A_59 = arith.constant 16 : index
          %get3A_60 = tpu.vector_load %arg6[%get3A_58, %get3A_59] {strides = array<i32>} : memref<80x512xf32, #tpu.memory_space<vmem>>, vector<16xf32>,
          %get3A_61 = arith.constant 16 : index
          %get3A_62 = tpu.vector_load %arg8[%get3A_61] {strides = array<i32>} : memref<512xf32, #tpu.memory_space<vmem>>, vector<16xf32>,
          %mul3A_63 = arith.mulf %get3A_60, %get3A_62 : vector<16xf32>
          %add3A_64 = arith.addf %broadcast_in_dim3A_46, %mul3A_63 : vector<16xf32>
          %get3A_65 = arith.index_cast %scan3A_43 : i32 to index
          %get3A_66 = arith.constant 32 : index
          %get3A_67 = tpu.vector_load %arg6[%get3A_65, %get3A_66] {strides = array<i32>} : memref<80x512xf32, #tpu.memory_space<vmem>>, vector<16xf32>,
          %get3A_68 = arith.constant 32 : index
          %get3A_69 = tpu.vector_load %arg8[%get3A_68] {strides = array<i32>} : memref<512xf32, #tpu.memory_space<vmem>>, vector<16xf32>,
          %mul3A_70 = arith.mulf %get3A_67, %get3A_69 : vector<16xf32>
          %add3A_71 = arith.addf %broadcast_in_dim3A_48, %mul3A_70 : vector<16xf32>
          %get3A_72 = arith.index_cast %scan3A_43 : i32 to index
          %get3A_73 = arith.constant 48 : index
          %get3A_74 = tpu.vector_load %arg6[%get3A_72, %get3A_73] {strides = array<i32>} : memref<80x512xf32, #tpu.memory_space<vmem>>, vector<16xf32>,
          %get3A_75 = arith.constant 48 : index
          %get3A_76 = tpu.vector_load %arg8[%get3A_75] {strides = array<i32>} : memref<512xf32, #tpu.memory_space<vmem>>, vector<16xf32>,
          %mul3A_77 = arith.mulf %get3A_74, %get3A_76 : vector<16xf32>
          %add3A_78 = arith.addf %broadcast_in_dim3A_50, %mul3A_77 : vector<16xf32>
          %get3A_79 = arith.index_cast %scan3A_43 : i32 to index
          %get3A_80 = arith.constant 64 : index
          %get3A_81 = tpu.vector_load %arg6[%get3A_79, %get3A_80] {strides = array<i32>} : memref<80x512xf32, #tpu.memory_space<vmem>>, vector<16xf32>,
          %get3A_82 = arith.constant 64 : index
          %get3A_83 = tpu.vector_load %arg8[%get3A_82] {strides = array<i32>} : memref<512xf32, #tpu.memory_space<vmem>>, vector<16xf32>,
          %mul3A_84 = arith.mulf %get3A_81, %get3A_83 : vector<16xf32>
          %add3A_85 = arith.addf %add3A_57, %mul3A_84 : vector<16xf32>
          %get3A_86 = arith.index_cast %scan3A_43 : i32 to index
          %get3A_87 = arith.constant 80 : index
          %get3A_88 = tpu.vector_load %arg6[%get3A_86, %get3A_87] {strides = array<i32>} : memref<80x512xf32, #tpu.memory_space<vmem>>, vector<16xf32>,
          %get3A_89 = arith.constant 80 : index
          %get3A_90 = tpu.vector_load %arg8[%get3A_89] {strides = array<i32>} : memref<512xf32, #tpu.memory_space<vmem>>, vector<16xf32>,
          %mul3A_91 = arith.mulf %get3A_88, %get3A_90 : vector<16xf32>
          %add3A_92 = arith.addf %add3A_64, %mul3A_91 : vector<16xf32>
          %get3A_93 = arith.index_cast %scan3A_43 : i32 to index
          %get3A_94 = arith.constant 96 : index
          %get3A_95 = tpu.vector_load %arg6[%get3A_93, %get3A_94] {strides = array<i32>} : memref<80x512xf32, #tpu.memory_space<vmem>>, vector<16xf32>,
          %get3A_96 = arith.constant 96 : index
          %get3A_97 = tpu.vector_load %arg8[%get3A_96] {strides = array<i32>} : memref<512xf32, #tpu.memory_space<vmem>>, vector<16xf32>,
          %mul3A_98 = arith.mulf %get3A_95, %get3A_97 : vector<16xf32>
          %add3A_99 = arith.addf %add3A_71, %mul3A_98 : vector<16xf32>
          %get3A_100 = arith.index_cast %scan3A_43 : i32 to index
          %get3A_101 = arith.constant 112 : index
          %get3A_102 = tpu.vector_load %arg6[%get3A_100, %get3A_101] {strides = array<i32>} : memref<80x512xf32, #tpu.memory_space<vmem>>, vector<16xf32>,
          %get3A_103 = arith.constant 112 : index
          %get3A_104 = tpu.vector_load %arg8[%get3A_103] {strides = array<i32>} : memref<512xf32, #tpu.memory_space<vmem>>, vector<16xf32>,
          %mul3A_105 = arith.mulf %get3A_102, %get3A_104 : vector<16xf32>
          %add3A_106 = arith.addf %add3A_78, %mul3A_105 : vector<16xf32>
          %get3A_107 = arith.index_cast %scan3A_43 : i32 to index
          %get3A_108 = arith.constant 128 : index
          %get3A_109 = tpu.vector_load %arg6[%get3A_107, %get3A_108] {strides = array<i32>} : memref<80x512xf32, #tpu.memory_space<vmem>>, vector<16xf32>,
          %get3A_110 = arith.constant 128 : index
          %get3A_111 = tpu.vector_load %arg8[%get3A_110] {strides = array<i32>} : memref<512xf32, #tpu.memory_space<vmem>>, vector<16xf32>,
          %mul3A_112 = arith.mulf %get3A_109, %get3A_111 : vector<16xf32>
          %add3A_113 = arith.addf %add3A_85, %mul3A_112 : vector<16xf32>
          %get3A_114 = arith.index_cast %scan3A_43 : i32 to index
          %get3A_115 = arith.constant 144 : index
          %get3A_116 = tpu.vector_load %arg6[%get3A_114, %get3A_115] {strides = array<i32>} : memref<80x512xf32, #tpu.memory_space<vmem>>, vector<16xf32>,
          %get3A_117 = arith.constant 144 : index
          %get3A_118 = tpu.vector_load %arg8[%get3A_117] {strides = array<i32>} : memref<512xf32, #tpu.memory_space<vmem>>, vector<16xf32>,
          %mul3A_119 = arith.mulf %get3A_116, %get3A_118 : vector<16xf32>
          %add3A_120 = arith.addf %add3A_92, %mul3A_119 : vector<16xf32>
          %get3A_121 = arith.index_cast %scan3A_43 : i32 to index
          %get3A_122 = arith.constant 160 : index
          %get3A_123 = tpu.vector_load %arg6[%get3A_121, %get3A_122] {strides = array<i32>} : memref<80x512xf32, #tpu.memory_space<vmem>>, vector<16xf32>,
          %get3A_124 = arith.constant 160 : index
          %get3A_125 = tpu.vector_load %arg8[%get3A_124] {strides = array<i32>} : memref<512xf32, #tpu.memory_space<vmem>>, vector<16xf32>,
          %mul3A_126 = arith.mulf %get3A_123, %get3A_125 : vector<16xf32>
          %add3A_127 = arith.addf %add3A_99, %mul3A_126 : vector<16xf32>
          %get3A_128 = arith.index_cast %scan3A_43 : i32 to index
          %get3A_129 = arith.constant 176 : index
          %get3A_130 = tpu.vector_load %arg6[%get3A_128, %get3A_129] {strides = array<i32>} : memref<80x512xf32, #tpu.memory_space<vmem>>, vector<16xf32>,
          %get3A_131 = arith.constant 176 : index
          %get3A_132 = tpu.vector_load %arg8[%get3A_131] {strides = array<i32>} : memref<512xf32, #tpu.memory_space<vmem>>, vector<16xf32>,
          %mul3A_133 = arith.mulf %get3A_130, %get3A_132 : vector<16xf32>
          %add3A_134 = arith.addf %add3A_106, %mul3A_133 : vector<16xf32>
          %get3A_135 = arith.index_cast %scan3A_43 : i32 to index
          %get3A_136 = arith.constant 192 : index
          %get3A_137 = tpu.vector_load %arg6[%get3A_135, %get3A_136] {strides = array<i32>} : memref<80x512xf32, #tpu.memory_space<vmem>>, vector<16xf32>,
          %get3A_138 = arith.constant 192 : index
          %get3A_139 = tpu.vector_load %arg8[%get3A_138] {strides = array<i32>} : memref<512xf32, #tpu.memory_space<vmem>>, vector<16xf32>,
          %mul3A_140 = arith.mulf %get3A_137, %get3A_139 : vector<16xf32>
          %add3A_141 = arith.addf %add3A_113, %mul3A_140 : vector<16xf32>
          %get3A_142 = arith.index_cast %scan3A_43 : i32 to index
          %get3A_143 = arith.constant 208 : index
          %get3A_144 = tpu.vector_load %arg6[%get3A_142, %get3A_143] {strides = array<i32>} : memref<80x512xf32, #tpu.memory_space<vmem>>, vector<16xf32>,
          %get3A_145 = arith.constant 208 : index
          %get3A_146 = tpu.vector_load %arg8[%get3A_145] {strides = array<i32>} : memref<512xf32, #tpu.memory_space<vmem>>, vector<16xf32>,
          %mul3A_147 = arith.mulf %get3A_144, %get3A_146 : vector<16xf32>
          %add3A_148 = arith.addf %add3A_120, %mul3A_147 : vector<16xf32>
          %get3A_149 = arith.index_cast %scan3A_43 : i32 to index
          %get3A_150 = arith.constant 224 : index
          %get3A_151 = tpu.vector_load %arg6[%get3A_149, %get3A_150] {strides = array<i32>} : memref<80x512xf32, #tpu.memory_space<vmem>>, vector<16xf32>,
          %get3A_152 = arith.constant 224 : index
          %get3A_153 = tpu.vector_load %arg8[%get3A_152] {strides = array<i32>} : memref<512xf32, #tpu.memory_space<vmem>>, vector<16xf32>,
          %mul3A_154 = arith.mulf %get3A_151, %get3A_153 : vector<16xf32>
          %add3A_155 = arith.addf %add3A_127, %mul3A_154 : vector<16xf32>
          %get3A_156 = arith.index_cast %scan3A_43 : i32 to index
          %get3A_157 = arith.constant 240 : index
          %get3A_158 = tpu.vector_load %arg6[%get3A_156, %get3A_157] {strides = array<i32>} : memref<80x512xf32, #tpu.memory_space<vmem>>, vector<16xf32>,
          %get3A_159 = arith.constant 240 : index
          %get3A_160 = tpu.vector_load %arg8[%get3A_159] {strides = array<i32>} : memref<512xf32, #tpu.memory_space<vmem>>, vector<16xf32>,
          %mul3A_161 = arith.mulf %get3A_158, %get3A_160 : vector<16xf32>
          %add3A_162 = arith.addf %add3A_134, %mul3A_161 : vector<16xf32>
          %get3A_163 = arith.index_cast %scan3A_43 : i32 to index
          %get3A_164 = arith.constant 256 : index
          %get3A_165 = tpu.vector_load %arg6[%get3A_163, %get3A_164] {strides = array<i32>} : memref<80x512xf32, #tpu.memory_space<vmem>>, vector<16xf32>,
          %get3A_166 = arith.constant 256 : index
          %get3A_167 = tpu.vector_load %arg8[%get3A_166] {strides = array<i32>} : memref<512xf32, #tpu.memory_space<vmem>>, vector<16xf32>,
          %mul3A_168 = arith.mulf %get3A_165, %get3A_167 : vector<16xf32>
          %add3A_169 = arith.addf %add3A_141, %mul3A_168 : vector<16xf32>
          %get3A_170 = arith.index_cast %scan3A_43 : i32 to index
          %get3A_171 = arith.constant 272 : index
          %get3A_172 = tpu.vector_load %arg6[%get3A_170, %get3A_171] {strides = array<i32>} : memref<80x512xf32, #tpu.memory_space<vmem>>, vector<16xf32>,
          %get3A_173 = arith.constant 272 : index
          %get3A_174 = tpu.vector_load %arg8[%get3A_173] {strides = array<i32>} : memref<512xf32, #tpu.memory_space<vmem>>, vector<16xf32>,
          %mul3A_175 = arith.mulf %get3A_172, %get3A_174 : vector<16xf32>
          %add3A_176 = arith.addf %add3A_148, %mul3A_175 : vector<16xf32>
          %get3A_177 = arith.index_cast %scan3A_43 : i32 to index
          %get3A_178 = arith.constant 288 : index
          %get3A_179 = tpu.vector_load %arg6[%get3A_177, %get3A_178] {strides = array<i32>} : memref<80x512xf32, #tpu.memory_space<vmem>>, vector<16xf32>,
          %get3A_180 = arith.constant 288 : index
          %get3A_181 = tpu.vector_load %arg8[%get3A_180] {strides = array<i32>} : memref<512xf32, #tpu.memory_space<vmem>>, vector<16xf32>,
          %mul3A_182 = arith.mulf %get3A_179, %get3A_181 : vector<16xf32>
          %add3A_183 = arith.addf %add3A_155, %mul3A_182 : vector<16xf32>
          %get3A_184 = arith.index_cast %scan3A_43 : i32 to index
          %get3A_185 = arith.constant 304 : index
          %get3A_186 = tpu.vector_load %arg6[%get3A_184, %get3A_185] {strides = array<i32>} : memref<80x512xf32, #tpu.memory_space<vmem>>, vector<16xf32>,
          %get3A_187 = arith.constant 304 : index
          %get3A_188 = tpu.vector_load %arg8[%get3A_187] {strides = array<i32>} : memref<512xf32, #tpu.memory_space<vmem>>, vector<16xf32>,
          %mul3A_189 = arith.mulf %get3A_186, %get3A_188 : vector<16xf32>
          %add3A_190 = arith.addf %add3A_162, %mul3A_189 : vector<16xf32>
          %get3A_191 = arith.index_cast %scan3A_43 : i32 to index
          %get3A_192 = arith.constant 320 : index
          %get3A_193 = tpu.vector_load %arg6[%get3A_191, %get3A_192] {strides = array<i32>} : memref<80x512xf32, #tpu.memory_space<vmem>>, vector<16xf32>,
          %get3A_194 = arith.constant 320 : index
          %get3A_195 = tpu.vector_load %arg8[%get3A_194] {strides = array<i32>} : memref<512xf32, #tpu.memory_space<vmem>>, vector<16xf32>,
          %mul3A_196 = arith.mulf %get3A_193, %get3A_195 : vector<16xf32>
          %add3A_197 = arith.addf %add3A_169, %mul3A_196 : vector<16xf32>
          %get3A_198 = arith.index_cast %scan3A_43 : i32 to index
          %get3A_199 = arith.constant 336 : index
          %get3A_200 = tpu.vector_load %arg6[%get3A_198, %get3A_199] {strides = array<i32>} : memref<80x512xf32, #tpu.memory_space<vmem>>, vector<16xf32>,
          %get3A_201 = arith.constant 336 : index
          %get3A_202 = tpu.vector_load %arg8[%get3A_201] {strides = array<i32>} : memref<512xf32, #tpu.memory_space<vmem>>, vector<16xf32>,
          %mul3A_203 = arith.mulf %get3A_200, %get3A_202 : vector<16xf32>
          %add3A_204 = arith.addf %add3A_176, %mul3A_203 : vector<16xf32>
          %get3A_205 = arith.index_cast %scan3A_43 : i32 to index
          %get3A_206 = arith.constant 352 : index
          %get3A_207 = tpu.vector_load %arg6[%get3A_205, %get3A_206] {strides = array<i32>} : memref<80x512xf32, #tpu.memory_space<vmem>>, vector<16xf32>,
          %get3A_208 = arith.constant 352 : index
          %get3A_209 = tpu.vector_load %arg8[%get3A_208] {strides = array<i32>} : memref<512xf32, #tpu.memory_space<vmem>>, vector<16xf32>,
          %mul3A_210 = arith.mulf %get3A_207, %get3A_209 : vector<16xf32>
          %add3A_211 = arith.addf %add3A_183, %mul3A_210 : vector<16xf32>
          %get3A_212 = arith.index_cast %scan3A_43 : i32 to index
          %get3A_213 = arith.constant 368 : index
          %get3A_214 = tpu.vector_load %arg6[%get3A_212, %get3A_213] {strides = array<i32>} : memref<80x512xf32, #tpu.memory_space<vmem>>, vector<16xf32>,
          %get3A_215 = arith.constant 368 : index
          %get3A_216 = tpu.vector_load %arg8[%get3A_215] {strides = array<i32>} : memref<512xf32, #tpu.memory_space<vmem>>, vector<16xf32>,
          %mul3A_217 = arith.mulf %get3A_214, %get3A_216 : vector<16xf32>
          %add3A_218 = arith.addf %add3A_190, %mul3A_217 : vector<16xf32>
          %get3A_219 = arith.index_cast %scan3A_43 : i32 to index
          %get3A_220 = arith.constant 384 : index
          %get3A_221 = tpu.vector_load %arg6[%get3A_219, %get3A_220] {strides = array<i32>} : memref<80x512xf32, #tpu.memory_space<vmem>>, vector<16xf32>,
          %get3A_222 = arith.constant 384 : index
          %get3A_223 = tpu.vector_load %arg8[%get3A_222] {strides = array<i32>} : memref<512xf32, #tpu.memory_space<vmem>>, vector<16xf32>,
          %mul3A_224 = arith.mulf %get3A_221, %get3A_223 : vector<16xf32>
          %add3A_225 = arith.addf %add3A_197, %mul3A_224 : vector<16xf32>
          %get3A_226 = arith.index_cast %scan3A_43 : i32 to index
          %get3A_227 = arith.constant 400 : index
          %get3A_228 = tpu.vector_load %arg6[%get3A_226, %get3A_227] {strides = array<i32>} : memref<80x512xf32, #tpu.memory_space<vmem>>, vector<16xf32>,
          %get3A_229 = arith.constant 400 : index
          %get3A_230 = tpu.vector_load %arg8[%get3A_229] {strides = array<i32>} : memref<512xf32, #tpu.memory_space<vmem>>, vector<16xf32>,
          %mul3A_231 = arith.mulf %get3A_228, %get3A_230 : vector<16xf32>
          %add3A_232 = arith.addf %add3A_204, %mul3A_231 : vector<16xf32>
          %get3A_233 = arith.index_cast %scan3A_43 : i32 to index
          %get3A_234 = arith.constant 416 : index
          %get3A_235 = tpu.vector_load %arg6[%get3A_233, %get3A_234] {strides = array<i32>} : memref<80x512xf32, #tpu.memory_space<vmem>>, vector<16xf32>,
          %get3A_236 = arith.constant 416 : index
          %get3A_237 = tpu.vector_load %arg8[%get3A_236] {strides = array<i32>} : memref<512xf32, #tpu.memory_space<vmem>>, vector<16xf32>,
          %mul3A_238 = arith.mulf %get3A_235, %get3A_237 : vector<16xf32>
          %add3A_239 = arith.addf %add3A_211, %mul3A_238 : vector<16xf32>
          %get3A_240 = arith.index_cast %scan3A_43 : i32 to index
          %get3A_241 = arith.constant 432 : index
          %get3A_242 = tpu.vector_load %arg6[%get3A_240, %get3A_241] {strides = array<i32>} : memref<80x512xf32, #tpu.memory_space<vmem>>, vector<16xf32>,
          %get3A_243 = arith.constant 432 : index
          %get3A_244 = tpu.vector_load %arg8[%get3A_243] {strides = array<i32>} : memref<512xf32, #tpu.memory_space<vmem>>, vector<16xf32>,
          %mul3A_245 = arith.mulf %get3A_242, %get3A_244 : vector<16xf32>
          %add3A_246 = arith.addf %add3A_218, %mul3A_245 : vector<16xf32>
          %get3A_247 = arith.index_cast %scan3A_43 : i32 to index
          %get3A_248 = arith.constant 448 : index
          %get3A_249 = tpu.vector_load %arg6[%get3A_247, %get3A_248] {strides = array<i32>} : memref<80x512xf32, #tpu.memory_space<vmem>>, vector<16xf32>,
          %get3A_250 = arith.constant 448 : index
          %get3A_251 = tpu.vector_load %arg8[%get3A_250] {strides = array<i32>} : memref<512xf32, #tpu.memory_space<vmem>>, vector<16xf32>,
          %mul3A_252 = arith.mulf %get3A_249, %get3A_251 : vector<16xf32>
          %add3A_253 = arith.addf %add3A_225, %mul3A_252 : vector<16xf32>
          %get3A_254 = arith.index_cast %scan3A_43 : i32 to index
          %get3A_255 = arith.constant 464 : index
          %get3A_256 = tpu.vector_load %arg6[%get3A_254, %get3A_255] {strides = array<i32>} : memref<80x512xf32, #tpu.memory_space<vmem>>, vector<16xf32>,
          %get3A_257 = arith.constant 464 : index
          %get3A_258 = tpu.vector_load %arg8[%get3A_257] {strides = array<i32>} : memref<512xf32, #tpu.memory_space<vmem>>, vector<16xf32>,
          %mul3A_259 = arith.mulf %get3A_256, %get3A_258 : vector<16xf32>
          %add3A_260 = arith.addf %add3A_232, %mul3A_259 : vector<16xf32>
          %get3A_261 = arith.index_cast %scan3A_43 : i32 to index
          %get3A_262 = arith.constant 480 : index
          %get3A_263 = tpu.vector_load %arg6[%get3A_261, %get3A_262] {strides = array<i32>} : memref<80x512xf32, #tpu.memory_space<vmem>>, vector<16xf32>,
          %get3A_264 = arith.constant 480 : index
          %get3A_265 = tpu.vector_load %arg8[%get3A_264] {strides = array<i32>} : memref<512xf32, #tpu.memory_space<vmem>>, vector<16xf32>,
          %mul3A_266 = arith.mulf %get3A_263, %get3A_265 : vector<16xf32>
          %add3A_267 = arith.addf %add3A_239, %mul3A_266 : vector<16xf32>
          %get3A_268 = arith.index_cast %scan3A_43 : i32 to index
          %get3A_269 = arith.constant 496 : index
          %get3A_270 = tpu.vector_load %arg6[%get3A_268, %get3A_269] {strides = array<i32>} : memref<80x512xf32, #tpu.memory_space<vmem>>, vector<16xf32>,
          %get3A_271 = arith.constant 496 : index
          %get3A_272 = tpu.vector_load %arg8[%get3A_271] {strides = array<i32>} : memref<512xf32, #tpu.memory_space<vmem>>, vector<16xf32>,
          %mul3A_273 = arith.mulf %get3A_270, %get3A_272 : vector<16xf32>
          %add3A_274 = arith.addf %add3A_246, %mul3A_273 : vector<16xf32>
          %add3A_275 = arith.addf %add3A_253, %add3A_260 : vector<16xf32>
          %add3A_276 = arith.addf %add3A_267, %add3A_274 : vector<16xf32>
          %add3A_277 = arith.addf %add3A_275, %add3A_276 : vector<16xf32>
          %broadcast_in_dim3A_278 = arith.constant true
          %broadcast_in_dim3A_279 = vector.broadcast %broadcast_in_dim3A_278 : i1 to vector<16xi1>
          %masked_cumsum3A = tpu.scan <sum>, %add3A_277 masked %broadcast_in_dim3A_279 : vector<16xf32>, vector<16xi1> -> vector<16xf32>
          %slice3A_280 = vector.extract_strided_slice %masked_cumsum3A {offsets = [15], sizes = [1], strides = [1]} : vector<16xf32> to vector<1xf32>
          %squeeze3A_281 = vector.extract %slice3A_280[0] : f32 from vector<1xf32>
          %broadcast_in_dim3A_282 = vector.broadcast %squeeze3A_281 : f32 to vector<16xf32>
          %neg3A = arith.constant 0.000000e+00 : f32
          %neg3A_283 = vector.broadcast %neg3A : f32 to vector<16xf32>
          %neg3A_284 = arith.subf %neg3A_283, %broadcast_in_dim3A_282 : vector<16xf32>
          %exp3A = math.exp %neg3A_284 : vector<16xf32>
          %add3A_285 = arith.constant 1.000000e+00 : f32
          %add3A_286 = vector.broadcast %add3A_285 : f32 to vector<16xf32>
          %add3A_287 = arith.addf %add3A_286, %exp3A : vector<16xf32>
          %div3A = arith.constant 1.000000e+00 : f32
          %div3A_288 = vector.broadcast %div3A : f32 to vector<16xf32>
          %div3A_289 = arith.divf %div3A_288, %add3A_287 : vector<16xf32>
          %add3A_290 = arith.constant 1.000000e+00 : f32
          %add3A_291 = vector.broadcast %add3A_290 : f32 to vector<16xf32>
          %add3A_292 = arith.addf %div3A_289, %add3A_291 : vector<16xf32>
          %mul3A_293 = arith.constant 5.000000e-01 : f32
          %mul3A_294 = vector.broadcast %mul3A_293 : f32 to vector<16xf32>
          %mul3A_295 = arith.mulf %add3A_292, %mul3A_294 : vector<16xf32>
          %get3A_296 = arith.index_cast %scan3A_43 : i32 to index
          %get3A_297 = tpu.vector_load %arg7[%get3A_296] {strides = array<i32>} : memref<96xi32, #tpu.memory_space<vmem>>, vector<16xi32>,
          %slice3A_298 = vector.extract_strided_slice %get3A_297 {offsets = [0], sizes = [1], strides = [1]} : vector<16xi32> to vector<1xi32>
          %squeeze3A_299 = vector.extract %slice3A_298[0] : i32 from vector<1xi32>
          %get3A_300 = arith.index_cast %scan3A_43 : i32 to index
          %get3A_301 = arith.constant 0 : index
          %get3A_302 = tpu.vector_load %arg6[%get3A_300, %get3A_301] {strides = array<i32>} : memref<80x512xf32, #tpu.memory_space<vmem>>, vector<16xf32>,
          %mul3A_303 = arith.mulf %get3A_302, %mul3A_295 : vector<16xf32>
          %get3A_304 = arith.index_cast %squeeze3A_299 : i32 to index
          %get3A_305 = arith.constant 0 : index
          %get3A_306 = tpu.vector_load %arg9[%get3A_304, %get3A_305] {strides = array<i32>} : memref<64x512xf32, #tpu.memory_space<vmem>>, vector<16xf32>,
          %max3A = arith.maximumf %get3A_306, %mul3A_303 : vector<16xf32>
          %swap3A = arith.index_cast %squeeze3A_299 : i32 to index
          %swap3A_307 = arith.constant 0 : index
          %swap3A_308 = tpu.vector_load %arg9[%swap3A, %swap3A_307] {strides = array<i32>} : memref<64x512xf32, #tpu.memory_space<vmem>>, vector<16xf32>,
          tpu.vector_store %arg9[%swap3A, %swap3A_307], %max3A {strides = array<i32>} : memref<64x512xf32, #tpu.memory_space<vmem>>, vector<16xf32>,
          %get3A_309 = arith.index_cast %scan3A_43 : i32 to index
          %get3A_310 = arith.constant 16 : index
          %get3A_311 = tpu.vector_load %arg6[%get3A_309, %get3A_310] {strides = array<i32>} : memref<80x512xf32, #tpu.memory_space<vmem>>, vector<16xf32>,
          %mul3A_312 = arith.mulf %get3A_311, %mul3A_295 : vector<16xf32>
          %get3A_313 = arith.index_cast %squeeze3A_299 : i32 to index
          %get3A_314 = arith.constant 16 : index
          %get3A_315 = tpu.vector_load %arg9[%get3A_313, %get3A_314] {strides = array<i32>} : memref<64x512xf32, #tpu.memory_space<vmem>>, vector<16xf32>,
          %max3A_316 = arith.maximumf %get3A_315, %mul3A_312 : vector<16xf32>
          %swap3A_317 = arith.index_cast %squeeze3A_299 : i32 to index
          %swap3A_318 = arith.constant 16 : index
          %swap3A_319 = tpu.vector_load %arg9[%swap3A_317, %swap3A_318] {strides = array<i32>} : memref<64x512xf32, #tpu.memory_space<vmem>>, vector<16xf32>,
          tpu.vector_store %arg9[%swap3A_317, %swap3A_318], %max3A_316 {strides = array<i32>} : memref<64x512xf32, #tpu.memory_space<vmem>>, vector<16xf32>,
          %get3A_320 = arith.index_cast %scan3A_43 : i32 to index
          %get3A_321 = arith.constant 32 : index
          %get3A_322 = tpu.vector_load %arg6[%get3A_320, %get3A_321] {strides = array<i32>} : memref<80x512xf32, #tpu.memory_space<vmem>>, vector<16xf32>,
          %mul3A_323 = arith.mulf %get3A_322, %mul3A_295 : vector<16xf32>
          %get3A_324 = arith.index_cast %squeeze3A_299 : i32 to index
          %get3A_325 = arith.constant 32 : index
          %get3A_326 = tpu.vector_load %arg9[%get3A_324, %get3A_325] {strides = array<i32>} : memref<64x512xf32, #tpu.memory_space<vmem>>, vector<16xf32>,
          %max3A_327 = arith.maximumf %get3A_326, %mul3A_323 : vector<16xf32>
          %swap3A_328 = arith.index_cast %squeeze3A_299 : i32 to index
          %swap3A_329 = arith.constant 32 : index
          %swap3A_330 = tpu.vector_load %arg9[%swap3A_328, %swap3A_329] {strides = array<i32>} : memref<64x512xf32, #tpu.memory_space<vmem>>, vector<16xf32>,
          tpu.vector_store %arg9[%swap3A_328, %swap3A_329], %max3A_327 {strides = array<i32>} : memref<64x512xf32, #tpu.memory_space<vmem>>, vector<16xf32>,
          %get3A_331 = arith.index_cast %scan3A_43 : i32 to index
          %get3A_332 = arith.constant 48 : index
          %get3A_333 = tpu.vector_load %arg6[%get3A_331, %get3A_332] {strides = array<i32>} : memref<80x512xf32, #tpu.memory_space<vmem>>, vector<16xf32>,
          %mul3A_334 = arith.mulf %get3A_333, %mul3A_295 : vector<16xf32>
          %get3A_335 = arith.index_cast %squeeze3A_299 : i32 to index
          %get3A_336 = arith.constant 48 : index
          %get3A_337 = tpu.vector_load %arg9[%get3A_335, %get3A_336] {strides = array<i32>} : memref<64x512xf32, #tpu.memory_space<vmem>>, vector<16xf32>,
          %max3A_338 = arith.maximumf %get3A_337, %mul3A_334 : vector<16xf32>
          %swap3A_339 = arith.index_cast %squeeze3A_299 : i32 to index
          %swap3A_340 = arith.constant 48 : index
          %swap3A_341 = tpu.vector_load %arg9[%swap3A_339, %swap3A_340] {strides = array<i32>} : memref<64x512xf32, #tpu.memory_space<vmem>>, vector<16xf32>,
          tpu.vector_store %arg9[%swap3A_339, %swap3A_340], %max3A_338 {strides = array<i32>} : memref<64x512xf32, #tpu.memory_space<vmem>>, vector<16xf32>,
          %get3A_342 = arith.index_cast %scan3A_43 : i32 to index
          %get3A_343 = arith.constant 64 : index
          %get3A_344 = tpu.vector_load %arg6[%get3A_342, %get3A_343] {strides = array<i32>} : memref<80x512xf32, #tpu.memory_space<vmem>>, vector<16xf32>,
          %mul3A_345 = arith.mulf %get3A_344, %mul3A_295 : vector<16xf32>
          %get3A_346 = arith.index_cast %squeeze3A_299 : i32 to index
          %get3A_347 = arith.constant 64 : index
          %get3A_348 = tpu.vector_load %arg9[%get3A_346, %get3A_347] {strides = array<i32>} : memref<64x512xf32, #tpu.memory_space<vmem>>, vector<16xf32>,
          %max3A_349 = arith.maximumf %get3A_348, %mul3A_345 : vector<16xf32>
          %swap3A_350 = arith.index_cast %squeeze3A_299 : i32 to index
          %swap3A_351 = arith.constant 64 : index
          %swap3A_352 = tpu.vector_load %arg9[%swap3A_350, %swap3A_351] {strides = array<i32>} : memref<64x512xf32, #tpu.memory_space<vmem>>, vector<16xf32>,
          tpu.vector_store %arg9[%swap3A_350, %swap3A_351], %max3A_349 {strides = array<i32>} : memref<64x512xf32, #tpu.memory_space<vmem>>, vector<16xf32>,
          %get3A_353 = arith.index_cast %scan3A_43 : i32 to index
          %get3A_354 = arith.constant 80 : index
          %get3A_355 = tpu.vector_load %arg6[%get3A_353, %get3A_354] {strides = array<i32>} : memref<80x512xf32, #tpu.memory_space<vmem>>, vector<16xf32>,
          %mul3A_356 = arith.mulf %get3A_355, %mul3A_295 : vector<16xf32>
          %get3A_357 = arith.index_cast %squeeze3A_299 : i32 to index
          %get3A_358 = arith.constant 80 : index
          %get3A_359 = tpu.vector_load %arg9[%get3A_357, %get3A_358] {strides = array<i32>} : memref<64x512xf32, #tpu.memory_space<vmem>>, vector<16xf32>,
          %max3A_360 = arith.maximumf %get3A_359, %mul3A_356 : vector<16xf32>
          %swap3A_361 = arith.index_cast %squeeze3A_299 : i32 to index
          %swap3A_362 = arith.constant 80 : index
          %swap3A_363 = tpu.vector_load %arg9[%swap3A_361, %swap3A_362] {strides = array<i32>} : memref<64x512xf32, #tpu.memory_space<vmem>>, vector<16xf32>,
          tpu.vector_store %arg9[%swap3A_361, %swap3A_362], %max3A_360 {strides = array<i32>} : memref<64x512xf32, #tpu.memory_space<vmem>>, vector<16xf32>,
          %get3A_364 = arith.index_cast %scan3A_43 : i32 to index
          %get3A_365 = arith.constant 96 : index
          %get3A_366 = tpu.vector_load %arg6[%get3A_364, %get3A_365] {strides = array<i32>} : memref<80x512xf32, #tpu.memory_space<vmem>>, vector<16xf32>,
          %mul3A_367 = arith.mulf %get3A_366, %mul3A_295 : vector<16xf32>
          %get3A_368 = arith.index_cast %squeeze3A_299 : i32 to index
          %get3A_369 = arith.constant 96 : index
          %get3A_370 = tpu.vector_load %arg9[%get3A_368, %get3A_369] {strides = array<i32>} : memref<64x512xf32, #tpu.memory_space<vmem>>, vector<16xf32>,
          %max3A_371 = arith.maximumf %get3A_370, %mul3A_367 : vector<16xf32>
          %swap3A_372 = arith.index_cast %squeeze3A_299 : i32 to index
          %swap3A_373 = arith.constant 96 : index
          %swap3A_374 = tpu.vector_load %arg9[%swap3A_372, %swap3A_373] {strides = array<i32>} : memref<64x512xf32, #tpu.memory_space<vmem>>, vector<16xf32>,
          tpu.vector_store %arg9[%swap3A_372, %swap3A_373], %max3A_371 {strides = array<i32>} : memref<64x512xf32, #tpu.memory_space<vmem>>, vector<16xf32>,
          %get3A_375 = arith.index_cast %scan3A_43 : i32 to index
          %get3A_376 = arith.constant 112 : index
          %get3A_377 = tpu.vector_load %arg6[%get3A_375, %get3A_376] {strides = array<i32>} : memref<80x512xf32, #tpu.memory_space<vmem>>, vector<16xf32>,
          %mul3A_378 = arith.mulf %get3A_377, %mul3A_295 : vector<16xf32>
          %get3A_379 = arith.index_cast %squeeze3A_299 : i32 to index
          %get3A_380 = arith.constant 112 : index
          %get3A_381 = tpu.vector_load %arg9[%get3A_379, %get3A_380] {strides = array<i32>} : memref<64x512xf32, #tpu.memory_space<vmem>>, vector<16xf32>,
          %max3A_382 = arith.maximumf %get3A_381, %mul3A_378 : vector<16xf32>
          %swap3A_383 = arith.index_cast %squeeze3A_299 : i32 to index
          %swap3A_384 = arith.constant 112 : index
          %swap3A_385 = tpu.vector_load %arg9[%swap3A_383, %swap3A_384] {strides = array<i32>} : memref<64x512xf32, #tpu.memory_space<vmem>>, vector<16xf32>,
          tpu.vector_store %arg9[%swap3A_383, %swap3A_384], %max3A_382 {strides = array<i32>} : memref<64x512xf32, #tpu.memory_space<vmem>>, vector<16xf32>,
          %get3A_386 = arith.index_cast %scan3A_43 : i32 to index
          %get3A_387 = arith.constant 128 : index
          %get3A_388 = tpu.vector_load %arg6[%get3A_386, %get3A_387] {strides = array<i32>} : memref<80x512xf32, #tpu.memory_space<vmem>>, vector<16xf32>,
          %mul3A_389 = arith.mulf %get3A_388, %mul3A_295 : vector<16xf32>
          %get3A_390 = arith.index_cast %squeeze3A_299 : i32 to index
          %get3A_391 = arith.constant 128 : index
          %get3A_392 = tpu.vector_load %arg9[%get3A_390, %get3A_391] {strides = array<i32>} : memref<64x512xf32, #tpu.memory_space<vmem>>, vector<16xf32>,
          %max3A_393 = arith.maximumf %get3A_392, %mul3A_389 : vector<16xf32>
          %swap3A_394 = arith.index_cast %squeeze3A_299 : i32 to index
          %swap3A_395 = arith.constant 128 : index
          %swap3A_396 = tpu.vector_load %arg9[%swap3A_394, %swap3A_395] {strides = array<i32>} : memref<64x512xf32, #tpu.memory_space<vmem>>, vector<16xf32>,
          tpu.vector_store %arg9[%swap3A_394, %swap3A_395], %max3A_393 {strides = array<i32>} : memref<64x512xf32, #tpu.memory_space<vmem>>, vector<16xf32>,
          %get3A_397 = arith.index_cast %scan3A_43 : i32 to index
          %get3A_398 = arith.constant 144 : index
          %get3A_399 = tpu.vector_load %arg6[%get3A_397, %get3A_398] {strides = array<i32>} : memref<80x512xf32, #tpu.memory_space<vmem>>, vector<16xf32>,
          %mul3A_400 = arith.mulf %get3A_399, %mul3A_295 : vector<16xf32>
          %get3A_401 = arith.index_cast %squeeze3A_299 : i32 to index
          %get3A_402 = arith.constant 144 : index
          %get3A_403 = tpu.vector_load %arg9[%get3A_401, %get3A_402] {strides = array<i32>} : memref<64x512xf32, #tpu.memory_space<vmem>>, vector<16xf32>,
          %max3A_404 = arith.maximumf %get3A_403, %mul3A_400 : vector<16xf32>
          %swap3A_405 = arith.index_cast %squeeze3A_299 : i32 to index
          %swap3A_406 = arith.constant 144 : index
          %swap3A_407 = tpu.vector_load %arg9[%swap3A_405, %swap3A_406] {strides = array<i32>} : memref<64x512xf32, #tpu.memory_space<vmem>>, vector<16xf32>,
          tpu.vector_store %arg9[%swap3A_405, %swap3A_406], %max3A_404 {strides = array<i32>} : memref<64x512xf32, #tpu.memory_space<vmem>>, vector<16xf32>,
          %get3A_408 = arith.index_cast %scan3A_43 : i32 to index
          %get3A_409 = arith.constant 160 : index
          %get3A_410 = tpu.vector_load %arg6[%get3A_408, %get3A_409] {strides = array<i32>} : memref<80x512xf32, #tpu.memory_space<vmem>>, vector<16xf32>,
          %mul3A_411 = arith.mulf %get3A_410, %mul3A_295 : vector<16xf32>
          %get3A_412 = arith.index_cast %squeeze3A_299 : i32 to index
          %get3A_413 = arith.constant 160 : index
          %get3A_414 = tpu.vector_load %arg9[%get3A_412, %get3A_413] {strides = array<i32>} : memref<64x512xf32, #tpu.memory_space<vmem>>, vector<16xf32>,
          %max3A_415 = arith.maximumf %get3A_414, %mul3A_411 : vector<16xf32>
          %swap3A_416 = arith.index_cast %squeeze3A_299 : i32 to index
          %swap3A_417 = arith.constant 160 : index
          %swap3A_418 = tpu.vector_load %arg9[%swap3A_416, %swap3A_417] {strides = array<i32>} : memref<64x512xf32, #tpu.memory_space<vmem>>, vector<16xf32>,
          tpu.vector_store %arg9[%swap3A_416, %swap3A_417], %max3A_415 {strides = array<i32>} : memref<64x512xf32, #tpu.memory_space<vmem>>, vector<16xf32>,
          %get3A_419 = arith.index_cast %scan3A_43 : i32 to index
          %get3A_420 = arith.constant 176 : index
          %get3A_421 = tpu.vector_load %arg6[%get3A_419, %get3A_420] {strides = array<i32>} : memref<80x512xf32, #tpu.memory_space<vmem>>, vector<16xf32>,
          %mul3A_422 = arith.mulf %get3A_421, %mul3A_295 : vector<16xf32>
          %get3A_423 = arith.index_cast %squeeze3A_299 : i32 to index
          %get3A_424 = arith.constant 176 : index
          %get3A_425 = tpu.vector_load %arg9[%get3A_423, %get3A_424] {strides = array<i32>} : memref<64x512xf32, #tpu.memory_space<vmem>>, vector<16xf32>,
          %max3A_426 = arith.maximumf %get3A_425, %mul3A_422 : vector<16xf32>
          %swap3A_427 = arith.index_cast %squeeze3A_299 : i32 to index
          %swap3A_428 = arith.constant 176 : index
          %swap3A_429 = tpu.vector_load %arg9[%swap3A_427, %swap3A_428] {strides = array<i32>} : memref<64x512xf32, #tpu.memory_space<vmem>>, vector<16xf32>,
          tpu.vector_store %arg9[%swap3A_427, %swap3A_428], %max3A_426 {strides = array<i32>} : memref<64x512xf32, #tpu.memory_space<vmem>>, vector<16xf32>,
          %get3A_430 = arith.index_cast %scan3A_43 : i32 to index
          %get3A_431 = arith.constant 192 : index
          %get3A_432 = tpu.vector_load %arg6[%get3A_430, %get3A_431] {strides = array<i32>} : memref<80x512xf32, #tpu.memory_space<vmem>>, vector<16xf32>,
          %mul3A_433 = arith.mulf %get3A_432, %mul3A_295 : vector<16xf32>
          %get3A_434 = arith.index_cast %squeeze3A_299 : i32 to index
          %get3A_435 = arith.constant 192 : index
          %get3A_436 = tpu.vector_load %arg9[%get3A_434, %get3A_435] {strides = array<i32>} : memref<64x512xf32, #tpu.memory_space<vmem>>, vector<16xf32>,
          %max3A_437 = arith.maximumf %get3A_436, %mul3A_433 : vector<16xf32>
          %swap3A_438 = arith.index_cast %squeeze3A_299 : i32 to index
          %swap3A_439 = arith.constant 192 : index
          %swap3A_440 = tpu.vector_load %arg9[%swap3A_438, %swap3A_439] {strides = array<i32>} : memref<64x512xf32, #tpu.memory_space<vmem>>, vector<16xf32>,
          tpu.vector_store %arg9[%swap3A_438, %swap3A_439], %max3A_437 {strides = array<i32>} : memref<64x512xf32, #tpu.memory_space<vmem>>, vector<16xf32>,
          %get3A_441 = arith.index_cast %scan3A_43 : i32 to index
          %get3A_442 = arith.constant 208 : index
          %get3A_443 = tpu.vector_load %arg6[%get3A_441, %get3A_442] {strides = array<i32>} : memref<80x512xf32, #tpu.memory_space<vmem>>, vector<16xf32>,
          %mul3A_444 = arith.mulf %get3A_443, %mul3A_295 : vector<16xf32>
          %get3A_445 = arith.index_cast %squeeze3A_299 : i32 to index
          %get3A_446 = arith.constant 208 : index
          %get3A_447 = tpu.vector_load %arg9[%get3A_445, %get3A_446] {strides = array<i32>} : memref<64x512xf32, #tpu.memory_space<vmem>>, vector<16xf32>,
          %max3A_448 = arith.maximumf %get3A_447, %mul3A_444 : vector<16xf32>
          %swap3A_449 = arith.index_cast %squeeze3A_299 : i32 to index
          %swap3A_450 = arith.constant 208 : index
          %swap3A_451 = tpu.vector_load %arg9[%swap3A_449, %swap3A_450] {strides = array<i32>} : memref<64x512xf32, #tpu.memory_space<vmem>>, vector<16xf32>,
          tpu.vector_store %arg9[%swap3A_449, %swap3A_450], %max3A_448 {strides = array<i32>} : memref<64x512xf32, #tpu.memory_space<vmem>>, vector<16xf32>,
          %get3A_452 = arith.index_cast %scan3A_43 : i32 to index
          %get3A_453 = arith.constant 224 : index
          %get3A_454 = tpu.vector_load %arg6[%get3A_452, %get3A_453] {strides = array<i32>} : memref<80x512xf32, #tpu.memory_space<vmem>>, vector<16xf32>,
          %mul3A_455 = arith.mulf %get3A_454, %mul3A_295 : vector<16xf32>
          %get3A_456 = arith.index_cast %squeeze3A_299 : i32 to index
          %get3A_457 = arith.constant 224 : index
          %get3A_458 = tpu.vector_load %arg9[%get3A_456, %get3A_457] {strides = array<i32>} : memref<64x512xf32, #tpu.memory_space<vmem>>, vector<16xf32>,
          %max3A_459 = arith.maximumf %get3A_458, %mul3A_455 : vector<16xf32>
          %swap3A_460 = arith.index_cast %squeeze3A_299 : i32 to index
          %swap3A_461 = arith.constant 224 : index
          %swap3A_462 = tpu.vector_load %arg9[%swap3A_460, %swap3A_461] {strides = array<i32>} : memref<64x512xf32, #tpu.memory_space<vmem>>, vector<16xf32>,
          tpu.vector_store %arg9[%swap3A_460, %swap3A_461], %max3A_459 {strides = array<i32>} : memref<64x512xf32, #tpu.memory_space<vmem>>, vector<16xf32>,
          %get3A_463 = arith.index_cast %scan3A_43 : i32 to index
          %get3A_464 = arith.constant 240 : index
          %get3A_465 = tpu.vector_load %arg6[%get3A_463, %get3A_464] {strides = array<i32>} : memref<80x512xf32, #tpu.memory_space<vmem>>, vector<16xf32>,
          %mul3A_466 = arith.mulf %get3A_465, %mul3A_295 : vector<16xf32>
          %get3A_467 = arith.index_cast %squeeze3A_299 : i32 to index
          %get3A_468 = arith.constant 240 : index
          %get3A_469 = tpu.vector_load %arg9[%get3A_467, %get3A_468] {strides = array<i32>} : memref<64x512xf32, #tpu.memory_space<vmem>>, vector<16xf32>,
          %max3A_470 = arith.maximumf %get3A_469, %mul3A_466 : vector<16xf32>
          %swap3A_471 = arith.index_cast %squeeze3A_299 : i32 to index
          %swap3A_472 = arith.constant 240 : index
          %swap3A_473 = tpu.vector_load %arg9[%swap3A_471, %swap3A_472] {strides = array<i32>} : memref<64x512xf32, #tpu.memory_space<vmem>>, vector<16xf32>,
          tpu.vector_store %arg9[%swap3A_471, %swap3A_472], %max3A_470 {strides = array<i32>} : memref<64x512xf32, #tpu.memory_space<vmem>>, vector<16xf32>,
          %get3A_474 = arith.index_cast %scan3A_43 : i32 to index
          %get3A_475 = arith.constant 256 : index
          %get3A_476 = tpu.vector_load %arg6[%get3A_474, %get3A_475] {strides = array<i32>} : memref<80x512xf32, #tpu.memory_space<vmem>>, vector<16xf32>,
          %mul3A_477 = arith.mulf %get3A_476, %mul3A_295 : vector<16xf32>
          %get3A_478 = arith.index_cast %squeeze3A_299 : i32 to index
          %get3A_479 = arith.constant 256 : index
          %get3A_480 = tpu.vector_load %arg9[%get3A_478, %get3A_479] {strides = array<i32>} : memref<64x512xf32, #tpu.memory_space<vmem>>, vector<16xf32>,
          %max3A_481 = arith.maximumf %get3A_480, %mul3A_477 : vector<16xf32>
          %swap3A_482 = arith.index_cast %squeeze3A_299 : i32 to index
          %swap3A_483 = arith.constant 256 : index
          %swap3A_484 = tpu.vector_load %arg9[%swap3A_482, %swap3A_483] {strides = array<i32>} : memref<64x512xf32, #tpu.memory_space<vmem>>, vector<16xf32>,
          tpu.vector_store %arg9[%swap3A_482, %swap3A_483], %max3A_481 {strides = array<i32>} : memref<64x512xf32, #tpu.memory_space<vmem>>, vector<16xf32>,
          %get3A_485 = arith.index_cast %scan3A_43 : i32 to index
          %get3A_486 = arith.constant 272 : index
          %get3A_487 = tpu.vector_load %arg6[%get3A_485, %get3A_486] {strides = array<i32>} : memref<80x512xf32, #tpu.memory_space<vmem>>, vector<16xf32>,
          %mul3A_488 = arith.mulf %get3A_487, %mul3A_295 : vector<16xf32>
          %get3A_489 = arith.index_cast %squeeze3A_299 : i32 to index
          %get3A_490 = arith.constant 272 : index
          %get3A_491 = tpu.vector_load %arg9[%get3A_489, %get3A_490] {strides = array<i32>} : memref<64x512xf32, #tpu.memory_space<vmem>>, vector<16xf32>,
          %max3A_492 = arith.maximumf %get3A_491, %mul3A_488 : vector<16xf32>
          %swap3A_493 = arith.index_cast %squeeze3A_299 : i32 to index
          %swap3A_494 = arith.constant 272 : index
          %swap3A_495 = tpu.vector_load %arg9[%swap3A_493, %swap3A_494] {strides = array<i32>} : memref<64x512xf32, #tpu.memory_space<vmem>>, vector<16xf32>,
          tpu.vector_store %arg9[%swap3A_493, %swap3A_494], %max3A_492 {strides = array<i32>} : memref<64x512xf32, #tpu.memory_space<vmem>>, vector<16xf32>,
          %get3A_496 = arith.index_cast %scan3A_43 : i32 to index
          %get3A_497 = arith.constant 288 : index
          %get3A_498 = tpu.vector_load %arg6[%get3A_496, %get3A_497] {strides = array<i32>} : memref<80x512xf32, #tpu.memory_space<vmem>>, vector<16xf32>,
          %mul3A_499 = arith.mulf %get3A_498, %mul3A_295 : vector<16xf32>
          %get3A_500 = arith.index_cast %squeeze3A_299 : i32 to index
          %get3A_501 = arith.constant 288 : index
          %get3A_502 = tpu.vector_load %arg9[%get3A_500, %get3A_501] {strides = array<i32>} : memref<64x512xf32, #tpu.memory_space<vmem>>, vector<16xf32>,
          %max3A_503 = arith.maximumf %get3A_502, %mul3A_499 : vector<16xf32>
          %swap3A_504 = arith.index_cast %squeeze3A_299 : i32 to index
          %swap3A_505 = arith.constant 288 : index
          %swap3A_506 = tpu.vector_load %arg9[%swap3A_504, %swap3A_505] {strides = array<i32>} : memref<64x512xf32, #tpu.memory_space<vmem>>, vector<16xf32>,
          tpu.vector_store %arg9[%swap3A_504, %swap3A_505], %max3A_503 {strides = array<i32>} : memref<64x512xf32, #tpu.memory_space<vmem>>, vector<16xf32>,
          %get3A_507 = arith.index_cast %scan3A_43 : i32 to index
          %get3A_508 = arith.constant 304 : index
          %get3A_509 = tpu.vector_load %arg6[%get3A_507, %get3A_508] {strides = array<i32>} : memref<80x512xf32, #tpu.memory_space<vmem>>, vector<16xf32>,
          %mul3A_510 = arith.mulf %get3A_509, %mul3A_295 : vector<16xf32>
          %get3A_511 = arith.index_cast %squeeze3A_299 : i32 to index
          %get3A_512 = arith.constant 304 : index
          %get3A_513 = tpu.vector_load %arg9[%get3A_511, %get3A_512] {strides = array<i32>} : memref<64x512xf32, #tpu.memory_space<vmem>>, vector<16xf32>,
          %max3A_514 = arith.maximumf %get3A_513, %mul3A_510 : vector<16xf32>
          %swap3A_515 = arith.index_cast %squeeze3A_299 : i32 to index
          %swap3A_516 = arith.constant 304 : index
          %swap3A_517 = tpu.vector_load %arg9[%swap3A_515, %swap3A_516] {strides = array<i32>} : memref<64x512xf32, #tpu.memory_space<vmem>>, vector<16xf32>,
          tpu.vector_store %arg9[%swap3A_515, %swap3A_516], %max3A_514 {strides = array<i32>} : memref<64x512xf32, #tpu.memory_space<vmem>>, vector<16xf32>,
          %get3A_518 = arith.index_cast %scan3A_43 : i32 to index
          %get3A_519 = arith.constant 320 : index
          %get3A_520 = tpu.vector_load %arg6[%get3A_518, %get3A_519] {strides = array<i32>} : memref<80x512xf32, #tpu.memory_space<vmem>>, vector<16xf32>,
          %mul3A_521 = arith.mulf %get3A_520, %mul3A_295 : vector<16xf32>
          %get3A_522 = arith.index_cast %squeeze3A_299 : i32 to index
          %get3A_523 = arith.constant 320 : index
          %get3A_524 = tpu.vector_load %arg9[%get3A_522, %get3A_523] {strides = array<i32>} : memref<64x512xf32, #tpu.memory_space<vmem>>, vector<16xf32>,
          %max3A_525 = arith.maximumf %get3A_524, %mul3A_521 : vector<16xf32>
          %swap3A_526 = arith.index_cast %squeeze3A_299 : i32 to index
          %swap3A_527 = arith.constant 320 : index
          %swap3A_528 = tpu.vector_load %arg9[%swap3A_526, %swap3A_527] {strides = array<i32>} : memref<64x512xf32, #tpu.memory_space<vmem>>, vector<16xf32>,
          tpu.vector_store %arg9[%swap3A_526, %swap3A_527], %max3A_525 {strides = array<i32>} : memref<64x512xf32, #tpu.memory_space<vmem>>, vector<16xf32>,
          %get3A_529 = arith.index_cast %scan3A_43 : i32 to index
          %get3A_530 = arith.constant 336 : index
          %get3A_531 = tpu.vector_load %arg6[%get3A_529, %get3A_530] {strides = array<i32>} : memref<80x512xf32, #tpu.memory_space<vmem>>, vector<16xf32>,
          %mul3A_532 = arith.mulf %get3A_531, %mul3A_295 : vector<16xf32>
          %get3A_533 = arith.index_cast %squeeze3A_299 : i32 to index
          %get3A_534 = arith.constant 336 : index
          %get3A_535 = tpu.vector_load %arg9[%get3A_533, %get3A_534] {strides = array<i32>} : memref<64x512xf32, #tpu.memory_space<vmem>>, vector<16xf32>,
          %max3A_536 = arith.maximumf %get3A_535, %mul3A_532 : vector<16xf32>
          %swap3A_537 = arith.index_cast %squeeze3A_299 : i32 to index
          %swap3A_538 = arith.constant 336 : index
          %swap3A_539 = tpu.vector_load %arg9[%swap3A_537, %swap3A_538] {strides = array<i32>} : memref<64x512xf32, #tpu.memory_space<vmem>>, vector<16xf32>,
          tpu.vector_store %arg9[%swap3A_537, %swap3A_538], %max3A_536 {strides = array<i32>} : memref<64x512xf32, #tpu.memory_space<vmem>>, vector<16xf32>,
          %get3A_540 = arith.index_cast %scan3A_43 : i32 to index
          %get3A_541 = arith.constant 352 : index
          %get3A_542 = tpu.vector_load %arg6[%get3A_540, %get3A_541] {strides = array<i32>} : memref<80x512xf32, #tpu.memory_space<vmem>>, vector<16xf32>,
          %mul3A_543 = arith.mulf %get3A_542, %mul3A_295 : vector<16xf32>
          %get3A_544 = arith.index_cast %squeeze3A_299 : i32 to index
          %get3A_545 = arith.constant 352 : index
          %get3A_546 = tpu.vector_load %arg9[%get3A_544, %get3A_545] {strides = array<i32>} : memref<64x512xf32, #tpu.memory_space<vmem>>, vector<16xf32>,
          %max3A_547 = arith.maximumf %get3A_546, %mul3A_543 : vector<16xf32>
          %swap3A_548 = arith.index_cast %squeeze3A_299 : i32 to index
          %swap3A_549 = arith.constant 352 : index
          %swap3A_550 = tpu.vector_load %arg9[%swap3A_548, %swap3A_549] {strides = array<i32>} : memref<64x512xf32, #tpu.memory_space<vmem>>, vector<16xf32>,
          tpu.vector_store %arg9[%swap3A_548, %swap3A_549], %max3A_547 {strides = array<i32>} : memref<64x512xf32, #tpu.memory_space<vmem>>, vector<16xf32>,
          %get3A_551 = arith.index_cast %scan3A_43 : i32 to index
          %get3A_552 = arith.constant 368 : index
          %get3A_553 = tpu.vector_load %arg6[%get3A_551, %get3A_552] {strides = array<i32>} : memref<80x512xf32, #tpu.memory_space<vmem>>, vector<16xf32>,
          %mul3A_554 = arith.mulf %get3A_553, %mul3A_295 : vector<16xf32>
          %get3A_555 = arith.index_cast %squeeze3A_299 : i32 to index
          %get3A_556 = arith.constant 368 : index
          %get3A_557 = tpu.vector_load %arg9[%get3A_555, %get3A_556] {strides = array<i32>} : memref<64x512xf32, #tpu.memory_space<vmem>>, vector<16xf32>,
          %max3A_558 = arith.maximumf %get3A_557, %mul3A_554 : vector<16xf32>
          %swap3A_559 = arith.index_cast %squeeze3A_299 : i32 to index
          %swap3A_560 = arith.constant 368 : index
          %swap3A_561 = tpu.vector_load %arg9[%swap3A_559, %swap3A_560] {strides = array<i32>} : memref<64x512xf32, #tpu.memory_space<vmem>>, vector<16xf32>,
          tpu.vector_store %arg9[%swap3A_559, %swap3A_560], %max3A_558 {strides = array<i32>} : memref<64x512xf32, #tpu.memory_space<vmem>>, vector<16xf32>,
          %get3A_562 = arith.index_cast %scan3A_43 : i32 to index
          %get3A_563 = arith.constant 384 : index
          %get3A_564 = tpu.vector_load %arg6[%get3A_562, %get3A_563] {strides = array<i32>} : memref<80x512xf32, #tpu.memory_space<vmem>>, vector<16xf32>,
          %mul3A_565 = arith.mulf %get3A_564, %mul3A_295 : vector<16xf32>
          %get3A_566 = arith.index_cast %squeeze3A_299 : i32 to index
          %get3A_567 = arith.constant 384 : index
          %get3A_568 = tpu.vector_load %arg9[%get3A_566, %get3A_567] {strides = array<i32>} : memref<64x512xf32, #tpu.memory_space<vmem>>, vector<16xf32>,
          %max3A_569 = arith.maximumf %get3A_568, %mul3A_565 : vector<16xf32>
          %swap3A_570 = arith.index_cast %squeeze3A_299 : i32 to index
          %swap3A_571 = arith.constant 384 : index
          %swap3A_572 = tpu.vector_load %arg9[%swap3A_570, %swap3A_571] {strides = array<i32>} : memref<64x512xf32, #tpu.memory_space<vmem>>, vector<16xf32>,
          tpu.vector_store %arg9[%swap3A_570, %swap3A_571], %max3A_569 {strides = array<i32>} : memref<64x512xf32, #tpu.memory_space<vmem>>, vector<16xf32>,
          %get3A_573 = arith.index_cast %scan3A_43 : i32 to index
          %get3A_574 = arith.constant 400 : index
          %get3A_575 = tpu.vector_load %arg6[%get3A_573, %get3A_574] {strides = array<i32>} : memref<80x512xf32, #tpu.memory_space<vmem>>, vector<16xf32>,
          %mul3A_576 = arith.mulf %get3A_575, %mul3A_295 : vector<16xf32>
          %get3A_577 = arith.index_cast %squeeze3A_299 : i32 to index
          %get3A_578 = arith.constant 400 : index
          %get3A_579 = tpu.vector_load %arg9[%get3A_577, %get3A_578] {strides = array<i32>} : memref<64x512xf32, #tpu.memory_space<vmem>>, vector<16xf32>,
          %max3A_580 = arith.maximumf %get3A_579, %mul3A_576 : vector<16xf32>
          %swap3A_581 = arith.index_cast %squeeze3A_299 : i32 to index
          %swap3A_582 = arith.constant 400 : index
          %swap3A_583 = tpu.vector_load %arg9[%swap3A_581, %swap3A_582] {strides = array<i32>} : memref<64x512xf32, #tpu.memory_space<vmem>>, vector<16xf32>,
          tpu.vector_store %arg9[%swap3A_581, %swap3A_582], %max3A_580 {strides = array<i32>} : memref<64x512xf32, #tpu.memory_space<vmem>>, vector<16xf32>,
          %get3A_584 = arith.index_cast %scan3A_43 : i32 to index
          %get3A_585 = arith.constant 416 : index
          %get3A_586 = tpu.vector_load %arg6[%get3A_584, %get3A_585] {strides = array<i32>} : memref<80x512xf32, #tpu.memory_space<vmem>>, vector<16xf32>,
          %mul3A_587 = arith.mulf %get3A_586, %mul3A_295 : vector<16xf32>
          %get3A_588 = arith.index_cast %squeeze3A_299 : i32 to index
          %get3A_589 = arith.constant 416 : index
          %get3A_590 = tpu.vector_load %arg9[%get3A_588, %get3A_589] {strides = array<i32>} : memref<64x512xf32, #tpu.memory_space<vmem>>, vector<16xf32>,
          %max3A_591 = arith.maximumf %get3A_590, %mul3A_587 : vector<16xf32>
          %swap3A_592 = arith.index_cast %squeeze3A_299 : i32 to index
          %swap3A_593 = arith.constant 416 : index
          %swap3A_594 = tpu.vector_load %arg9[%swap3A_592, %swap3A_593] {strides = array<i32>} : memref<64x512xf32, #tpu.memory_space<vmem>>, vector<16xf32>,
          tpu.vector_store %arg9[%swap3A_592, %swap3A_593], %max3A_591 {strides = array<i32>} : memref<64x512xf32, #tpu.memory_space<vmem>>, vector<16xf32>,
          %get3A_595 = arith.index_cast %scan3A_43 : i32 to index
          %get3A_596 = arith.constant 432 : index
          %get3A_597 = tpu.vector_load %arg6[%get3A_595, %get3A_596] {strides = array<i32>} : memref<80x512xf32, #tpu.memory_space<vmem>>, vector<16xf32>,
          %mul3A_598 = arith.mulf %get3A_597, %mul3A_295 : vector<16xf32>
          %get3A_599 = arith.index_cast %squeeze3A_299 : i32 to index
          %get3A_600 = arith.constant 432 : index
          %get3A_601 = tpu.vector_load %arg9[%get3A_599, %get3A_600] {strides = array<i32>} : memref<64x512xf32, #tpu.memory_space<vmem>>, vector<16xf32>,
          %max3A_602 = arith.maximumf %get3A_601, %mul3A_598 : vector<16xf32>
          %swap3A_603 = arith.index_cast %squeeze3A_299 : i32 to index
          %swap3A_604 = arith.constant 432 : index
          %swap3A_605 = tpu.vector_load %arg9[%swap3A_603, %swap3A_604] {strides = array<i32>} : memref<64x512xf32, #tpu.memory_space<vmem>>, vector<16xf32>,
          tpu.vector_store %arg9[%swap3A_603, %swap3A_604], %max3A_602 {strides = array<i32>} : memref<64x512xf32, #tpu.memory_space<vmem>>, vector<16xf32>,
          %get3A_606 = arith.index_cast %scan3A_43 : i32 to index
          %get3A_607 = arith.constant 448 : index
          %get3A_608 = tpu.vector_load %arg6[%get3A_606, %get3A_607] {strides = array<i32>} : memref<80x512xf32, #tpu.memory_space<vmem>>, vector<16xf32>,
          %mul3A_609 = arith.mulf %get3A_608, %mul3A_295 : vector<16xf32>
          %get3A_610 = arith.index_cast %squeeze3A_299 : i32 to index
          %get3A_611 = arith.constant 448 : index
          %get3A_612 = tpu.vector_load %arg9[%get3A_610, %get3A_611] {strides = array<i32>} : memref<64x512xf32, #tpu.memory_space<vmem>>, vector<16xf32>,
          %max3A_613 = arith.maximumf %get3A_612, %mul3A_609 : vector<16xf32>
          %swap3A_614 = arith.index_cast %squeeze3A_299 : i32 to index
          %swap3A_615 = arith.constant 448 : index
          %swap3A_616 = tpu.vector_load %arg9[%swap3A_614, %swap3A_615] {strides = array<i32>} : memref<64x512xf32, #tpu.memory_space<vmem>>, vector<16xf32>,
          tpu.vector_store %arg9[%swap3A_614, %swap3A_615], %max3A_613 {strides = array<i32>} : memref<64x512xf32, #tpu.memory_space<vmem>>, vector<16xf32>,
          %get3A_617 = arith.index_cast %scan3A_43 : i32 to index
          %get3A_618 = arith.constant 464 : index
          %get3A_619 = tpu.vector_load %arg6[%get3A_617, %get3A_618] {strides = array<i32>} : memref<80x512xf32, #tpu.memory_space<vmem>>, vector<16xf32>,
          %mul3A_620 = arith.mulf %get3A_619, %mul3A_295 : vector<16xf32>
          %get3A_621 = arith.index_cast %squeeze3A_299 : i32 to index
          %get3A_622 = arith.constant 464 : index
          %get3A_623 = tpu.vector_load %arg9[%get3A_621, %get3A_622] {strides = array<i32>} : memref<64x512xf32, #tpu.memory_space<vmem>>, vector<16xf32>,
          %max3A_624 = arith.maximumf %get3A_623, %mul3A_620 : vector<16xf32>
          %swap3A_625 = arith.index_cast %squeeze3A_299 : i32 to index
          %swap3A_626 = arith.constant 464 : index
          %swap3A_627 = tpu.vector_load %arg9[%swap3A_625, %swap3A_626] {strides = array<i32>} : memref<64x512xf32, #tpu.memory_space<vmem>>, vector<16xf32>,
          tpu.vector_store %arg9[%swap3A_625, %swap3A_626], %max3A_624 {strides = array<i32>} : memref<64x512xf32, #tpu.memory_space<vmem>>, vector<16xf32>,
          %get3A_628 = arith.index_cast %scan3A_43 : i32 to index
          %get3A_629 = arith.constant 480 : index
          %get3A_630 = tpu.vector_load %arg6[%get3A_628, %get3A_629] {strides = array<i32>} : memref<80x512xf32, #tpu.memory_space<vmem>>, vector<16xf32>,
          %mul3A_631 = arith.mulf %get3A_630, %mul3A_295 : vector<16xf32>
          %get3A_632 = arith.index_cast %squeeze3A_299 : i32 to index
          %get3A_633 = arith.constant 480 : index
          %get3A_634 = tpu.vector_load %arg9[%get3A_632, %get3A_633] {strides = array<i32>} : memref<64x512xf32, #tpu.memory_space<vmem>>, vector<16xf32>,
          %max3A_635 = arith.maximumf %get3A_634, %mul3A_631 : vector<16xf32>
          %swap3A_636 = arith.index_cast %squeeze3A_299 : i32 to index
          %swap3A_637 = arith.constant 480 : index
          %swap3A_638 = tpu.vector_load %arg9[%swap3A_636, %swap3A_637] {strides = array<i32>} : memref<64x512xf32, #tpu.memory_space<vmem>>, vector<16xf32>,
          tpu.vector_store %arg9[%swap3A_636, %swap3A_637], %max3A_635 {strides = array<i32>} : memref<64x512xf32, #tpu.memory_space<vmem>>, vector<16xf32>,
          %get3A_639 = arith.index_cast %scan3A_43 : i32 to index
          %get3A_640 = arith.constant 496 : index
          %get3A_641 = tpu.vector_load %arg6[%get3A_639, %get3A_640] {strides = array<i32>} : memref<80x512xf32, #tpu.memory_space<vmem>>, vector<16xf32>,
          %mul3A_642 = arith.mulf %get3A_641, %mul3A_295 : vector<16xf32>
          %get3A_643 = arith.index_cast %squeeze3A_299 : i32 to index
          %get3A_644 = arith.constant 496 : index
          %get3A_645 = tpu.vector_load %arg9[%get3A_643, %get3A_644] {strides = array<i32>} : memref<64x512xf32, #tpu.memory_space<vmem>>, vector<16xf32>,
          %max3A_646 = arith.maximumf %get3A_645, %mul3A_642 : vector<16xf32>
          %swap3A_647 = arith.index_cast %squeeze3A_299 : i32 to index
          %swap3A_648 = arith.constant 496 : index
          %swap3A_649 = tpu.vector_load %arg9[%swap3A_647, %swap3A_648] {strides = array<i32>} : memref<64x512xf32, #tpu.memory_space<vmem>>, vector<16xf32>,
          tpu.vector_store %arg9[%swap3A_647, %swap3A_648], %max3A_646 {strides = array<i32>} : memref<64x512xf32, #tpu.memory_space<vmem>>, vector<16xf32>,
        }
        %scan3A_41 = arith.constant 80 : i32
        %cond3A_42 = arith.constant 0 : i32
        scf.yield %cond3A_42 : i32
      }
    }
    "tpu.region"() ({
      %run_scoped3A_22 = tpu.sem_alloc : memref<!tpu.dma_semaphore, #tpu.memory_space<semaphore_mem>>
      %dma_start3A = arith.constant 0 : i32
      %dma_start3A_23 = arith.constant 0 : i32
      %dma_start3A_24 = tpu.memref_slice %arg5[%add3A, %dma_start3A, %dma_start3A_23] : memref<32x64x512xf32, #tpu.memory_space<hbm>> -> memref<1x64x512xf32, #tpu.memory_space<hbm>>
      %dma_start3A_25 = tpu.memref_squeeze %dma_start3A_24 : memref<1x64x512xf32, #tpu.memory_space<hbm>> -> memref<64x512xf32, #tpu.memory_space<hbm>>
      %dma_start3A_26 = arith.constant 0 : i32
      %dma_start3A_27 = arith.constant 0 : i32
      %dma_start3A_28 = tpu.memref_slice %arg5[%add3A, %dma_start3A_26, %dma_start3A_27] : memref<32x64x512xf32, #tpu.memory_space<hbm>> -> memref<1x64x512xf32, #tpu.memory_space<hbm>>
      %dma_start3A_29 = tpu.memref_squeeze %dma_start3A_28 : memref<1x64x512xf32, #tpu.memory_space<hbm>> -> memref<64x512xf32, #tpu.memory_space<hbm>>
      tpu.enqueue_dma source(%arg9 : memref<64x512xf32, #tpu.memory_space<vmem>>) target(%dma_start3A_29 : memref<64x512xf32, #tpu.memory_space<hbm>>) target_semaphore(%run_scoped3A_22 : memref<!tpu.dma_semaphore, #tpu.memory_space<semaphore_mem>>)
      %dma_wait3A = arith.constant 0 : i32
      %dma_wait3A_30 = arith.constant 0 : i32
      %dma_wait3A_31 = tpu.memref_slice %arg5[%add3A, %dma_wait3A, %dma_wait3A_30] : memref<32x64x512xf32, #tpu.memory_space<hbm>> -> memref<1x64x512xf32, #tpu.memory_space<hbm>>
      %dma_wait3A_32 = tpu.memref_squeeze %dma_wait3A_31 : memref<1x64x512xf32, #tpu.memory_space<hbm>> -> memref<64x512xf32, #tpu.memory_space<hbm>>
      %dma_wait3A_33 = arith.constant 0 : i32
      %dma_wait3A_34 = arith.constant 0 : i32
      %dma_wait3A_35 = tpu.memref_slice %arg5[%add3A, %dma_wait3A_33, %dma_wait3A_34] : memref<32x64x512xf32, #tpu.memory_space<hbm>> -> memref<1x64x512xf32, #tpu.memory_space<hbm>>
      %dma_wait3A_36 = tpu.memref_squeeze %dma_wait3A_35 : memref<1x64x512xf32, #tpu.memory_space<hbm>> -> memref<64x512xf32, #tpu.memory_space<hbm>>
      tpu.wait_dma2 semaphore(%run_scoped3A_22 : memref<!tpu.dma_semaphore, #tpu.memory_space<semaphore_mem>>) src(%arg9 : memref<64x512xf32, #tpu.memory_space<vmem>>) dst(%dma_wait3A_36 : memref<64x512xf32, #tpu.memory_space<hbm>>)
      tpu.yield
    }) : () -> ()
    return
  }
}

module attributes {stable_mosaic.version = 14 : i64} {
  func.func @_merge_body(%arg0: memref<32x64x512xf32, #tpu.memory_space<vmem>>, %arg1: memref<10x512xf32, #tpu.memory_space<vmem>>, %arg2: memref<64x10xf32, #tpu.memory_space<vmem>>) attributes {dimension_semantics = [], scalar_prefetch = 0 : i64, scratch_operands = 0 : i64, tpu.core_type = #tpu.core_type<tc>} {
    %get3A = arith.constant 0 : index
    %get3A_0 = arith.constant 0 : index
    %get3A_1 = arith.constant 0 : index
    %get3A_2 = vector.load %arg0[%get3A, %get3A_0, %get3A_1] : memref<32x64x512xf32, #tpu.memory_space<vmem>>, vector<1x64x512xf32>
    %get3A_3 = vector.shape_cast %get3A_2 : vector<1x64x512xf32> to vector<64x512xf32>
    %scan3A = arith.constant 1 : i32
    %scan3A_4 = arith.constant 31 : i32
    %scan3A_5 = arith.addi %scan3A, %scan3A_4 : i32
    %scan3A_6 = arith.constant 1 : i32
    %scan3A_7 = scf.for %scan3A_15 = %scan3A to %scan3A_5 step %scan3A_6 iter_args(%scan3A_16 = %get3A_3) -> (vector<64x512xf32>)  : i32 {
      %get3A_17 = arith.index_cast %scan3A_15 : i32 to index
      %get3A_18 = arith.constant 0 : index
      %get3A_19 = arith.constant 0 : index
      %get3A_20 = vector.load %arg0[%get3A_17, %get3A_18, %get3A_19] : memref<32x64x512xf32, #tpu.memory_space<vmem>>, vector<1x64x512xf32>
      %get3A_21 = vector.shape_cast %get3A_20 : vector<1x64x512xf32> to vector<64x512xf32>
      %max3A = arith.maximumf %scan3A_16, %get3A_21 : vector<64x512xf32>
      scf.yield %max3A : vector<64x512xf32>
    }
    %scan3A_8 = arith.constant 31 : i32
    %get3A_9 = arith.constant 0 : index
    %get3A_10 = arith.constant 0 : index
    %get3A_11 = vector.load %arg1[%get3A_9, %get3A_10] : memref<10x512xf32, #tpu.memory_space<vmem>>, vector<10x512xf32>
    %dot_general3A = arith.constant dense<0.000000e+00> : vector<64x10xf32>
    %dot_general3A_12 = tpu.matmul %scan3A_7, %get3A_11, %dot_general3A {dimension_numbers = #tpu.dot_dimension_numbers<[1], [1], [0], [0], [0, 0, 1, 0], [], []>, transpose_lhs_hint = false} : vector<64x512xf32>, vector<10x512xf32>, vector<64x10xf32> -> vector<64x10xf32>
    %swap3A = arith.constant 0 : index
    %swap3A_13 = arith.constant 0 : index
    %swap3A_14 = vector.load %arg2[%swap3A, %swap3A_13] : memref<64x10xf32, #tpu.memory_space<vmem>>, vector<64x10xf32>
    tpu.vector_store %arg2[%swap3A, %swap3A_13], %dot_general3A_12 {strides = array<i32>} : memref<64x10xf32, #tpu.memory_space<vmem>>, vector<64x10xf32>,
    return
  }
}

</mosaic_0001>

<sc_bundles>
// kernel: kernel.4.cloned.1.call-start
scs
__scs_entry_jumppad:
0x0: {  	(pc) =	sbr.rel $0x88, $3  }
0x1: {  	(tag) =	ssettag $0x0;
	lr =	simm.s32 $0x1  }
0x2: {  	[smem:$0x3F9D] =	sst lr;
	_ =	strace $0xD0000000  }
0x3: {  	_ = 	snop  }
0x4: {  	_ = 	snop  }
0x5: {  	_ = 	snop  }
0x6: {  	_ = 	snop  }
0x7: {  	_ = 	snop  }
__scs_overlays_trampoline_lowered:
0x8: {  	[smem:$0x3FAC] =	sst s0  }
0x9: {  	[smem:$0x3FAD] =	sst s1  }
0xa: {  	[smem:$0x3FAE] =	sst s2  }
0xb: {  	[smem:$0x3FAF] =	sst s3  }
0xc: {  	[smem:$0x3FB0] =	sst s4  }
0xd: {  	[smem:$0x3FB1] =	sst s5  }
0xe: {  	[smem:$0x3FB2] =	sst s6  }
0xf: {  	[smem:$0x3FB3] =	sst s7  }
0x10: {  	[smem:$0x3FB4] =	sst s8  }
0x11: {  	[smem:$0x3FB5] =	sst s9;
	s0 =	simm.s32 @!p0 $0x0  }
0x12: {  	s1 =	sld [smem:$0x3F9B];
	s0 =	simm.s32 @p0 $0x1  }
0x13: {  	[smem:$0x3FB6] =	sst s0;
	s0 =	simm.s32 @!p1 $0x0  }
0x14: {  	s2 =	sld [smem:$0x3F9A];
	s0 =	simm.s32 @p1 $0x1  }
0x15: {  	[smem:$0x3FB7] =	sst s0;
	s0 =	simm.s32 @!p2 $0x0  }
0x16: {  	s3 =	sld [smem:$0x3FDB];
	s0 =	simm.s32 @p2 $0x1  }
0x17: {  	s4 =	simm.s32 $0x1BF5;
	[smem:$0x3FB9] =	sst s0  }
0x18: {  	s0 =	sld [smem:$0x3F9C];
	_ =	swait.ge [sflag:s4], $0x0  }
0x19: {  	s7 =	sld [smem:$0x3F9D]  }
0x1a: {  	s8 =	sadd.s32 $0xFFFFE003, lr  }
0x1b: {  	s9 =	sadd.s32 $0xFFFFFEF7, lr;
	s5 =	simm.s32 $0xFFFFFFFF;
	p2 =	slt.u32 s8, $0xFFFFF086  }
0x1c: {  	p1 =	slt.u32 s9, $0xF7A;
	s5 =	simm.s32 @!p2 $0x0  }
0x1d: {  	s5 =	simm.s32 @p1 $0x1;
	p0 =	seq.s32 s7, s2  }
0x1e: {  	s7 =	smul.u32 @!p0 $0xF7A, s2;
	p2 =	seq.s32 @!p0 s5, $0x0  }
0x1f: {  	s9 =	smul.u32 $0xF7A, s1;
	s8 =	simm.s32 @!p0 $0x1BF5;
	p2 =	por !p2, p0  }
0x20: {  	[sflag:s8] =	ssyncset.s32 @!p0 $0xFFFFF086;
	s6 =	sadd.s32 @!p0 s3, s7;
	s7 =	simm.s32 @!p0 $0x108  }
0x21: {  	s3 =	sadd.s32 s3, s9;
	s6 =	sadd.s32 @!p0 $0x88, s6;
	s7 =	simm.s32 @p2 $0x1082  }
0x22: {  	[simem:s7], [sflag:s8] =	dma.local @!p0 [hbm:s6], $0xF7A  }
0x23: {  	s9 =	sor.u32 $0xD0000000, s2;
	s6 =	simm.s32 $0x108;
	_ =	swait.ge @!p0 [sflag:s8], $0x0  }
0x24: {  	s3 =	sadd.s32 $0x88, s3;
	s6 =	simm.s32 @!p1 $0x1082;
	[sflag:s4] =	ssyncset.s32 $0xFFFFF086  }
0x25: {  	[simem:s6], [sflag:s4] =	dma.local [hbm:s3], $0xF7A  }
0x26: {  	[smem:$0x3F9D] =	sst s1;
	(tag) =	ssettag s2;
	_ =	strace s9  }
0x27: {  	s1 =	sld [smem:$0x3FAD]  }
0x28: {  	s2 =	sld [smem:$0x3FAE]  }
0x29: {  	s4 =	sld [smem:$0x3FB0]  }
0x2a: {  	p0 =	seq.s32 s5, $0x0;
	s5 =	sld [smem:$0x3FB1]  }
0x2b: {  	s6 =	sld [smem:$0x3FB2]  }
0x2c: {  	s7 =	sld [smem:$0x3FB3]  }
0x2d: {  	s3 =	simm.s32 $0x108;
	s8 =	sld [smem:$0x3FB4]  }
0x2e: {  	s3 =	simm.s32 @!p0 $0x1082;
	s9 =	sld [smem:$0x3FB5]  }
0x2f: {  	lr =	sadd.s32 s0, s3;
	s0 =	sld [smem:$0x3FAC]  }
0x30: {  	s3 =	sld [smem:$0x3FAF]  }
0x31: {  	[smem:$0x3FB8] =	sst s10  }
0x32: {  	s10 =	sld [smem:$0x3FB6];
	_ =	sdelay $0x3  }
0x33: {  	p0 =	seq.s32 s10, $0x1;
	s10 =	sld [smem:$0x3FB8];
	_ =	sdelay $0x3  }
0x34: {  	[smem:$0x3FB8] =	sst s10  }
0x35: {  	s10 =	sld [smem:$0x3FB7];
	_ =	sdelay $0x3  }
0x36: {  	p1 =	seq.s32 s10, $0x1;
	s10 =	sld [smem:$0x3FB8];
	_ =	sdelay $0x3  }
0x37: {  	[smem:$0x3FB8] =	sst s10  }
0x38: {  	s10 =	sld [smem:$0x3FB9]  }
0x39: {  	_ = 	snop;
	(pc) =	sbr.ind lr, $3  }
0x3a: {  	_ = 	snop  }
0x3b: {  	_ = 	snop  }
0x3c: {  	p2 =	seq.s32 s10, $0x1;
	s10 =	sld [smem:$0x3FB8]  }
0x3d: {  	_ =	shalt  }
0x3e: {  	_ =	shalt  }
0x3f: {  	_ =	shalt  }
0x40: {  	_ =	shalt  }
0x41: {  	_ =	shalt  }
0x42: {  	_ =	shalt  }
0x43: {  	_ =	shalt  }
0x44: {  	_ =	shalt  }
0x45: {  	_ =	shalt  }
0x46: {  	_ =	shalt  }
0x47: {  	_ =	shalt  }
0x48: {  	_ =	shalt  }
0x49: {  	_ =	shalt  }
0x4a: {  	_ =	shalt  }
0x4b: {  	_ =	shalt  }
0x4c: {  	_ =	shalt  }
0x4d: {  	_ =	shalt  }
0x4e: {  	_ =	shalt  }
0x4f: {  	_ =	shalt  }
0x50: {  	_ =	shalt  }
0x51: {  	_ =	shalt  }
0x52: {  	_ =	shalt  }
0x53: {  	_ =	shalt  }
0x54: {  	_ =	shalt  }
0x55: {  	_ =	shalt  }
0x56: {  	_ =	shalt  }
0x57: {  	_ =	shalt  }
0x58: {  	_ =	shalt  }
0x59: {  	_ =	shalt  }
0x5a: {  	_ =	shalt  }
0x5b: {  	_ =	shalt  }
0x5c: {  	_ =	shalt  }
0x5d: {  	_ =	shalt  }
0x5e: {  	_ =	shalt  }
0x5f: {  	_ =	shalt  }
0x60: {  	_ =	shalt  }
0x61: {  	_ =	shalt  }
0x62: {  	_ =	shalt  }
0x63: {  	_ =	shalt  }
0x64: {  	_ =	shalt  }
0x65: {  	_ =	shalt  }
0x66: {  	_ =	shalt  }
0x67: {  	_ =	shalt  }
0x68: {  	_ =	shalt  }
0x69: {  	_ =	shalt  }
0x6a: {  	_ =	shalt  }
0x6b: {  	_ =	shalt  }
0x6c: {  	_ =	shalt  }
0x6d: {  	_ =	shalt  }
0x6e: {  	_ =	shalt  }
0x6f: {  	_ =	shalt  }
0x70: {  	_ =	shalt  }
0x71: {  	_ =	shalt  }
0x72: {  	_ =	shalt  }
0x73: {  	_ =	shalt  }
0x74: {  	_ =	shalt  }
0x75: {  	_ =	shalt  }
0x76: {  	_ =	shalt  }
0x77: {  	_ =	shalt  }
0x78: {  	_ =	shalt  }
0x79: {  	_ =	shalt  }
0x7a: {  	_ =	shalt  }
0x7b: {  	_ =	shalt  }
0x7c: {  	_ =	shalt  }
0x7d: {  	_ =	shalt  }
0x7e: {  	_ =	shalt  }
0x7f: {  	_ =	shalt  }
0x80: {  	_ =	shalt  }
0x81: {  	_ =	shalt  }
0x82: {  	_ =	shalt  }
0x83: {  	_ =	shalt  }
0x84: {  	_ =	shalt  }
0x85: {  	_ =	shalt  }
0x86: {  	_ =	shalt  }
0x87: {  	_ =	shalt  }
.Lfunc_end0:
.L_simem_size_0:
called_computation_lowered:
.L_overlay_start_0:
0x88: {  	s2 =	sld [smem:$0x3FD9]  }
0x89: {  	s3 =	sld [smem:$0x3FFE];
	_ =	sdelay $0x1  }
0x8a: {  	s1 =	srdreg.scid  }
0x8b: {  	s0 =	sand.u32 $0x1, s1  }
0x8c: {  	s17 =	sshll.u32 s0, $0xA;
	s2 =	sadd.s32 s3, s2  }
0x8d: {  	s2 =	sadd.s32 s2, s17  }
0x8e: {  	[smem:$0x3FC4] =	sst s2  }
0x8f: {  	_ = 	snop  }
0x90: {  	s2 =	sld [smem:$0x3FC9]  }
0x91: {  	s18 =	sld [smem:$0x3FC8]  }
0x92: {  	s4 =	sld [smem:$0x3FC7];
	(tm) =	ssettm $0x1  }
0x93: {  	s5 =	sld [smem:$0x3FFB];
	_ =	sdelay $0x3  }
0x94: {  	_ =	strace s5  }
0x95: {  	s5 =	sld [smem:$0x3FFC];
	_ =	sdelay $0x3  }
0x96: {  	_ =	strace s5  }
0x97: {  	s5 =	sld [smem:$0x3FFD];
	_ =	sdelay $0x3  }
0x98: {  	_ =	strace s5  }
0x99: {  	_ =	strace $0x8FFFFFFF  }
0x9a: {  	s19 =	sld [smem:$0x3FDB];
	_ =	sdelay $0x1  }
0x9b: {  	s6 =	simm.s32 $_scs_section_size  }
0x9c: {  	s7 =	simm.s32 $_size__tile_overlayer_lowered;
	s8 =	simm.s32 $_tile_overlayer_lowered  }
0x9d: {  	s22 =	simm.s32 $0x1BFF;
	s21 =	sshll.u32 s8, $0x1;
	s5 =	sadd.s32 s6, s19  }
0x9e: {  	s9 =	simm.s32 $0x0;
	s20 =	sshll.u32 s7, $0x1;
	s7 =	sadd.s32 s21, s5  }
0x9f: {  	[timem:s9], [sflag:s22] =	dma.local [hbm:s7], s20  }
0xa0: {  	_ =	swait.ge [sflag:s22], s20  }
0xa1: {  	s6 =	ssub.s32 $0x0, s20;
	[sflag:s22] =	ssyncset.done $0x0  }
0xa2: {  	[sflag:s22] =	ssyncadd.s32 s6;
	_ =	sdelay $0x1  }
0xa3: {  	s23 =	simm.s32 $0x1B8B  }
0xa4: {  	_ =	swait.ge [sflag:s23], $0x1  }
0xa5: {  	[sflag:s23] =	ssyncset.done $0x0  }
0xa6: {  	s25 =	simm.s32 $0x1B8E;
	s24 =	sld [smem:$0x3FFE];
	[sflag:s23] =	ssyncadd.s32 $0xFFFFFFFF  }
0xa7: {  	s26 =	simm.s32 $execute0_lowered;
	[smem:$0x3FD2] =	sst s25  }
0xa8: {  	s7 =	sshll.u32 s26, $0x1;
	_ =	strace $0x80000046;
	[dreg:$0x1] =	wrdreg $0xFFFFFFFF  }
0xa9: {  	s28 =	simm.s32 $_size_execute0_lowered;
	s5 =	sadd.s32 s5, s7;
	[dreg:$0x0] =	wrdreg $0x0  }
0xaa: {  	s7 =	sshll.u32 s28, $0x1;
	[dreg:$0x2] =	wrdreg s5  }
0xab: {  	[dreg:$0x3] =	wrdreg s7  }
0xac: {  	[dreg:$0x4] =	wrdreg $0xC0  }
0xad: {  	_ =	task [dreg:s9], $0x5FFFF  }
0xae: {  	[dreg:$0x1] =	wrdreg $0xFFFFFFFF  }
0xaf: {  	[dreg:$0x0] =	wrdreg $0x60  }
0xb0: {  	[dreg:$0x2] =	wrdreg s2  }
0xb1: {  	[dreg:$0x3] =	wrdreg s18  }
0xb2: {  	[dreg:$0x4] =	wrdreg s4  }
0xb3: {  	[dreg:$0x5] =	wrdreg s24  }
0xb4: {  	[dreg:$0x6] =	wrdreg $0x9  }
0xb5: {  	_ =	task.clear_ibuf [dreg:s9], $0x7FFFF;
	_ =	strace $0x90000046  }
0xb6: {  	s29 =	simm.s32 $0x9;
	_ =	strace $0x80000048  }
0xb7: {  	_ =	swait.ge [sflag:s29], $0x1  }
0xb8: {  	[sflag:s29] =	ssyncadd.s32 $0xFFFFFFFF  }
0xb9: {  	_ =	strace $0x90000048  }
0xba: {  	_ =	sfence  }
0xbb: {  	s30 =	sld [smem:$0x0];
	_ =	sdelay $0x2  }
0xbc: {  	s31 =	sshll.u32 s1, $0xD;
	s1 =	sshrl.u32 s1, $0x2  }
0xbd: {  	s3 =	sand.u32 $0x4000, s31;
	s1 =	sadd.s32 s1, s30  }
0xbe: {  	s0 =	sor.u32 s3, s0;
	s1 =	sshll.u32 s1, $0x11  }
0xbf: {  	s0 =	sor.u32 s1, s0  }
0xc0: {  	s0 =	sadd.s32 $0x8F2B, s0  }
0xc1: {  	[sflag:s0] =	ssyncadd.remote.s32 $0x1  }
0xc2: {  	_ =	sfence.sel $0xFFFF  }
0xc3: {  	[dreg:$0x0] =	wrdreg $0xFFFFFFFF;
	(pc) =	sbr.abs _section_cstart, $3  }
0xc4: {  	[dreg:$0x1] =	wrdreg $0xFFFFFFFF  }
0xc5: {  	_ =	task.clear_ibuf [dreg:s9], $0x2FFFF;
	_ =	strace $0x9FFFFFFF  }
0xc6: {  	(tm) =	ssettm $0x7FFFFFFF  }
0xc7: {  	_ =	shalt  }
tec
execute0_lowered:
.L_overlay_start_1:
0x0: {  	(tag) =	ssettag $0x1  }
0x1: {  	s1 =	rddreg [dreg:$0x0]  }
0x2: {  	s2 =	rddreg [dreg:$0x1]  }
0x3: {  	s3 =	rddreg [dreg:$0x2]  }
0x4: {  	s7 =	rddreg [dreg:$0x3]  }
0x5: {  	s0 =	rddreg [dreg:$0x4]  }
0x6: {  	s5 =	simm.s32 $0x0;
	s6 =	srdreg.scid;
	s4 =	stileid.u32  }
0x7: {  	s11 =	simm.s32 $0x28;
	s13 =	simm.s32 $0x0;
	[smem:$0x7FF] =	sst s5  }
0x8: {  	s6 =	sand.u32 $0x1, s6;
	s8 =	sshll.u32 s4, $0x1;
	p0 =	seq.s32 s4, $0x0  }
0x9: {  	_ =	strace $0x80000047;
	s8 =	sor.u32 s6, s8;
	s10 =	ssub.s32 $0x2, s6  }
.Ltmp0:
0xa: {  	s11 =	simm.s32 @!p0 $0x27;
	s9 =	sshll.u32 s8, $0xC;
	(pc) =	sbr.rel .LBB2_1-.Ltmp0, $4  }
0xb: {  	s29 =	smul.u32 $0x27, s8;
	s8 =	smin.u32 s8, $0x2;
	s12 =	sshrl.u32 s10, $0x1  }
0xc: {  	s30 =	sadd.s32 s9, s7;
	s31 =	ssub.s32 s10, s12;
	s10 =	simm.s32 $0xA080  }
0xd: {  	s12 =	simm.s32 $0xA280;
	s6 =	sadd.s32 s8, s29;
	s8 =	sadd.s32 $0x800, s30  }
0xe: {  	v0 =	vimm.f32 $-Inf;
	s9 =	smax.u32 s31, $0x1;
	s7 =	sadd.s32 s11, s6;
	s11 =	simm.s32 $0x1  }
.LBB2_10:
0xf: {  	s13 =	sadd.s32 $0x1, s13  }
0x10: {  	p0 =	sne.s32 s13, s9  }
.Ltmp1:
0x11: {  	_ = 	snop;
	(pc) =	sbr.rel @!p0 .LBB2_11-.Ltmp1, $4  }
0x12: {  	[hbm4b:s8+s5] =	stream.linear.scatter [tilespmem:s12], [sflag:$0x1], $0x8000, $0x38;
	[tilespmem:$0x12280] =	vst v63  }
0x13: {  	_ =	swait.ge [sflag:s11], $0x8000  }
0x14: {  	[sflag:s11] =	ssyncset.done $0x0  }
0x15: {  	v0 =	vimm.f32 $-Inf;
	[sflag:s11] =	ssyncadd.s32 $0xFFFF8000  }
.LBB2_1:
0x16: {  	[tilespmem:s10], [sflag:$0x1] =	stream.linear.gather [hbm4b:s3+s5], $0x200, $0x38;
	[tilespmem:$0x12280] =	vst v63  }
0x17: {  	_ =	swait.ge [sflag:s11], $0x200  }
0x18: {  	s14 =	sand.u32 $0x7000, s5;
	s15 =	sand.u32 $0x380, s5;
	[sflag:s11] =	ssyncset.done $0x0  }
0x19: {  	s14 =	sor.u32 s15, s14;
	[sflag:s11] =	ssyncadd.s32 $0xFFFFFE00  }
0x1a: {  	[tilespmem:s14+$0xAEF0] =	vst v0  }
0x1b: {  	[tilespmem:s14+$0xA280] =	vst v0  }
0x1c: {  	[tilespmem:s14+$0xA290] =	vst v0  }
0x1d: {  	[tilespmem:s14+$0xA2A0] =	vst v0  }
0x1e: {  	[tilespmem:s14+$0xA2B0] =	vst v0  }
0x1f: {  	[tilespmem:s14+$0xA2C0] =	vst v0  }
0x20: {  	[tilespmem:s14+$0xA2D0] =	vst v0  }
0x21: {  	[tilespmem:s14+$0xA2E0] =	vst v0  }
0x22: {  	[tilespmem:s14+$0xA2F0] =	vst v0  }
0x23: {  	[tilespmem:s14+$0xA680] =	vst v0  }
0x24: {  	[tilespmem:s14+$0xA690] =	vst v0  }
0x25: {  	[tilespmem:s14+$0xA6A0] =	vst v0  }
0x26: {  	[tilespmem:s14+$0xA6B0] =	vst v0  }
0x27: {  	[tilespmem:s14+$0xA6C0] =	vst v0  }
0x28: {  	[tilespmem:s14+$0xA6D0] =	vst v0  }
0x29: {  	[tilespmem:s14+$0xA6E0] =	vst v0  }
0x2a: {  	[tilespmem:s14+$0xA6F0] =	vst v0  }
0x2b: {  	[tilespmem:s14+$0xAA80] =	vst v0  }
0x2c: {  	[tilespmem:s14+$0xAA90] =	vst v0  }
0x2d: {  	[tilespmem:s14+$0xAAA0] =	vst v0  }
0x2e: {  	[tilespmem:s14+$0xAAB0] =	vst v0  }
0x2f: {  	[tilespmem:s14+$0xAAC0] =	vst v0  }
0x30: {  	[tilespmem:s14+$0xAAD0] =	vst v0  }
0x31: {  	[tilespmem:s14+$0xAAE0] =	vst v0  }
0x32: {  	[tilespmem:s14+$0xAAF0] =	vst v0  }
0x33: {  	[tilespmem:s14+$0xAE80] =	vst v0  }
0x34: {  	[tilespmem:s14+$0xAE90] =	vst v0  }
0x35: {  	[tilespmem:s14+$0xAEA0] =	vst v0  }
0x36: {  	[tilespmem:s14+$0xAEB0] =	vst v0  }
0x37: {  	s16 =	simm.s32 $0x200;
	s15 =	simm.s32 $0x80;
	[tilespmem:s14+$0xAEC0] =	vst v0  }
0x38: {  	s17 =	sand.u32 $0x7000, s16;
	s16 =	simm.s32 $0x400;
	s18 =	sand.u32 $0x380, s15;
	[tilespmem:s14+$0xAED0] =	vst v0  }
.LBB2_2:
0x39: {  	p0 =	sne.s32 s16, $0x7E00;
	[tilespmem:s14+$0xAEE0] =	vst v0;
	s14 =	sor.u32 s18, s17  }
0x3a: {  	[tilespmem:s14+$0xAEF0] =	vst v0  }
0x3b: {  	[tilespmem:s14+$0xA280] =	vst v0  }
0x3c: {  	[tilespmem:s14+$0xA290] =	vst v0  }
0x3d: {  	[tilespmem:s14+$0xA2A0] =	vst v0  }
0x3e: {  	[tilespmem:s14+$0xA2B0] =	vst v0  }
0x3f: {  	[tilespmem:s14+$0xA2C0] =	vst v0  }
0x40: {  	[tilespmem:s14+$0xA2D0] =	vst v0  }
0x41: {  	[tilespmem:s14+$0xA2E0] =	vst v0  }
0x42: {  	[tilespmem:s14+$0xA2F0] =	vst v0  }
0x43: {  	[tilespmem:s14+$0xA680] =	vst v0  }
0x44: {  	[tilespmem:s14+$0xA690] =	vst v0  }
0x45: {  	[tilespmem:s14+$0xA6A0] =	vst v0  }
0x46: {  	[tilespmem:s14+$0xA6B0] =	vst v0  }
0x47: {  	[tilespmem:s14+$0xA6C0] =	vst v0  }
0x48: {  	[tilespmem:s14+$0xA6D0] =	vst v0  }
0x49: {  	[tilespmem:s14+$0xA6E0] =	vst v0  }
0x4a: {  	[tilespmem:s14+$0xA6F0] =	vst v0  }
0x4b: {  	[tilespmem:s14+$0xAA80] =	vst v0  }
0x4c: {  	[tilespmem:s14+$0xAA90] =	vst v0  }
0x4d: {  	[tilespmem:s14+$0xAAA0] =	vst v0  }
0x4e: {  	[tilespmem:s14+$0xAAB0] =	vst v0  }
0x4f: {  	[tilespmem:s14+$0xAAC0] =	vst v0  }
0x50: {  	[tilespmem:s14+$0xAAD0] =	vst v0  }
0x51: {  	[tilespmem:s14+$0xAAE0] =	vst v0  }
0x52: {  	[tilespmem:s14+$0xAAF0] =	vst v0  }
0x53: {  	[tilespmem:s14+$0xAE80] =	vst v0  }
.Ltmp2:
0x54: {  	[tilespmem:s14+$0xAE90] =	vst v0;
	(pc) =	sbr.rel @p0 .LBB2_2-.Ltmp2, $4  }
0x55: {  	[tilespmem:s14+$0xAEA0] =	vst v0  }
0x56: {  	[tilespmem:s14+$0xAEB0] =	vst v0  }
0x57: {  	s15 =	sadd.s32 $0x80, s15;
	[tilespmem:s14+$0xAEC0] =	vst v0  }
0x58: {  	s17 =	sand.u32 $0x7000, s16;
	s16 =	sadd.s32 $0x200, s16;
	s18 =	sand.u32 $0x380, s15;
	[tilespmem:s14+$0xAED0] =	vst v0  }
0x59: {  	s15 =	sor.u32 s18, s17;
	[tilespmem:s14+$0xAEE0] =	vst v0  }
0x5a: {  	[tilespmem:s15+$0xAEF0] =	vst v0  }
0x5b: {  	[tilespmem:s15+$0xA280] =	vst v0  }
0x5c: {  	[tilespmem:s15+$0xA290] =	vst v0  }
0x5d: {  	[tilespmem:s15+$0xA2A0] =	vst v0  }
0x5e: {  	[tilespmem:s15+$0xA2B0] =	vst v0  }
0x5f: {  	[tilespmem:s15+$0xA2C0] =	vst v0  }
0x60: {  	[tilespmem:s15+$0xA2D0] =	vst v0  }
0x61: {  	[tilespmem:s15+$0xA2E0] =	vst v0  }
0x62: {  	[tilespmem:s15+$0xA2F0] =	vst v0  }
0x63: {  	[tilespmem:s15+$0xA680] =	vst v0  }
0x64: {  	[tilespmem:s15+$0xA690] =	vst v0  }
0x65: {  	[tilespmem:s15+$0xA6A0] =	vst v0  }
0x66: {  	[tilespmem:s15+$0xA6B0] =	vst v0  }
0x67: {  	[tilespmem:s15+$0xA6C0] =	vst v0  }
0x68: {  	[tilespmem:s15+$0xA6D0] =	vst v0  }
0x69: {  	[tilespmem:s15+$0xA6E0] =	vst v0  }
0x6a: {  	[tilespmem:s15+$0xA6F0] =	vst v0  }
0x6b: {  	[tilespmem:s15+$0xAA80] =	vst v0  }
0x6c: {  	[tilespmem:s15+$0xAA90] =	vst v0  }
0x6d: {  	[tilespmem:s15+$0xAAA0] =	vst v0  }
0x6e: {  	[tilespmem:s15+$0xAAB0] =	vst v0  }
0x6f: {  	[tilespmem:s15+$0xAAC0] =	vst v0  }
0x70: {  	[tilespmem:s15+$0xAAD0] =	vst v0  }
0x71: {  	[tilespmem:s15+$0xAAE0] =	vst v0  }
0x72: {  	[tilespmem:s15+$0xAAF0] =	vst v0  }
0x73: {  	[tilespmem:s15+$0xAE80] =	vst v0  }
0x74: {  	[tilespmem:s15+$0xAE90] =	vst v0  }
.Ltmp3:
0x75: {  	[tilespmem:s15+$0xAEA0] =	vst v0;
	(pc) =	sbr.rel .LBB2_4-.Ltmp3, $4  }
0x76: {  	[tilespmem:s15+$0xAEB0] =	vst v0  }
0x77: {  	[tilespmem:s15+$0xAEC0] =	vst v0  }
0x78: {  	[tilespmem:s15+$0xAED0] =	vst v0  }
0x79: {  	s14 =	smov.u32 s6;
	[tilespmem:s15+$0xAEE0] =	vst v0  }
.LBB2_9:
0x7a: {  	s14 =	sadd.s32 $0x1, s14  }
0x7b: {  	p0 =	slt.u32 s14, s7  }
.Ltmp4:
0x7c: {  	_ = 	snop;
	(pc) =	sbr.rel @!p0 .LBB2_10-.Ltmp4, $1  }
0x7d: {  	_ =	sdelay $0x3  }
.LBB2_4:
0x7e: {  	s15 =	smul.u32 $0x1400, s14;
	_ =	sdelay $0x1  }
0x7f: {  	s16 =	simm.s32 $0x0;
	s15 =	sadd.s32 s1, s15  }
0x80: {  	[tilespmem:s16], [sflag:$0x1] =	stream.linear.gather [hbm4b:s15+s16], $0xA000, $0x38;
	[tilespmem:$0x12280] =	vst v63  }
0x81: {  	s31 =	smul.u32 $0xA, s14;
	_ =	swait.ge [sflag:s11], $0xA000  }
0x82: {  	[sflag:s11] =	ssyncset.done $0x0  }
0x83: {  	s17 =	simm.s32 $0xA000;
	s15 =	sadd.s32 s2, s31;
	[sflag:s11] =	ssyncadd.s32 $0xFFFF6000  }
0x84: {  	[tilespmem:s17], [sflag:$0x1] =	stream.linear.gather [hbm4b:s15+s16], $0x50, $0x38;
	[tilespmem:$0x12280] =	vst v63  }
0x85: {  	_ =	swait.ge [sflag:s11], $0x50  }
0x86: {  	[sflag:s11] =	ssyncset.done $0x0  }
0x87: {  	[sflag:s11] =	ssyncadd.s32 $0xFFFFFFB0  }
0x88: {  	v0 =	vld [tilespmem:$0xA000]  }
0x89: {  	v1 =	vld [tilespmem:$0xA04F];
	_ =	sdelay $0x3  }
0x8a: {  	(v2sf) =	vpush v0, $0x0  }
0x8b: {  	(v2sf) =	vpush v1, $0x0;
	_ =	sdelay $0xd  }
0x8c: {  	s15 =	spop (v2sf)  }
0x8d: {  	s18 =	spop (v2sf)  }
0x8e: {  	p0 =	sne.s32 s15, s18  }
.Ltmp5:
0x8f: {  	_ = 	snop;
	(pc) =	sbr.rel @p0 .LBB2_8-.Ltmp5, $2  }
0x90: {  	_ =	sdelay $0x2  }
0x91: {  	s18 =	simm.s32 $0x0  }
0x92: {  	v63 =	vld [tilespmem:$0xA080]  }
0x93: {  	v11 =	vld [tilespmem:$0xA090]  }
0x94: {  	v61 =	vld [tilespmem:$0xA0A0]  }
0x95: {  	v62 =	vld [tilespmem:$0xA0B0]  }
0x96: {  	v10 =	vld [tilespmem:$0xA0C0]  }
0x97: {  	v60 =	vld [tilespmem:$0xA0D0]  }
0x98: {  	v59 =	vld [tilespmem:$0xA0E0]  }
0x99: {  	v58 =	vld [tilespmem:$0xA0F0]  }
0x9a: {  	v57 =	vld [tilespmem:$0xA100]  }
0x9b: {  	v55 =	vld [tilespmem:$0xA110]  }
0x9c: {  	v56 =	vld [tilespmem:$0xA120]  }
0x9d: {  	v53 =	vld [tilespmem:$0xA130]  }
0x9e: {  	v54 =	vld [tilespmem:$0xA140]  }
0x9f: {  	v52 =	vld [tilespmem:$0xA150]  }
0xa0: {  	v51 =	vld [tilespmem:$0xA160]  }
0xa1: {  	v49 =	vld [tilespmem:$0xA170]  }
0xa2: {  	v50 =	vld [tilespmem:$0xA180]  }
0xa3: {  	v47 =	vld [tilespmem:$0xA190]  }
0xa4: {  	v48 =	vld [tilespmem:$0xA1A0]  }
0xa5: {  	v46 =	vld [tilespmem:$0xA1B0]  }
0xa6: {  	v1 =	vld [tilespmem:$0xA1C0]  }
0xa7: {  	v0 =	vld [tilespmem:$0xA1D0]  }
0xa8: {  	v17 =	vld [tilespmem:$0xA1E0]  }
0xa9: {  	v42 =	vld [tilespmem:$0xA1F0]  }
0xaa: {  	v7 =	vld [tilespmem:$0xA200]  }
0xab: {  	v6 =	vld [tilespmem:$0xA210]  }
0xac: {  	v43 =	vld [tilespmem:$0xA220]  }
0xad: {  	v40 =	vld [tilespmem:$0xA230]  }
0xae: {  	v18 =	vld [tilespmem:$0xA240]  }
0xaf: {  	v19 =	vld [tilespmem:$0xA250];
	s16 =	simm.s32 $0x0  }
0xb0: {  	v41 =	vld [tilespmem:$0xA260];
	s17 =	sand.u32 $0xF000, s16;
	s16 =	sand.u32 $0x380, s16  }
0xb1: {  	v44 =	vld [tilespmem:$0xA270];
	s16 =	sor.u32 s16, s17  }
0xb2: {  	v8 =	vld [tilespmem:s16+$0xC40]  }
0xb3: {  	v9 =	vld [tilespmem:s16+$0xC50]  }
0xb4: {  	v13 =	vld [tilespmem:s16+$0x840]  }
0xb5: {  	v14 =	vld [tilespmem:s16+$0x800]  }
0xb6: {  	v15 =	vld [tilespmem:s16+$0x810]  }
0xb7: {  	v21 =	vld [tilespmem:s16+$0x440]  }
0xb8: {  	v2 =	vld [tilespmem:s16+$0x400]  }
0xb9: {  	v3 =	vld [tilespmem:s16+$0x410]  }
0xba: {  	v16 =	vld [tilespmem:s16+$0x40]  }
0xbb: {  	v4 =	vld [tilespmem:s16+$0x0]  }
0xbc: {  	v5 =	vld [tilespmem:s16+$0x10]  }
0xbd: {  	v26 =	vld [tilespmem:s16+$0x20]  }
0xbe: {  	v27 =	vld [tilespmem:s16+$0x30];
	[tilespmem:$0x1FDF0] =	vst v2  }
0xbf: {  	v24 =	vld [tilespmem:s16+$0x50];
	[tilespmem:$0x1FDC0] =	vst v16  }
0xc0: {  	v30 =	vld [tilespmem:s16+$0x60];
	[tilespmem:$0x1FD80] =	vst v4  }
0xc1: {  	v22 =	vld [tilespmem:s16+$0x420];
	[tilespmem:$0x1FD90] =	vst v5  }
0xc2: {  	v20 =	vld [tilespmem:s16+$0x70];
	[tilespmem:$0x1FDA0] =	vst v26;
	v2 =	vmul.f32 v57, v2;
	v4 =	vmul.f32 v63, v4  }
0xc3: {  	v23 =	vld [tilespmem:s16+$0x430];
	[tilespmem:$0x1FDB0] =	vst v27;
	v5 =	vmul.f32 v11, v5;
	v25 =	vmul.f32 v10, v16  }
0xc4: {  	[tilespmem:$0x1FDD0] =	vst v24;
	v26 =	vmul.f32 v61, v26;
	v16 =	vld [tilespmem:s16+$0x450];
	v27 =	vmul.f32 v62, v27  }
0xc5: {  	[tilespmem:$0x1FDE0] =	vst v30;
	v28 =	vmul.f32 v60, v24;
	v24 =	vld [tilespmem:s16+$0x460];
	v30 =	vmul.f32 v59, v30;
	v4 =	vadd.f32 $0.0e+00, v4  }
0xc6: {  	[tilespmem:$0x1FE10] =	vst v22;
	v32 =	vmul.f32 v56, v22;
	v22 =	vld [tilespmem:s16+$0xC10];
	v5 =	vadd.f32 $0.0e+00, v5;
	v29 =	vadd.f32 $0.0e+00, v26  }
0xc7: {  	v31 =	vadd.f32 $0.0e+00, v27;
	v26 =	vld [tilespmem:s16+$0x470];
	v4 =	vadd.f32 v25, v4;
	v25 =	vmul.f32 v58, v20  }
0xc8: {  	[tilespmem:$0x1FE00] =	vst v3;
	v3 =	vmul.f32 v55, v3;
	v34 =	vmul.f32 v50, v14;
	v27 =	vld [tilespmem:s16+$0x820];
	v5 =	vadd.f32 v28, v5  }
0xc9: {  	v29 =	vadd.f32 v30, v29;
	v30 =	vmul.f32 v53, v23;
	v28 =	vld [tilespmem:s16+$0x830];
	v31 =	vadd.f32 v25, v31  }
0xca: {  	v2 =	vadd.f32 v2, v4;
	v25 =	vld [tilespmem:s16+$0x850];
	v3 =	vadd.f32 v3, v5;
	v4 =	vmul.f32 v54, v21  }
0xcb: {  	v5 =	vmul.f32 v52, v16;
	v32 =	vadd.f32 v32, v29;
	v29 =	vld [tilespmem:s16+$0x860];
	v33 =	vadd.f32 v30, v31  }
0xcc: {  	[tilespmem:$0x1FE20] =	vst v21;
	v21 =	vld [tilespmem:s16+$0x870];
	v30 =	vmul.f32 v51, v24;
	v2 =	vadd.f32 v4, v2;
	v4 =	vmul.f32 v49, v26  }
0xcd: {  	v12 =	vld [tilespmem:s16+$0xC00];
	v35 =	vmul.f32 v47, v15;
	v39 =	vmul.f32 v6, v22;
	v3 =	vadd.f32 v5, v3  }
0xce: {  	v45 =	vmul.f32 v48, v27;
	v5 =	vadd.f32 v30, v32;
	v4 =	vadd.f32 v4, v33;
	v32 =	vld [tilespmem:s16+$0xC20]  }
0xcf: {  	v36 =	vmul.f32 v46, v28;
	v2 =	vadd.f32 v34, v2;
	v3 =	vadd.f32 v35, v3;
	v34 =	vld [tilespmem:s16+$0xC30]  }
0xd0: {  	[tilespmem:$0x1FE30] =	vst v16;
	v16 =	vld [tilespmem:s16+$0xC70];
	v35 =	vmul.f32 v1, v13;
	v5 =	vadd.f32 v45, v5;
	v45 =	vmul.f32 v0, v25  }
0xd1: {  	v33 =	vld [tilespmem:s16+$0xC60];
	v37 =	vmul.f32 v17, v29;
	v38 =	vmul.f32 v42, v21;
	v4 =	vadd.f32 v36, v4  }
0xd2: {  	v35 =	vadd.f32 v35, v2;
	v3 =	vadd.f32 v45, v3;
	v45 =	vmul.f32 v7, v12  }
0xd3: {  	v5 =	vadd.f32 v37, v5;
	v4 =	vadd.f32 v38, v4;
	v37 =	vmul.f32 v43, v32  }
0xd4: {  	v38 =	vmul.f32 v19, v9;
	v35 =	vadd.f32 v45, v35;
	v45 =	vmul.f32 v40, v34  }
0xd5: {  	v3 =	vadd.f32 v39, v3;
	v5 =	vadd.f32 v37, v5;
	v37 =	vmul.f32 v18, v8  }
0xd6: {  	v36 =	vmul.f32 v41, v33;
	v4 =	vadd.f32 v45, v4;
	v45 =	vmul.f32 v44, v16  }
0xd7: {  	v3 =	vadd.f32 v38, v3;
	v35 =	vadd.f32 v37, v35  }
0xd8: {  	[tilespmem:$0x1FFE0] =	vst v1;
	v5 =	vadd.f32 v36, v5;
	v4 =	vadd.f32 v45, v4  }
0xd9: {  	[tilespmem:$0x1F9F0] =	vst v63  }
0xda: {  	[tilespmem:$0x1FA10] =	vst v10;
	v3 =	vadd.f32 v3, v35;
	v4 =	vadd.f32 v4, v5  }
0xdb: {  	[tilespmem:$0x1FA30] =	vst v11  }
0xdc: {  	[tilespmem:$0x1FA50] =	vst v61;
	v3 =	vadd.f32 v4, v3  }
0xdd: {  	[tilespmem:$0x1FA70] =	vst v62  }
0xde: {  	[tilespmem:$0x1FA90] =	vst v60;
	(xrf2) =	vadd.scan.msk.f32 $0xffff, v3  }
0xdf: {  	s29 =	simm.s32 $0x200;
	s30 =	simm.s32 $0x80;
	[tilespmem:$0x1FAB0] =	vst v59  }
0xe0: {  	s17 =	sand.u32 $0x380, s30;
	[tilespmem:$0x1FAD0] =	vst v58;
	s16 =	sand.u32 $0xF000, s29  }
0xe1: {  	[tilespmem:$0x1FB10] =	vst v55;
	s16 =	sor.u32 s17, s16  }
0xe2: {  	[tilespmem:$0x1FE50] =	vst v15;
	v15 =	vmov v6;
	v6 =	vld [tilespmem:s16+$0x800]  }
0xe3: {  	[tilespmem:$0x1FB30] =	vst v56;
	v2 =	vld [tilespmem:s16+$0x440]  }
0xe4: {  	[tilespmem:$0x1FE60] =	vst v13;
	v13 =	vmov v1;
	v1 =	vld [tilespmem:s16+$0x400]  }
0xe5: {  	[tilespmem:$0x1FB50] =	vst v53;
	v31 =	vmov v0;
	v0 =	vld [tilespmem:s16+$0x70]  }
0xe6: {  	[tilespmem:$0x1FE90] =	vst v9;
	v9 =	vld [tilespmem:s16+$0xC00]  }
0xe7: {  	[tilespmem:$0x1FB70] =	vst v54;
	v30 =	vmov v7;
	v7 =	vld [tilespmem:s16+$0x810]  }
0xe8: {  	[tilespmem:$0x1FB90] =	vst v52;
	v39 =	vld [tilespmem:s16+$0x60];
	v3, _, _ =	vpop (xrf2)  }
0xe9: {  	[tilespmem:$0x1FBB0] =	vst v51;
	v37 =	vld [tilespmem:s16+$0x20];
	v3 =	vsub.f32 $0.0e+00, v3  }
0xea: {  	[tilespmem:$0x1FBF0] =	vst v50;
	v5 =	vld [tilespmem:s16+$0x0]  }
0xeb: {  	[tilespmem:$0x1FC10] =	vst v47;
	v35 =	vld [tilespmem:s16+$0x10];
	v3 =	vmul.f32 $1.442695020e+00, v3  }
0xec: {  	[tilespmem:$0x1FC30] =	vst v48;
	v4 =	vld [tilespmem:s16+$0x40]  }
0xed: {  	[tilespmem:$0x1FE80] =	vst v8;
	v8 =	vld [tilespmem:s16+$0x840];
	v3 =	vbroadcast v3, $0xF  }
0xee: {  	[tilespmem:$0x1FCB0] =	vst v42;
	v36 =	vld [tilespmem:s16+$0x30]  }
0xef: {  	v38 =	vld [tilespmem:s16+$0x50];
	[tilespmem:$0x1FA60] =	vst v37;
	(erf) = vpow2.f32 v3;
	v3 =	vmul.f32 v63, v5  }
0xf0: {  	v37 =	vmul.f32 v61, v37;
	v61 =	vld [tilespmem:s16+$0x430];
	[tilespmem:$0x1FA00] =	vst v5  }
0xf1: {  	[tilespmem:$0x1FA20] =	vst v4;
	v4 =	vmul.f32 v10, v4;
	v10 =	vld [tilespmem:s16+$0x420];
	v5 =	vmul.f32 v11, v35;
	v3 =	vadd.f32 $0.0e+00, v3  }
0xf2: {  	[tilespmem:$0x1FAE0] =	vst v0;
	v54 =	vmul.f32 v54, v2;
	v63 =	vld [tilespmem:s16+$0x410]  }
0xf3: {  	[tilespmem:$0x1FA80] =	vst v36;
	v11 =	vld [tilespmem:s16+$0x450];
	v3 =	vadd.f32 v4, v3;
	v4 =	vadd.f32 $0.0e+00, v5;
	v5 =	vmul.f32 v62, v36  }
0xf4: {  	[tilespmem:$0x1FA40] =	vst v35;
	v35 =	vadd.f32 $0.0e+00, v37;
	v37 =	vmul.f32 v59, v39;
	v59 =	vld [tilespmem:s16+$0x460];
	v36 =	vmul.f32 v60, v38  }
0xf5: {  	[tilespmem:$0x1FB00] =	vst v1;
	v47 =	vmul.f32 v47, v7;
	v62 =	vmul.f32 v58, v0;
	v0 =	vld [tilespmem:s16+$0x850];
	v5 =	vadd.f32 $0.0e+00, v5  }
0xf6: {  	[tilespmem:$0x1FB80] =	vst v2;
	v2 =	vld [tilespmem:s16+$0x860];
	v53 =	vmul.f32 v53, v61;
	v4 =	vadd.f32 v36, v4;
	v36 =	vmul.f32 v57, v1  }
0xf7: {  	[tilespmem:$0x1FB40] =	vst v10;
	v35 =	vadd.f32 v37, v35;
	v1 =	vld [tilespmem:s16+$0x820];
	v5 =	vadd.f32 v62, v5;
	v62 =	vmul.f32 v55, v63  }
0xf8: {  	[tilespmem:$0x1FB20] =	vst v63;
	v3 =	vadd.f32 v36, v3;
	v63 =	vmul.f32 v56, v10;
	v10 =	vld [tilespmem:s16+$0x830];
	v55 =	vmul.f32 v52, v11;
	v60 =	vpop (erf)  }
0xf9: {  	[tilespmem:$0x1FAA0] =	vst v38;
	v56 =	vmul.f32 v51, v59;
	v38 =	vadd.f32 $1.000000000e+00, v60;
	v60 =	vld [tilespmem:s16+$0x470];
	v4 =	vadd.f32 v62, v4  }
0xfa: {  	[tilespmem:$0x1FBC0] =	vst v59;
	v59 =	vld [tilespmem:s16+$0xC10];
	v51 =	vmul.f32 v13, v8;
	v52 =	vmul.f32 v31, v0;
	v35 =	vadd.f32 v63, v35  }
0xfb: {  	[tilespmem:$0x1FBA0] =	vst v11;
	v11 =	vld [tilespmem:s16+$0x870];
	v5 =	vadd.f32 v53, v5;
	v63 =	vmul.f32 v50, v6;
	v4 =	vadd.f32 v55, v4  }
0xfc: {  	[tilespmem:$0x1FE70] =	vst v12;
	v12 =	vld [tilespmem:s16+$0xC50];
	v3 =	vadd.f32 v54, v3;
	v53 =	vmul.f32 v17, v2;
	v48 =	vmul.f32 v48, v1  }
0xfd: {  	[tilespmem:$0x1FC00] =	vst v6;
	v45 =	vld [tilespmem:s16+$0xC40];
	(erf) = vrcp.f32 v38;
	v35 =	vadd.f32 v56, v35;
	v4 =	vadd.f32 v47, v4  }
0xfe: {  	[tilespmem:$0x1FCA0] =	vst v2;
	v6 =	vld [tilespmem:s16+$0xC20];
	v3 =	vadd.f32 v63, v3;
	v55 =	vmul.f32 v30, v9;
	v58 =	vmul.f32 v49, v60  }
0xff: {  	[tilespmem:$0x1FC40] =	vst v1;
	v1 =	vld [tilespmem:s16+$0xC30];
	v50 =	vmul.f32 v46, v10;
	v56 =	vmul.f32 v15, v59;
	v4 =	vadd.f32 v52, v4  }
0x100: {  	[tilespmem:$0x1FC80] =	vst v0;
	v0 =	vld [tilespmem:s16+$0xC60];
	v54 =	vmul.f32 v42, v11;
	v35 =	vadd.f32 v48, v35;
	v5 =	vadd.f32 v58, v5  }
0x101: {  	v2 =	vld [tilespmem:s16+$0xC70];
	v3 =	vadd.f32 v51, v3;
	[tilespmem:$0x1FBE0] =	vst v60;
	v60 =	vmul.f32 v19, v12;
	v4 =	vadd.f32 v56, v4  }
0x102: {  	v42 =	vmovc v59;
	v59 =	vmul.f32 v18, v45;
	v35 =	vadd.f32 v53, v35;
	v5 =	vadd.f32 v50, v5  }
0x103: {  	[tilespmem:$0x1FAF0] =	vst v57;
	v57 =	vmul.f32 v43, v6;
	v3 =	vadd.f32 v55, v3;
	v4 =	vadd.f32 v60, v4  }
0x104: {  	v58 =	vmul.f32 v40, v1;
	v5 =	vadd.f32 v54, v5  }
0x105: {  	[tilespmem:$0x1FB60] =	vst v61;
	v61 =	vmul.f32 v41, v0;
	v35 =	vadd.f32 v57, v35;
	v3 =	vadd.f32 v59, v3  }
0x106: {  	[tilespmem:$0x1FBD0] =	vst v49;
	v63 =	vmul.f32 v44, v2;
	v5 =	vadd.f32 v58, v5  }
0x107: {  	[tilespmem:$0x1FD10] =	vst v1;
	v1 =	vld [tilespmem:$0x1FDD0];
	v35 =	vadd.f32 v61, v35;
	v3 =	vadd.f32 v4, v3;
	v4 =	vpop (erf)  }
0x108: {  	[tilespmem:$0x1FCF0] =	vst v6;
	v6 =	vld [tilespmem:$0x1FE20];
	v5 =	vadd.f32 v63, v5;
	v4 =	vadd.f32 $1.000000000e+00, v4  }
0x109: {  	[tilespmem:$0x1FD50] =	vst v0;
	v0 =	vld [tilespmem:$0x1FD80]  }
0x10a: {  	[tilespmem:$0x1FC50] =	vst v46;
	v5 =	vadd.f32 v5, v35;
	v4 =	vmul.f32 $5.000000000e-01, v4  }
0x10b: {  	[tilespmem:$0x1FC90] =	vst v17  }
0x10c: {  	[tilespmem:$0x1FCE0] =	vst v43;
	v62 =	vmovc v30;
	v30 =	vmov v15;
	v3 =	vadd.f32 v5, v3;
	v15 =	vmul.f32 v4, v1;
	v1 =	vld [tilespmem:$0x1FDE0]  }
0x10d: {  	s31 =	simm.s32 $0x400;
	[tilespmem:$0x1FD30] =	vst v12;
	s16 =	simm.s32 $0x100;
	v12 =	vmul.f32 v4, v6;
	v6 =	vld [tilespmem:$0x1FE30]  }
0x10e: {  	[tilespmem:$0x1FD00] =	vst v40;
	s17 =	sand.u32 $0xF000, s31;
	s18 =	sand.u32 $0x380, s16;
	(xrf2) =	vadd.scan.msk.f32 $0xffff, v3;
	v3 =	vmul.f32 v4, v0;
	v0 =	vld [tilespmem:$0x1FD90]  }
0x10f: {  	[tilespmem:$0x1FC20] =	vst v7;
	v7 =	vld [tilespmem:$0x1FE80];
	s17 =	sor.u32 s18, s17  }
0x110: {  	[tilespmem:$0x1FE40] =	vst v14;
	v55 =	vld [tilespmem:s17+$0xC40]  }
0x111: {  	[tilespmem:$0x1FD70] =	vst v2;
	v2 =	vmul.f32 v4, v16;
	v16 =	vmul.f32 v4, v1;
	v1 =	vld [tilespmem:$0x1FDF0]  }
0x112: {  	[tilespmem:$0x1FD40] =	vst v41;
	v37 =	vmul.f32 v4, v6;
	v6 =	vld [tilespmem:$0x1FE40]  }
0x113: {  	[tilespmem:$0x1FD60] =	vst v44;
	v5 =	vmul.f32 v4, v0;
	v0 =	vld [tilespmem:$0x1FDA0]  }
0x114: {  	[tilespmem:$0x1FFF0] =	vst v31  }
0x115: {  	[tilespmem:$0x1FCD0] =	vst v9;
	v63 =	vmul.f32 v4, v29;
	v29 =	vmul.f32 v4, v7;
	v7 =	vld [tilespmem:$0x1FE90]  }
0x116: {  	[tilespmem:$0x1FAC0] =	vst v39;
	v13 =	vmul.f32 v4, v1;
	v1 =	vld [tilespmem:$0x1FE00]  }
0x117: {  	[tilespmem:$0x1FC60] =	vst v10;
	v52 =	vmov v18;
	v10 =	vmul.f32 v4, v6;
	v6 =	vld [tilespmem:$0x1FE50]  }
0x118: {  	[tilespmem:$0x1FC70] =	vst v8;
	v58 =	vmul.f32 v52, v55;
	v17 =	vmul.f32 v4, v0;
	v0 =	vld [tilespmem:$0x1FDB0]  }
0x119: {  	[tilespmem:$0x1FD20] =	vst v45;
	v51 =	vmov v19;
	v19 =	vmul.f32 v4, v20;
	v20 =	vmul.f32 v4, v23  }
0x11a: {  	[tilespmem:$0x1FCC0] =	vst v11;
	v46 =	vmul.f32 v4, v27;
	v27 =	vmul.f32 v4, v7;
	v7 =	vld [tilespmem:s17+$0xC10]  }
0x11b: {  	[tilespmem:$0x1FF90] =	vst v62;
	v40 =	vmul.f32 v4, v24;
	v14 =	vmul.f32 v4, v1;
	v1 =	vld [tilespmem:$0x1FE10]  }
0x11c: {  	[tilespmem:$0x1FFD0] =	vst v30;
	v43 =	vmul.f32 v4, v26;
	v44 =	vmul.f32 v4, v6;
	v6 =	vld [tilespmem:$0x1FE60]  }
0x11d: {  	v36 =	vimm.f32 $-Inf;
	[tilespmem:$0x1FFA0] =	vst v51;
	v47 =	vmul.f32 v4, v28;
	v11, _, _ =	vpop (xrf2);
	v18 =	vmul.f32 v4, v0;
	v0 =	vld [tilespmem:$0x1FDC0]  }
0x11e: {  	v39 =	vld [tilespmem:s17+$0x840];
	[tilespmem:$0x1FF60] =	vst v52;
	v54 =	vmax.f32 v36, v2;
	v2 =	vmax.f32 v36, v3;
	v9 =	vsub.f32 $0.0e+00, v11  }
0x11f: {  	v45 =	vld [tilespmem:s17+$0x440];
	v35 =	vmul.f32 v4, v25;
	v61 =	vmul.f32 v4, v21;
	[tilespmem:$0x1FEA0] =	vst v2;
	v2 =	vmax.f32 v36, v5  }
0x120: {  	v48 =	vld [tilespmem:s17+$0x400];
	v60 =	vmul.f32 v4, v22;
	[tilespmem:$0x1FEB0] =	vst v2;
	v8 =	vmul.f32 $1.442695020e+00, v9  }
0x121: {  	[tilespmem:$0x1FFC0] =	vst v7;
	v2 =	vmax.f32 v36, v17;
	v1 =	vmul.f32 v4, v1;
	v49 =	vmul.f32 v4, v6;
	v6 =	vld [tilespmem:$0x1FE70]  }
0x122: {  	v53 =	vld [tilespmem:s17+$0xC50];
	[tilespmem:$0x1FEC0] =	vst v2;
	v8 =	vbroadcast v8, $0xF;
	v2 =	vmax.f32 v36, v18;
	v0 =	vmul.f32 v4, v0  }
0x123: {  	v50 =	vld [tilespmem:s17+$0x10];
	v23 =	vmax.f32 v36, v19;
	[tilespmem:$0x1FED0] =	vst v2;
	v19 =	vmax.f32 v36, v1;
	v1 =	vmax.f32 v36, v35  }
0x124: {  	v56 =	vmul.f32 v4, v32;
	(erf) = vpow2.f32 v8;
	v8 =	vld [tilespmem:s17+$0x850];
	[tilespmem:$0x1FFB0] =	vst v1;
	v0 =	vmax.f32 v36, v0  }
0x125: {  	v57 =	vmul.f32 v4, v34;
	v28 =	vmul.f32 v4, v33;
	v2 =	vld [tilespmem:$0x1FFE0];
	[tilespmem:$0x1FEE0] =	vst v0;
	v0 =	vmax.f32 v36, v37  }
0x126: {  	v33 =	vimm.f32 $-Inf;
	v59 =	vmul.f32 v4, v6;
	v6 =	vld [tilespmem:s17+$0xC00];
	[tilespmem:$0x1FEF0] =	vst v0;
	v0 =	vmax.f32 v36, v40  }
0x127: {  	v52 =	vld [tilespmem:s17+$0x20];
	v34 =	vimm.f32 $-Inf;
	v32 =	vimm.f32 $-Inf;
	[tilespmem:$0x1FF00] =	vst v0;
	v0 =	vmax.f32 v36, v43  }
0x128: {  	v26 =	vld [tilespmem:s17+$0x410];
	v25 =	vmax.f32 v36, v15;
	v24 =	vmax.f32 v36, v16;
	[tilespmem:$0x1FF10] =	vst v0;
	v0 =	vmax.f32 v36, v10  }
0x129: {  	v15 =	vld [tilespmem:s17+$0x800];
	v22 =	vmax.f32 v36, v13;
	v17 =	vmax.f32 v36, v12;
	[tilespmem:$0x1FF20] =	vst v0;
	v0 =	vmax.f32 v36, v44  }
0x12a: {  	v16 =	vld [tilespmem:s17+$0x810];
	v21 =	vmax.f32 v36, v14;
	v18 =	vmax.f32 v36, v20;
	v1 =	vmul.f32 v30, v7;
	[tilespmem:$0x1FF30] =	vst v0  }
0x12b: {  	v5 =	vld [tilespmem:s17+$0x450];
	v3 =	vmul.f32 v2, v39;
	v2 =	vmul.f32 v31, v8;
	v0 =	vmax.f32 v36, v46;
	[tilespmem:$0x1FF80] =	vst v6  }
0x12c: {  	v12 =	vld [tilespmem:s17+$0x420];
	v37 =	vimm.f32 $-Inf;
	v31 =	vimm.f32 $-Inf;
	[tilespmem:$0x1FF40] =	vst v0;
	v0 =	vmax.f32 v36, v47  }
0x12d: {  	v40 =	vimm.f32 $-Inf;
	v43 =	vimm.f32 $-Inf;
	[tilespmem:$0x1FF50] =	vst v0;
	v0 =	vmax.f32 v36, v49;
	v49 =	vld [tilespmem:s17+$0x0]  }
0x12e: {  	s18 =	simm.s32 $0x600;
	v44 =	vimm.f32 $-Inf;
	[tilespmem:$0x1FF70] =	vst v0;
	v0 =	vmul.f32 v62, v6;
	v62 =	vmul.f32 v51, v53;
	v51 =	vld [tilespmem:s17+$0x40]  }
.LBB2_6:
0x12f: {  	v4 =	vld [tilespmem:$0x1FBF0];
	_ =	sdelay $0x4  }
0x130: {  	[tilespmem:$0x1F9E0] =	vst v53;
	v53 =	vmul.f32 v4, v15;
	v4 =	vld [tilespmem:$0x1FC10];
	_ =	sdelay $0x4  }
0x131: {  	v10 =	vmov v16;
	v16 =	vmul.f32 v4, v16;
	v4 =	vld [tilespmem:$0x1FC70];
	_ =	sdelay $0x4  }
0x132: {  	v7 =	vmov v4;
	v4 =	vld [tilespmem:$0x1FB70];
	_ =	sdelay $0x4  }
0x133: {  	v13 =	vmul.f32 v4, v45;
	v4 =	vld [tilespmem:$0x1FB90];
	_ =	sdelay $0x4  }
0x134: {  	[tilespmem:$0x1F9D0] =	vst v55;
	v46 =	vmovc v19;
	v19 =	vmovc v18;
	v18 =	vmov v17;
	v17 =	vmov v5;
	v55 =	vmul.f32 v4, v5;
	v5 =	vld [tilespmem:$0x1FB10];
	_ =	sdelay $0x4  }
0x135: {  	v30 =	vmul.f32 v5, v26;
	v5 =	vld [tilespmem:$0x1FC80];
	_ =	sdelay $0x4  }
0x136: {  	v6 =	vmov v5  }
0x137: {  	[tilespmem:$0x1F9B0] =	vst v6;
	v6 =	vld [tilespmem:$0x1FB30];
	_ =	sdelay $0x4  }
0x138: {  	v38 =	vmul.f32 v6, v12;
	v6 =	vmov v8  }
0x139: {  	[tilespmem:$0x1FC80] =	vst v6;
	v6 =	vld [tilespmem:$0x1F9F0];
	_ =	sdelay $0x4  }
0x13a: {  	v11 =	vmul.f32 v6, v49;
	v6 =	vld [tilespmem:$0x1FA30]  }
0x13b: {  	v9 =	vld [tilespmem:$0x1FC20]  }
0x13c: {  	v14 =	vld [tilespmem:s17+$0x50];
	v4 =	vmov v39  }
0x13d: {  	[tilespmem:$0x1FC70] =	vst v4;
	v4 =	vld [tilespmem:$0x1FAF0]  }
0x13e: {  	v5 =	vld [tilespmem:$0x1FA10]  }
0x13f: {  	v41 =	vmul.f32 v6, v50;
	v6 =	vld [tilespmem:$0x1FC00]  }
0x140: {  	v33 =	vmax.f32 v33, v59;
	v59 =	vmov v9;
	v9 =	vmov v10;
	v8 =	vld [tilespmem:$0x1FA90]  }
0x141: {  	v20 =	vld [tilespmem:s17+$0x30];
	[tilespmem:$0x1FC20] =	vst v9  }
0x142: {  	v36 =	vmax.f32 v36, v63;
	v40 =	vmax.f32 v40, v61;
	v61 =	vld [tilespmem:s17+$0x70];
	[tilespmem:$0x1F9A0] =	vst v7;
	v7 =	vmov v15  }
0x143: {  	v9 =	vld [tilespmem:$0x1FAB0];
	v4 =	vmul.f32 v4, v48;
	v5 =	vmul.f32 v5, v51;
	[tilespmem:$0x1FC00] =	vst v7;
	v7 =	vadd.f32 $0.0e+00, v11  }
0x144: {  	v47 =	vmovc v25;
	v25 =	vmovc v24;
	v24 =	vmov v23;
	v23 =	vmov v22;
	v63 =	vmov v6;
	v6 =	vld [tilespmem:$0x1FA50]  }
0x145: {  	v22 =	vmovc v21;
	v21 =	vmovc v45;
	v8 =	vmul.f32 v8, v14;
	v45 =	vadd.f32 $0.0e+00, v41;
	v7 =	vadd.f32 v5, v7;
	v5 =	vld [tilespmem:$0x1FAD0]  }
0x146: {  	v39 =	vld [tilespmem:s17+$0x60]  }
0x147: {  	v8 =	vadd.f32 v8, v45;
	v45 =	vld [tilespmem:$0x1FBA0];
	v7 =	vadd.f32 v4, v7;
	v4 =	vmov v17  }
0x148: {  	v10 =	vpop (erf);
	[tilespmem:$0x1FBA0] =	vst v4;
	v4 =	vld [tilespmem:$0x1FB00]  }
0x149: {  	v10 =	vadd.f32 $1.000000000e+00, v10;
	v35 =	vmul.f32 v6, v52;
	v6 =	vld [tilespmem:$0x1FA70]  }
0x14a: {  	v11 =	vmul.f32 v5, v61;
	v5 =	vld [tilespmem:$0x1FB80];
	_ =	sdelay $0x1  }
0x14b: {  	v34 =	vmax.f32 v34, v56;
	v56 =	vld [tilespmem:s17+$0x460]  }
0x14c: {  	v43 =	vmax.f32 v43, v60;
	(erf) = vrcp.f32 v10;
	v10 =	vmov v4;
	v4 =	vld [tilespmem:$0x1FBB0]  }
0x14d: {  	[tilespmem:$0x1F9C0] =	vst v42;
	v60 =	vld [tilespmem:s17+$0x430];
	v9 =	vmul.f32 v9, v39;
	v42 =	vadd.f32 $0.0e+00, v35;
	v6 =	vmul.f32 v6, v20  }
0x14e: {  	v37 =	vmax.f32 v37, v57;
	v57 =	vld [tilespmem:s17+$0x470];
	v35 =	vmov v5;
	v5 =	vmov v21  }
0x14f: {  	v9 =	vadd.f32 v9, v42;
	[tilespmem:$0x1FB80] =	vst v5;
	v5 =	vld [tilespmem:$0x1FB50];
	v6 =	vadd.f32 $0.0e+00, v6  }
0x150: {  	v41 =	vld [tilespmem:s17+$0x820];
	v8 =	vadd.f32 v30, v8;
	v7 =	vadd.f32 v13, v7  }
0x151: {  	v13 =	vld [tilespmem:$0x1FBD0];
	v9 =	vadd.f32 v38, v9;
	v6 =	vadd.f32 v11, v6;
	v11 =	vmul.f32 v4, v56  }
0x152: {  	v8 =	vadd.f32 v55, v8;
	v55 =	vld [tilespmem:$0x1FB40]  }
0x153: {  	v7 =	vadd.f32 v53, v7;
	v9 =	vadd.f32 v11, v9;
	v11 =	vld [tilespmem:$0x1FC30]  }
0x154: {  	v15 =	vmov v45;
	v45 =	vld [tilespmem:s17+$0x860];
	v42 =	vmul.f32 v5, v60  }
0x155: {  	v30 =	vmov v48;
	v3 =	vadd.f32 v3, v7;
	v7 =	vld [tilespmem:$0x1FCB0]  }
0x156: {  	[tilespmem:$0x1FB00] =	vst v30;
	v30 =	vmul.f32 v13, v57;
	v13 =	vld [tilespmem:$0x1FB20];
	v6 =	vadd.f32 v42, v6  }
0x157: {  	v5 =	vld [tilespmem:s17+$0x830]  }
0x158: {  	v6 =	vadd.f32 v30, v6;
	v30 =	vld [tilespmem:$0x1FC50];
	v11 =	vmul.f32 v11, v41  }
0x159: {  	v4 =	vld [tilespmem:s17+$0x870]  }
0x15a: {  	v9 =	vadd.f32 v11, v9;
	v11 =	vld [tilespmem:$0x1FC90]  }
0x15b: {  	v0 =	vadd.f32 v0, v3;
	v3 =	vld [tilespmem:$0x1FD00]  }
0x15c: {  	v26 =	vmov v26;
	v38 =	vmov v13;
	v13 =	vld [tilespmem:s17+$0xC30]  }
0x15d: {  	[tilespmem:$0x1FB20] =	vst v26;
	v26 =	vmul.f32 v30, v5  }
0x15e: {  	v48 =	vld [tilespmem:s17+$0xC20]  }
0x15f: {  	v53 =	vld [tilespmem:s17+$0xC60];
	v7 =	vmul.f32 v7, v4;
	v6 =	vadd.f32 v26, v6;
	v11 =	vmul.f32 v11, v45  }
0x160: {  	v8 =	vadd.f32 v16, v8;
	v42 =	vmov v55;
	v55 =	vld [tilespmem:s17+$0xC70]  }
0x161: {  	v16 =	vmovc v12;
	v3 =	vmul.f32 v3, v13;
	v6 =	vadd.f32 v7, v6;
	v12 =	vadd.f32 v11, v9;
	v9 =	vld [tilespmem:$0x1FCE0]  }
0x162: {  	v7 =	vld [tilespmem:$0x1FD40]  }
0x163: {  	v3 =	vadd.f32 v3, v6;
	v6 =	vld [tilespmem:$0x1FD60];
	_ =	sdelay $0x1  }
0x164: {  	v2 =	vadd.f32 v2, v8  }
0x165: {  	v9 =	vmul.f32 v9, v48  }
0x166: {  	v1 =	vadd.f32 v1, v2  }
0x167: {  	v7 =	vmul.f32 v7, v53;
	v6 =	vmul.f32 v6, v55;
	v2 =	vadd.f32 v9, v12  }
0x168: {  	v0 =	vadd.f32 v58, v0;
	v1 =	vadd.f32 v62, v1  }
0x169: {  	v2 =	vadd.f32 v7, v2;
	v7 =	vadd.f32 v6, v3;
	_ =	sdelay $0x1  }
0x16a: {  	v8 =	vpop (erf);
	v0 =	vadd.f32 v1, v0;
	v1 =	vadd.f32 v7, v2;
	v2 =	vld [tilespmem:$0x1FD70]  }
0x16b: {  	v8 =	vadd.f32 $1.000000000e+00, v8;
	_ =	sdelay $0x1  }
0x16c: {  	[tilespmem:$0x1FB40] =	vst v16;
	v16 =	vld [tilespmem:$0x1FA20];
	v6 =	vmul.f32 $5.000000000e-01, v8;
	v3 =	vmov v55  }
0x16d: {  	[tilespmem:$0x1FD70] =	vst v3;
	v3 =	vld [tilespmem:$0x1FA00]  }
0x16e: {  	v0 =	vadd.f32 v1, v0;
	v1 =	vld [tilespmem:$0x1FA60];
	v9 =	vmul.f32 v6, v2;
	v2 =	vmov v52  }
0x16f: {  	[tilespmem:$0x1FA60] =	vst v2;
	v2 =	vld [tilespmem:$0x1FEA0]  }
0x170: {  	v12 =	vmov v49  }
0x171: {  	[tilespmem:$0x1FA00] =	vst v12;
	v12 =	vld [tilespmem:$0x1FEE0]  }
0x172: {  	v3 =	vmul.f32 v6, v3  }
0x173: {  	v30 =	vmov v16  }
0x174: {  	v7 =	vld [tilespmem:$0x1FA40];
	v2 =	vmax.f32 v2, v3;
	v3 =	vmul.f32 v6, v30  }
0x175: {  	(xrf2) =	vadd.scan.msk.f32 $0xffff, v0;
	v0 =	vld [tilespmem:$0x1FEB0]  }
0x176: {  	v12 =	vmax.f32 v12, v3;
	v3 =	vld [tilespmem:$0x1FB60];
	_ =	sdelay $0x2  }
0x177: {  	v7 =	vmul.f32 v6, v7;
	_ =	sdelay $0x1  }
0x178: {  	v0 =	vmax.f32 v0, v7;
	v3 =	vmul.f32 v6, v3  }
0x179: {  	v17 =	vmov v18;
	v18 =	vmov v19;
	[tilespmem:$0x1FEB0] =	vst v0;
	v0 =	vld [tilespmem:$0x1FAA0]  }
0x17a: {  	v18 =	vmax.f32 v18, v3;
	v3 =	vld [tilespmem:$0x1F9C0];
	_ =	sdelay $0x1  }
0x17b: {  	v8 =	vmov v20;
	[tilespmem:$0x1FEA0] =	vst v2;
	v2 =	vld [tilespmem:$0x1FA80]  }
0x17c: {  	[tilespmem:$0x1FA80] =	vst v8;
	v8 =	vld [tilespmem:$0x1FEC0];
	_ =	sdelay $0x1  }
0x17d: {  	v21 =	vmovc v22;
	v26 =	vmov v60;
	v0 =	vmul.f32 v6, v0;
	v60 =	vmul.f32 v6, v3;
	v3 =	vld [tilespmem:$0x1FCF0]  }
0x17e: {  	v22 =	vmovc v23;
	v23 =	vmovc v24;
	v24 =	vmov v25;
	v25 =	vmov v47;
	v1 =	vmul.f32 v6, v1  }
0x17f: {  	v16 =	vmov v56;
	v25 =	vmax.f32 v25, v0;
	v0 =	vmul.f32 v6, v15;
	v15 =	vld [tilespmem:$0x1FBC0]  }
0x180: {  	v8 =	vmax.f32 v8, v1;
	[tilespmem:$0x1FBC0] =	vst v16;
	v16 =	vld [tilespmem:$0x1FC40]  }
0x181: {  	[tilespmem:$0x1FEC0] =	vst v8;
	v8 =	vmul.f32 v6, v10;
	v10 =	vld [tilespmem:$0x1FED0]  }
0x182: {  	v56 =	vmul.f32 v6, v3;
	v3 =	vld [tilespmem:$0x1FD10];
	_ =	sdelay $0x1  }
0x183: {  	v2 =	vmul.f32 v6, v2;
	_ =	sdelay $0x1  }
0x184: {  	v10 =	vmax.f32 v10, v2;
	v2 =	vmul.f32 v6, v38  }
0x185: {  	v38 =	vmul.f32 v6, v16;
	v16 =	vmov v57;
	v57 =	vmul.f32 v6, v3;
	v3 =	vld [tilespmem:$0x1FD20];
	_ =	sdelay $0x4  }
0x186: {  	v44 =	vmax.f32 v44, v29;
	v21 =	vmax.f32 v21, v2;
	v2 =	vld [tilespmem:$0x1F9B0];
	v29 =	vmul.f32 v6, v3;
	v3 =	vmovc v48  }
0x187: {  	[tilespmem:$0x1FCF0] =	vst v3;
	v3 =	vld [tilespmem:$0x1FD30];
	_ =	sdelay $0x2  }
0x188: {  	v7 =	vld [tilespmem:$0x1FAC0]  }
0x189: {  	[tilespmem:$0x1FEE0] =	vst v12;
	v12 =	vmul.f32 v6, v35;
	v35 =	vmul.f32 v6, v2;
	v2 =	vld [tilespmem:$0x1FCA0]  }
0x18a: {  	v32 =	vmax.f32 v32, v27;
	v27 =	vmul.f32 v6, v3;
	v3 =	vld [tilespmem:$0x1FD50];
	_ =	sdelay $0x2  }
0x18b: {  	v31 =	vmax.f32 v31, v28  }
0x18c: {  	v30 =	vmul.f32 v6, v63;
	v22 =	vmax.f32 v22, v8;
	v8 =	vld [tilespmem:$0x1FC60];
	v63 =	vmul.f32 v6, v2;
	v2 =	vmovc v5  }
0x18d: {  	v7 =	vmul.f32 v6, v7;
	[tilespmem:$0x1FC60] =	vst v2;
	v2 =	vld [tilespmem:$0x1FCC0];
	v28 =	vmul.f32 v6, v3;
	v3 =	vmov v13  }
0x18e: {  	[tilespmem:$0x1FD10] =	vst v3;
	v3 =	vld [tilespmem:$0x1FEF0]  }
0x18f: {  	v24 =	vmax.f32 v24, v7;
	v7 =	vld [tilespmem:$0x1FBE0]  }
0x190: {  	v1 =	vld [tilespmem:$0x1FAE0]  }
0x191: {  	[tilespmem:$0x1FBE0] =	vst v16;
	v16 =	vld [tilespmem:$0x1F9A0]  }
0x192: {  	v54 =	vmax.f32 v54, v9;
	v9 =	vmovc v14;
	v14 =	vmov v61;
	v61 =	vmul.f32 v6, v2;
	v2 =	vld [tilespmem:$0x1FCD0]  }
0x193: {  	v3 =	vmax.f32 v3, v0;
	v0 =	vld [tilespmem:$0x1FF00]  }
0x194: {  	[tilespmem:$0x1FEF0] =	vst v3;
	v3 =	vld [tilespmem:$0x1F9D0];
	_ =	sdelay $0x1  }
0x195: {  	v7 =	vmul.f32 v6, v7;
	v1 =	vmul.f32 v6, v1  }
0x196: {  	v15 =	vmul.f32 v6, v15;
	[tilespmem:$0x1FED0] =	vst v10;
	v10 =	vmul.f32 v6, v42  }
0x197: {  	v23 =	vmax.f32 v23, v1;
	v1 =	vmul.f32 v6, v59;
	v8 =	vmul.f32 v6, v8  }
0x198: {  	v42 =	vmul.f32 v6, v16;
	v59 =	vmul.f32 v6, v2;
	v6 =	vmax.f32 v0, v15;
	v0 =	vmovc v3  }
0x199: {  	[tilespmem:$0x1FD20] =	vst v0;
	v0 =	vld [tilespmem:$0x1FF10];
	_ =	sdelay $0x4  }
0x19a: {  	v0 =	vmax.f32 v0, v7  }
0x19b: {  	[tilespmem:$0x1FF10] =	vst v0;
	v0 =	vld [tilespmem:$0x1FF20];
	_ =	sdelay $0x4  }
0x19c: {  	v0 =	vmax.f32 v0, v30  }
0x19d: {  	[tilespmem:$0x1FF20] =	vst v0;
	v0 =	vld [tilespmem:$0x1FF30];
	_ =	sdelay $0x1  }
0x19e: {  	s16 =	sadd.s32 $0x80, s16  }
0x19f: {  	s31 =	sand.u32 $0xF000, s18;
	s19 =	sand.u32 $0x380, s16  }
0x1a0: {  	s17 =	sor.u32 s19, s31  }
0x1a1: {  	[tilespmem:$0x1FAA0] =	vst v9;
	v9 =	vld [tilespmem:s17+$0xC40];
	v0 =	vmax.f32 v0, v1  }
0x1a2: {  	[tilespmem:$0x1FF30] =	vst v0;
	v0 =	vld [tilespmem:$0x1FF60];
	_ =	sdelay $0x1  }
0x1a3: {  	v11 =	vmov v51;
	_ =	sdelay $0x1  }
0x1a4: {  	v55 =	vmov v9;
	v1 =	vld [tilespmem:$0x1F9E0]  }
0x1a5: {  	[tilespmem:$0x1FA20] =	vst v11;
	v11 =	vmov v50;
	v58 =	vmul.f32 v0, v55;
	v0 =	vld [tilespmem:$0x1FF40];
	_ =	sdelay $0x2  }
0x1a6: {  	v19 =	vmov v46;
	[tilespmem:$0x1FA40] =	vst v11;
	v11 =	vmov v39  }
0x1a7: {  	[tilespmem:$0x1FAC0] =	vst v11;
	v11 =	vld [tilespmem:s17+$0xC50];
	v19 =	vmax.f32 v19, v10;
	v10 =	vmov v4;
	v4 =	vmov v53  }
0x1a8: {  	[tilespmem:$0x1FD50] =	vst v4;
	v4 =	vmax.f32 v0, v38;
	v0 =	vmov v1;
	v1 =	vld [tilespmem:$0x1FFA0];
	_ =	sdelay $0x3  }
0x1a9: {  	v53 =	vmov v11  }
0x1aa: {  	v2, _, _ =	vpop (xrf2);
	v62 =	vmul.f32 v1, v53;
	v1 =	vld [tilespmem:$0x1FF50]  }
0x1ab: {  	v2 =	vsub.f32 $0.0e+00, v2;
	_ =	sdelay $0x1  }
0x1ac: {  	v2 =	vmul.f32 $1.442695020e+00, v2;
	_ =	sdelay $0x1  }
0x1ad: {  	[tilespmem:$0x1FAE0] =	vst v14;
	v14 =	vld [tilespmem:s17+$0xC00];
	v2 =	vbroadcast v2, $0xF;
	v1 =	vmax.f32 v1, v8  }
0x1ae: {  	[tilespmem:$0x1FF50] =	vst v1;
	v1 =	vld [tilespmem:$0x1FF80]  }
0x1af: {  	(erf) = vpow2.f32 v2;
	v2 =	vld [tilespmem:$0x1FF70];
	_ =	sdelay $0x1  }
0x1b0: {  	v51 =	vld [tilespmem:s17+$0x40]  }
0x1b1: {  	v50 =	vld [tilespmem:s17+$0x850]  }
0x1b2: {  	v49 =	vld [tilespmem:s17+$0x0];
	v3 =	vmov v1  }
0x1b3: {  	v20 =	vld [tilespmem:s17+$0xC10];
	[tilespmem:$0x1FCD0] =	vst v3;
	v3 =	vmax.f32 v2, v42;
	v2 =	vmov v14  }
0x1b4: {  	[tilespmem:$0x1FF80] =	vst v2;
	v2 =	vld [tilespmem:$0x1FFC0]  }
0x1b5: {  	v39 =	vld [tilespmem:s17+$0x840]  }
0x1b6: {  	v52 =	vld [tilespmem:s17+$0x800]  }
0x1b7: {  	[tilespmem:$0x1FB60] =	vst v26;
	v26 =	vld [tilespmem:s17+$0x410]  }
0x1b8: {  	v17 =	vmax.f32 v17, v12;
	v12 =	vld [tilespmem:s17+$0x420]  }
0x1b9: {  	v16 =	vmov v41;
	v42 =	vmov v2;
	v2 =	vld [tilespmem:$0x1FFE0]  }
0x1ba: {  	[tilespmem:$0x1FC40] =	vst v16;
	v16 =	vld [tilespmem:s17+$0x810]  }
0x1bb: {  	[tilespmem:$0x1FD30] =	vst v0;
	v0 =	vld [tilespmem:$0x1FF90]  }
0x1bc: {  	[tilespmem:$0x1FF40] =	vst v4;
	v4 =	vld [tilespmem:$0x1FFB0]  }
0x1bd: {  	v1 =	vld [tilespmem:$0x1FFD0]  }
0x1be: {  	p0 =	sne.s32 s18, $0x9E00;
	v5 =	vmov v45;
	[tilespmem:$0x1FF70] =	vst v3;
	v3 =	vmul.f32 v2, v39;
	v2 =	vld [tilespmem:$0x1FFF0]  }
.Ltmp6:
0x1bf: {  	v45 =	vld [tilespmem:s17+$0x440];
	[tilespmem:$0x1FCA0] =	vst v5;
	(pc) =	sbr.rel @p0 .LBB2_6-.Ltmp6, $4  }
0x1c0: {  	v5 =	vld [tilespmem:s17+$0x450];
	[tilespmem:$0x1FCC0] =	vst v10  }
0x1c1: {  	v48 =	vld [tilespmem:s17+$0x400];
	[tilespmem:$0x1FF00] =	vst v6;
	v6 =	vmax.f32 v4, v35  }
0x1c2: {  	v15 =	vmovc v52;
	v52 =	vld [tilespmem:s17+$0x20];
	v0 =	vmul.f32 v0, v14;
	v4 =	vmov v20;
	[tilespmem:$0x1FFB0] =	vst v6;
	v8 =	vmov v50  }
0x1c3: {  	s18 =	sadd.s32 $0x200, s18;
	v50 =	vld [tilespmem:s17+$0x10];
	[tilespmem:$0x1FFC0] =	vst v4;
	v1 =	vmul.f32 v1, v20;
	v2 =	vmul.f32 v2, v8  }
0x1c4: {  	v9 =	vld [tilespmem:s17+$0x30]  }
0x1c5: {  	v10 =	vld [tilespmem:s17+$0x50]  }
0x1c6: {  	v13 =	vld [tilespmem:s17+$0x60]  }
0x1c7: {  	v11 =	vld [tilespmem:s17+$0x70]  }
0x1c8: {  	v4 =	vld [tilespmem:$0x1F9F0]  }
0x1c9: {  	v20 =	vld [tilespmem:$0x1FA30]  }
0x1ca: {  	v30 =	vld [tilespmem:$0x1FA70]  }
0x1cb: {  	v6 =	vld [tilespmem:$0x1FA10]  }
0x1cc: {  	v46 =	vld [tilespmem:$0x1FAD0]  }
0x1cd: {  	v35 =	vld [tilespmem:$0x1FA90]  }
0x1ce: {  	v7 =	vld [tilespmem:$0x1FA50]  }
0x1cf: {  	[tilespmem:$0x1F930] =	vst v8;
	v38 =	vld [tilespmem:$0x1FAB0];
	v4 =	vmul.f32 v4, v49;
	v8 =	vmul.f32 v30, v9  }
0x1d0: {  	v47 =	vld [tilespmem:$0x1FAF0];
	v6 =	vmul.f32 v6, v51  }
0x1d1: {  	[tilespmem:$0x1F8E0] =	vst v5;
	v30 =	vld [tilespmem:s17+$0x430];
	v4 =	vadd.f32 $0.0e+00, v4;
	v41 =	vadd.f32 $0.0e+00, v8;
	v8 =	vmul.f32 v46, v11  }
0x1d2: {  	v14 =	vmov v5;
	[tilespmem:$0x1F890] =	vst v9;
	v5 =	vmul.f32 v20, v50;
	v9 =	vmul.f32 v35, v10;
	v35 =	vld [tilespmem:$0x1FB30]  }
0x1d3: {  	v7 =	vmul.f32 v7, v52;
	v4 =	vadd.f32 v6, v4;
	v6 =	vadd.f32 v8, v41;
	v41 =	vld [tilespmem:$0x1FB70]  }
0x1d4: {  	[tilespmem:$0x1F8A0] =	vst v10;
	v20 =	vld [tilespmem:s17+$0x460];
	v5 =	vadd.f32 $0.0e+00, v5  }
0x1d5: {  	[tilespmem:$0x1F8B0] =	vst v13;
	v10 =	vmul.f32 v38, v13;
	v13 =	vld [tilespmem:$0x1FB10];
	v7 =	vadd.f32 $0.0e+00, v7  }
0x1d6: {  	v38 =	vld [tilespmem:s17+$0x470];
	v5 =	vadd.f32 v9, v5;
	v9 =	vmul.f32 v47, v48  }
0x1d7: {  	v7 =	vadd.f32 v10, v7;
	v10 =	vmul.f32 v35, v12;
	v35 =	vld [tilespmem:$0x1FB50]  }
0x1d8: {  	v4 =	vadd.f32 v9, v4;
	v9 =	vmul.f32 v41, v45;
	v41 =	vld [tilespmem:$0x1FB90]  }
0x1d9: {  	v47 =	vld [tilespmem:$0x1FBF0]  }
0x1da: {  	v8 =	vmul.f32 v13, v26;
	v13 =	vld [tilespmem:s17+$0x820]  }
0x1db: {  	v46 =	vmov v45;
	v45 =	vld [tilespmem:$0x1FBB0]  }
0x1dc: {  	[tilespmem:$0x1F8C0] =	vst v11;
	v11 =	vmul.f32 v35, v30;
	v35 =	vld [tilespmem:s17+$0x830]  }
0x1dd: {  	v5 =	vadd.f32 v8, v5;
	v8 =	vmul.f32 v41, v14;
	v41 =	vld [tilespmem:$0x1FC10]  }
0x1de: {  	v14 =	vld [tilespmem:$0x1FBD0]  }
0x1df: {  	v5 =	vadd.f32 v8, v5;
	v8 =	vmul.f32 v47, v15;
	v47 =	vld [tilespmem:$0x1FC50]  }
0x1e0: {  	[tilespmem:$0x1F8F0] =	vst v20;
	v7 =	vadd.f32 v10, v7;
	v4 =	vadd.f32 v9, v4;
	v9 =	vmul.f32 v45, v20;
	v20 =	vld [tilespmem:s17+$0x870]  }
0x1e1: {  	v45 =	vld [tilespmem:$0x1FC30]  }
0x1e2: {  	v7 =	vadd.f32 v9, v7;
	v9 =	vmul.f32 v41, v16;
	v41 =	vld [tilespmem:$0x1FCB0]  }
0x1e3: {  	[tilespmem:$0x1F8D0] =	vst v30;
	v30 =	vld [tilespmem:s17+$0x860];
	v6 =	vadd.f32 v11, v6;
	v10 =	vmul.f32 v14, v38  }
0x1e4: {  	[tilespmem:$0x1F920] =	vst v35;
	v4 =	vadd.f32 v8, v4;
	v8 =	vmul.f32 v47, v35;
	v35 =	vld [tilespmem:$0x1FC90]  }
0x1e5: {  	v6 =	vadd.f32 v10, v6  }
0x1e6: {  	v11 =	vmul.f32 v45, v13  }
0x1e7: {  	v3 =	vadd.f32 v3, v4;
	v6 =	vadd.f32 v8, v6;
	v4 =	vmul.f32 v41, v20  }
0x1e8: {  	[tilespmem:$0x1F910] =	vst v13;
	v13 =	vld [tilespmem:s17+$0xC30];
	v5 =	vadd.f32 v9, v5  }
0x1e9: {  	v7 =	vadd.f32 v11, v7;
	v9 =	vmul.f32 v35, v30;
	v4 =	vadd.f32 v4, v6;
	v6 =	vld [tilespmem:$0x1FD00]  }
0x1ea: {  	v10 =	vld [tilespmem:s17+$0xC60]  }
0x1eb: {  	v45 =	vadd.f32 v9, v7;
	v9 =	vld [tilespmem:$0x1FD40];
	_ =	sdelay $0x1  }
0x1ec: {  	v14 =	vld [tilespmem:s17+$0xC20]  }
0x1ed: {  	v47 =	vld [tilespmem:$0x1FCE0];
	v0 =	vadd.f32 v0, v3;
	v3 =	vmul.f32 v6, v13  }
0x1ee: {  	[tilespmem:$0x1F900] =	vst v38;
	v38 =	vld [tilespmem:s17+$0xC70]  }
0x1ef: {  	[tilespmem:$0x1F980] =	vst v10;
	v3 =	vadd.f32 v3, v4;
	v4 =	vmul.f32 v9, v10;
	v10 =	vld [tilespmem:$0x1FD60];
	_ =	sdelay $0x1  }
0x1f0: {  	v2 =	vadd.f32 v2, v5  }
0x1f1: {  	v7 =	vmul.f32 v47, v14  }
0x1f2: {  	v1 =	vadd.f32 v1, v2  }
0x1f3: {  	v8 =	vadd.f32 v7, v45;
	v5 =	vmul.f32 v10, v38  }
0x1f4: {  	v0 =	vadd.f32 v58, v0;
	v1 =	vadd.f32 v62, v1  }
0x1f5: {  	v2 =	vadd.f32 v4, v8;
	v3 =	vadd.f32 v5, v3;
	_ =	sdelay $0x1  }
0x1f6: {  	v0 =	vadd.f32 v1, v0;
	v11 =	vadd.f32 v3, v2;
	_ =	sdelay $0x1  }
0x1f7: {  	v0 =	vadd.f32 v11, v0;
	_ =	sdelay $0x1  }
0x1f8: {  	(xrf2) =	vadd.scan.msk.f32 $0xffff, v0;
	_ =	sdelay $0x3  }
0x1f9: {  	[tilespmem:$0x1F970] =	vst v13;
	v13 =	vpop (erf)  }
0x1fa: {  	v1 =	vadd.f32 $1.000000000e+00, v13  }
0x1fb: {  	v41 =	vld [tilespmem:$0x1FAC0]  }
0x1fc: {  	v58 =	vld [tilespmem:$0x1FB00];
	(erf) = vrcp.f32 v1  }
0x1fd: {  	[tilespmem:$0x1F940] =	vst v30;
	v30 =	vld [tilespmem:$0x1FD70]  }
0x1fe: {  	v35 =	vld [tilespmem:$0x1FA60]  }
0x1ff: {  	v62 =	vld [tilespmem:$0x1FB40];
	v0, _, _ =	vpop (xrf2)  }
0x200: {  	v45 =	vld [tilespmem:$0x1FAE0];
	v0 =	vsub.f32 $0.0e+00, v0  }
0x201: {  	v6 =	vmax.f32 v43, v60;
	v60 =	vld [tilespmem:$0x1FB20]  }
0x202: {  	v9 =	vmax.f32 v34, v56;
	v34 =	vld [tilespmem:$0x1FA40];
	v0 =	vmul.f32 $1.442695020e+00, v0  }
0x203: {  	v4 =	vmax.f32 v33, v59;
	v33 =	vld [tilespmem:$0x1FA00]  }
0x204: {  	v59 =	vld [tilespmem:$0x1FEC0];
	v0 =	vbroadcast v0, $0xF  }
0x205: {  	[tilespmem:$0x1F960] =	vst v14;
	v10 =	vmax.f32 v37, v57;
	v37 =	vld [tilespmem:$0x1FA20];
	v14 =	vpop (erf)  }
0x206: {  	[tilespmem:$0x1F990] =	vst v38;
	v38 =	vld [tilespmem:$0x1FEA0];
	(erf) = vpow2.f32 v0;
	v0 =	vadd.f32 $1.000000000e+00, v14  }
0x207: {  	v2 =	vmax.f32 v36, v63;
	v36 =	vld [tilespmem:$0x1FA80]  }
0x208: {  	v3 =	vmax.f32 v40, v61;
	v40 =	vld [tilespmem:$0x1FAA0];
	v0 =	vmul.f32 $5.000000000e-01, v0  }
0x209: {  	v11 =	vmax.f32 v32, v27;
	v27 =	vld [tilespmem:$0x1FED0]  }
0x20a: {  	v7 =	vmul.f32 v0, v33;
	v33 =	vld [tilespmem:$0x1FB60]  }
0x20b: {  	v8 =	vmul.f32 v0, v34;
	v34 =	vld [tilespmem:$0x1FB80]  }
0x20c: {  	v47 =	vmov v12;
	v12 =	vmul.f32 v0, v35;
	v35 =	vld [tilespmem:$0x1FEE0]  }
0x20d: {  	v14 =	vmul.f32 v0, v36;
	v36 =	vld [tilespmem:$0x1FBA0]  }
0x20e: {  	v57 =	vmov v15;
	v15 =	vmul.f32 v0, v37;
	v37 =	vld [tilespmem:$0x1FBC0]  }
0x20f: {  	v43 =	vmul.f32 v0, v41;
	v41 =	vld [tilespmem:$0x1FC20]  }
0x210: {  	v61 =	vmul.f32 v0, v60;
	v60 =	vld [tilespmem:$0x1FCA0]  }
0x211: {  	v63 =	vmul.f32 v0, v62;
	v62 =	vld [tilespmem:$0x1FCD0]  }
0x212: {  	v32 =	vmul.f32 v0, v42;
	v42 =	vld [tilespmem:$0x1FD20]  }
0x213: {  	v24 =	vmax.f32 v24, v43;
	v43 =	vld [tilespmem:$0x1FC40]  }
0x214: {  	v12 =	vmax.f32 v59, v12;
	v59 =	vld [tilespmem:$0x1FC80]  }
0x215: {  	v21 =	vmax.f32 v21, v61;
	v61 =	vld [tilespmem:$0x1FCC0]  }
0x216: {  	[tilespmem:$0x1F950] =	vst v20;
	v14 =	vmax.f32 v27, v14;
	v19 =	vmax.f32 v19, v63;
	v63 =	vld [tilespmem:$0x1FCF0];
	v20 =	vpop (erf)  }
0x217: {  	v27 =	vmul.f32 v0, v33;
	v1 =	vadd.f32 $1.000000000e+00, v20;
	v20 =	vmax.f32 v38, v7;
	v38 =	vld [tilespmem:$0x1FBE0]  }
0x218: {  	v13 =	vmax.f32 v31, v28;
	v7 =	vmul.f32 v0, v40;
	v40 =	vld [tilespmem:$0x1FC00]  }
0x219: {  	v5 =	vmul.f32 v0, v30;
	v31 =	vmul.f32 v0, v58;
	v18 =	vmax.f32 v18, v27;
	v27 =	vld [tilespmem:$0x1FD10]  }
0x21a: {  	v58 =	vmov v26;
	v26 =	vmul.f32 v0, v36;
	v36 =	vmul.f32 v0, v43;
	v43 =	vld [tilespmem:$0x1FD30]  }
0x21b: {  	s16 =	sshll.u32 s15, $0x9;
	s31 =	sshll.u32 s15, $0x7;
	v22 =	vmax.f32 v22, v31;
	v42 =	vmul.f32 v0, v42;
	v31 =	vmul.f32 v0, v59;
	v59 =	vld [tilespmem:$0x1FF00]  }
0x21c: {  	s16 =	sand.u32 $0xFFFFF000, s16;
	s15 =	sand.u32 $0x380, s31;
	v28 =	vmul.f32 v0, v61;
	(erf) = vrcp.f32 v1;
	v1 =	vmax.f32 v44, v29;
	v44 =	vld [tilespmem:$0x1FEB0]  }
0x21d: {  	s15 =	sor.u32 s15, s16;
	v30 =	vmul.f32 v0, v41;
	v41 =	vmul.f32 v0, v63;
	v63 =	vld [tilespmem:$0x1FF30]  }
0x21e: {  	v33 =	vmul.f32 v0, v34;
	v28 =	vmax.f32 v3, v28;
	v3 =	vmax.f32 v1, v42;
	v42 =	vld [tilespmem:s15+$0xA2B0]  }
0x21f: {  	v25 =	vmax.f32 v25, v7;
	v7 =	vmul.f32 v0, v38;
	v38 =	vmul.f32 v0, v60;
	v60 =	vld [tilespmem:$0x1FF10]  }
0x220: {  	v15 =	vmax.f32 v35, v15;
	v35 =	vmul.f32 v0, v40;
	v40 =	vmul.f32 v0, v62;
	v62 =	vld [tilespmem:$0x1FF20]  }
0x221: {  	v34 =	vmul.f32 v0, v37;
	v29 =	vmax.f32 v44, v8;
	v44 =	vld [tilespmem:$0x1FC60]  }
0x222: {  	v17 =	vmax.f32 v17, v33;
	v33 =	vmul.f32 v0, v43;
	v8 =	vmul.f32 v0, v45;
	v45 =	vld [tilespmem:$0x1FC70]  }
0x223: {  	v34 =	vmax.f32 v59, v34;
	v59 =	vld [tilespmem:$0x1FF70]  }
0x224: {  	v38 =	vmax.f32 v2, v38;
	v2 =	vmax.f32 v11, v33;
	v33 =	vld [tilespmem:$0x1F920]  }
0x225: {  	v56 =	vmov v16;
	v16 =	vmax.f32 v60, v7;
	v60 =	vld [tilespmem:$0x1FFB0]  }
0x226: {  	v23 =	vmax.f32 v23, v8;
	v8 =	vmul.f32 v0, v44;
	v44 =	vld [tilespmem:$0x1FD50]  }
0x227: {  	v37 =	vmul.f32 v0, v45;
	v45 =	vld [tilespmem:$0x1FEF0]  }
0x228: {  	v35 =	vmax.f32 v62, v35;
	v62 =	vld [tilespmem:s15+$0xA290]  }
0x229: {  	v7 =	vmax.f32 v6, v32;
	v32 =	vld [tilespmem:s15+$0xA2F0]  }
0x22a: {  	v61 =	vpop (erf);
	v37 =	vmax.f32 v59, v37;
	v59 =	vld [tilespmem:s15+$0xA2D0]  }
0x22b: {  	v27 =	vmul.f32 v0, v27;
	v43 =	vmul.f32 v0, v44;
	v0 =	vadd.f32 $1.000000000e+00, v61;
	v44 =	vld [tilespmem:$0x1FF40]  }
0x22c: {  	v26 =	vmax.f32 v45, v26;
	v45 =	vld [tilespmem:$0x1FF50]  }
0x22d: {  	v61 =	vld [tilespmem:s15+$0xA280];
	v0 =	vmul.f32 $5.000000000e-01, v0  }
0x22e: {  	v1 =	vmax.f32 v13, v43;
	v43 =	vld [tilespmem:s15+$0xA690]  }
0x22f: {  	v6 =	vmax.f32 v9, v41;
	v41 =	vmul.f32 v0, v50;
	v50 =	vld [tilespmem:s15+$0xA2C0]  }
0x230: {  	v30 =	vmax.f32 v63, v30;
	v63 =	vmul.f32 v0, v49;
	v49 =	vmul.f32 v0, v52;
	v52 =	vld [tilespmem:$0x1F890]  }
0x231: {  	v36 =	vmax.f32 v44, v36;
	v44 =	vmax.f32 v45, v8;
	v8 =	vmax.f32 v4, v40;
	v40 =	vld [tilespmem:s15+$0xA2A0]  }
0x232: {  	v45 =	vmul.f32 v0, v48;
	v48 =	vld [tilespmem:s15+$0xA6A0]  }
0x233: {  	v4 =	vmax.f32 v10, v27;
	v27 =	vld [tilespmem:s15+$0xAAB0]  }
0x234: {  	v11 =	vmax.f32 v29, v41;
	v41 =	vld [tilespmem:s15+$0xA680]  }
0x235: {  	v12 =	vmax.f32 v12, v49;
	v49 =	vmul.f32 v0, v58;
	v58 =	vld [tilespmem:$0x1F8D0]  }
0x236: {  	v9 =	vmax.f32 v20, v63;
	v20 =	vld [tilespmem:$0x1F8F0]  }
0x237: {  	v31 =	vmax.f32 v60, v31;
	v60 =	vmax.f32 v62, v11;
	v62 =	vld [tilespmem:s15+$0xA2E0]  }
0x238: {  	v9 =	vmax.f32 v61, v9;
	v61 =	vmul.f32 v0, v51;
	v51 =	vmul.f32 v0, v47;
	v47 =	vld [tilespmem:$0x1FFC0]  }
0x239: {  	[tilespmem:s15+$0xA290] =	vst v60;
	v60 =	vmul.f32 v0, v46;
	v46 =	vld [tilespmem:s15+$0xAEA0]  }
0x23a: {  	v29 =	vmul.f32 v0, v52;
	v52 =	vld [tilespmem:s15+$0xA6C0]  }
0x23b: {  	v11 =	vmax.f32 v15, v61;
	v61 =	vld [tilespmem:s15+$0xA6E0]  }
0x23c: {  	v63 =	vmax.f32 v40, v12;
	v40 =	vld [tilespmem:$0x1F8B0]  }
0x23d: {  	v11 =	vmax.f32 v50, v11;
	v50 =	vld [tilespmem:s15+$0xA6B0]  }
0x23e: {  	v14 =	vmax.f32 v14, v29;
	v29 =	vld [tilespmem:$0x1F8A0]  }
0x23f: {  	[tilespmem:s15+$0xA2A0] =	vst v63;
	v63 =	vld [tilespmem:s15+$0xA6F0]  }
0x240: {  	v14 =	vmax.f32 v42, v14;
	v42 =	vld [tilespmem:$0x1F8C0]  }
0x241: {  	[tilespmem:s15+$0xA2C0] =	vst v11;
	v11 =	vmax.f32 v22, v45;
	v22 =	vld [tilespmem:$0x1F900]  }
0x242: {  	[tilespmem:s15+$0xA280] =	vst v9;
	v45 =	vld [tilespmem:$0x1FF80];
	v11 =	vmax.f32 v41, v11  }
0x243: {  	v41 =	vld [tilespmem:$0x1F940];
	[tilespmem:s15+$0xA680] =	vst v11;
	v11 =	vmax.f32 v17, v60;
	v9 =	vmul.f32 v0, v40  }
0x244: {  	v11 =	vmax.f32 v52, v11;
	v52 =	vld [tilespmem:$0x1F970];
	v10 =	vmul.f32 v0, v29  }
0x245: {  	[tilespmem:s15+$0xA2B0] =	vst v14;
	v40 =	vld [tilespmem:s15+$0xAAF0];
	v14 =	vmul.f32 v0, v42;
	v9 =	vmax.f32 v24, v9  }
0x246: {  	v29 =	vld [tilespmem:$0x1F910];
	v10 =	vmax.f32 v25, v10;
	v9 =	vmax.f32 v62, v9  }
0x247: {  	v62 =	vld [tilespmem:$0x1F8E0];
	v10 =	vmax.f32 v59, v10;
	v14 =	vmax.f32 v23, v14;
	[tilespmem:s15+$0xA2E0] =	vst v9  }
0x248: {  	v25 =	vld [tilespmem:s15+$0xAAA0];
	v9 =	vmax.f32 v19, v51;
	[tilespmem:s15+$0xA2D0] =	vst v10;
	v12 =	vmax.f32 v32, v14  }
0x249: {  	v24 =	vmul.f32 v0, v57;
	v51 =	vld [tilespmem:s15+$0xAEC0];
	v9 =	vmax.f32 v48, v9;
	[tilespmem:s15+$0xA2F0] =	vst v12;
	v12 =	vmul.f32 v0, v58  }
0x24a: {  	v57 =	vmul.f32 v0, v55;
	v10 =	vmax.f32 v21, v49;
	v21 =	vld [tilespmem:s15+$0xAA80];
	[tilespmem:s15+$0xA6A0] =	vst v9;
	v9 =	vmul.f32 v0, v20  }
0x24b: {  	[tilespmem:s15+$0xA6C0] =	vst v11;
	v59 =	vld [tilespmem:s15+$0xA6D0];
	v11 =	vmax.f32 v35, v24;
	v10 =	vmax.f32 v43, v10;
	v12 =	vmax.f32 v18, v12  }
0x24c: {  	v23 =	vld [tilespmem:s15+$0xAA90];
	v35 =	vmul.f32 v0, v39;
	[tilespmem:s15+$0xA690] =	vst v10;
	v9 =	vmax.f32 v34, v9;
	v12 =	vmax.f32 v50, v12  }
0x24d: {  	v39 =	vld [tilespmem:$0x1F930];
	v3 =	vmax.f32 v3, v57;
	v10 =	vmul.f32 v0, v62;
	v9 =	vmax.f32 v61, v9;
	[tilespmem:s15+$0xA6B0] =	vst v12  }
0x24e: {  	v32 =	vld [tilespmem:s15+$0xAAC0];
	v3 =	vmax.f32 v51, v3;
	v12 =	vmul.f32 v0, v22;
	[tilespmem:s15+$0xA6E0] =	vst v9  }
0x24f: {  	v49 =	vld [tilespmem:$0x1F960];
	v10 =	vmax.f32 v26, v10;
	v9 =	vmul.f32 v0, v29;
	v11 =	vmax.f32 v21, v11;
	[tilespmem:s15+$0xAEC0] =	vst v3  }
0x250: {  	v43 =	vld [tilespmem:$0x1F950];
	v26 =	vmul.f32 v0, v56;
	v10 =	vmax.f32 v59, v10;
	[tilespmem:s15+$0xAA80] =	vst v11;
	v12 =	vmax.f32 v16, v12  }
0x251: {  	v11 =	vmax.f32 v37, v35;
	[tilespmem:s15+$0xA6D0] =	vst v10;
	v9 =	vmax.f32 v36, v9;
	v36 =	vld [tilespmem:s15+$0xAAE0];
	v12 =	vmax.f32 v63, v12  }
0x252: {  	v34 =	vld [tilespmem:s15+$0xAAD0];
	v10 =	vmax.f32 v30, v26;
	v9 =	vmax.f32 v25, v9;
	[tilespmem:s15+$0xA6F0] =	vst v12;
	v12 =	vmul.f32 v0, v33  }
0x253: {  	v56 =	vld [tilespmem:s15+$0xAED0];
	v59 =	vmul.f32 v0, v53;
	v10 =	vmax.f32 v23, v10;
	[tilespmem:s15+$0xAAA0] =	vst v9;
	v9 =	vmul.f32 v0, v41  }
0x254: {  	v42 =	vld [tilespmem:s15+$0xAE80];
	v11 =	vmax.f32 v32, v11;
	[tilespmem:s15+$0xAA90] =	vst v10;
	v10 =	vmul.f32 v0, v39;
	v12 =	vmax.f32 v44, v12  }
0x255: {  	v62 =	vld [tilespmem:$0x1F990];
	[tilespmem:s15+$0xAAC0] =	vst v11;
	v11 =	vmul.f32 v0, v45;
	v9 =	vmax.f32 v38, v9;
	v12 =	vmax.f32 v27, v12  }
0x256: {  	v61 =	vld [tilespmem:$0x1F980];
	v2 =	vmax.f32 v2, v59;
	v10 =	vmax.f32 v31, v10;
	v9 =	vmax.f32 v36, v9;
	[tilespmem:s15+$0xAAB0] =	vst v12  }
0x257: {  	v44 =	vld [tilespmem:s15+$0xAE90];
	v10 =	vmax.f32 v34, v10;
	v12 =	vmul.f32 v0, v43;
	[tilespmem:s15+$0xAAE0] =	vst v9;
	v9 =	vmul.f32 v0, v49  }
0x258: {  	v48 =	vld [tilespmem:s15+$0xAEB0];
	v8 =	vmax.f32 v8, v11;
	v2 =	vmax.f32 v56, v2;
	[tilespmem:s15+$0xAAD0] =	vst v10;
	v10 =	vmul.f32 v0, v47  }
0x259: {  	v58 =	vld [tilespmem:s15+$0xAEE0];
	v8 =	vmax.f32 v42, v8;
	[tilespmem:s15+$0xAED0] =	vst v2;
	v12 =	vmax.f32 v28, v12;
	v6 =	vmax.f32 v6, v9  }
0x25a: {  	v60 =	vld [tilespmem:s15+$0xAEF0];
	[tilespmem:s15+$0xAE80] =	vst v8;
	v7 =	vmax.f32 v7, v10;
	v10 =	vmul.f32 v0, v52;
	v6 =	vmax.f32 v46, v6  }
0x25b: {  	v50 =	vmax.f32 v40, v12;
	[tilespmem:s15+$0xAEA0] =	vst v6;
	v6 =	vmul.f32 v0, v61  }
.Ltmp7:
0x25c: {  	v7 =	vmax.f32 v44, v7;
	[tilespmem:s15+$0xAAF0] =	vst v50;
	v4 =	vmax.f32 v4, v10;
	v0 =	vmul.f32 v0, v62;
	(pc) =	sbr.rel .LBB2_9-.Ltmp7, $4  }
0x25d: {  	v63 =	vmax.f32 v54, v5;
	[tilespmem:s15+$0xAE90] =	vst v7;
	v4 =	vmax.f32 v48, v4;
	v1 =	vmax.f32 v1, v6  }
0x25e: {  	[tilespmem:s15+$0xAEB0] =	vst v4;
	v0 =	vmax.f32 v63, v0;
	v1 =	vmax.f32 v58, v1  }
0x25f: {  	v0 =	vmax.f32 v60, v0;
	[tilespmem:s15+$0xAEE0] =	vst v1  }
0x260: {  	[tilespmem:s15+$0xAEF0] =	vst v0  }
.LBB2_8:
0x261: {  	v0 =	vld [tilespmem:$0xA080]  }
0x262: {  	v3 =	vld [tilespmem:$0xA090]  }
0x263: {  	v5 =	vld [tilespmem:$0xA0A0]  }
0x264: {  	v7 =	vld [tilespmem:$0xA0B0]  }
0x265: {  	v9 =	vld [tilespmem:$0xA0C0]  }
0x266: {  	v11 =	vld [tilespmem:$0xA0D0]  }
0x267: {  	v13 =	vld [tilespmem:$0xA0E0]  }
0x268: {  	v15 =	vld [tilespmem:$0xA0F0]  }
0x269: {  	v17 =	vld [tilespmem:$0xA100]  }
0x26a: {  	v19 =	vld [tilespmem:$0xA110]  }
0x26b: {  	v21 =	vld [tilespmem:$0xA120]  }
0x26c: {  	v23 =	vld [tilespmem:$0xA130]  }
0x26d: {  	v25 =	vld [tilespmem:$0xA140]  }
0x26e: {  	v27 =	vld [tilespmem:$0xA150]  }
0x26f: {  	v29 =	vld [tilespmem:$0xA160]  }
0x270: {  	v31 =	vld [tilespmem:$0xA170]  }
0x271: {  	v33 =	vld [tilespmem:$0xA180]  }
0x272: {  	v35 =	vld [tilespmem:$0xA190]  }
0x273: {  	v37 =	vld [tilespmem:$0xA1A0]  }
0x274: {  	v39 =	vld [tilespmem:$0xA1B0]  }
0x275: {  	v41 =	vld [tilespmem:$0xA1C0]  }
0x276: {  	v43 =	vld [tilespmem:$0xA1D0]  }
0x277: {  	v45 =	vld [tilespmem:$0xA1E0]  }
0x278: {  	v47 =	vld [tilespmem:$0xA1F0]  }
0x279: {  	s15 =	sand.u32 $0xF000, s18;
	s19 =	sand.u32 $0x380, s16;
	v48 =	vld [tilespmem:$0xA240]  }
0x27a: {  	v53 =	vld [tilespmem:$0xA250];
	s15 =	sor.u32 s19, s15  }
0x27b: {  	v1 =	vld [tilespmem:s15+$0x0]  }
0x27c: {  	v2 =	vld [tilespmem:s15+$0x10]  }
0x27d: {  	v4 =	vld [tilespmem:s15+$0x20]  }
0x27e: {  	v6 =	vld [tilespmem:s15+$0x30]  }
0x27f: {  	v8 =	vld [tilespmem:s15+$0x40]  }
0x280: {  	v10 =	vld [tilespmem:s15+$0x50]  }
0x281: {  	v12 =	vld [tilespmem:s15+$0x60]  }
0x282: {  	v14 =	vld [tilespmem:s15+$0x70]  }
0x283: {  	v16 =	vld [tilespmem:s15+$0x400]  }
0x284: {  	v18 =	vld [tilespmem:s15+$0x410]  }
0x285: {  	v20 =	vld [tilespmem:s15+$0x420]  }
0x286: {  	v22 =	vld [tilespmem:s15+$0x430]  }
0x287: {  	v24 =	vld [tilespmem:s15+$0x440]  }
0x288: {  	v26 =	vld [tilespmem:s15+$0x450]  }
0x289: {  	v28 =	vld [tilespmem:s15+$0x460]  }
0x28a: {  	v30 =	vld [tilespmem:s15+$0x470]  }
0x28b: {  	v32 =	vld [tilespmem:s15+$0x800]  }
0x28c: {  	v34 =	vld [tilespmem:s15+$0x810]  }
0x28d: {  	v36 =	vld [tilespmem:s15+$0x820]  }
0x28e: {  	v38 =	vld [tilespmem:s15+$0x830]  }
0x28f: {  	v40 =	vld [tilespmem:s15+$0x840];
	v2 =	vmul.f32 v3, v2;
	v58 =	vmul.f32 v5, v4  }
0x290: {  	v42 =	vld [tilespmem:s15+$0x850];
	v0 =	vmul.f32 v0, v1;
	v59 =	vmul.f32 v7, v6  }
0x291: {  	v44 =	vld [tilespmem:s15+$0x860];
	v60 =	vmul.f32 v9, v8;
	v61 =	vmul.f32 v11, v10  }
0x292: {  	v46 =	vld [tilespmem:s15+$0x870];
	v62 =	vmul.f32 v13, v12;
	v63 =	vmul.f32 v15, v14  }
0x293: {  	v50 =	vld [tilespmem:s15+$0xC50];
	v17 =	vmul.f32 v17, v16;
	v19 =	vmul.f32 v19, v18  }
0x294: {  	v56 =	vld [tilespmem:s15+$0xC60];
	v21 =	vmul.f32 v21, v20;
	v23 =	vmul.f32 v23, v22  }
0x295: {  	v4 =	vld [tilespmem:s15+$0xC00];
	v25 =	vmul.f32 v25, v24;
	v26 =	vmul.f32 v27, v26  }
0x296: {  	v6 =	vld [tilespmem:$0xA200];
	v29 =	vmul.f32 v29, v28;
	v49 =	vmul.f32 v31, v30  }
0x297: {  	v9 =	vld [tilespmem:s15+$0xC10];
	v51 =	vmul.f32 v33, v32;
	v52 =	vmul.f32 v35, v34  }
0x298: {  	v11 =	vld [tilespmem:$0xA210];
	v54 =	vmul.f32 v37, v36;
	v0 =	vadd.f32 $0.0e+00, v0;
	v2 =	vadd.f32 $0.0e+00, v2  }
0x299: {  	v13 =	vld [tilespmem:s15+$0xC20];
	v55 =	vmul.f32 v39, v38;
	v3 =	vadd.f32 $0.0e+00, v58;
	v5 =	vadd.f32 $0.0e+00, v59  }
0x29a: {  	v8 =	vld [tilespmem:$0xA220];
	v57 =	vmul.f32 v41, v40;
	v0 =	vadd.f32 v60, v0;
	v2 =	vadd.f32 v61, v2  }
0x29b: {  	v12 =	vld [tilespmem:s15+$0xC30];
	v59 =	vmul.f32 v43, v42;
	v3 =	vadd.f32 v62, v3;
	v5 =	vadd.f32 v63, v5  }
0x29c: {  	v58 =	vld [tilespmem:$0xA260];
	v61 =	vmul.f32 v45, v44;
	v0 =	vadd.f32 v17, v0;
	v2 =	vadd.f32 v19, v2  }
0x29d: {  	v15 =	vld [tilespmem:$0xA230];
	v62 =	vmul.f32 v47, v46;
	v3 =	vadd.f32 v21, v3;
	v5 =	vadd.f32 v23, v5  }
0x29e: {  	v27 =	vld [tilespmem:s15+$0xC40];
	v4 =	vmul.f32 v6, v4;
	v0 =	vadd.f32 v25, v0;
	v2 =	vadd.f32 v26, v2  }
0x29f: {  	v60 =	vld [tilespmem:s15+$0xC70];
	v11 =	vmul.f32 v11, v9;
	v3 =	vadd.f32 v29, v3;
	v5 =	vadd.f32 v49, v5  }
0x2a0: {  	v63 =	vld [tilespmem:$0xA270];
	v24 =	vmul.f32 v8, v13;
	v0 =	vadd.f32 v51, v0;
	v2 =	vadd.f32 v52, v2  }
0x2a1: {  	v28 =	vmul.f32 v58, v56;
	v3 =	vadd.f32 v54, v3;
	v5 =	vadd.f32 v55, v5  }
0x2a2: {  	v25 =	vmul.f32 v15, v12;
	v0 =	vadd.f32 v57, v0;
	v2 =	vadd.f32 v59, v2  }
0x2a3: {  	v26 =	vmul.f32 v48, v27;
	v3 =	vadd.f32 v61, v3;
	v5 =	vadd.f32 v62, v5  }
0x2a4: {  	v27 =	vmul.f32 v53, v50;
	v0 =	vadd.f32 v4, v0;
	v2 =	vadd.f32 v11, v2  }
0x2a5: {  	v29 =	vmul.f32 v63, v60;
	v3 =	vadd.f32 v24, v3;
	v4 =	vadd.f32 v25, v5  }
0x2a6: {  	v0 =	vadd.f32 v26, v0;
	v2 =	vadd.f32 v27, v2  }
0x2a7: {  	v3 =	vadd.f32 v28, v3;
	v4 =	vadd.f32 v29, v4;
	_ =	sdelay $0x1  }
0x2a8: {  	v0 =	vadd.f32 v2, v0;
	v30 =	vadd.f32 v4, v3;
	_ =	sdelay $0x1  }
0x2a9: {  	v0 =	vadd.f32 v30, v0;
	_ =	sdelay $0x1  }
0x2aa: {  	(xrf2) =	vadd.scan.msk.f32 $0xffff, v0;
	_ =	sdelay $0x9  }
0x2ab: {  	v0, _, _ =	vpop (xrf2)  }
0x2ac: {  	v0 =	vsub.f32 $0.0e+00, v0;
	_ =	sdelay $0x1  }
0x2ad: {  	v0 =	vmul.f32 $1.442695020e+00, v0;
	_ =	sdelay $0x1  }
0x2ae: {  	v0 =	vbroadcast v0, $0xF  }
0x2af: {  	v31 =	vld [tilespmem:s17+$0x0]  }
0x2b0: {  	(erf) = vpow2.f32 v0;
	_ =	sdelay $0x3  }
0x2b1: {  	(v2sf) =	vpush v31, $0x0;
	_ =	sdelay $0x4  }
0x2b2: {  	v0 =	vpop (erf)  }
0x2b3: {  	v0 =	vadd.f32 $1.000000000e+00, v0;
	_ =	sdelay $0x1  }
0x2b4: {  	(erf) = vrcp.f32 v0;
	_ =	sdelay $0x6  }
0x2b5: {  	s31 =	spop (v2sf)  }
0x2b6: {  	s20 =	sshll.u32 s31, $0x9;
	s19 =	sshll.u32 s31, $0x7  }
0x2b7: {  	s20 =	sand.u32 $0xFFFFF000, s20;
	s19 =	sand.u32 $0x380, s19;
	v0 =	vpop (erf)  }
0x2b8: {  	s19 =	sor.u32 s19, s20;
	v0 =	vadd.f32 $1.000000000e+00, v0  }
0x2b9: {  	v32 =	vld [tilespmem:s19+$0xA280]  }
0x2ba: {  	v0 =	vmul.f32 $5.000000000e-01, v0;
	_ =	sdelay $0x1  }
0x2bb: {  	v1 =	vmul.f32 v0, v1;
	_ =	sdelay $0x1  }
0x2bc: {  	v1 =	vmax.f32 v32, v1  }
0x2bd: {  	[tilespmem:s19+$0xA280] =	vst v1  }
0x2be: {  	v1 =	vld [tilespmem:s15+$0x10];
	_ =	sdelay $0x1  }
0x2bf: {  	v33 =	vld [tilespmem:s19+$0xA290];
	_ =	sdelay $0x2  }
0x2c0: {  	v1 =	vmul.f32 v0, v1;
	_ =	sdelay $0x1  }
0x2c1: {  	v1 =	vmax.f32 v33, v1  }
0x2c2: {  	[tilespmem:s19+$0xA290] =	vst v1  }
0x2c3: {  	v1 =	vld [tilespmem:s15+$0x20];
	_ =	sdelay $0x1  }
0x2c4: {  	v34 =	vld [tilespmem:s19+$0xA2A0];
	_ =	sdelay $0x2  }
0x2c5: {  	v1 =	vmul.f32 v0, v1;
	_ =	sdelay $0x1  }
0x2c6: {  	v1 =	vmax.f32 v34, v1  }
0x2c7: {  	[tilespmem:s19+$0xA2A0] =	vst v1  }
0x2c8: {  	v1 =	vld [tilespmem:s15+$0x30];
	_ =	sdelay $0x1  }
0x2c9: {  	v35 =	vld [tilespmem:s19+$0xA2B0];
	_ =	sdelay $0x2  }
0x2ca: {  	v1 =	vmul.f32 v0, v1;
	_ =	sdelay $0x1  }
0x2cb: {  	v1 =	vmax.f32 v35, v1  }
0x2cc: {  	[tilespmem:s19+$0xA2B0] =	vst v1  }
0x2cd: {  	v1 =	vld [tilespmem:s15+$0x40];
	_ =	sdelay $0x1  }
0x2ce: {  	v36 =	vld [tilespmem:s19+$0xA2C0];
	_ =	sdelay $0x2  }
0x2cf: {  	v1 =	vmul.f32 v0, v1;
	_ =	sdelay $0x1  }
0x2d0: {  	v1 =	vmax.f32 v36, v1  }
0x2d1: {  	[tilespmem:s19+$0xA2C0] =	vst v1  }
0x2d2: {  	v1 =	vld [tilespmem:s15+$0x50];
	_ =	sdelay $0x1  }
0x2d3: {  	v37 =	vld [tilespmem:s19+$0xA2D0];
	_ =	sdelay $0x2  }
0x2d4: {  	v1 =	vmul.f32 v1, v0;
	_ =	sdelay $0x1  }
0x2d5: {  	v1 =	vmax.f32 v37, v1  }
0x2d6: {  	[tilespmem:s19+$0xA2D0] =	vst v1  }
0x2d7: {  	v1 =	vld [tilespmem:s15+$0x60];
	_ =	sdelay $0x1  }
0x2d8: {  	v38 =	vld [tilespmem:s19+$0xA2E0];
	_ =	sdelay $0x2  }
0x2d9: {  	v1 =	vmul.f32 v1, v0;
	_ =	sdelay $0x1  }
0x2da: {  	v1 =	vmax.f32 v38, v1  }
0x2db: {  	[tilespmem:s19+$0xA2E0] =	vst v1  }
0x2dc: {  	v1 =	vld [tilespmem:s15+$0x70];
	_ =	sdelay $0x1  }
0x2dd: {  	v39 =	vld [tilespmem:s19+$0xA2F0];
	_ =	sdelay $0x2  }
0x2de: {  	v1 =	vmul.f32 v1, v0;
	_ =	sdelay $0x1  }
0x2df: {  	v1 =	vmax.f32 v39, v1  }
0x2e0: {  	[tilespmem:s19+$0xA2F0] =	vst v1  }
0x2e1: {  	v1 =	vld [tilespmem:s15+$0x400];
	_ =	sdelay $0x1  }
0x2e2: {  	v40 =	vld [tilespmem:s19+$0xA680];
	_ =	sdelay $0x2  }
0x2e3: {  	v1 =	vmul.f32 v1, v0;
	_ =	sdelay $0x1  }
0x2e4: {  	v1 =	vmax.f32 v40, v1  }
0x2e5: {  	[tilespmem:s19+$0xA680] =	vst v1  }
0x2e6: {  	v1 =	vld [tilespmem:s15+$0x410];
	_ =	sdelay $0x1  }
0x2e7: {  	v41 =	vld [tilespmem:s19+$0xA690];
	_ =	sdelay $0x2  }
0x2e8: {  	v1 =	vmul.f32 v1, v0;
	_ =	sdelay $0x1  }
0x2e9: {  	v1 =	vmax.f32 v41, v1  }
0x2ea: {  	[tilespmem:s19+$0xA690] =	vst v1  }
0x2eb: {  	v1 =	vld [tilespmem:s15+$0x420];
	_ =	sdelay $0x1  }
0x2ec: {  	v42 =	vld [tilespmem:s19+$0xA6A0];
	_ =	sdelay $0x2  }
0x2ed: {  	v1 =	vmul.f32 v1, v0;
	_ =	sdelay $0x1  }
0x2ee: {  	v1 =	vmax.f32 v42, v1  }
0x2ef: {  	[tilespmem:s19+$0xA6A0] =	vst v1  }
0x2f0: {  	v1 =	vld [tilespmem:s15+$0x430];
	_ =	sdelay $0x1  }
0x2f1: {  	v43 =	vld [tilespmem:s19+$0xA6B0];
	_ =	sdelay $0x2  }
0x2f2: {  	v1 =	vmul.f32 v1, v0;
	_ =	sdelay $0x1  }
0x2f3: {  	v1 =	vmax.f32 v43, v1  }
0x2f4: {  	[tilespmem:s19+$0xA6B0] =	vst v1  }
0x2f5: {  	v1 =	vld [tilespmem:s15+$0x440];
	_ =	sdelay $0x1  }
0x2f6: {  	v44 =	vld [tilespmem:s19+$0xA6C0];
	_ =	sdelay $0x2  }
0x2f7: {  	v1 =	vmul.f32 v1, v0;
	_ =	sdelay $0x1  }
0x2f8: {  	v1 =	vmax.f32 v44, v1  }
0x2f9: {  	[tilespmem:s19+$0xA6C0] =	vst v1  }
0x2fa: {  	v1 =	vld [tilespmem:s15+$0x450];
	_ =	sdelay $0x1  }
0x2fb: {  	v45 =	vld [tilespmem:s19+$0xA6D0];
	_ =	sdelay $0x2  }
0x2fc: {  	v1 =	vmul.f32 v1, v0;
	_ =	sdelay $0x1  }
0x2fd: {  	v1 =	vmax.f32 v45, v1  }
0x2fe: {  	[tilespmem:s19+$0xA6D0] =	vst v1  }
0x2ff: {  	v1 =	vld [tilespmem:s15+$0x460];
	_ =	sdelay $0x1  }
0x300: {  	v46 =	vld [tilespmem:s19+$0xA6E0];
	_ =	sdelay $0x2  }
0x301: {  	v1 =	vmul.f32 v1, v0;
	_ =	sdelay $0x1  }
0x302: {  	v1 =	vmax.f32 v46, v1  }
0x303: {  	[tilespmem:s19+$0xA6E0] =	vst v1  }
0x304: {  	v1 =	vld [tilespmem:s15+$0x470];
	_ =	sdelay $0x1  }
0x305: {  	v47 =	vld [tilespmem:s19+$0xA6F0];
	_ =	sdelay $0x2  }
0x306: {  	v1 =	vmul.f32 v1, v0;
	_ =	sdelay $0x1  }
0x307: {  	v1 =	vmax.f32 v47, v1  }
0x308: {  	[tilespmem:s19+$0xA6F0] =	vst v1  }
0x309: {  	v1 =	vld [tilespmem:s15+$0x800];
	_ =	sdelay $0x1  }
0x30a: {  	v48 =	vld [tilespmem:s19+$0xAA80];
	_ =	sdelay $0x2  }
0x30b: {  	v1 =	vmul.f32 v1, v0;
	_ =	sdelay $0x1  }
0x30c: {  	v1 =	vmax.f32 v48, v1  }
0x30d: {  	[tilespmem:s19+$0xAA80] =	vst v1  }
0x30e: {  	v1 =	vld [tilespmem:s15+$0x810];
	_ =	sdelay $0x1  }
0x30f: {  	v49 =	vld [tilespmem:s19+$0xAA90];
	_ =	sdelay $0x2  }
0x310: {  	v1 =	vmul.f32 v1, v0;
	_ =	sdelay $0x1  }
0x311: {  	v1 =	vmax.f32 v49, v1  }
0x312: {  	[tilespmem:s19+$0xAA90] =	vst v1  }
0x313: {  	v1 =	vld [tilespmem:s15+$0x820];
	_ =	sdelay $0x1  }
0x314: {  	v50 =	vld [tilespmem:s19+$0xAAA0];
	_ =	sdelay $0x2  }
0x315: {  	v1 =	vmul.f32 v1, v0;
	_ =	sdelay $0x1  }
0x316: {  	v1 =	vmax.f32 v50, v1  }
0x317: {  	[tilespmem:s19+$0xAAA0] =	vst v1  }
0x318: {  	v1 =	vld [tilespmem:s15+$0x830];
	_ =	sdelay $0x1  }
0x319: {  	v51 =	vld [tilespmem:s19+$0xAAB0];
	_ =	sdelay $0x2  }
0x31a: {  	v1 =	vmul.f32 v1, v0;
	_ =	sdelay $0x1  }
0x31b: {  	v1 =	vmax.f32 v51, v1  }
0x31c: {  	[tilespmem:s19+$0xAAB0] =	vst v1  }
0x31d: {  	v1 =	vld [tilespmem:s15+$0x840];
	_ =	sdelay $0x1  }
0x31e: {  	v52 =	vld [tilespmem:s19+$0xAAC0];
	_ =	sdelay $0x2  }
0x31f: {  	v1 =	vmul.f32 v1, v0;
	_ =	sdelay $0x1  }
0x320: {  	v1 =	vmax.f32 v52, v1  }
0x321: {  	[tilespmem:s19+$0xAAC0] =	vst v1  }
0x322: {  	v1 =	vld [tilespmem:s15+$0x850];
	_ =	sdelay $0x1  }
0x323: {  	v53 =	vld [tilespmem:s19+$0xAAD0];
	_ =	sdelay $0x2  }
0x324: {  	v1 =	vmul.f32 v1, v0;
	_ =	sdelay $0x1  }
0x325: {  	v1 =	vmax.f32 v53, v1  }
0x326: {  	[tilespmem:s19+$0xAAD0] =	vst v1  }
0x327: {  	v1 =	vld [tilespmem:s15+$0x860];
	_ =	sdelay $0x1  }
0x328: {  	v54 =	vld [tilespmem:s19+$0xAAE0];
	_ =	sdelay $0x2  }
0x329: {  	v1 =	vmul.f32 v1, v0;
	_ =	sdelay $0x1  }
0x32a: {  	v1 =	vmax.f32 v54, v1  }
0x32b: {  	[tilespmem:s19+$0xAAE0] =	vst v1  }
0x32c: {  	v1 =	vld [tilespmem:s15+$0x870];
	_ =	sdelay $0x1  }
0x32d: {  	v55 =	vld [tilespmem:s19+$0xAAF0];
	_ =	sdelay $0x2  }
0x32e: {  	v1 =	vmul.f32 v1, v0;
	_ =	sdelay $0x1  }
0x32f: {  	v1 =	vmax.f32 v55, v1  }
0x330: {  	[tilespmem:s19+$0xAAF0] =	vst v1  }
0x331: {  	v1 =	vld [tilespmem:s15+$0xC00];
	_ =	sdelay $0x1  }
0x332: {  	v56 =	vld [tilespmem:s19+$0xAE80];
	_ =	sdelay $0x2  }
0x333: {  	v1 =	vmul.f32 v1, v0;
	_ =	sdelay $0x1  }
0x334: {  	v1 =	vmax.f32 v56, v1  }
0x335: {  	[tilespmem:s19+$0xAE80] =	vst v1  }
0x336: {  	v1 =	vld [tilespmem:s15+$0xC10];
	_ =	sdelay $0x1  }
0x337: {  	v57 =	vld [tilespmem:s19+$0xAE90];
	_ =	sdelay $0x2  }
0x338: {  	v1 =	vmul.f32 v1, v0;
	_ =	sdelay $0x1  }
0x339: {  	v1 =	vmax.f32 v57, v1  }
0x33a: {  	[tilespmem:s19+$0xAE90] =	vst v1  }
0x33b: {  	v1 =	vld [tilespmem:s15+$0xC20];
	_ =	sdelay $0x1  }
0x33c: {  	v58 =	vld [tilespmem:s19+$0xAEA0];
	_ =	sdelay $0x2  }
0x33d: {  	v1 =	vmul.f32 v1, v0;
	_ =	sdelay $0x1  }
0x33e: {  	v1 =	vmax.f32 v58, v1  }
0x33f: {  	[tilespmem:s19+$0xAEA0] =	vst v1  }
0x340: {  	v1 =	vld [tilespmem:s15+$0xC30];
	_ =	sdelay $0x1  }
0x341: {  	v59 =	vld [tilespmem:s19+$0xAEB0];
	_ =	sdelay $0x2  }
0x342: {  	v1 =	vmul.f32 v1, v0;
	_ =	sdelay $0x1  }
0x343: {  	v1 =	vmax.f32 v59, v1  }
0x344: {  	[tilespmem:s19+$0xAEB0] =	vst v1  }
0x345: {  	v1 =	vld [tilespmem:s15+$0xC40];
	_ =	sdelay $0x1  }
0x346: {  	v60 =	vld [tilespmem:s19+$0xAEC0];
	_ =	sdelay $0x2  }
0x347: {  	v1 =	vmul.f32 v1, v0;
	_ =	sdelay $0x1  }
0x348: {  	v1 =	vmax.f32 v60, v1  }
0x349: {  	[tilespmem:s19+$0xAEC0] =	vst v1  }
0x34a: {  	v1 =	vld [tilespmem:s15+$0xC50];
	_ =	sdelay $0x1  }
0x34b: {  	v61 =	vld [tilespmem:s19+$0xAED0];
	_ =	sdelay $0x2  }
0x34c: {  	v1 =	vmul.f32 v1, v0;
	_ =	sdelay $0x1  }
0x34d: {  	v1 =	vmax.f32 v61, v1  }
0x34e: {  	[tilespmem:s19+$0xAED0] =	vst v1  }
0x34f: {  	v1 =	vld [tilespmem:s15+$0xC60];
	_ =	sdelay $0x1  }
0x350: {  	v62 =	vld [tilespmem:s19+$0xAEE0];
	_ =	sdelay $0x2  }
0x351: {  	v1 =	vmul.f32 v1, v0;
	_ =	sdelay $0x1  }
0x352: {  	v1 =	vmax.f32 v62, v1  }
0x353: {  	[tilespmem:s19+$0xAEE0] =	vst v1  }
0x354: {  	v1 =	vld [tilespmem:s15+$0xC70];
	_ =	sdelay $0x1  }
0x355: {  	v63 =	vld [tilespmem:s19+$0xAEF0]  }
0x356: {  	p0 =	sne.s32 s18, $0x9E00  }
.Ltmp8:
0x357: {  	_ = 	snop;
	(pc) =	sbr.rel @p0 .LBB2_8-.Ltmp8, $3  }
0x358: {  	v0 =	vmul.f32 v1, v0;
	_ =	sdelay $0x1  }
0x359: {  	v0 =	vmax.f32 v63, v0  }
0x35a: {  	s16 =	sadd.s32 $0x80, s16;
	s18 =	sadd.s32 $0x200, s18;
	s17 =	sadd.s32 $0x1, s17;
	[tilespmem:s19+$0xAEF0] =	vst v0  }
.Ltmp9:
0x35b: {  	_ = 	snop;
	(pc) =	sbr.rel .LBB2_9-.Ltmp9, $1  }
0x35c: {  	_ =	sdelay $0x3  }
.LBB2_11:
0x35d: {  	_ =	sfence.sel $0x180000  }
0x35e: {  	[bflag:$0x0] =	sbarrier.arrive $0xFFFF  }
0x35f: {  	p0 =	sne.s32 s4, $0x0;
	_ =	strace $0x90000047  }
0x360: {  	s0 =	sadd.s32 @!p0 $0x100000, s0;
	[bflag:$0x2] =	sbarrier.arrive $0xFFFF  }
0x361: {  	[sflag:s0] =	ssyncadd.tile.s32 @!p0 $0x1;
	_ =	shalt  }
.Lfunc_end2:
_tile_overlayer_lowered:
.L_overlay_start_2:
0x362: {  	(tag) =	ssettag $0x2  }
0x363: {  	s0 =	rddreg [dreg:$0x0];
	s2 =	stileid.u32  }
0x364: {  	s1 =	rddreg [dreg:$0x1];
	p0 =	sne.s32 s2, $0x0  }
0x365: {  	s3 =	rddreg [dreg:$0x2];
	[bflag:$0x3] =	sbarrier.arrive $0xFFFF;
	s2 =	simm.s32 @!p0 $0x1C01  }
0x366: {  	[timem:s3], [sflag:s2] =	dma.local @!p0 [hbm:s0], s1  }
0x367: {  	s0 =	simm.s32 @!p0 $0x1  }
0x368: {  	_ =	swait.ge @!p0 [sflag:s0], s1  }
0x369: {  	s1 =	ssub.s32 @!p0 $0x0, s1;
	[sflag:s0] =	ssyncset.done @!p0 $0x0  }
0x36a: {  	[sflag:s0] =	ssyncadd.s32 @!p0 s1  }
0x36b: {  	[bflag:$0x3] =	sbarrier.arrive $0xFFFF  }
0x36c: {  	_ =	shalt  }

</sc_bundles>
